<compile_context>
chip_gen: v7x
topology: tpu7x:2x2x1
jax: 0.10.2.dev20260603
libtpu: 0.0.44.dev20260713+nightly
codegen_flags: <defaults>
</compile_context>

<pallas_src>
import functools

import jax
import jax.numpy as jnp
from jax import lax
from jax.experimental import pallas as pl
from jax.experimental.pallas import tpu as pltpu
from jax.experimental.pallas import tpu_sc as plsc

F = 768
S = 2048
B = 2
N = B * S
E = 8
C3 = 2304
TE = N // E
NC = 2
NS = 16
NW = NC * NS



def _sc_multi_gather(tasks):
    mesh = plsc.VectorSubcoreMesh(core_axis_name="c", subcore_axis_name="s")
    per_ws = []
    for n_out, width, dtype, chunk in tasks:
        per_w = n_out // NW
        assert per_w % chunk == 0 and chunk <= 128 and chunk % 8 == 0
        per_ws.append(per_w)

    scratch = []
    for (n_out, width, dtype, chunk), per_w in zip(tasks, per_ws):
        scratch.append(pltpu.VMEM((per_w,), jnp.int32))
        scratch.append(pltpu.VMEM((chunk, width), dtype))
    scratch.append(pltpu.SemaphoreType.DMA)

    @functools.partial(
        pl.kernel,
        out_type=[jax.ShapeDtypeStruct((n_out, width), dtype)
                  for n_out, width, dtype, chunk in tasks],
        mesh=mesh,
        scratch_types=scratch,
    )
    def k(*refs):
        nt = len(tasks)
        tables = refs[:nt]
        idxs = refs[nt:2 * nt]
        outs = refs[2 * nt:3 * nt]
        sv = refs[3 * nt:]
        sem = sv[-1]
        wid = lax.axis_index("s") * NC + lax.axis_index("c")
        for t, (n_out, width, dtype, chunk) in enumerate(tasks):
            per_w = per_ws[t]
            idx_v, buf = sv[2 * t], sv[2 * t + 1]
            base = wid * per_w
            pltpu.sync_copy(idxs[t].at[pl.ds(base, per_w)], idx_v)
            for i in range(per_w // chunk):
                idx_c = idx_v if per_w == chunk else \
                    idx_v.at[pl.ds(i * chunk, chunk)]
                pltpu.async_copy(tables[t].at[idx_c], buf, sem).wait()
                pltpu.sync_copy(
                    buf, outs[t].at[pl.ds(base + i * chunk, chunk)])

    def call(*table_and_idx):
        res = k(*table_and_idx)
        return res if len(tasks) > 1 else res[0]

    return call



def _transpose_to_tokens(x):
    Sb = 256

    def body(x_ref, o_ref):
        o_ref[...] = x_ref[0].T

    return pl.pallas_call(
        body,
        grid=(B, S // Sb),
        in_specs=[pl.BlockSpec((1, F, Sb), lambda b, s: (b, 0, s))],
        out_specs=pl.BlockSpec((Sb, F), lambda b, s: (b * (S // Sb) + s, 0)),
        out_shape=jax.ShapeDtypeStruct((N, F), jnp.float32),
    )(x)


def _transpose_to_features(x):
    Sb = 256

    def body(x_ref, o_ref):
        o_ref[...] = _unpack_half(x_ref[...]).T[None]

    return pl.pallas_call(
        body,
        grid=(B, S // Sb),
        in_specs=[pl.BlockSpec((Sb, 384), lambda b, s: (b * (S // Sb) + s, 0))],
        out_specs=pl.BlockSpec((1, F, Sb), lambda b, s: (b, 0, s)),
        out_shape=jax.ShapeDtypeStruct((B, F, S), jnp.float32),
    )(x)


def _moe0_matmul(xs, w0):

    def body(x_ref, w_ref, dep_ref, ss_ref):
        res = []
        for g in range(4):
            xg = x_ref[:, g * 192:(g + 1) * 192]
            res.append(jnp.dot(
                xg, w_ref[g], preferred_element_type=jnp.float32,
                precision=lax.Precision.DEFAULT))
        dep_ref[:, :576] = res[0]
        dep_ref[:, 576:] = res[1][:, :192]
        ss_ref[:, :384] = _pack16(res[1][:, 192:], res[2][:, :384])
        sh_lo = jnp.concatenate([res[2][:, 384:], res[3][:, :192]], axis=1)
        ss_ref[:, 384:] = _pack16(sh_lo, res[3][:, 192:])

    return pl.pallas_call(
        body,
        grid=(E,),
        in_specs=[pl.BlockSpec((TE, F), lambda e: (e, 0)),
                  pl.BlockSpec((4, 192, 576), lambda e: (e, 0, 0))],
        out_specs=[pl.BlockSpec((TE, F), lambda e: (e, 0)),
                   pl.BlockSpec((TE, F), lambda e: (e, 0))],
        out_shape=[jax.ShapeDtypeStruct((N, F), jnp.float32),
                   jax.ShapeDtypeStruct((N, F), jnp.int32)],
    )(xs, w0)


def _pack16(a, b):
    ai = lax.bitcast_convert_type(a, jnp.int32)
    bi = lax.bitcast_convert_type(b, jnp.int32)
    ra = (ai + 0x7FFF + ((ai >> 16) & 1)) >> 16
    rb = (bi + 0x7FFF + ((bi >> 16) & 1)) >> 16
    return (ra & 0xFFFF) | (rb << 16)


def _unpack16(p):
    a = lax.bitcast_convert_type(p << 16, jnp.float32)
    b = lax.bitcast_convert_type(p & jnp.int32(-65536), jnp.float32)
    return a, b


def _pack_half(x):
    return _pack16(x[:, :384], x[:, 384:])


def _unpack_half(p):
    a, b = _unpack16(p)
    return jnp.concatenate([a, b], axis=1)


def _norm_block(s0, s1, shift):
    s0r = jnp.maximum(s0, 0.0)
    x = s0r * s0r * s0r * s1 + shift
    x = x - jnp.mean(x, axis=1, keepdims=True)
    ssq = jnp.sum(x * x, axis=1, keepdims=True)
    return x * lax.rsqrt(ssq * (1.0 / F))


def _cum_norm_conv_norm(d_dep, d_ss, w1t):
    Rb = 256
    per_batch = S // Rb

    def body(dep_ref, sc_ref, sh_ref, w_ref, o_ref, carry_ref, tail_ref):
        i = pl.program_id(0)

        @pl.when(i % per_batch == 0)
        def _():
            carry_ref[...] = jnp.zeros_like(carry_ref)
            tail_ref[...] = jnp.zeros_like(tail_ref)

        r = lax.broadcasted_iota(jnp.int32, (Rb, Rb), 0)
        c = lax.broadcasted_iota(jnp.int32, (Rb, Rb), 1)
        ltri = (r >= c).astype(jnp.float32)
        cum = jnp.dot(ltri, dep_ref[...], preferred_element_type=jnp.float32,
                      precision=lax.Precision.DEFAULT) + carry_ref[...]
        carry_ref[...] = cum[Rb - 1:Rb, :]
        srow = (i % per_batch) * Rb + lax.broadcasted_iota(
            jnp.int32, (Rb, 1), 0)
        s0 = cum / (srow + 1).astype(jnp.float32)
        x1 = _norm_block(s0, _unpack_half(sc_ref[...]),
                         _unpack_half(sh_ref[...]))

        ext = jnp.concatenate([tail_ref[...], x1], axis=0)
        tail_ref[...] = x1[Rb - 2:, :]
        shifted = [ext[0:Rb], ext[1:Rb + 1], x1]
        cols = []
        for g in range(4):
            acc = None
            for k in range(3):
                xg = shifted[k][:, g * 192:(g + 1) * 192]
                wgk = w_ref[k, g * 576:(g + 1) * 576, :]
                pk = lax.dot_general(
                    xg, wgk, (((1,), (1,)), ((), ())),
                    preferred_element_type=jnp.float32,
                    precision=lax.Precision.DEFAULT)
                acc = pk if acc is None else acc + pk
            cols.append(acc)
        conv = jnp.concatenate(cols, axis=1)
        o_ref[...] = _pack_half(_norm_block(
            conv[:, :768], conv[:, 768:1536], conv[:, 1536:]))

    return pl.pallas_call(
        body,
        grid=(N // Rb,),
        in_specs=[pl.BlockSpec((Rb, F), lambda i: (i, 0)),
                  pl.BlockSpec((Rb, 384), lambda i: (i, 0)),
                  pl.BlockSpec((Rb, 384), lambda i: (i, 1)),
                  pl.BlockSpec((3, C3, 192), lambda i: (0, 0, 0))],
        out_specs=pl.BlockSpec((Rb, 384), lambda i: (i, 0)),
        out_shape=jax.ShapeDtypeStruct((N, 384), jnp.int32),
        scratch_shapes=[pltpu.VMEM((1, F), jnp.float32),
                        pltpu.VMEM((2, F), jnp.float32)],
    )(d_dep, d_ss, d_ss, w1t)


def _moe2_matmul(xs2, wsm, gcol):

    def body(x_ref, w_ref, g_ref, o_ref):
        x = _unpack_half(x_ref[...])
        gc = g_ref[...]
        ys = []
        for g in range(4):
            xg = x * (gc == g).astype(jnp.float32)
            ys.append(jnp.dot(
                xg, w_ref[0, :, :192], preferred_element_type=jnp.float32,
                precision=lax.Precision.DEFAULT))
        y = jnp.concatenate(ys, axis=1)
        o_ref[...] = _pack_half(y)

    return pl.pallas_call(
        body,
        grid=(E,),
        in_specs=[pl.BlockSpec((TE, 384), lambda e: (e, 0)),
                  pl.BlockSpec((1, F, 256), lambda e: (e, 0, 0)),
                  pl.BlockSpec((1, F), lambda e: (0, 0))],
        out_specs=pl.BlockSpec((TE, 384), lambda e: (e, 0)),
        out_shape=jax.ShapeDtypeStruct((N, 384), jnp.int32),
    )(xs2, wsm, gcol)



def _as_f32rows(x):
    r, w = x.shape
    return lax.bitcast_convert_type(x.reshape(r, w // 2, 2), jnp.float32)


def _as_bf16rows(x, w):
    return lax.bitcast_convert_type(x, jnp.bfloat16).reshape(x.shape[0], w)

def _routing_indices():
    rkey = jax.random.key(1234)
    ka, kb = jax.random.split(rkey)
    idxs = []
    for key in (ka, kb):
        perm = jax.random.permutation(key, N).astype(jnp.int32)
        j = jnp.arange(N, dtype=jnp.int32)
        t_of_j = (j % TE) * E + j // TE
        src = perm[t_of_j]
        oslot = (perm % E) * TE + perm // E
        idxs.append((src, oslot))
    return idxs


def kernel(inp, w0, w1, w2, fs0, fs2):
    (src0, oslot0), (src2, oslot2) = _routing_indices()
    fs2_inv = jnp.argsort(fs2).astype(jnp.int32)
    idx_shuf0 = (jnp.repeat(jnp.arange(B, dtype=jnp.int32) * F, F)
                 + jnp.tile(fs0.astype(jnp.int32), B))
    qidx = (jnp.arange(E, dtype=jnp.int32)[:, None] * F
            + fs2_inv[None, :]).reshape(-1)
    gcol = (fs2_inv // 192).reshape(1, F)
    w1t = jnp.transpose(w1, (2, 0, 1))

    shuf = _sc_multi_gather([(B * F, S, jnp.float32, 48)])(
        inp.reshape(B * F, S), idx_shuf0)
    xtm = _transpose_to_tokens(shuf.reshape(B, F, S))
    w2p = jnp.pad(w2.reshape(E * F, 192), ((0, 0), (0, 64)))
    xs0, wsm = _sc_multi_gather([(N, F, jnp.float32, 128),
                                 (E * F, 256, jnp.float32, 96)])(
        xtm, w2p, src0, qidx)
    y0_dep, y0_ss = _moe0_matmul(xs0, w0)
    d_dep, d_ss = _sc_multi_gather([(N, F, jnp.float32, 64),
                                    (N, F, jnp.int32, 64)])(
        y0_dep, y0_ss, oslot0, oslot0)
    x2 = _cum_norm_conv_norm(d_dep, d_ss, w1t)
    xs2 = _sc_multi_gather([(N, 384, jnp.int32, 128)])(x2, src2)
    y2 = _moe2_matmul(xs2, wsm.reshape(E, F, 256), gcol)
    out_tok = _sc_multi_gather([(N, 384, jnp.int32, 128)])(y2, oslot2)
    return _transpose_to_features(out_tok)

# --- scband reference (transcript-rebuilt; emitter-appended) ---
"""Pipeline reference for scband-linear-attention-53730040873608 (READ-ONLY COPY).

The authoritative reference and input builder live on the scoring server;
editing this copy changes nothing except your own understanding.
"""

import jax, jax.numpy as jnp
import numpy as np

FEATURES = 768
INTERMEDIATE = 768
EXPERTS = 8
GROUPS0 = 4
GROUPS2 = 4
BOTTLENECK_GROUP = 4
KERNEL = 3
NORM_POWER = 2
BATCH = 2
SEQ = 2048


def setup_inputs(seed: int = 0) -> dict:
    key = jax.random.key(seed)
    k1, k2, k3, k4, k5, k6 = jax.random.split(key, 6)
    inp = jax.random.normal(k1, (BATCH, FEATURES, SEQ), dtype=jnp.float32)
    w0 = jax.random.normal(k2, (EXPERTS * GROUPS0, FEATURES // GROUPS0, 3 * INTERMEDIATE // GROUPS0), dtype=jnp.float32) * (FEATURES // GROUPS0) ** -0.5
    w1 = jax.random.normal(k3, (3 * INTERMEDIATE, INTERMEDIATE // BOTTLENECK_GROUP, KERNEL), dtype=jnp.float32) * ((INTERMEDIATE // BOTTLENECK_GROUP) * KERNEL) ** -0.5
    w2 = jax.random.normal(k4, (EXPERTS * GROUPS2, INTERMEDIATE // GROUPS2, FEATURES // GROUPS2), dtype=jnp.float32) * (INTERMEDIATE // GROUPS2) ** -0.5
    fs0 = jnp.argsort(jax.random.normal(k5, (FEATURES,))).astype(jnp.int32)
    fs2 = jnp.argsort(jax.random.normal(k6, (INTERMEDIATE,))).astype(jnp.int32)
    return {"inp": inp, "w0": w0, "w1": w1, "w2": w2, "fs0": fs0, "fs2": fs2}


def _triple_norm(s0, s1, shift, p):
    s0r = jax.nn.relu(s0)
    x = s0r ** 3 * s1 + shift
    x = x - jnp.mean(x, axis=1, keepdims=True)
    norm = jnp.sum(jnp.abs(x) ** p, axis=1, keepdims=True) ** (1.0 / p)
    rstd = x.shape[1] ** (1.0 / p) / norm
    return x * rstd


def _moe(x, w, fs, groups, experts, key):
    b, f, s = x.shape
    n = b * s
    # random token permutation (load-balancing shuffle router)
    perm = jax.random.permutation(key, n)
    # faithful to torch: arange.gather(0, perm) == perm
    perm_inv = jnp.take(jnp.arange(n), perm, axis=0)
    x = jnp.transpose(x, (0, 2, 1)).reshape(n, f)
    x = jnp.take(x, perm, axis=0)
    if fs is not None:
        x = jnp.take(x, fs, axis=1)
    x = x.reshape(n // experts, experts * groups, f // groups)
    x = jnp.einsum('bgf,gfo->bgo', x, w)
    x = x.reshape(n, -1)
    x = jnp.take(x, perm_inv, axis=0)
    out_f = x.shape[-1]
    return jnp.transpose(x.reshape(b, s, out_f), (0, 2, 1))


def _conv1d(x, w, groups, pad):
    k = w.shape[-1]
    if pad and k - 1 > 0:
        x = jnp.pad(x, ((0, 0), (0, 0), (k - 1, 0)))
    return jax.lax.conv_general_dilated(x, w, (1,), 'VALID', feature_group_count=groups, dimension_numbers=('NCH', 'OIH', 'NCH'))


def reference(inp, w0, w1, w2, fs0, fs2):
    # eval, non-caching path: divisor = arange(seq)+1
    b, f, s = inp.shape
    div = (jnp.arange(s, dtype=jnp.float32) + 1.0).reshape(1, 1, -1)
    rkey = jax.random.key(1234)
    ka, kb = jax.random.split(rkey)
    x = _moe(inp, w0, fs0, GROUPS0, EXPERTS, ka)
    depth, scale, shift = jnp.split(x, 3, axis=1)
    cum = jnp.cumsum(depth, axis=-1)
    x = _triple_norm(cum / div, scale, shift, NORM_POWER)
    x = _conv1d(x, w1, BOTTLENECK_GROUP, True)
    c0, c1, c2 = jnp.split(x, 3, axis=1)
    x = _triple_norm(c0, c1, c2, NORM_POWER)
    x = _moe(x, w2, fs2, GROUPS2, EXPERTS, kb)
    return x

if __name__ == "__main__":
    import jax
    _d = setup_inputs()
    print(jax.jit(kernel)(*tuple(_d.values())))

</pallas_src>

<mosaic_0001>
#map = affine_map<(d0, d1) -> (0, 0)>
#map1 = affine_map<(d0, d1) -> (0)>
module attributes {stable_mosaic.version = 14 : i64} {
  func.func @k(%arg0: i32, %arg1: i32, %arg2: memref<1536x2048xf32, #tpu.memory_space<hbm>>, %arg3: memref<1536xi32, #tpu.memory_space<hbm>>, %arg4: memref<1536x2048xf32, #tpu.memory_space<hbm>>, %arg5: memref<48xi32, #tpu.memory_space<vmem>>, %arg6: memref<48x2048xf32, #tpu.memory_space<vmem>>, %arg7: memref<!tpu.dma_semaphore, #tpu.memory_space<semaphore_mem>>) attributes {dimension_semantics = [#tpu.dimension_semantics<core_parallel>, #tpu.dimension_semantics<subcore_parallel>], iteration_bounds = array<i64: 2, 16>, scalar_prefetch = 0 : i64, scratch_operands = 3 : i64, tpu.core_type = #tpu.core_type<sc_vector_subcore>, window_params = [{transform_indices = #map}, {transform_indices = #map1}, {transform_indices = #map}]} {
    %mul3A = arith.constant 2 : i32
    %mul3A_0 = arith.muli %arg1, %mul3A : i32
    %add3A = arith.addi %mul3A_0, %arg0 : i32
    %mul3A_1 = arith.constant 48 : i32
    %mul3A_2 = arith.muli %add3A, %mul3A_1 : i32
    "tpu.region"() ({
      %run_scoped3A = tpu.sem_alloc : memref<!tpu.dma_semaphore, #tpu.memory_space<semaphore_mem>>
      %dma_start3A_9 = tpu.memref_slice %arg3[%mul3A_2] : memref<1536xi32, #tpu.memory_space<hbm>> -> memref<48xi32, #tpu.memory_space<hbm>>
      %dma_start3A_10 = tpu.memref_slice %arg3[%mul3A_2] : memref<1536xi32, #tpu.memory_space<hbm>> -> memref<48xi32, #tpu.memory_space<hbm>>
      tpu.enqueue_dma source(%dma_start3A_10 : memref<48xi32, #tpu.memory_space<hbm>>) target(%arg5 : memref<48xi32, #tpu.memory_space<vmem>>) target_semaphore(%run_scoped3A : memref<!tpu.dma_semaphore, #tpu.memory_space<semaphore_mem>>)
      %dma_wait3A_11 = tpu.memref_slice %arg3[%mul3A_2] : memref<1536xi32, #tpu.memory_space<hbm>> -> memref<48xi32, #tpu.memory_space<hbm>>
      %dma_wait3A_12 = tpu.memref_slice %arg3[%mul3A_2] : memref<1536xi32, #tpu.memory_space<hbm>> -> memref<48xi32, #tpu.memory_space<hbm>>
      tpu.wait_dma2 semaphore(%run_scoped3A : memref<!tpu.dma_semaphore, #tpu.memory_space<semaphore_mem>>) src(%dma_wait3A_12 : memref<48xi32, #tpu.memory_space<hbm>>) dst(%arg5 : memref<48xi32, #tpu.memory_space<vmem>>)
      tpu.yield
    }) : () -> ()
    %dma_start3A = arith.constant 0 : i32
    %dma_start3A_3 = arith.constant 0 : i32
    %dma_start3A_4 = tpu.memref_slice %arg2[%dma_start3A, %dma_start3A_3] : memref<1536x2048xf32, #tpu.memory_space<hbm>> -> memref<1536x2048xf32, #tpu.memory_space<hbm>>
    tpu.enqueue_indirect_dma source(%dma_start3A_4 : memref<1536x2048xf32, #tpu.memory_space<hbm>>) target(%arg6 : memref<48x2048xf32, #tpu.memory_space<vmem>>) offsets(%arg5 : memref<48xi32, #tpu.memory_space<vmem>>) semaphore(%arg7 : memref<!tpu.dma_semaphore, #tpu.memory_space<semaphore_mem>>)
    %dma_wait3A = arith.constant 0 : i32
    %dma_wait3A_5 = arith.constant 0 : i32
    %dma_wait3A_6 = tpu.memref_slice %arg2[%dma_wait3A, %dma_wait3A_5] : memref<1536x2048xf32, #tpu.memory_space<hbm>> -> memref<1536x2048xf32, #tpu.memory_space<hbm>>
    tpu.wait_indirect_dma semaphore(%arg7 : memref<!tpu.dma_semaphore, #tpu.memory_space<semaphore_mem>>) src(%dma_wait3A_6 : memref<1536x2048xf32, #tpu.memory_space<hbm>>) dst(%arg6 : memref<48x2048xf32, #tpu.memory_space<vmem>>)
    %add3A_7 = arith.constant 0 : i32
    %add3A_8 = arith.addi %mul3A_2, %add3A_7 : i32
    "tpu.region"() ({
      %run_scoped3A = tpu.sem_alloc : memref<!tpu.dma_semaphore, #tpu.memory_space<semaphore_mem>>
      %dma_start3A_9 = arith.constant 0 : i32
      %dma_start3A_10 = tpu.memref_slice %arg4[%add3A_8, %dma_start3A_9] : memref<1536x2048xf32, #tpu.memory_space<hbm>> -> memref<48x2048xf32, #tpu.memory_space<hbm>>
      %dma_start3A_11 = arith.constant 0 : i32
      %dma_start3A_12 = tpu.memref_slice %arg4[%add3A_8, %dma_start3A_11] : memref<1536x2048xf32, #tpu.memory_space<hbm>> -> memref<48x2048xf32, #tpu.memory_space<hbm>>
      tpu.enqueue_dma source(%arg6 : memref<48x2048xf32, #tpu.memory_space<vmem>>) target(%dma_start3A_12 : memref<48x2048xf32, #tpu.memory_space<hbm>>) target_semaphore(%run_scoped3A : memref<!tpu.dma_semaphore, #tpu.memory_space<semaphore_mem>>)
      %dma_wait3A_13 = arith.constant 0 : i32
      %dma_wait3A_14 = tpu.memref_slice %arg4[%add3A_8, %dma_wait3A_13] : memref<1536x2048xf32, #tpu.memory_space<hbm>> -> memref<48x2048xf32, #tpu.memory_space<hbm>>
      %dma_wait3A_15 = arith.constant 0 : i32
      %dma_wait3A_16 = tpu.memref_slice %arg4[%add3A_8, %dma_wait3A_15] : memref<1536x2048xf32, #tpu.memory_space<hbm>> -> memref<48x2048xf32, #tpu.memory_space<hbm>>
      tpu.wait_dma2 semaphore(%run_scoped3A : memref<!tpu.dma_semaphore, #tpu.memory_space<semaphore_mem>>) src(%arg6 : memref<48x2048xf32, #tpu.memory_space<vmem>>) dst(%dma_wait3A_16 : memref<48x2048xf32, #tpu.memory_space<hbm>>)
      tpu.yield
    }) : () -> ()
    return
  }
}

#map = affine_map<(d0, d1) -> (0, 0)>
#map1 = affine_map<(d0, d1) -> (0)>
module attributes {stable_mosaic.version = 14 : i64} {
  func.func @k(%arg0: i32, %arg1: i32, %arg2: memref<4096x768xf32, #tpu.memory_space<hbm>>, %arg3: memref<6144x256xf32, #tpu.memory_space<hbm>>, %arg4: memref<4096xi32, #tpu.memory_space<hbm>>, %arg5: memref<6144xi32, #tpu.memory_space<hbm>>, %arg6: memref<4096x768xf32, #tpu.memory_space<hbm>>, %arg7: memref<6144x256xf32, #tpu.memory_space<hbm>>, %arg8: memref<128xi32, #tpu.memory_space<vmem>>, %arg9: memref<128x768xf32, #tpu.memory_space<vmem>>, %arg10: memref<192xi32, #tpu.memory_space<vmem>>, %arg11: memref<96x256xf32, #tpu.memory_space<vmem>>, %arg12: memref<!tpu.dma_semaphore, #tpu.memory_space<semaphore_mem>>) attributes {dimension_semantics = [#tpu.dimension_semantics<core_parallel>, #tpu.dimension_semantics<subcore_parallel>], iteration_bounds = array<i64: 2, 16>, scalar_prefetch = 0 : i64, scratch_operands = 5 : i64, tpu.core_type = #tpu.core_type<sc_vector_subcore>, window_params = [{transform_indices = #map}, {transform_indices = #map}, {transform_indices = #map1}, {transform_indices = #map1}, {transform_indices = #map}, {transform_indices = #map}]} {
    %mul3A = arith.constant 2 : i32
    %mul3A_0 = arith.muli %arg1, %mul3A : i32
    %add3A = arith.addi %mul3A_0, %arg0 : i32
    %mul3A_1 = arith.constant 128 : i32
    %mul3A_2 = arith.muli %add3A, %mul3A_1 : i32
    "tpu.region"() ({
      %run_scoped3A = tpu.sem_alloc : memref<!tpu.dma_semaphore, #tpu.memory_space<semaphore_mem>>
      %dma_start3A_35 = tpu.memref_slice %arg4[%mul3A_2] : memref<4096xi32, #tpu.memory_space<hbm>> -> memref<128xi32, #tpu.memory_space<hbm>>
      %dma_start3A_36 = tpu.memref_slice %arg4[%mul3A_2] : memref<4096xi32, #tpu.memory_space<hbm>> -> memref<128xi32, #tpu.memory_space<hbm>>
      tpu.enqueue_dma source(%dma_start3A_36 : memref<128xi32, #tpu.memory_space<hbm>>) target(%arg8 : memref<128xi32, #tpu.memory_space<vmem>>) target_semaphore(%run_scoped3A : memref<!tpu.dma_semaphore, #tpu.memory_space<semaphore_mem>>)
      %dma_wait3A_37 = tpu.memref_slice %arg4[%mul3A_2] : memref<4096xi32, #tpu.memory_space<hbm>> -> memref<128xi32, #tpu.memory_space<hbm>>
      %dma_wait3A_38 = tpu.memref_slice %arg4[%mul3A_2] : memref<4096xi32, #tpu.memory_space<hbm>> -> memref<128xi32, #tpu.memory_space<hbm>>
      tpu.wait_dma2 semaphore(%run_scoped3A : memref<!tpu.dma_semaphore, #tpu.memory_space<semaphore_mem>>) src(%dma_wait3A_38 : memref<128xi32, #tpu.memory_space<hbm>>) dst(%arg8 : memref<128xi32, #tpu.memory_space<vmem>>)
      tpu.yield
    }) : () -> ()
    %dma_start3A = arith.constant 0 : i32
    %dma_start3A_3 = arith.constant 0 : i32
    %dma_start3A_4 = tpu.memref_slice %arg2[%dma_start3A, %dma_start3A_3] : memref<4096x768xf32, #tpu.memory_space<hbm>> -> memref<4096x768xf32, #tpu.memory_space<hbm>>
    tpu.enqueue_indirect_dma source(%dma_start3A_4 : memref<4096x768xf32, #tpu.memory_space<hbm>>) target(%arg9 : memref<128x768xf32, #tpu.memory_space<vmem>>) offsets(%arg8 : memref<128xi32, #tpu.memory_space<vmem>>) semaphore(%arg12 : memref<!tpu.dma_semaphore, #tpu.memory_space<semaphore_mem>>)
    %dma_wait3A = arith.constant 0 : i32
    %dma_wait3A_5 = arith.constant 0 : i32
    %dma_wait3A_6 = tpu.memref_slice %arg2[%dma_wait3A, %dma_wait3A_5] : memref<4096x768xf32, #tpu.memory_space<hbm>> -> memref<4096x768xf32, #tpu.memory_space<hbm>>
    tpu.wait_indirect_dma semaphore(%arg12 : memref<!tpu.dma_semaphore, #tpu.memory_space<semaphore_mem>>) src(%dma_wait3A_6 : memref<4096x768xf32, #tpu.memory_space<hbm>>) dst(%arg9 : memref<128x768xf32, #tpu.memory_space<vmem>>)
    %add3A_7 = arith.constant 0 : i32
    %add3A_8 = arith.addi %mul3A_2, %add3A_7 : i32
    "tpu.region"() ({
      %run_scoped3A = tpu.sem_alloc : memref<!tpu.dma_semaphore, #tpu.memory_space<semaphore_mem>>
      %dma_start3A_35 = arith.constant 0 : i32
      %dma_start3A_36 = tpu.memref_slice %arg6[%add3A_8, %dma_start3A_35] : memref<4096x768xf32, #tpu.memory_space<hbm>> -> memref<128x768xf32, #tpu.memory_space<hbm>>
      %dma_start3A_37 = arith.constant 0 : i32
      %dma_start3A_38 = tpu.memref_slice %arg6[%add3A_8, %dma_start3A_37] : memref<4096x768xf32, #tpu.memory_space<hbm>> -> memref<128x768xf32, #tpu.memory_space<hbm>>
      tpu.enqueue_dma source(%arg9 : memref<128x768xf32, #tpu.memory_space<vmem>>) target(%dma_start3A_38 : memref<128x768xf32, #tpu.memory_space<hbm>>) target_semaphore(%run_scoped3A : memref<!tpu.dma_semaphore, #tpu.memory_space<semaphore_mem>>)
      %dma_wait3A_39 = arith.constant 0 : i32
      %dma_wait3A_40 = tpu.memref_slice %arg6[%add3A_8, %dma_wait3A_39] : memref<4096x768xf32, #tpu.memory_space<hbm>> -> memref<128x768xf32, #tpu.memory_space<hbm>>
      %dma_wait3A_41 = arith.constant 0 : i32
      %dma_wait3A_42 = tpu.memref_slice %arg6[%add3A_8, %dma_wait3A_41] : memref<4096x768xf32, #tpu.memory_space<hbm>> -> memref<128x768xf32, #tpu.memory_space<hbm>>
      tpu.wait_dma2 semaphore(%run_scoped3A : memref<!tpu.dma_semaphore, #tpu.memory_space<semaphore_mem>>) src(%arg9 : memref<128x768xf32, #tpu.memory_space<vmem>>) dst(%dma_wait3A_42 : memref<128x768xf32, #tpu.memory_space<hbm>>)
      tpu.yield
    }) : () -> ()
    %mul3A_9 = arith.constant 192 : i32
    %mul3A_10 = arith.muli %add3A, %mul3A_9 : i32
    "tpu.region"() ({
      %run_scoped3A = tpu.sem_alloc : memref<!tpu.dma_semaphore, #tpu.memory_space<semaphore_mem>>
      %dma_start3A_35 = tpu.memref_slice %arg5[%mul3A_10] : memref<6144xi32, #tpu.memory_space<hbm>> -> memref<192xi32, #tpu.memory_space<hbm>>
      %dma_start3A_36 = tpu.memref_slice %arg5[%mul3A_10] : memref<6144xi32, #tpu.memory_space<hbm>> -> memref<192xi32, #tpu.memory_space<hbm>>
      tpu.enqueue_dma source(%dma_start3A_36 : memref<192xi32, #tpu.memory_space<hbm>>) target(%arg10 : memref<192xi32, #tpu.memory_space<vmem>>) target_semaphore(%run_scoped3A : memref<!tpu.dma_semaphore, #tpu.memory_space<semaphore_mem>>)
      %dma_wait3A_37 = tpu.memref_slice %arg5[%mul3A_10] : memref<6144xi32, #tpu.memory_space<hbm>> -> memref<192xi32, #tpu.memory_space<hbm>>
      %dma_wait3A_38 = tpu.memref_slice %arg5[%mul3A_10] : memref<6144xi32, #tpu.memory_space<hbm>> -> memref<192xi32, #tpu.memory_space<hbm>>
      tpu.wait_dma2 semaphore(%run_scoped3A : memref<!tpu.dma_semaphore, #tpu.memory_space<semaphore_mem>>) src(%dma_wait3A_38 : memref<192xi32, #tpu.memory_space<hbm>>) dst(%arg10 : memref<192xi32, #tpu.memory_space<vmem>>)
      tpu.yield
    }) : () -> ()
    %dma_start3A_11 = arith.constant 0 : i32
    %dma_start3A_12 = tpu.memref_slice %arg10[%dma_start3A_11] : memref<192xi32, #tpu.memory_space<vmem>> -> memref<96xi32, #tpu.memory_space<vmem>>
    %dma_start3A_13 = arith.constant 0 : i32
    %dma_start3A_14 = arith.constant 0 : i32
    %dma_start3A_15 = tpu.memref_slice %arg3[%dma_start3A_13, %dma_start3A_14] : memref<6144x256xf32, #tpu.memory_space<hbm>> -> memref<6144x256xf32, #tpu.memory_space<hbm>>
    tpu.enqueue_indirect_dma source(%dma_start3A_15 : memref<6144x256xf32, #tpu.memory_space<hbm>>) target(%arg11 : memref<96x256xf32, #tpu.memory_space<vmem>>) offsets(%dma_start3A_12 : memref<96xi32, #tpu.memory_space<vmem>>) semaphore(%arg12 : memref<!tpu.dma_semaphore, #tpu.memory_space<semaphore_mem>>)
    %dma_wait3A_16 = arith.constant 0 : i32
    %dma_wait3A_17 = tpu.memref_slice %arg10[%dma_wait3A_16] : memref<192xi32, #tpu.memory_space<vmem>> -> memref<96xi32, #tpu.memory_space<vmem>>
    %dma_wait3A_18 = arith.constant 0 : i32
    %dma_wait3A_19 = arith.constant 0 : i32
    %dma_wait3A_20 = tpu.memref_slice %arg3[%dma_wait3A_18, %dma_wait3A_19] : memref<6144x256xf32, #tpu.memory_space<hbm>> -> memref<6144x256xf32, #tpu.memory_space<hbm>>
    tpu.wait_indirect_dma semaphore(%arg12 : memref<!tpu.dma_semaphore, #tpu.memory_space<semaphore_mem>>) src(%dma_wait3A_20 : memref<6144x256xf32, #tpu.memory_space<hbm>>) dst(%arg11 : memref<96x256xf32, #tpu.memory_space<vmem>>)
    %add3A_21 = arith.constant 0 : i32
    %add3A_22 = arith.addi %mul3A_10, %add3A_21 : i32
    "tpu.region"() ({
      %run_scoped3A = tpu.sem_alloc : memref<!tpu.dma_semaphore, #tpu.memory_space<semaphore_mem>>
      %dma_start3A_35 = arith.constant 0 : i32
      %dma_start3A_36 = tpu.memref_slice %arg7[%add3A_22, %dma_start3A_35] : memref<6144x256xf32, #tpu.memory_space<hbm>> -> memref<96x256xf32, #tpu.memory_space<hbm>>
      %dma_start3A_37 = arith.constant 0 : i32
      %dma_start3A_38 = tpu.memref_slice %arg7[%add3A_22, %dma_start3A_37] : memref<6144x256xf32, #tpu.memory_space<hbm>> -> memref<96x256xf32, #tpu.memory_space<hbm>>
      tpu.enqueue_dma source(%arg11 : memref<96x256xf32, #tpu.memory_space<vmem>>) target(%dma_start3A_38 : memref<96x256xf32, #tpu.memory_space<hbm>>) target_semaphore(%run_scoped3A : memref<!tpu.dma_semaphore, #tpu.memory_space<semaphore_mem>>)
      %dma_wait3A_39 = arith.constant 0 : i32
      %dma_wait3A_40 = tpu.memref_slice %arg7[%add3A_22, %dma_wait3A_39] : memref<6144x256xf32, #tpu.memory_space<hbm>> -> memref<96x256xf32, #tpu.memory_space<hbm>>
      %dma_wait3A_41 = arith.constant 0 : i32
      %dma_wait3A_42 = tpu.memref_slice %arg7[%add3A_22, %dma_wait3A_41] : memref<6144x256xf32, #tpu.memory_space<hbm>> -> memref<96x256xf32, #tpu.memory_space<hbm>>
      tpu.wait_dma2 semaphore(%run_scoped3A : memref<!tpu.dma_semaphore, #tpu.memory_space<semaphore_mem>>) src(%arg11 : memref<96x256xf32, #tpu.memory_space<vmem>>) dst(%dma_wait3A_42 : memref<96x256xf32, #tpu.memory_space<hbm>>)
      tpu.yield
    }) : () -> ()
    %dma_start3A_23 = arith.constant 96 : i32
    %dma_start3A_24 = tpu.memref_slice %arg10[%dma_start3A_23] : memref<192xi32, #tpu.memory_space<vmem>> -> memref<96xi32, #tpu.memory_space<vmem>>
    %dma_start3A_25 = arith.constant 0 : i32
    %dma_start3A_26 = arith.constant 0 : i32
    %dma_start3A_27 = tpu.memref_slice %arg3[%dma_start3A_25, %dma_start3A_26] : memref<6144x256xf32, #tpu.memory_space<hbm>> -> memref<6144x256xf32, #tpu.memory_space<hbm>>
    tpu.enqueue_indirect_dma source(%dma_start3A_27 : memref<6144x256xf32, #tpu.memory_space<hbm>>) target(%arg11 : memref<96x256xf32, #tpu.memory_space<vmem>>) offsets(%dma_start3A_24 : memref<96xi32, #tpu.memory_space<vmem>>) semaphore(%arg12 : memref<!tpu.dma_semaphore, #tpu.memory_space<semaphore_mem>>)
    %dma_wait3A_28 = arith.constant 96 : i32
    %dma_wait3A_29 = tpu.memref_slice %arg10[%dma_wait3A_28] : memref<192xi32, #tpu.memory_space<vmem>> -> memref<96xi32, #tpu.memory_space<vmem>>
    %dma_wait3A_30 = arith.constant 0 : i32
    %dma_wait3A_31 = arith.constant 0 : i32
    %dma_wait3A_32 = tpu.memref_slice %arg3[%dma_wait3A_30, %dma_wait3A_31] : memref<6144x256xf32, #tpu.memory_space<hbm>> -> memref<6144x256xf32, #tpu.memory_space<hbm>>
    tpu.wait_indirect_dma semaphore(%arg12 : memref<!tpu.dma_semaphore, #tpu.memory_space<semaphore_mem>>) src(%dma_wait3A_32 : memref<6144x256xf32, #tpu.memory_space<hbm>>) dst(%arg11 : memref<96x256xf32, #tpu.memory_space<vmem>>)
    %add3A_33 = arith.constant 96 : i32
    %add3A_34 = arith.addi %mul3A_10, %add3A_33 : i32
    "tpu.region"() ({
      %run_scoped3A = tpu.sem_alloc : memref<!tpu.dma_semaphore, #tpu.memory_space<semaphore_mem>>
      %dma_start3A_35 = arith.constant 0 : i32
      %dma_start3A_36 = tpu.memref_slice %arg7[%add3A_34, %dma_start3A_35] : memref<6144x256xf32, #tpu.memory_space<hbm>> -> memref<96x256xf32, #tpu.memory_space<hbm>>
      %dma_start3A_37 = arith.constant 0 : i32
      %dma_start3A_38 = tpu.memref_slice %arg7[%add3A_34, %dma_start3A_37] : memref<6144x256xf32, #tpu.memory_space<hbm>> -> memref<96x256xf32, #tpu.memory_space<hbm>>
      tpu.enqueue_dma source(%arg11 : memref<96x256xf32, #tpu.memory_space<vmem>>) target(%dma_start3A_38 : memref<96x256xf32, #tpu.memory_space<hbm>>) target_semaphore(%run_scoped3A : memref<!tpu.dma_semaphore, #tpu.memory_space<semaphore_mem>>)
      %dma_wait3A_39 = arith.constant 0 : i32
      %dma_wait3A_40 = tpu.memref_slice %arg7[%add3A_34, %dma_wait3A_39] : memref<6144x256xf32, #tpu.memory_space<hbm>> -> memref<96x256xf32, #tpu.memory_space<hbm>>
      %dma_wait3A_41 = arith.constant 0 : i32
      %dma_wait3A_42 = tpu.memref_slice %arg7[%add3A_34, %dma_wait3A_41] : memref<6144x256xf32, #tpu.memory_space<hbm>> -> memref<96x256xf32, #tpu.memory_space<hbm>>
      tpu.wait_dma2 semaphore(%run_scoped3A : memref<!tpu.dma_semaphore, #tpu.memory_space<semaphore_mem>>) src(%arg11 : memref<96x256xf32, #tpu.memory_space<vmem>>) dst(%dma_wait3A_42 : memref<96x256xf32, #tpu.memory_space<hbm>>)
      tpu.yield
    }) : () -> ()
    return
  }
}

#map = affine_map<(d0, d1) -> (0, 0)>
#map1 = affine_map<(d0, d1) -> (0)>
module attributes {stable_mosaic.version = 14 : i64} {
  func.func @k(%arg0: i32, %arg1: i32, %arg2: memref<4096x768xf32, #tpu.memory_space<hbm>>, %arg3: memref<4096x768xi32, #tpu.memory_space<hbm>>, %arg4: memref<4096xi32, #tpu.memory_space<hbm>>, %arg5: memref<4096xi32, #tpu.memory_space<hbm>>, %arg6: memref<4096x768xf32, #tpu.memory_space<hbm>>, %arg7: memref<4096x768xi32, #tpu.memory_space<hbm>>, %arg8: memref<128xi32, #tpu.memory_space<vmem>>, %arg9: memref<64x768xf32, #tpu.memory_space<vmem>>, %arg10: memref<128xi32, #tpu.memory_space<vmem>>, %arg11: memref<64x768xi32, #tpu.memory_space<vmem>>, %arg12: memref<!tpu.dma_semaphore, #tpu.memory_space<semaphore_mem>>) attributes {dimension_semantics = [#tpu.dimension_semantics<core_parallel>, #tpu.dimension_semantics<subcore_parallel>], iteration_bounds = array<i64: 2, 16>, scalar_prefetch = 0 : i64, scratch_operands = 5 : i64, tpu.core_type = #tpu.core_type<sc_vector_subcore>, window_params = [{transform_indices = #map}, {transform_indices = #map}, {transform_indices = #map1}, {transform_indices = #map1}, {transform_indices = #map}, {transform_indices = #map}]} {
    %mul3A = arith.constant 2 : i32
    %mul3A_0 = arith.muli %arg1, %mul3A : i32
    %add3A = arith.addi %mul3A_0, %arg0 : i32
    %mul3A_1 = arith.constant 128 : i32
    %mul3A_2 = arith.muli %add3A, %mul3A_1 : i32
    "tpu.region"() ({
      %run_scoped3A = tpu.sem_alloc : memref<!tpu.dma_semaphore, #tpu.memory_space<semaphore_mem>>
      %dma_start3A_51 = tpu.memref_slice %arg4[%mul3A_2] : memref<4096xi32, #tpu.memory_space<hbm>> -> memref<128xi32, #tpu.memory_space<hbm>>
      %dma_start3A_52 = tpu.memref_slice %arg4[%mul3A_2] : memref<4096xi32, #tpu.memory_space<hbm>> -> memref<128xi32, #tpu.memory_space<hbm>>
      tpu.enqueue_dma source(%dma_start3A_52 : memref<128xi32, #tpu.memory_space<hbm>>) target(%arg8 : memref<128xi32, #tpu.memory_space<vmem>>) target_semaphore(%run_scoped3A : memref<!tpu.dma_semaphore, #tpu.memory_space<semaphore_mem>>)
      %dma_wait3A_53 = tpu.memref_slice %arg4[%mul3A_2] : memref<4096xi32, #tpu.memory_space<hbm>> -> memref<128xi32, #tpu.memory_space<hbm>>
      %dma_wait3A_54 = tpu.memref_slice %arg4[%mul3A_2] : memref<4096xi32, #tpu.memory_space<hbm>> -> memref<128xi32, #tpu.memory_space<hbm>>
      tpu.wait_dma2 semaphore(%run_scoped3A : memref<!tpu.dma_semaphore, #tpu.memory_space<semaphore_mem>>) src(%dma_wait3A_54 : memref<128xi32, #tpu.memory_space<hbm>>) dst(%arg8 : memref<128xi32, #tpu.memory_space<vmem>>)
      tpu.yield
    }) : () -> ()
    %dma_start3A = arith.constant 0 : i32
    %dma_start3A_3 = tpu.memref_slice %arg8[%dma_start3A] : memref<128xi32, #tpu.memory_space<vmem>> -> memref<64xi32, #tpu.memory_space<vmem>>
    %dma_start3A_4 = arith.constant 0 : i32
    %dma_start3A_5 = arith.constant 0 : i32
    %dma_start3A_6 = tpu.memref_slice %arg2[%dma_start3A_4, %dma_start3A_5] : memref<4096x768xf32, #tpu.memory_space<hbm>> -> memref<4096x768xf32, #tpu.memory_space<hbm>>
    tpu.enqueue_indirect_dma source(%dma_start3A_6 : memref<4096x768xf32, #tpu.memory_space<hbm>>) target(%arg9 : memref<64x768xf32, #tpu.memory_space<vmem>>) offsets(%dma_start3A_3 : memref<64xi32, #tpu.memory_space<vmem>>) semaphore(%arg12 : memref<!tpu.dma_semaphore, #tpu.memory_space<semaphore_mem>>)
    %dma_wait3A = arith.constant 0 : i32
    %dma_wait3A_7 = tpu.memref_slice %arg8[%dma_wait3A] : memref<128xi32, #tpu.memory_space<vmem>> -> memref<64xi32, #tpu.memory_space<vmem>>
    %dma_wait3A_8 = arith.constant 0 : i32
    %dma_wait3A_9 = arith.constant 0 : i32
    %dma_wait3A_10 = tpu.memref_slice %arg2[%dma_wait3A_8, %dma_wait3A_9] : memref<4096x768xf32, #tpu.memory_space<hbm>> -> memref<4096x768xf32, #tpu.memory_space<hbm>>
    tpu.wait_indirect_dma semaphore(%arg12 : memref<!tpu.dma_semaphore, #tpu.memory_space<semaphore_mem>>) src(%dma_wait3A_10 : memref<4096x768xf32, #tpu.memory_space<hbm>>) dst(%arg9 : memref<64x768xf32, #tpu.memory_space<vmem>>)
    %add3A_11 = arith.constant 0 : i32
    %add3A_12 = arith.addi %mul3A_2, %add3A_11 : i32
    "tpu.region"() ({
      %run_scoped3A = tpu.sem_alloc : memref<!tpu.dma_semaphore, #tpu.memory_space<semaphore_mem>>
      %dma_start3A_51 = arith.constant 0 : i32
      %dma_start3A_52 = tpu.memref_slice %arg6[%add3A_12, %dma_start3A_51] : memref<4096x768xf32, #tpu.memory_space<hbm>> -> memref<64x768xf32, #tpu.memory_space<hbm>>
      %dma_start3A_53 = arith.constant 0 : i32
      %dma_start3A_54 = tpu.memref_slice %arg6[%add3A_12, %dma_start3A_53] : memref<4096x768xf32, #tpu.memory_space<hbm>> -> memref<64x768xf32, #tpu.memory_space<hbm>>
      tpu.enqueue_dma source(%arg9 : memref<64x768xf32, #tpu.memory_space<vmem>>) target(%dma_start3A_54 : memref<64x768xf32, #tpu.memory_space<hbm>>) target_semaphore(%run_scoped3A : memref<!tpu.dma_semaphore, #tpu.memory_space<semaphore_mem>>)
      %dma_wait3A_55 = arith.constant 0 : i32
      %dma_wait3A_56 = tpu.memref_slice %arg6[%add3A_12, %dma_wait3A_55] : memref<4096x768xf32, #tpu.memory_space<hbm>> -> memref<64x768xf32, #tpu.memory_space<hbm>>
      %dma_wait3A_57 = arith.constant 0 : i32
      %dma_wait3A_58 = tpu.memref_slice %arg6[%add3A_12, %dma_wait3A_57] : memref<4096x768xf32, #tpu.memory_space<hbm>> -> memref<64x768xf32, #tpu.memory_space<hbm>>
      tpu.wait_dma2 semaphore(%run_scoped3A : memref<!tpu.dma_semaphore, #tpu.memory_space<semaphore_mem>>) src(%arg9 : memref<64x768xf32, #tpu.memory_space<vmem>>) dst(%dma_wait3A_58 : memref<64x768xf32, #tpu.memory_space<hbm>>)
      tpu.yield
    }) : () -> ()
    %dma_start3A_13 = arith.constant 64 : i32
    %dma_start3A_14 = tpu.memref_slice %arg8[%dma_start3A_13] : memref<128xi32, #tpu.memory_space<vmem>> -> memref<64xi32, #tpu.memory_space<vmem>>
    %dma_start3A_15 = arith.constant 0 : i32
    %dma_start3A_16 = arith.constant 0 : i32
    %dma_start3A_17 = tpu.memref_slice %arg2[%dma_start3A_15, %dma_start3A_16] : memref<4096x768xf32, #tpu.memory_space<hbm>> -> memref<4096x768xf32, #tpu.memory_space<hbm>>
    tpu.enqueue_indirect_dma source(%dma_start3A_17 : memref<4096x768xf32, #tpu.memory_space<hbm>>) target(%arg9 : memref<64x768xf32, #tpu.memory_space<vmem>>) offsets(%dma_start3A_14 : memref<64xi32, #tpu.memory_space<vmem>>) semaphore(%arg12 : memref<!tpu.dma_semaphore, #tpu.memory_space<semaphore_mem>>)
    %dma_wait3A_18 = arith.constant 64 : i32
    %dma_wait3A_19 = tpu.memref_slice %arg8[%dma_wait3A_18] : memref<128xi32, #tpu.memory_space<vmem>> -> memref<64xi32, #tpu.memory_space<vmem>>
    %dma_wait3A_20 = arith.constant 0 : i32
    %dma_wait3A_21 = arith.constant 0 : i32
    %dma_wait3A_22 = tpu.memref_slice %arg2[%dma_wait3A_20, %dma_wait3A_21] : memref<4096x768xf32, #tpu.memory_space<hbm>> -> memref<4096x768xf32, #tpu.memory_space<hbm>>
    tpu.wait_indirect_dma semaphore(%arg12 : memref<!tpu.dma_semaphore, #tpu.memory_space<semaphore_mem>>) src(%dma_wait3A_22 : memref<4096x768xf32, #tpu.memory_space<hbm>>) dst(%arg9 : memref<64x768xf32, #tpu.memory_space<vmem>>)
    %add3A_23 = arith.constant 64 : i32
    %add3A_24 = arith.addi %mul3A_2, %add3A_23 : i32
    "tpu.region"() ({
      %run_scoped3A = tpu.sem_alloc : memref<!tpu.dma_semaphore, #tpu.memory_space<semaphore_mem>>
      %dma_start3A_51 = arith.constant 0 : i32
      %dma_start3A_52 = tpu.memref_slice %arg6[%add3A_24, %dma_start3A_51] : memref<4096x768xf32, #tpu.memory_space<hbm>> -> memref<64x768xf32, #tpu.memory_space<hbm>>
      %dma_start3A_53 = arith.constant 0 : i32
      %dma_start3A_54 = tpu.memref_slice %arg6[%add3A_24, %dma_start3A_53] : memref<4096x768xf32, #tpu.memory_space<hbm>> -> memref<64x768xf32, #tpu.memory_space<hbm>>
      tpu.enqueue_dma source(%arg9 : memref<64x768xf32, #tpu.memory_space<vmem>>) target(%dma_start3A_54 : memref<64x768xf32, #tpu.memory_space<hbm>>) target_semaphore(%run_scoped3A : memref<!tpu.dma_semaphore, #tpu.memory_space<semaphore_mem>>)
      %dma_wait3A_55 = arith.constant 0 : i32
      %dma_wait3A_56 = tpu.memref_slice %arg6[%add3A_24, %dma_wait3A_55] : memref<4096x768xf32, #tpu.memory_space<hbm>> -> memref<64x768xf32, #tpu.memory_space<hbm>>
      %dma_wait3A_57 = arith.constant 0 : i32
      %dma_wait3A_58 = tpu.memref_slice %arg6[%add3A_24, %dma_wait3A_57] : memref<4096x768xf32, #tpu.memory_space<hbm>> -> memref<64x768xf32, #tpu.memory_space<hbm>>
      tpu.wait_dma2 semaphore(%run_scoped3A : memref<!tpu.dma_semaphore, #tpu.memory_space<semaphore_mem>>) src(%arg9 : memref<64x768xf32, #tpu.memory_space<vmem>>) dst(%dma_wait3A_58 : memref<64x768xf32, #tpu.memory_space<hbm>>)
      tpu.yield
    }) : () -> ()
    %mul3A_25 = arith.constant 128 : i32
    %mul3A_26 = arith.muli %add3A, %mul3A_25 : i32
    "tpu.region"() ({
      %run_scoped3A = tpu.sem_alloc : memref<!tpu.dma_semaphore, #tpu.memory_space<semaphore_mem>>
      %dma_start3A_51 = tpu.memref_slice %arg5[%mul3A_26] : memref<4096xi32, #tpu.memory_space<hbm>> -> memref<128xi32, #tpu.memory_space<hbm>>
      %dma_start3A_52 = tpu.memref_slice %arg5[%mul3A_26] : memref<4096xi32, #tpu.memory_space<hbm>> -> memref<128xi32, #tpu.memory_space<hbm>>
      tpu.enqueue_dma source(%dma_start3A_52 : memref<128xi32, #tpu.memory_space<hbm>>) target(%arg10 : memref<128xi32, #tpu.memory_space<vmem>>) target_semaphore(%run_scoped3A : memref<!tpu.dma_semaphore, #tpu.memory_space<semaphore_mem>>)
      %dma_wait3A_53 = tpu.memref_slice %arg5[%mul3A_26] : memref<4096xi32, #tpu.memory_space<hbm>> -> memref<128xi32, #tpu.memory_space<hbm>>
      %dma_wait3A_54 = tpu.memref_slice %arg5[%mul3A_26] : memref<4096xi32, #tpu.memory_space<hbm>> -> memref<128xi32, #tpu.memory_space<hbm>>
      tpu.wait_dma2 semaphore(%run_scoped3A : memref<!tpu.dma_semaphore, #tpu.memory_space<semaphore_mem>>) src(%dma_wait3A_54 : memref<128xi32, #tpu.memory_space<hbm>>) dst(%arg10 : memref<128xi32, #tpu.memory_space<vmem>>)
      tpu.yield
    }) : () -> ()
    %dma_start3A_27 = arith.constant 0 : i32
    %dma_start3A_28 = tpu.memref_slice %arg10[%dma_start3A_27] : memref<128xi32, #tpu.memory_space<vmem>> -> memref<64xi32, #tpu.memory_space<vmem>>
    %dma_start3A_29 = arith.constant 0 : i32
    %dma_start3A_30 = arith.constant 0 : i32
    %dma_start3A_31 = tpu.memref_slice %arg3[%dma_start3A_29, %dma_start3A_30] : memref<4096x768xi32, #tpu.memory_space<hbm>> -> memref<4096x768xi32, #tpu.memory_space<hbm>>
    tpu.enqueue_indirect_dma source(%dma_start3A_31 : memref<4096x768xi32, #tpu.memory_space<hbm>>) target(%arg11 : memref<64x768xi32, #tpu.memory_space<vmem>>) offsets(%dma_start3A_28 : memref<64xi32, #tpu.memory_space<vmem>>) semaphore(%arg12 : memref<!tpu.dma_semaphore, #tpu.memory_space<semaphore_mem>>)
    %dma_wait3A_32 = arith.constant 0 : i32
    %dma_wait3A_33 = tpu.memref_slice %arg10[%dma_wait3A_32] : memref<128xi32, #tpu.memory_space<vmem>> -> memref<64xi32, #tpu.memory_space<vmem>>
    %dma_wait3A_34 = arith.constant 0 : i32
    %dma_wait3A_35 = arith.constant 0 : i32
    %dma_wait3A_36 = tpu.memref_slice %arg3[%dma_wait3A_34, %dma_wait3A_35] : memref<4096x768xi32, #tpu.memory_space<hbm>> -> memref<4096x768xi32, #tpu.memory_space<hbm>>
    tpu.wait_indirect_dma semaphore(%arg12 : memref<!tpu.dma_semaphore, #tpu.memory_space<semaphore_mem>>) src(%dma_wait3A_36 : memref<4096x768xi32, #tpu.memory_space<hbm>>) dst(%arg11 : memref<64x768xi32, #tpu.memory_space<vmem>>)
    %add3A_37 = arith.constant 0 : i32
    %add3A_38 = arith.addi %mul3A_26, %add3A_37 : i32
    "tpu.region"() ({
      %run_scoped3A = tpu.sem_alloc : memref<!tpu.dma_semaphore, #tpu.memory_space<semaphore_mem>>
      %dma_start3A_51 = arith.constant 0 : i32
      %dma_start3A_52 = tpu.memref_slice %arg7[%add3A_38, %dma_start3A_51] : memref<4096x768xi32, #tpu.memory_space<hbm>> -> memref<64x768xi32, #tpu.memory_space<hbm>>
      %dma_start3A_53 = arith.constant 0 : i32
      %dma_start3A_54 = tpu.memref_slice %arg7[%add3A_38, %dma_start3A_53] : memref<4096x768xi32, #tpu.memory_space<hbm>> -> memref<64x768xi32, #tpu.memory_space<hbm>>
      tpu.enqueue_dma source(%arg11 : memref<64x768xi32, #tpu.memory_space<vmem>>) target(%dma_start3A_54 : memref<64x768xi32, #tpu.memory_space<hbm>>) target_semaphore(%run_scoped3A : memref<!tpu.dma_semaphore, #tpu.memory_space<semaphore_mem>>)
      %dma_wait3A_55 = arith.constant 0 : i32
      %dma_wait3A_56 = tpu.memref_slice %arg7[%add3A_38, %dma_wait3A_55] : memref<4096x768xi32, #tpu.memory_space<hbm>> -> memref<64x768xi32, #tpu.memory_space<hbm>>
      %dma_wait3A_57 = arith.constant 0 : i32
      %dma_wait3A_58 = tpu.memref_slice %arg7[%add3A_38, %dma_wait3A_57] : memref<4096x768xi32, #tpu.memory_space<hbm>> -> memref<64x768xi32, #tpu.memory_space<hbm>>
      tpu.wait_dma2 semaphore(%run_scoped3A : memref<!tpu.dma_semaphore, #tpu.memory_space<semaphore_mem>>) src(%arg11 : memref<64x768xi32, #tpu.memory_space<vmem>>) dst(%dma_wait3A_58 : memref<64x768xi32, #tpu.memory_space<hbm>>)
      tpu.yield
    }) : () -> ()
    %dma_start3A_39 = arith.constant 64 : i32
    %dma_start3A_40 = tpu.memref_slice %arg10[%dma_start3A_39] : memref<128xi32, #tpu.memory_space<vmem>> -> memref<64xi32, #tpu.memory_space<vmem>>
    %dma_start3A_41 = arith.constant 0 : i32
    %dma_start3A_42 = arith.constant 0 : i32
    %dma_start3A_43 = tpu.memref_slice %arg3[%dma_start3A_41, %dma_start3A_42] : memref<4096x768xi32, #tpu.memory_space<hbm>> -> memref<4096x768xi32, #tpu.memory_space<hbm>>
    tpu.enqueue_indirect_dma source(%dma_start3A_43 : memref<4096x768xi32, #tpu.memory_space<hbm>>) target(%arg11 : memref<64x768xi32, #tpu.memory_space<vmem>>) offsets(%dma_start3A_40 : memref<64xi32, #tpu.memory_space<vmem>>) semaphore(%arg12 : memref<!tpu.dma_semaphore, #tpu.memory_space<semaphore_mem>>)
    %dma_wait3A_44 = arith.constant 64 : i32
    %dma_wait3A_45 = tpu.memref_slice %arg10[%dma_wait3A_44] : memref<128xi32, #tpu.memory_space<vmem>> -> memref<64xi32, #tpu.memory_space<vmem>>
    %dma_wait3A_46 = arith.constant 0 : i32
    %dma_wait3A_47 = arith.constant 0 : i32
    %dma_wait3A_48 = tpu.memref_slice %arg3[%dma_wait3A_46, %dma_wait3A_47] : memref<4096x768xi32, #tpu.memory_space<hbm>> -> memref<4096x768xi32, #tpu.memory_space<hbm>>
    tpu.wait_indirect_dma semaphore(%arg12 : memref<!tpu.dma_semaphore, #tpu.memory_space<semaphore_mem>>) src(%dma_wait3A_48 : memref<4096x768xi32, #tpu.memory_space<hbm>>) dst(%arg11 : memref<64x768xi32, #tpu.memory_space<vmem>>)
    %add3A_49 = arith.constant 64 : i32
    %add3A_50 = arith.addi %mul3A_26, %add3A_49 : i32
    "tpu.region"() ({
      %run_scoped3A = tpu.sem_alloc : memref<!tpu.dma_semaphore, #tpu.memory_space<semaphore_mem>>
      %dma_start3A_51 = arith.constant 0 : i32
      %dma_start3A_52 = tpu.memref_slice %arg7[%add3A_50, %dma_start3A_51] : memref<4096x768xi32, #tpu.memory_space<hbm>> -> memref<64x768xi32, #tpu.memory_space<hbm>>
      %dma_start3A_53 = arith.constant 0 : i32
      %dma_start3A_54 = tpu.memref_slice %arg7[%add3A_50, %dma_start3A_53] : memref<4096x768xi32, #tpu.memory_space<hbm>> -> memref<64x768xi32, #tpu.memory_space<hbm>>
      tpu.enqueue_dma source(%arg11 : memref<64x768xi32, #tpu.memory_space<vmem>>) target(%dma_start3A_54 : memref<64x768xi32, #tpu.memory_space<hbm>>) target_semaphore(%run_scoped3A : memref<!tpu.dma_semaphore, #tpu.memory_space<semaphore_mem>>)
      %dma_wait3A_55 = arith.constant 0 : i32
      %dma_wait3A_56 = tpu.memref_slice %arg7[%add3A_50, %dma_wait3A_55] : memref<4096x768xi32, #tpu.memory_space<hbm>> -> memref<64x768xi32, #tpu.memory_space<hbm>>
      %dma_wait3A_57 = arith.constant 0 : i32
      %dma_wait3A_58 = tpu.memref_slice %arg7[%add3A_50, %dma_wait3A_57] : memref<4096x768xi32, #tpu.memory_space<hbm>> -> memref<64x768xi32, #tpu.memory_space<hbm>>
      tpu.wait_dma2 semaphore(%run_scoped3A : memref<!tpu.dma_semaphore, #tpu.memory_space<semaphore_mem>>) src(%arg11 : memref<64x768xi32, #tpu.memory_space<vmem>>) dst(%dma_wait3A_58 : memref<64x768xi32, #tpu.memory_space<hbm>>)
      tpu.yield
    }) : () -> ()
    return
  }
}

#map = affine_map<(d0, d1) -> (0, 0)>
#map1 = affine_map<(d0, d1) -> (0)>
module attributes {stable_mosaic.version = 14 : i64} {
  func.func @k(%arg0: i32, %arg1: i32, %arg2: memref<4096x384xi32, #tpu.memory_space<hbm>>, %arg3: memref<4096xi32, #tpu.memory_space<hbm>>, %arg4: memref<4096x384xi32, #tpu.memory_space<hbm>>, %arg5: memref<128xi32, #tpu.memory_space<vmem>>, %arg6: memref<128x384xi32, #tpu.memory_space<vmem>>, %arg7: memref<!tpu.dma_semaphore, #tpu.memory_space<semaphore_mem>>) attributes {dimension_semantics = [#tpu.dimension_semantics<core_parallel>, #tpu.dimension_semantics<subcore_parallel>], iteration_bounds = array<i64: 2, 16>, scalar_prefetch = 0 : i64, scratch_operands = 3 : i64, tpu.core_type = #tpu.core_type<sc_vector_subcore>, window_params = [{transform_indices = #map}, {transform_indices = #map1}, {transform_indices = #map}]} {
    %mul3A = arith.constant 2 : i32
    %mul3A_0 = arith.muli %arg1, %mul3A : i32
    %add3A = arith.addi %mul3A_0, %arg0 : i32
    %mul3A_1 = arith.constant 128 : i32
    %mul3A_2 = arith.muli %add3A, %mul3A_1 : i32
    "tpu.region"() ({
      %run_scoped3A = tpu.sem_alloc : memref<!tpu.dma_semaphore, #tpu.memory_space<semaphore_mem>>
      %dma_start3A_9 = tpu.memref_slice %arg3[%mul3A_2] : memref<4096xi32, #tpu.memory_space<hbm>> -> memref<128xi32, #tpu.memory_space<hbm>>
      %dma_start3A_10 = tpu.memref_slice %arg3[%mul3A_2] : memref<4096xi32, #tpu.memory_space<hbm>> -> memref<128xi32, #tpu.memory_space<hbm>>
      tpu.enqueue_dma source(%dma_start3A_10 : memref<128xi32, #tpu.memory_space<hbm>>) target(%arg5 : memref<128xi32, #tpu.memory_space<vmem>>) target_semaphore(%run_scoped3A : memref<!tpu.dma_semaphore, #tpu.memory_space<semaphore_mem>>)
      %dma_wait3A_11 = tpu.memref_slice %arg3[%mul3A_2] : memref<4096xi32, #tpu.memory_space<hbm>> -> memref<128xi32, #tpu.memory_space<hbm>>
      %dma_wait3A_12 = tpu.memref_slice %arg3[%mul3A_2] : memref<4096xi32, #tpu.memory_space<hbm>> -> memref<128xi32, #tpu.memory_space<hbm>>
      tpu.wait_dma2 semaphore(%run_scoped3A : memref<!tpu.dma_semaphore, #tpu.memory_space<semaphore_mem>>) src(%dma_wait3A_12 : memref<128xi32, #tpu.memory_space<hbm>>) dst(%arg5 : memref<128xi32, #tpu.memory_space<vmem>>)
      tpu.yield
    }) : () -> ()
    %dma_start3A = arith.constant 0 : i32
    %dma_start3A_3 = arith.constant 0 : i32
    %dma_start3A_4 = tpu.memref_slice %arg2[%dma_start3A, %dma_start3A_3] : memref<4096x384xi32, #tpu.memory_space<hbm>> -> memref<4096x384xi32, #tpu.memory_space<hbm>>
    tpu.enqueue_indirect_dma source(%dma_start3A_4 : memref<4096x384xi32, #tpu.memory_space<hbm>>) target(%arg6 : memref<128x384xi32, #tpu.memory_space<vmem>>) offsets(%arg5 : memref<128xi32, #tpu.memory_space<vmem>>) semaphore(%arg7 : memref<!tpu.dma_semaphore, #tpu.memory_space<semaphore_mem>>)
    %dma_wait3A = arith.constant 0 : i32
    %dma_wait3A_5 = arith.constant 0 : i32
    %dma_wait3A_6 = tpu.memref_slice %arg2[%dma_wait3A, %dma_wait3A_5] : memref<4096x384xi32, #tpu.memory_space<hbm>> -> memref<4096x384xi32, #tpu.memory_space<hbm>>
    tpu.wait_indirect_dma semaphore(%arg7 : memref<!tpu.dma_semaphore, #tpu.memory_space<semaphore_mem>>) src(%dma_wait3A_6 : memref<4096x384xi32, #tpu.memory_space<hbm>>) dst(%arg6 : memref<128x384xi32, #tpu.memory_space<vmem>>)
    %add3A_7 = arith.constant 0 : i32
    %add3A_8 = arith.addi %mul3A_2, %add3A_7 : i32
    "tpu.region"() ({
      %run_scoped3A = tpu.sem_alloc : memref<!tpu.dma_semaphore, #tpu.memory_space<semaphore_mem>>
      %dma_start3A_9 = arith.constant 0 : i32
      %dma_start3A_10 = tpu.memref_slice %arg4[%add3A_8, %dma_start3A_9] : memref<4096x384xi32, #tpu.memory_space<hbm>> -> memref<128x384xi32, #tpu.memory_space<hbm>>
      %dma_start3A_11 = arith.constant 0 : i32
      %dma_start3A_12 = tpu.memref_slice %arg4[%add3A_8, %dma_start3A_11] : memref<4096x384xi32, #tpu.memory_space<hbm>> -> memref<128x384xi32, #tpu.memory_space<hbm>>
      tpu.enqueue_dma source(%arg6 : memref<128x384xi32, #tpu.memory_space<vmem>>) target(%dma_start3A_12 : memref<128x384xi32, #tpu.memory_space<hbm>>) target_semaphore(%run_scoped3A : memref<!tpu.dma_semaphore, #tpu.memory_space<semaphore_mem>>)
      %dma_wait3A_13 = arith.constant 0 : i32
      %dma_wait3A_14 = tpu.memref_slice %arg4[%add3A_8, %dma_wait3A_13] : memref<4096x384xi32, #tpu.memory_space<hbm>> -> memref<128x384xi32, #tpu.memory_space<hbm>>
      %dma_wait3A_15 = arith.constant 0 : i32
      %dma_wait3A_16 = tpu.memref_slice %arg4[%add3A_8, %dma_wait3A_15] : memref<4096x384xi32, #tpu.memory_space<hbm>> -> memref<128x384xi32, #tpu.memory_space<hbm>>
      tpu.wait_dma2 semaphore(%run_scoped3A : memref<!tpu.dma_semaphore, #tpu.memory_space<semaphore_mem>>) src(%arg6 : memref<128x384xi32, #tpu.memory_space<vmem>>) dst(%dma_wait3A_16 : memref<128x384xi32, #tpu.memory_space<hbm>>)
      tpu.yield
    }) : () -> ()
    return
  }
}

#map = affine_map<(d0, d1) -> (0, 0)>
#map1 = affine_map<(d0, d1) -> (0)>
module attributes {stable_mosaic.version = 14 : i64} {
  func.func @k(%arg0: i32, %arg1: i32, %arg2: memref<4096x384xi32, #tpu.memory_space<hbm>>, %arg3: memref<4096xi32, #tpu.memory_space<hbm>>, %arg4: memref<4096x384xi32, #tpu.memory_space<hbm>>, %arg5: memref<128xi32, #tpu.memory_space<vmem>>, %arg6: memref<128x384xi32, #tpu.memory_space<vmem>>, %arg7: memref<!tpu.dma_semaphore, #tpu.memory_space<semaphore_mem>>) attributes {dimension_semantics = [#tpu.dimension_semantics<core_parallel>, #tpu.dimension_semantics<subcore_parallel>], iteration_bounds = array<i64: 2, 16>, scalar_prefetch = 0 : i64, scratch_operands = 3 : i64, tpu.core_type = #tpu.core_type<sc_vector_subcore>, window_params = [{transform_indices = #map}, {transform_indices = #map1}, {transform_indices = #map}]} {
    %mul3A = arith.constant 2 : i32
    %mul3A_0 = arith.muli %arg1, %mul3A : i32
    %add3A = arith.addi %mul3A_0, %arg0 : i32
    %mul3A_1 = arith.constant 128 : i32
    %mul3A_2 = arith.muli %add3A, %mul3A_1 : i32
    "tpu.region"() ({
      %run_scoped3A = tpu.sem_alloc : memref<!tpu.dma_semaphore, #tpu.memory_space<semaphore_mem>>
      %dma_start3A_9 = tpu.memref_slice %arg3[%mul3A_2] : memref<4096xi32, #tpu.memory_space<hbm>> -> memref<128xi32, #tpu.memory_space<hbm>>
      %dma_start3A_10 = tpu.memref_slice %arg3[%mul3A_2] : memref<4096xi32, #tpu.memory_space<hbm>> -> memref<128xi32, #tpu.memory_space<hbm>>
      tpu.enqueue_dma source(%dma_start3A_10 : memref<128xi32, #tpu.memory_space<hbm>>) target(%arg5 : memref<128xi32, #tpu.memory_space<vmem>>) target_semaphore(%run_scoped3A : memref<!tpu.dma_semaphore, #tpu.memory_space<semaphore_mem>>)
      %dma_wait3A_11 = tpu.memref_slice %arg3[%mul3A_2] : memref<4096xi32, #tpu.memory_space<hbm>> -> memref<128xi32, #tpu.memory_space<hbm>>
      %dma_wait3A_12 = tpu.memref_slice %arg3[%mul3A_2] : memref<4096xi32, #tpu.memory_space<hbm>> -> memref<128xi32, #tpu.memory_space<hbm>>
      tpu.wait_dma2 semaphore(%run_scoped3A : memref<!tpu.dma_semaphore, #tpu.memory_space<semaphore_mem>>) src(%dma_wait3A_12 : memref<128xi32, #tpu.memory_space<hbm>>) dst(%arg5 : memref<128xi32, #tpu.memory_space<vmem>>)
      tpu.yield
    }) : () -> ()
    %dma_start3A = arith.constant 0 : i32
    %dma_start3A_3 = arith.constant 0 : i32
    %dma_start3A_4 = tpu.memref_slice %arg2[%dma_start3A, %dma_start3A_3] : memref<4096x384xi32, #tpu.memory_space<hbm>> -> memref<4096x384xi32, #tpu.memory_space<hbm>>
    tpu.enqueue_indirect_dma source(%dma_start3A_4 : memref<4096x384xi32, #tpu.memory_space<hbm>>) target(%arg6 : memref<128x384xi32, #tpu.memory_space<vmem>>) offsets(%arg5 : memref<128xi32, #tpu.memory_space<vmem>>) semaphore(%arg7 : memref<!tpu.dma_semaphore, #tpu.memory_space<semaphore_mem>>)
    %dma_wait3A = arith.constant 0 : i32
    %dma_wait3A_5 = arith.constant 0 : i32
    %dma_wait3A_6 = tpu.memref_slice %arg2[%dma_wait3A, %dma_wait3A_5] : memref<4096x384xi32, #tpu.memory_space<hbm>> -> memref<4096x384xi32, #tpu.memory_space<hbm>>
    tpu.wait_indirect_dma semaphore(%arg7 : memref<!tpu.dma_semaphore, #tpu.memory_space<semaphore_mem>>) src(%dma_wait3A_6 : memref<4096x384xi32, #tpu.memory_space<hbm>>) dst(%arg6 : memref<128x384xi32, #tpu.memory_space<vmem>>)
    %add3A_7 = arith.constant 0 : i32
    %add3A_8 = arith.addi %mul3A_2, %add3A_7 : i32
    "tpu.region"() ({
      %run_scoped3A = tpu.sem_alloc : memref<!tpu.dma_semaphore, #tpu.memory_space<semaphore_mem>>
      %dma_start3A_9 = arith.constant 0 : i32
      %dma_start3A_10 = tpu.memref_slice %arg4[%add3A_8, %dma_start3A_9] : memref<4096x384xi32, #tpu.memory_space<hbm>> -> memref<128x384xi32, #tpu.memory_space<hbm>>
      %dma_start3A_11 = arith.constant 0 : i32
      %dma_start3A_12 = tpu.memref_slice %arg4[%add3A_8, %dma_start3A_11] : memref<4096x384xi32, #tpu.memory_space<hbm>> -> memref<128x384xi32, #tpu.memory_space<hbm>>
      tpu.enqueue_dma source(%arg6 : memref<128x384xi32, #tpu.memory_space<vmem>>) target(%dma_start3A_12 : memref<128x384xi32, #tpu.memory_space<hbm>>) target_semaphore(%run_scoped3A : memref<!tpu.dma_semaphore, #tpu.memory_space<semaphore_mem>>)
      %dma_wait3A_13 = arith.constant 0 : i32
      %dma_wait3A_14 = tpu.memref_slice %arg4[%add3A_8, %dma_wait3A_13] : memref<4096x384xi32, #tpu.memory_space<hbm>> -> memref<128x384xi32, #tpu.memory_space<hbm>>
      %dma_wait3A_15 = arith.constant 0 : i32
      %dma_wait3A_16 = tpu.memref_slice %arg4[%add3A_8, %dma_wait3A_15] : memref<4096x384xi32, #tpu.memory_space<hbm>> -> memref<128x384xi32, #tpu.memory_space<hbm>>
      tpu.wait_dma2 semaphore(%run_scoped3A : memref<!tpu.dma_semaphore, #tpu.memory_space<semaphore_mem>>) src(%arg6 : memref<128x384xi32, #tpu.memory_space<vmem>>) dst(%dma_wait3A_16 : memref<128x384xi32, #tpu.memory_space<hbm>>)
      tpu.yield
    }) : () -> ()
    return
  }
}

module attributes {stable_mosaic.version = 14 : i64} {
  func.func @body(%arg0: i32, %arg1: i32, %arg2: memref<1x768x256xf32, #tpu.memory_space<vmem>>, %arg3: memref<256x768xf32, #tpu.memory_space<vmem>>) attributes {dimension_semantics = [#tpu.dimension_semantics<arbitrary>, #tpu.dimension_semantics<arbitrary>], iteration_bounds = array<i64: 2, 8>, scalar_prefetch = 0 : i64, scratch_operands = 0 : i64, tpu.core_type = #tpu.core_type<tc>, window_params = [{transform_indices = @transform_0, window_bounds = array<i64: 1, 768, 256>}, {transform_indices = @transform_1, window_bounds = array<i64: 256, 768>}]} {
    %get3A = arith.constant 0 : index
    %get3A_0 = arith.constant 0 : index
    %get3A_1 = arith.constant 0 : index
    %get3A_2 = vector.load %arg2[%get3A, %get3A_0, %get3A_1] : memref<1x768x256xf32, #tpu.memory_space<vmem>>, vector<1x768x256xf32>
    %get3A_3 = vector.shape_cast %get3A_2 : vector<1x768x256xf32> to vector<768x256xf32>
    %transpose3A = tpu.transpose %get3A_3, [1, 0] : vector<768x256xf32> -> vector<256x768xf32>
    %swap3A = arith.constant 0 : index
    %swap3A_4 = arith.constant 0 : index
    %swap3A_5 = vector.load %arg3[%swap3A, %swap3A_4] : memref<256x768xf32, #tpu.memory_space<vmem>>, vector<256x768xf32>
    tpu.vector_store %arg3[%swap3A, %swap3A_4], %transpose3A {strides = array<i32>} : memref<256x768xf32, #tpu.memory_space<vmem>>, vector<256x768xf32>,
    return
  }
  func.func @transform_0(%arg0: i32, %arg1: i32) -> (i32, i32, i32) {
    %c0_i32 = arith.constant 0 : i32
    %c0_i32_0 = arith.constant 0 : i32
    return %arg0, %c0_i32, %arg1 : i32, i32, i32
  }
  func.func @transform_1(%arg0: i32, %arg1: i32) -> (i32, i32) {
    %mul3A = arith.constant 8 : i32
    %mul3A_0 = arith.muli %arg0, %mul3A : i32
    %add3A = arith.addi %mul3A_0, %arg1 : i32
    %c0_i32 = arith.constant 0 : i32
    %c0_i32_1 = arith.constant 0 : i32
    return %add3A, %c0_i32 : i32, i32
  }
}

module attributes {stable_mosaic.version = 14 : i64} {
  func.func @body(%arg0: i32, %arg1: memref<512x768xf32, #tpu.memory_space<vmem>>, %arg2: memref<4x192x576xf32, #tpu.memory_space<vmem>>, %arg3: memref<512x768xf32, #tpu.memory_space<vmem>>, %arg4: memref<512x768xi32, #tpu.memory_space<vmem>>) attributes {dimension_semantics = [#tpu.dimension_semantics<arbitrary>], iteration_bounds = array<i64: 8>, scalar_prefetch = 0 : i64, scratch_operands = 0 : i64, tpu.core_type = #tpu.core_type<tc>, window_params = [{transform_indices = @transform_0, window_bounds = array<i64: 512, 768>}, {transform_indices = @transform_1, window_bounds = array<i64: 4, 192, 576>}, {transform_indices = @transform_2, window_bounds = array<i64: 512, 768>}, {transform_indices = @transform_3, window_bounds = array<i64: 512, 768>}]} {
    %get3A = arith.constant 0 : index
    %get3A_0 = arith.constant 0 : index
    %get3A_1 = vector.load %arg1[%get3A, %get3A_0] : memref<512x768xf32, #tpu.memory_space<vmem>>, vector<512x192xf32>
    %get3A_2 = arith.constant 0 : index
    %get3A_3 = arith.constant 0 : index
    %get3A_4 = arith.constant 0 : index
    %get3A_5 = vector.load %arg2[%get3A_2, %get3A_3, %get3A_4] : memref<4x192x576xf32, #tpu.memory_space<vmem>>, vector<1x192x576xf32>
    %get3A_6 = vector.shape_cast %get3A_5 : vector<1x192x576xf32> to vector<192x576xf32>
    %dot_general3A = arith.constant dense<0.000000e+00> : vector<512x576xf32>
    %dot_general3A_7 = tpu.matmul %get3A_1, %get3A_6, %dot_general3A {dimension_numbers = #tpu.dot_dimension_numbers<[1], [0], [0], [1], [0, 0, 1, 1], [], []>, transpose_lhs_hint = false} : vector<512x192xf32>, vector<192x576xf32>, vector<512x576xf32> -> vector<512x576xf32>
    %get3A_8 = arith.constant 0 : index
    %get3A_9 = arith.constant 192 : index
    %get3A_10 = vector.load %arg1[%get3A_8, %get3A_9] : memref<512x768xf32, #tpu.memory_space<vmem>>, vector<512x192xf32>
    %get3A_11 = arith.constant 1 : index
    %get3A_12 = arith.constant 0 : index
    %get3A_13 = arith.constant 0 : index
    %get3A_14 = vector.load %arg2[%get3A_11, %get3A_12, %get3A_13] : memref<4x192x576xf32, #tpu.memory_space<vmem>>, vector<1x192x576xf32>
    %get3A_15 = vector.shape_cast %get3A_14 : vector<1x192x576xf32> to vector<192x576xf32>
    %dot_general3A_16 = arith.constant dense<0.000000e+00> : vector<512x576xf32>
    %dot_general3A_17 = tpu.matmul %get3A_10, %get3A_15, %dot_general3A_16 {dimension_numbers = #tpu.dot_dimension_numbers<[1], [0], [0], [1], [0, 0, 1, 1], [], []>, transpose_lhs_hint = false} : vector<512x192xf32>, vector<192x576xf32>, vector<512x576xf32> -> vector<512x576xf32>
    %get3A_18 = arith.constant 0 : index
    %get3A_19 = arith.constant 384 : index
    %get3A_20 = vector.load %arg1[%get3A_18, %get3A_19] : memref<512x768xf32, #tpu.memory_space<vmem>>, vector<512x192xf32>
    %get3A_21 = arith.constant 2 : index
    %get3A_22 = arith.constant 0 : index
    %get3A_23 = arith.constant 0 : index
    %get3A_24 = vector.load %arg2[%get3A_21, %get3A_22, %get3A_23] : memref<4x192x576xf32, #tpu.memory_space<vmem>>, vector<1x192x576xf32>
    %get3A_25 = vector.shape_cast %get3A_24 : vector<1x192x576xf32> to vector<192x576xf32>
    %dot_general3A_26 = arith.constant dense<0.000000e+00> : vector<512x576xf32>
    %dot_general3A_27 = tpu.matmul %get3A_20, %get3A_25, %dot_general3A_26 {dimension_numbers = #tpu.dot_dimension_numbers<[1], [0], [0], [1], [0, 0, 1, 1], [], []>, transpose_lhs_hint = false} : vector<512x192xf32>, vector<192x576xf32>, vector<512x576xf32> -> vector<512x576xf32>
    %get3A_28 = arith.constant 0 : index
    %get3A_29 = arith.constant 576 : index
    %get3A_30 = vector.load %arg1[%get3A_28, %get3A_29] : memref<512x768xf32, #tpu.memory_space<vmem>>, vector<512x192xf32>
    %get3A_31 = arith.constant 3 : index
    %get3A_32 = arith.constant 0 : index
    %get3A_33 = arith.constant 0 : index
    %get3A_34 = vector.load %arg2[%get3A_31, %get3A_32, %get3A_33] : memref<4x192x576xf32, #tpu.memory_space<vmem>>, vector<1x192x576xf32>
    %get3A_35 = vector.shape_cast %get3A_34 : vector<1x192x576xf32> to vector<192x576xf32>
    %dot_general3A_36 = arith.constant dense<0.000000e+00> : vector<512x576xf32>
    %dot_general3A_37 = tpu.matmul %get3A_30, %get3A_35, %dot_general3A_36 {dimension_numbers = #tpu.dot_dimension_numbers<[1], [0], [0], [1], [0, 0, 1, 1], [], []>, transpose_lhs_hint = false} : vector<512x192xf32>, vector<192x576xf32>, vector<512x576xf32> -> vector<512x576xf32>
    %swap3A = arith.constant 0 : index
    %swap3A_38 = arith.constant 0 : index
    %swap3A_39 = vector.load %arg3[%swap3A, %swap3A_38] : memref<512x768xf32, #tpu.memory_space<vmem>>, vector<512x576xf32>
    tpu.vector_store %arg3[%swap3A, %swap3A_38], %dot_general3A_7 {strides = array<i32>} : memref<512x768xf32, #tpu.memory_space<vmem>>, vector<512x576xf32>,
    %slice3A = vector.extract_strided_slice %dot_general3A_17 {offsets = [0, 0], sizes = [512, 192], strides = [1, 1]} : vector<512x576xf32> to vector<512x192xf32>
    %swap3A_40 = arith.constant 0 : index
    %swap3A_41 = arith.constant 576 : index
    %swap3A_42 = vector.load %arg3[%swap3A_40, %swap3A_41] : memref<512x768xf32, #tpu.memory_space<vmem>>, vector<512x192xf32>
    tpu.vector_store %arg3[%swap3A_40, %swap3A_41], %slice3A {strides = array<i32>} : memref<512x768xf32, #tpu.memory_space<vmem>>, vector<512x192xf32>,
    %slice3A_43 = vector.extract_strided_slice %dot_general3A_17 {offsets = [0, 192], sizes = [512, 384], strides = [1, 1]} : vector<512x576xf32> to vector<512x384xf32>
    %slice3A_44 = vector.extract_strided_slice %dot_general3A_27 {offsets = [0, 0], sizes = [512, 384], strides = [1, 1]} : vector<512x576xf32> to vector<512x384xf32>
    %bitcast_convert_type3A = tpu.bitcast %slice3A_43 : vector<512x384xf32> -> vector<512x384xi32>
    %bitcast_convert_type3A_45 = tpu.bitcast %slice3A_44 : vector<512x384xf32> -> vector<512x384xi32>
    %add3A = arith.constant 32767 : i32
    %add3A_46 = vector.broadcast %add3A : i32 to vector<512x384xi32>
    %add3A_47 = arith.addi %bitcast_convert_type3A, %add3A_46 : vector<512x384xi32>
    %shift_right_arithmetic3A = arith.constant 16 : i32
    %shift_right_arithmetic3A_48 = vector.broadcast %shift_right_arithmetic3A : i32 to vector<512x384xi32>
    %shift_right_arithmetic3A_49 = arith.shrsi %bitcast_convert_type3A, %shift_right_arithmetic3A_48 : vector<512x384xi32>
    %and3A = arith.constant 1 : i32
    %and3A_50 = vector.broadcast %and3A : i32 to vector<512x384xi32>
    %and3A_51 = arith.andi %shift_right_arithmetic3A_49, %and3A_50 : vector<512x384xi32>
    %add3A_52 = arith.addi %add3A_47, %and3A_51 : vector<512x384xi32>
    %shift_right_arithmetic3A_53 = arith.constant 16 : i32
    %shift_right_arithmetic3A_54 = vector.broadcast %shift_right_arithmetic3A_53 : i32 to vector<512x384xi32>
    %shift_right_arithmetic3A_55 = arith.shrsi %add3A_52, %shift_right_arithmetic3A_54 : vector<512x384xi32>
    %add3A_56 = arith.constant 32767 : i32
    %add3A_57 = vector.broadcast %add3A_56 : i32 to vector<512x384xi32>
    %add3A_58 = arith.addi %bitcast_convert_type3A_45, %add3A_57 : vector<512x384xi32>
    %shift_right_arithmetic3A_59 = arith.constant 16 : i32
    %shift_right_arithmetic3A_60 = vector.broadcast %shift_right_arithmetic3A_59 : i32 to vector<512x384xi32>
    %shift_right_arithmetic3A_61 = arith.shrsi %bitcast_convert_type3A_45, %shift_right_arithmetic3A_60 : vector<512x384xi32>
    %and3A_62 = arith.constant 1 : i32
    %and3A_63 = vector.broadcast %and3A_62 : i32 to vector<512x384xi32>
    %and3A_64 = arith.andi %shift_right_arithmetic3A_61, %and3A_63 : vector<512x384xi32>
    %add3A_65 = arith.addi %add3A_58, %and3A_64 : vector<512x384xi32>
    %shift_right_arithmetic3A_66 = arith.constant 16 : i32
    %shift_right_arithmetic3A_67 = vector.broadcast %shift_right_arithmetic3A_66 : i32 to vector<512x384xi32>
    %shift_right_arithmetic3A_68 = arith.shrsi %add3A_65, %shift_right_arithmetic3A_67 : vector<512x384xi32>
    %and3A_69 = arith.constant 65535 : i32
    %and3A_70 = vector.broadcast %and3A_69 : i32 to vector<512x384xi32>
    %and3A_71 = arith.andi %shift_right_arithmetic3A_55, %and3A_70 : vector<512x384xi32>
    %shift_left3A = arith.constant 16 : i32
    %shift_left3A_72 = vector.broadcast %shift_left3A : i32 to vector<512x384xi32>
    %shift_left3A_73 = arith.shli %shift_right_arithmetic3A_68, %shift_left3A_72 : vector<512x384xi32>
    %or3A = arith.ori %and3A_71, %shift_left3A_73 : vector<512x384xi32>
    %swap3A_74 = arith.constant 0 : index
    %swap3A_75 = arith.constant 0 : index
    %swap3A_76 = vector.load %arg4[%swap3A_74, %swap3A_75] : memref<512x768xi32, #tpu.memory_space<vmem>>, vector<512x384xi32>
    tpu.vector_store %arg4[%swap3A_74, %swap3A_75], %or3A {strides = array<i32>} : memref<512x768xi32, #tpu.memory_space<vmem>>, vector<512x384xi32>,
    %slice3A_77 = vector.extract_strided_slice %dot_general3A_27 {offsets = [0, 384], sizes = [512, 192], strides = [1, 1]} : vector<512x576xf32> to vector<512x192xf32>
    %slice3A_78 = vector.extract_strided_slice %dot_general3A_37 {offsets = [0, 0], sizes = [512, 192], strides = [1, 1]} : vector<512x576xf32> to vector<512x192xf32>
    %concatenate3A = tpu.concatenate %slice3A_77, %slice3A_78 in 1 : vector<512x192xf32>, vector<512x192xf32> -> vector<512x384xf32>
    %slice3A_79 = vector.extract_strided_slice %dot_general3A_37 {offsets = [0, 192], sizes = [512, 384], strides = [1, 1]} : vector<512x576xf32> to vector<512x384xf32>
    %bitcast_convert_type3A_80 = tpu.bitcast %concatenate3A : vector<512x384xf32> -> vector<512x384xi32>
    %bitcast_convert_type3A_81 = tpu.bitcast %slice3A_79 : vector<512x384xf32> -> vector<512x384xi32>
    %add3A_82 = arith.constant 32767 : i32
    %add3A_83 = vector.broadcast %add3A_82 : i32 to vector<512x384xi32>
    %add3A_84 = arith.addi %bitcast_convert_type3A_80, %add3A_83 : vector<512x384xi32>
    %shift_right_arithmetic3A_85 = arith.constant 16 : i32
    %shift_right_arithmetic3A_86 = vector.broadcast %shift_right_arithmetic3A_85 : i32 to vector<512x384xi32>
    %shift_right_arithmetic3A_87 = arith.shrsi %bitcast_convert_type3A_80, %shift_right_arithmetic3A_86 : vector<512x384xi32>
    %and3A_88 = arith.constant 1 : i32
    %and3A_89 = vector.broadcast %and3A_88 : i32 to vector<512x384xi32>
    %and3A_90 = arith.andi %shift_right_arithmetic3A_87, %and3A_89 : vector<512x384xi32>
    %add3A_91 = arith.addi %add3A_84, %and3A_90 : vector<512x384xi32>
    %shift_right_arithmetic3A_92 = arith.constant 16 : i32
    %shift_right_arithmetic3A_93 = vector.broadcast %shift_right_arithmetic3A_92 : i32 to vector<512x384xi32>
    %shift_right_arithmetic3A_94 = arith.shrsi %add3A_91, %shift_right_arithmetic3A_93 : vector<512x384xi32>
    %add3A_95 = arith.constant 32767 : i32
    %add3A_96 = vector.broadcast %add3A_95 : i32 to vector<512x384xi32>
    %add3A_97 = arith.addi %bitcast_convert_type3A_81, %add3A_96 : vector<512x384xi32>
    %shift_right_arithmetic3A_98 = arith.constant 16 : i32
    %shift_right_arithmetic3A_99 = vector.broadcast %shift_right_arithmetic3A_98 : i32 to vector<512x384xi32>
    %shift_right_arithmetic3A_100 = arith.shrsi %bitcast_convert_type3A_81, %shift_right_arithmetic3A_99 : vector<512x384xi32>
    %and3A_101 = arith.constant 1 : i32
    %and3A_102 = vector.broadcast %and3A_101 : i32 to vector<512x384xi32>
    %and3A_103 = arith.andi %shift_right_arithmetic3A_100, %and3A_102 : vector<512x384xi32>
    %add3A_104 = arith.addi %add3A_97, %and3A_103 : vector<512x384xi32>
    %shift_right_arithmetic3A_105 = arith.constant 16 : i32
    %shift_right_arithmetic3A_106 = vector.broadcast %shift_right_arithmetic3A_105 : i32 to vector<512x384xi32>
    %shift_right_arithmetic3A_107 = arith.shrsi %add3A_104, %shift_right_arithmetic3A_106 : vector<512x384xi32>
    %and3A_108 = arith.constant 65535 : i32
    %and3A_109 = vector.broadcast %and3A_108 : i32 to vector<512x384xi32>
    %and3A_110 = arith.andi %shift_right_arithmetic3A_94, %and3A_109 : vector<512x384xi32>
    %shift_left3A_111 = arith.constant 16 : i32
    %shift_left3A_112 = vector.broadcast %shift_left3A_111 : i32 to vector<512x384xi32>
    %shift_left3A_113 = arith.shli %shift_right_arithmetic3A_107, %shift_left3A_112 : vector<512x384xi32>
    %or3A_114 = arith.ori %and3A_110, %shift_left3A_113 : vector<512x384xi32>
    %swap3A_115 = arith.constant 0 : index
    %swap3A_116 = arith.constant 384 : index
    %swap3A_117 = vector.load %arg4[%swap3A_115, %swap3A_116] : memref<512x768xi32, #tpu.memory_space<vmem>>, vector<512x384xi32>
    tpu.vector_store %arg4[%swap3A_115, %swap3A_116], %or3A_114 {strides = array<i32>} : memref<512x768xi32, #tpu.memory_space<vmem>>, vector<512x384xi32>,
    return
  }
  func.func @transform_0(%arg0: i32) -> (i32, i32) {
    %c0_i32 = arith.constant 0 : i32
    %c0_i32_0 = arith.constant 0 : i32
    return %arg0, %c0_i32 : i32, i32
  }
  func.func @transform_1(%arg0: i32) -> (i32, i32, i32) {
    %c0_i32 = arith.constant 0 : i32
    %c0_i32_0 = arith.constant 0 : i32
    %c0_i32_1 = arith.constant 0 : i32
    return %arg0, %c0_i32, %c0_i32_0 : i32, i32, i32
  }
  func.func @transform_2(%arg0: i32) -> (i32, i32) {
    %c0_i32 = arith.constant 0 : i32
    %c0_i32_0 = arith.constant 0 : i32
    return %arg0, %c0_i32 : i32, i32
  }
  func.func @transform_3(%arg0: i32) -> (i32, i32) {
    %c0_i32 = arith.constant 0 : i32
    %c0_i32_0 = arith.constant 0 : i32
    return %arg0, %c0_i32 : i32, i32
  }
}

module attributes {stable_mosaic.version = 14 : i64} {
  func.func @body(%arg0: i32, %arg1: memref<256x768xf32, #tpu.memory_space<vmem>>, %arg2: memref<256x384xi32, #tpu.memory_space<vmem>>, %arg3: memref<256x384xi32, #tpu.memory_space<vmem>>, %arg4: memref<3x2304x192xf32, #tpu.memory_space<vmem>>, %arg5: memref<256x384xi32, #tpu.memory_space<vmem>>, %arg6: memref<1x768xf32, #tpu.memory_space<vmem>>, %arg7: memref<2x768xf32, #tpu.memory_space<vmem>>) attributes {dimension_semantics = [#tpu.dimension_semantics<arbitrary>], iteration_bounds = array<i64: 16>, scalar_prefetch = 0 : i64, scratch_operands = 2 : i64, tpu.core_type = #tpu.core_type<tc>, window_params = [{transform_indices = @transform_0, window_bounds = array<i64: 256, 768>}, {transform_indices = @transform_1, window_bounds = array<i64: 256, 384>}, {transform_indices = @transform_2, window_bounds = array<i64: 256, 384>}, {pipeline_mode = #tpu.pipeline_mode<synchronous>, transform_indices = @transform_3, window_bounds = array<i64: 3, 2304, 192>}, {transform_indices = @transform_4, window_bounds = array<i64: 256, 384>}]} {
    %jit3A = arith.constant 8 : i32
    %eq3A = arith.constant 0 : i32
    %eq3A_0 = arith.cmpi eq, %jit3A, %eq3A : i32
    %jit3A_1 = arith.constant 1 : i32
    %select_n3A = arith.select %eq3A_0, %jit3A_1, %jit3A : i32
    %rem3A = arith.remsi %arg0, %select_n3A : i32
    %ne3A = arith.constant 0 : i32
    %ne3A_2 = arith.cmpi ne, %rem3A, %ne3A : i32
    %lt3A = arith.constant 0 : i32
    %lt3A_3 = arith.cmpi slt, %rem3A, %lt3A : i32
    %lt3A_4 = arith.constant 0 : i32
    %lt3A_5 = arith.cmpi slt, %select_n3A, %lt3A_4 : i32
    %ne3A_6 = arith.xori %lt3A_3, %lt3A_5 : i1
    %and3A = arith.andi %ne3A_6, %ne3A_2 : i1
    %add3A = arith.addi %rem3A, %select_n3A : i32
    %select_n3A_7 = arith.select %and3A, %add3A, %rem3A : i32
    %eq3A_8 = arith.constant 0 : i32
    %eq3A_9 = arith.cmpi eq, %select_n3A_7, %eq3A_8 : i32
    %convert_element_type3A = arith.extui %eq3A_9 : i1 to i32
    %cond3A = arith.constant 0 : i32
    %cond3A_10 = arith.cmpi ne, %convert_element_type3A, %cond3A : i32
    scf.if %cond3A_10 {
      %broadcast_in_dim3A_271 = arith.constant 0.000000e+00 : f32
      %broadcast_in_dim3A_272 = vector.broadcast %broadcast_in_dim3A_271 : f32 to vector<1x768xf32>
      %swap3A_273 = arith.constant 0 : index
      %swap3A_274 = arith.constant 0 : index
      %swap3A_275 = vector.load %arg6[%swap3A_273, %swap3A_274] : memref<1x768xf32, #tpu.memory_space<vmem>>, vector<1x768xf32>
      tpu.vector_store %arg6[%swap3A_273, %swap3A_274], %broadcast_in_dim3A_272 {strides = array<i32>} : memref<1x768xf32, #tpu.memory_space<vmem>>, vector<1x768xf32>,
      %broadcast_in_dim3A_276 = arith.constant 0.000000e+00 : f32
      %broadcast_in_dim3A_277 = vector.broadcast %broadcast_in_dim3A_276 : f32 to vector<2x768xf32>
      %swap3A_278 = arith.constant 0 : index
      %swap3A_279 = arith.constant 0 : index
      %swap3A_280 = vector.load %arg7[%swap3A_278, %swap3A_279] : memref<2x768xf32, #tpu.memory_space<vmem>>, vector<2x768xf32>
      tpu.vector_store %arg7[%swap3A_278, %swap3A_279], %broadcast_in_dim3A_277 {strides = array<i32>} : memref<2x768xf32, #tpu.memory_space<vmem>>, vector<2x768xf32>,
    } else {
    }
    %iota3A = tpu.iota {dimensions = array<i32: 0>} : vector<256x256xi32>
    %iota3A_11 = tpu.iota {dimensions = array<i32: 1>} : vector<256x256xi32>
    %ge3A = arith.cmpi sge, %iota3A, %iota3A_11 : vector<256x256xi32>
    %convert_element_type3A_12 = arith.extui %ge3A : vector<256x256xi1> to vector<256x256xi32>
    %convert_element_type3A_13 = arith.sitofp %convert_element_type3A_12 : vector<256x256xi32> to vector<256x256xf32>
    %get3A = arith.constant 0 : index
    %get3A_14 = arith.constant 0 : index
    %get3A_15 = vector.load %arg1[%get3A, %get3A_14] : memref<256x768xf32, #tpu.memory_space<vmem>>, vector<256x768xf32>
    %dot_general3A = arith.constant dense<0.000000e+00> : vector<256x768xf32>
    %dot_general3A_16 = tpu.matmul %convert_element_type3A_13, %get3A_15, %dot_general3A {dimension_numbers = #tpu.dot_dimension_numbers<[1], [0], [0], [1], [0, 0, 1, 1], [], []>, transpose_lhs_hint = false} : vector<256x256xf32>, vector<256x768xf32>, vector<256x768xf32> -> vector<256x768xf32>
    %get3A_17 = arith.constant 0 : index
    %get3A_18 = arith.constant 0 : index
    %get3A_19 = vector.load %arg6[%get3A_17, %get3A_18] : memref<1x768xf32, #tpu.memory_space<vmem>>, vector<1x768xf32>
    %add3A_20 = vector.broadcast %get3A_19 : vector<1x768xf32> to vector<256x768xf32>
    %add3A_21 = arith.addf %dot_general3A_16, %add3A_20 : vector<256x768xf32>
    %slice3A = vector.extract_strided_slice %add3A_21 {offsets = [255, 0], sizes = [1, 768], strides = [1, 1]} : vector<256x768xf32> to vector<1x768xf32>
    %swap3A = arith.constant 0 : index
    %swap3A_22 = arith.constant 0 : index
    %swap3A_23 = vector.load %arg6[%swap3A, %swap3A_22] : memref<1x768xf32, #tpu.memory_space<vmem>>, vector<1x768xf32>
    tpu.vector_store %arg6[%swap3A, %swap3A_22], %slice3A {strides = array<i32>} : memref<1x768xf32, #tpu.memory_space<vmem>>, vector<1x768xf32>,
    %jit3A_24 = arith.constant 8 : i32
    %eq3A_25 = arith.constant 0 : i32
    %eq3A_26 = arith.cmpi eq, %jit3A_24, %eq3A_25 : i32
    %jit3A_27 = arith.constant 1 : i32
    %select_n3A_28 = arith.select %eq3A_26, %jit3A_27, %jit3A_24 : i32
    %rem3A_29 = arith.remsi %arg0, %select_n3A_28 : i32
    %ne3A_30 = arith.constant 0 : i32
    %ne3A_31 = arith.cmpi ne, %rem3A_29, %ne3A_30 : i32
    %lt3A_32 = arith.constant 0 : i32
    %lt3A_33 = arith.cmpi slt, %rem3A_29, %lt3A_32 : i32
    %lt3A_34 = arith.constant 0 : i32
    %lt3A_35 = arith.cmpi slt, %select_n3A_28, %lt3A_34 : i32
    %ne3A_36 = arith.xori %lt3A_33, %lt3A_35 : i1
    %and3A_37 = arith.andi %ne3A_36, %ne3A_31 : i1
    %add3A_38 = arith.addi %rem3A_29, %select_n3A_28 : i32
    %select_n3A_39 = arith.select %and3A_37, %add3A_38, %rem3A_29 : i32
    %mul3A = arith.constant 256 : i32
    %mul3A_40 = arith.muli %select_n3A_39, %mul3A : i32
    %iota3A_41 = tpu.iota {dimensions = array<i32: 0>} : vector<256x1xi32>
    %add3A_42 = vector.broadcast %mul3A_40 : i32 to vector<256x1xi32>
    %add3A_43 = arith.addi %add3A_42, %iota3A_41 : vector<256x1xi32>
    %add3A_44 = arith.constant 1 : i32
    %add3A_45 = vector.broadcast %add3A_44 : i32 to vector<256x1xi32>
    %add3A_46 = arith.addi %add3A_43, %add3A_45 : vector<256x1xi32>
    %convert_element_type3A_47 = arith.sitofp %add3A_46 : vector<256x1xi32> to vector<256x1xf32>
    %div3A = vector.broadcast %convert_element_type3A_47 : vector<256x1xf32> to vector<256x768xf32>
    %div3A_48 = arith.divf %add3A_21, %div3A : vector<256x768xf32>
    %get3A_49 = arith.constant 0 : index
    %get3A_50 = arith.constant 0 : index
    %get3A_51 = vector.load %arg2[%get3A_49, %get3A_50] : memref<256x384xi32, #tpu.memory_space<vmem>>, vector<256x384xi32>
    %shift_left3A = arith.constant 16 : i32
    %shift_left3A_52 = vector.broadcast %shift_left3A : i32 to vector<256x384xi32>
    %shift_left3A_53 = arith.shli %get3A_51, %shift_left3A_52 : vector<256x384xi32>
    %bitcast_convert_type3A = tpu.bitcast %shift_left3A_53 : vector<256x384xi32> -> vector<256x384xf32>
    %and3A_54 = arith.constant -65536 : i32
    %and3A_55 = vector.broadcast %and3A_54 : i32 to vector<256x384xi32>
    %and3A_56 = arith.andi %get3A_51, %and3A_55 : vector<256x384xi32>
    %bitcast_convert_type3A_57 = tpu.bitcast %and3A_56 : vector<256x384xi32> -> vector<256x384xf32>
    %concatenate3A = tpu.concatenate %bitcast_convert_type3A, %bitcast_convert_type3A_57 in 1 : vector<256x384xf32>, vector<256x384xf32> -> vector<256x768xf32>
    %get3A_58 = arith.constant 0 : index
    %get3A_59 = arith.constant 0 : index
    %get3A_60 = vector.load %arg3[%get3A_58, %get3A_59] : memref<256x384xi32, #tpu.memory_space<vmem>>, vector<256x384xi32>
    %shift_left3A_61 = arith.constant 16 : i32
    %shift_left3A_62 = vector.broadcast %shift_left3A_61 : i32 to vector<256x384xi32>
    %shift_left3A_63 = arith.shli %get3A_60, %shift_left3A_62 : vector<256x384xi32>
    %bitcast_convert_type3A_64 = tpu.bitcast %shift_left3A_63 : vector<256x384xi32> -> vector<256x384xf32>
    %and3A_65 = arith.constant -65536 : i32
    %and3A_66 = vector.broadcast %and3A_65 : i32 to vector<256x384xi32>
    %and3A_67 = arith.andi %get3A_60, %and3A_66 : vector<256x384xi32>
    %bitcast_convert_type3A_68 = tpu.bitcast %and3A_67 : vector<256x384xi32> -> vector<256x384xf32>
    %concatenate3A_69 = tpu.concatenate %bitcast_convert_type3A_64, %bitcast_convert_type3A_68 in 1 : vector<256x384xf32>, vector<256x384xf32> -> vector<256x768xf32>
    %max3A = arith.constant 0.000000e+00 : f32
    %max3A_70 = vector.broadcast %max3A : f32 to vector<256x768xf32>
    %max3A_71 = arith.maximumf %div3A_48, %max3A_70 : vector<256x768xf32>
    %mul3A_72 = arith.mulf %max3A_71, %max3A_71 : vector<256x768xf32>
    %mul3A_73 = arith.mulf %mul3A_72, %max3A_71 : vector<256x768xf32>
    %mul3A_74 = arith.mulf %mul3A_73, %concatenate3A : vector<256x768xf32>
    %add3A_75 = arith.addf %mul3A_74, %concatenate3A_69 : vector<256x768xf32>
    %reduce_sum3A = arith.constant dense<0.000000e+00> : vector<256xf32>
    %reduce_sum3A_76 = vector.multi_reduction <add>, %add3A_75, %reduce_sum3A [1] : vector<256x768xf32> to vector<256xf32>
    %broadcast_in_dim3A = vector.shape_cast %reduce_sum3A_76 : vector<256xf32> to vector<256x1xf32>
    %div3A_77 = arith.constant 7.680000e+02 : f32
    %div3A_78 = vector.broadcast %div3A_77 : f32 to vector<256x1xf32>
    %div3A_79 = arith.divf %broadcast_in_dim3A, %div3A_78 : vector<256x1xf32>
    %sub3A = vector.broadcast %div3A_79 : vector<256x1xf32> to vector<256x768xf32>
    %sub3A_80 = arith.subf %add3A_75, %sub3A : vector<256x768xf32>
    %mul3A_81 = arith.mulf %sub3A_80, %sub3A_80 : vector<256x768xf32>
    %reduce_sum3A_82 = arith.constant dense<0.000000e+00> : vector<256xf32>
    %reduce_sum3A_83 = vector.multi_reduction <add>, %mul3A_81, %reduce_sum3A_82 [1] : vector<256x768xf32> to vector<256xf32>
    %broadcast_in_dim3A_84 = vector.shape_cast %reduce_sum3A_83 : vector<256xf32> to vector<256x1xf32>
    %mul3A_85 = arith.constant 0.00130208337 : f32
    %mul3A_86 = vector.broadcast %mul3A_85 : f32 to vector<256x1xf32>
    %mul3A_87 = arith.mulf %broadcast_in_dim3A_84, %mul3A_86 : vector<256x1xf32>
    %rsqrt3A = math.rsqrt %mul3A_87 : vector<256x1xf32>
    %mul3A_88 = vector.broadcast %rsqrt3A : vector<256x1xf32> to vector<256x768xf32>
    %mul3A_89 = arith.mulf %sub3A_80, %mul3A_88 : vector<256x768xf32>
    %get3A_90 = arith.constant 0 : index
    %get3A_91 = arith.constant 0 : index
    %get3A_92 = vector.load %arg7[%get3A_90, %get3A_91] : memref<2x768xf32, #tpu.memory_space<vmem>>, vector<2x768xf32>
    %concatenate3A_93 = tpu.concatenate %get3A_92, %mul3A_89 in 0 : vector<2x768xf32>, vector<256x768xf32> -> vector<258x768xf32>
    %slice3A_94 = vector.extract_strided_slice %mul3A_89 {offsets = [254, 0], sizes = [2, 768], strides = [1, 1]} : vector<256x768xf32> to vector<2x768xf32>
    %swap3A_95 = arith.constant 0 : index
    %swap3A_96 = arith.constant 0 : index
    %swap3A_97 = vector.load %arg7[%swap3A_95, %swap3A_96] : memref<2x768xf32, #tpu.memory_space<vmem>>, vector<2x768xf32>
    tpu.vector_store %arg7[%swap3A_95, %swap3A_96], %slice3A_94 {strides = array<i32>} : memref<2x768xf32, #tpu.memory_space<vmem>>, vector<2x768xf32>,
    %slice3A_98 = vector.extract_strided_slice %concatenate3A_93 {offsets = [0, 0], sizes = [256, 768], strides = [1, 1]} : vector<258x768xf32> to vector<256x768xf32>
    %slice3A_99 = vector.extract_strided_slice %concatenate3A_93 {offsets = [1, 0], sizes = [256, 768], strides = [1, 1]} : vector<258x768xf32> to vector<256x768xf32>
    %slice3A_100 = vector.extract_strided_slice %slice3A_98 {offsets = [0, 0], sizes = [256, 192], strides = [1, 1]} : vector<256x768xf32> to vector<256x192xf32>
    %get3A_101 = arith.constant 0 : index
    %get3A_102 = arith.constant 0 : index
    %get3A_103 = arith.constant 0 : index
    %get3A_104 = vector.load %arg4[%get3A_101, %get3A_102, %get3A_103] : memref<3x2304x192xf32, #tpu.memory_space<vmem>>, vector<1x576x192xf32>
    %get3A_105 = vector.shape_cast %get3A_104 : vector<1x576x192xf32> to vector<576x192xf32>
    %dot_general3A_106 = arith.constant dense<0.000000e+00> : vector<256x576xf32>
    %dot_general3A_107 = tpu.matmul %slice3A_100, %get3A_105, %dot_general3A_106 {dimension_numbers = #tpu.dot_dimension_numbers<[1], [1], [0], [0], [0, 0, 1, 0], [], []>, transpose_lhs_hint = false} : vector<256x192xf32>, vector<576x192xf32>, vector<256x576xf32> -> vector<256x576xf32>
    %slice3A_108 = vector.extract_strided_slice %slice3A_99 {offsets = [0, 0], sizes = [256, 192], strides = [1, 1]} : vector<256x768xf32> to vector<256x192xf32>
    %get3A_109 = arith.constant 1 : index
    %get3A_110 = arith.constant 0 : index
    %get3A_111 = arith.constant 0 : index
    %get3A_112 = vector.load %arg4[%get3A_109, %get3A_110, %get3A_111] : memref<3x2304x192xf32, #tpu.memory_space<vmem>>, vector<1x576x192xf32>
    %get3A_113 = vector.shape_cast %get3A_112 : vector<1x576x192xf32> to vector<576x192xf32>
    %dot_general3A_114 = arith.constant dense<0.000000e+00> : vector<256x576xf32>
    %dot_general3A_115 = tpu.matmul %slice3A_108, %get3A_113, %dot_general3A_114 {dimension_numbers = #tpu.dot_dimension_numbers<[1], [1], [0], [0], [0, 0, 1, 0], [], []>, transpose_lhs_hint = false} : vector<256x192xf32>, vector<576x192xf32>, vector<256x576xf32> -> vector<256x576xf32>
    %add3A_116 = arith.addf %dot_general3A_107, %dot_general3A_115 : vector<256x576xf32>
    %slice3A_117 = vector.extract_strided_slice %mul3A_89 {offsets = [0, 0], sizes = [256, 192], strides = [1, 1]} : vector<256x768xf32> to vector<256x192xf32>
    %get3A_118 = arith.constant 2 : index
    %get3A_119 = arith.constant 0 : index
    %get3A_120 = arith.constant 0 : index
    %get3A_121 = vector.load %arg4[%get3A_118, %get3A_119, %get3A_120] : memref<3x2304x192xf32, #tpu.memory_space<vmem>>, vector<1x576x192xf32>
    %get3A_122 = vector.shape_cast %get3A_121 : vector<1x576x192xf32> to vector<576x192xf32>
    %dot_general3A_123 = arith.constant dense<0.000000e+00> : vector<256x576xf32>
    %dot_general3A_124 = tpu.matmul %slice3A_117, %get3A_122, %dot_general3A_123 {dimension_numbers = #tpu.dot_dimension_numbers<[1], [1], [0], [0], [0, 0, 1, 0], [], []>, transpose_lhs_hint = false} : vector<256x192xf32>, vector<576x192xf32>, vector<256x576xf32> -> vector<256x576xf32>
    %add3A_125 = arith.addf %add3A_116, %dot_general3A_124 : vector<256x576xf32>
    %slice3A_126 = vector.extract_strided_slice %slice3A_98 {offsets = [0, 192], sizes = [256, 192], strides = [1, 1]} : vector<256x768xf32> to vector<256x192xf32>
    %get3A_127 = arith.constant 0 : index
    %get3A_128 = arith.constant 576 : index
    %get3A_129 = arith.constant 0 : index
    %get3A_130 = vector.load %arg4[%get3A_127, %get3A_128, %get3A_129] : memref<3x2304x192xf32, #tpu.memory_space<vmem>>, vector<1x576x192xf32>
    %get3A_131 = vector.shape_cast %get3A_130 : vector<1x576x192xf32> to vector<576x192xf32>
    %dot_general3A_132 = arith.constant dense<0.000000e+00> : vector<256x576xf32>
    %dot_general3A_133 = tpu.matmul %slice3A_126, %get3A_131, %dot_general3A_132 {dimension_numbers = #tpu.dot_dimension_numbers<[1], [1], [0], [0], [0, 0, 1, 0], [], []>, transpose_lhs_hint = false} : vector<256x192xf32>, vector<576x192xf32>, vector<256x576xf32> -> vector<256x576xf32>
    %slice3A_134 = vector.extract_strided_slice %slice3A_99 {offsets = [0, 192], sizes = [256, 192], strides = [1, 1]} : vector<256x768xf32> to vector<256x192xf32>
    %get3A_135 = arith.constant 1 : index
    %get3A_136 = arith.constant 576 : index
    %get3A_137 = arith.constant 0 : index
    %get3A_138 = vector.load %arg4[%get3A_135, %get3A_136, %get3A_137] : memref<3x2304x192xf32, #tpu.memory_space<vmem>>, vector<1x576x192xf32>
    %get3A_139 = vector.shape_cast %get3A_138 : vector<1x576x192xf32> to vector<576x192xf32>
    %dot_general3A_140 = arith.constant dense<0.000000e+00> : vector<256x576xf32>
    %dot_general3A_141 = tpu.matmul %slice3A_134, %get3A_139, %dot_general3A_140 {dimension_numbers = #tpu.dot_dimension_numbers<[1], [1], [0], [0], [0, 0, 1, 0], [], []>, transpose_lhs_hint = false} : vector<256x192xf32>, vector<576x192xf32>, vector<256x576xf32> -> vector<256x576xf32>
    %add3A_142 = arith.addf %dot_general3A_133, %dot_general3A_141 : vector<256x576xf32>
    %slice3A_143 = vector.extract_strided_slice %mul3A_89 {offsets = [0, 192], sizes = [256, 192], strides = [1, 1]} : vector<256x768xf32> to vector<256x192xf32>
    %get3A_144 = arith.constant 2 : index
    %get3A_145 = arith.constant 576 : index
    %get3A_146 = arith.constant 0 : index
    %get3A_147 = vector.load %arg4[%get3A_144, %get3A_145, %get3A_146] : memref<3x2304x192xf32, #tpu.memory_space<vmem>>, vector<1x576x192xf32>
    %get3A_148 = vector.shape_cast %get3A_147 : vector<1x576x192xf32> to vector<576x192xf32>
    %dot_general3A_149 = arith.constant dense<0.000000e+00> : vector<256x576xf32>
    %dot_general3A_150 = tpu.matmul %slice3A_143, %get3A_148, %dot_general3A_149 {dimension_numbers = #tpu.dot_dimension_numbers<[1], [1], [0], [0], [0, 0, 1, 0], [], []>, transpose_lhs_hint = false} : vector<256x192xf32>, vector<576x192xf32>, vector<256x576xf32> -> vector<256x576xf32>
    %add3A_151 = arith.addf %add3A_142, %dot_general3A_150 : vector<256x576xf32>
    %slice3A_152 = vector.extract_strided_slice %slice3A_98 {offsets = [0, 384], sizes = [256, 192], strides = [1, 1]} : vector<256x768xf32> to vector<256x192xf32>
    %get3A_153 = arith.constant 0 : index
    %get3A_154 = arith.constant 1152 : index
    %get3A_155 = arith.constant 0 : index
    %get3A_156 = vector.load %arg4[%get3A_153, %get3A_154, %get3A_155] : memref<3x2304x192xf32, #tpu.memory_space<vmem>>, vector<1x576x192xf32>
    %get3A_157 = vector.shape_cast %get3A_156 : vector<1x576x192xf32> to vector<576x192xf32>
    %dot_general3A_158 = arith.constant dense<0.000000e+00> : vector<256x576xf32>
    %dot_general3A_159 = tpu.matmul %slice3A_152, %get3A_157, %dot_general3A_158 {dimension_numbers = #tpu.dot_dimension_numbers<[1], [1], [0], [0], [0, 0, 1, 0], [], []>, transpose_lhs_hint = false} : vector<256x192xf32>, vector<576x192xf32>, vector<256x576xf32> -> vector<256x576xf32>
    %slice3A_160 = vector.extract_strided_slice %slice3A_99 {offsets = [0, 384], sizes = [256, 192], strides = [1, 1]} : vector<256x768xf32> to vector<256x192xf32>
    %get3A_161 = arith.constant 1 : index
    %get3A_162 = arith.constant 1152 : index
    %get3A_163 = arith.constant 0 : index
    %get3A_164 = vector.load %arg4[%get3A_161, %get3A_162, %get3A_163] : memref<3x2304x192xf32, #tpu.memory_space<vmem>>, vector<1x576x192xf32>
    %get3A_165 = vector.shape_cast %get3A_164 : vector<1x576x192xf32> to vector<576x192xf32>
    %dot_general3A_166 = arith.constant dense<0.000000e+00> : vector<256x576xf32>
    %dot_general3A_167 = tpu.matmul %slice3A_160, %get3A_165, %dot_general3A_166 {dimension_numbers = #tpu.dot_dimension_numbers<[1], [1], [0], [0], [0, 0, 1, 0], [], []>, transpose_lhs_hint = false} : vector<256x192xf32>, vector<576x192xf32>, vector<256x576xf32> -> vector<256x576xf32>
    %add3A_168 = arith.addf %dot_general3A_159, %dot_general3A_167 : vector<256x576xf32>
    %slice3A_169 = vector.extract_strided_slice %mul3A_89 {offsets = [0, 384], sizes = [256, 192], strides = [1, 1]} : vector<256x768xf32> to vector<256x192xf32>
    %get3A_170 = arith.constant 2 : index
    %get3A_171 = arith.constant 1152 : index
    %get3A_172 = arith.constant 0 : index
    %get3A_173 = vector.load %arg4[%get3A_170, %get3A_171, %get3A_172] : memref<3x2304x192xf32, #tpu.memory_space<vmem>>, vector<1x576x192xf32>
    %get3A_174 = vector.shape_cast %get3A_173 : vector<1x576x192xf32> to vector<576x192xf32>
    %dot_general3A_175 = arith.constant dense<0.000000e+00> : vector<256x576xf32>
    %dot_general3A_176 = tpu.matmul %slice3A_169, %get3A_174, %dot_general3A_175 {dimension_numbers = #tpu.dot_dimension_numbers<[1], [1], [0], [0], [0, 0, 1, 0], [], []>, transpose_lhs_hint = false} : vector<256x192xf32>, vector<576x192xf32>, vector<256x576xf32> -> vector<256x576xf32>
    %add3A_177 = arith.addf %add3A_168, %dot_general3A_176 : vector<256x576xf32>
    %slice3A_178 = vector.extract_strided_slice %slice3A_98 {offsets = [0, 576], sizes = [256, 192], strides = [1, 1]} : vector<256x768xf32> to vector<256x192xf32>
    %get3A_179 = arith.constant 0 : index
    %get3A_180 = arith.constant 1728 : index
    %get3A_181 = arith.constant 0 : index
    %get3A_182 = vector.load %arg4[%get3A_179, %get3A_180, %get3A_181] : memref<3x2304x192xf32, #tpu.memory_space<vmem>>, vector<1x576x192xf32>
    %get3A_183 = vector.shape_cast %get3A_182 : vector<1x576x192xf32> to vector<576x192xf32>
    %dot_general3A_184 = arith.constant dense<0.000000e+00> : vector<256x576xf32>
    %dot_general3A_185 = tpu.matmul %slice3A_178, %get3A_183, %dot_general3A_184 {dimension_numbers = #tpu.dot_dimension_numbers<[1], [1], [0], [0], [0, 0, 1, 0], [], []>, transpose_lhs_hint = false} : vector<256x192xf32>, vector<576x192xf32>, vector<256x576xf32> -> vector<256x576xf32>
    %slice3A_186 = vector.extract_strided_slice %slice3A_99 {offsets = [0, 576], sizes = [256, 192], strides = [1, 1]} : vector<256x768xf32> to vector<256x192xf32>
    %get3A_187 = arith.constant 1 : index
    %get3A_188 = arith.constant 1728 : index
    %get3A_189 = arith.constant 0 : index
    %get3A_190 = vector.load %arg4[%get3A_187, %get3A_188, %get3A_189] : memref<3x2304x192xf32, #tpu.memory_space<vmem>>, vector<1x576x192xf32>
    %get3A_191 = vector.shape_cast %get3A_190 : vector<1x576x192xf32> to vector<576x192xf32>
    %dot_general3A_192 = arith.constant dense<0.000000e+00> : vector<256x576xf32>
    %dot_general3A_193 = tpu.matmul %slice3A_186, %get3A_191, %dot_general3A_192 {dimension_numbers = #tpu.dot_dimension_numbers<[1], [1], [0], [0], [0, 0, 1, 0], [], []>, transpose_lhs_hint = false} : vector<256x192xf32>, vector<576x192xf32>, vector<256x576xf32> -> vector<256x576xf32>
    %add3A_194 = arith.addf %dot_general3A_185, %dot_general3A_193 : vector<256x576xf32>
    %slice3A_195 = vector.extract_strided_slice %mul3A_89 {offsets = [0, 576], sizes = [256, 192], strides = [1, 1]} : vector<256x768xf32> to vector<256x192xf32>
    %get3A_196 = arith.constant 2 : index
    %get3A_197 = arith.constant 1728 : index
    %get3A_198 = arith.constant 0 : index
    %get3A_199 = vector.load %arg4[%get3A_196, %get3A_197, %get3A_198] : memref<3x2304x192xf32, #tpu.memory_space<vmem>>, vector<1x576x192xf32>
    %get3A_200 = vector.shape_cast %get3A_199 : vector<1x576x192xf32> to vector<576x192xf32>
    %dot_general3A_201 = arith.constant dense<0.000000e+00> : vector<256x576xf32>
    %dot_general3A_202 = tpu.matmul %slice3A_195, %get3A_200, %dot_general3A_201 {dimension_numbers = #tpu.dot_dimension_numbers<[1], [1], [0], [0], [0, 0, 1, 0], [], []>, transpose_lhs_hint = false} : vector<256x192xf32>, vector<576x192xf32>, vector<256x576xf32> -> vector<256x576xf32>
    %add3A_203 = arith.addf %add3A_194, %dot_general3A_202 : vector<256x576xf32>
    %concatenate3A_204 = tpu.concatenate %add3A_125, %add3A_151, %add3A_177, %add3A_203 in 1 : vector<256x576xf32>, vector<256x576xf32>, vector<256x576xf32>, vector<256x576xf32> -> vector<256x2304xf32>
    %slice3A_205 = vector.extract_strided_slice %concatenate3A_204 {offsets = [0, 0], sizes = [256, 768], strides = [1, 1]} : vector<256x2304xf32> to vector<256x768xf32>
    %slice3A_206 = vector.extract_strided_slice %concatenate3A_204 {offsets = [0, 768], sizes = [256, 768], strides = [1, 1]} : vector<256x2304xf32> to vector<256x768xf32>
    %slice3A_207 = vector.extract_strided_slice %concatenate3A_204 {offsets = [0, 1536], sizes = [256, 768], strides = [1, 1]} : vector<256x2304xf32> to vector<256x768xf32>
    %max3A_208 = arith.constant 0.000000e+00 : f32
    %max3A_209 = vector.broadcast %max3A_208 : f32 to vector<256x768xf32>
    %max3A_210 = arith.maximumf %slice3A_205, %max3A_209 : vector<256x768xf32>
    %mul3A_211 = arith.mulf %max3A_210, %max3A_210 : vector<256x768xf32>
    %mul3A_212 = arith.mulf %mul3A_211, %max3A_210 : vector<256x768xf32>
    %mul3A_213 = arith.mulf %mul3A_212, %slice3A_206 : vector<256x768xf32>
    %add3A_214 = arith.addf %mul3A_213, %slice3A_207 : vector<256x768xf32>
    %reduce_sum3A_215 = arith.constant dense<0.000000e+00> : vector<256xf32>
    %reduce_sum3A_216 = vector.multi_reduction <add>, %add3A_214, %reduce_sum3A_215 [1] : vector<256x768xf32> to vector<256xf32>
    %broadcast_in_dim3A_217 = vector.shape_cast %reduce_sum3A_216 : vector<256xf32> to vector<256x1xf32>
    %div3A_218 = arith.constant 7.680000e+02 : f32
    %div3A_219 = vector.broadcast %div3A_218 : f32 to vector<256x1xf32>
    %div3A_220 = arith.divf %broadcast_in_dim3A_217, %div3A_219 : vector<256x1xf32>
    %sub3A_221 = vector.broadcast %div3A_220 : vector<256x1xf32> to vector<256x768xf32>
    %sub3A_222 = arith.subf %add3A_214, %sub3A_221 : vector<256x768xf32>
    %mul3A_223 = arith.mulf %sub3A_222, %sub3A_222 : vector<256x768xf32>
    %reduce_sum3A_224 = arith.constant dense<0.000000e+00> : vector<256xf32>
    %reduce_sum3A_225 = vector.multi_reduction <add>, %mul3A_223, %reduce_sum3A_224 [1] : vector<256x768xf32> to vector<256xf32>
    %broadcast_in_dim3A_226 = vector.shape_cast %reduce_sum3A_225 : vector<256xf32> to vector<256x1xf32>
    %mul3A_227 = arith.constant 0.00130208337 : f32
    %mul3A_228 = vector.broadcast %mul3A_227 : f32 to vector<256x1xf32>
    %mul3A_229 = arith.mulf %broadcast_in_dim3A_226, %mul3A_228 : vector<256x1xf32>
    %rsqrt3A_230 = math.rsqrt %mul3A_229 : vector<256x1xf32>
    %mul3A_231 = vector.broadcast %rsqrt3A_230 : vector<256x1xf32> to vector<256x768xf32>
    %mul3A_232 = arith.mulf %sub3A_222, %mul3A_231 : vector<256x768xf32>
    %slice3A_233 = vector.extract_strided_slice %mul3A_232 {offsets = [0, 0], sizes = [256, 384], strides = [1, 1]} : vector<256x768xf32> to vector<256x384xf32>
    %slice3A_234 = vector.extract_strided_slice %mul3A_232 {offsets = [0, 384], sizes = [256, 384], strides = [1, 1]} : vector<256x768xf32> to vector<256x384xf32>
    %bitcast_convert_type3A_235 = tpu.bitcast %slice3A_233 : vector<256x384xf32> -> vector<256x384xi32>
    %bitcast_convert_type3A_236 = tpu.bitcast %slice3A_234 : vector<256x384xf32> -> vector<256x384xi32>
    %add3A_237 = arith.constant 32767 : i32
    %add3A_238 = vector.broadcast %add3A_237 : i32 to vector<256x384xi32>
    %add3A_239 = arith.addi %bitcast_convert_type3A_235, %add3A_238 : vector<256x384xi32>
    %shift_right_arithmetic3A = arith.constant 16 : i32
    %shift_right_arithmetic3A_240 = vector.broadcast %shift_right_arithmetic3A : i32 to vector<256x384xi32>
    %shift_right_arithmetic3A_241 = arith.shrsi %bitcast_convert_type3A_235, %shift_right_arithmetic3A_240 : vector<256x384xi32>
    %and3A_242 = arith.constant 1 : i32
    %and3A_243 = vector.broadcast %and3A_242 : i32 to vector<256x384xi32>
    %and3A_244 = arith.andi %shift_right_arithmetic3A_241, %and3A_243 : vector<256x384xi32>
    %add3A_245 = arith.addi %add3A_239, %and3A_244 : vector<256x384xi32>
    %shift_right_arithmetic3A_246 = arith.constant 16 : i32
    %shift_right_arithmetic3A_247 = vector.broadcast %shift_right_arithmetic3A_246 : i32 to vector<256x384xi32>
    %shift_right_arithmetic3A_248 = arith.shrsi %add3A_245, %shift_right_arithmetic3A_247 : vector<256x384xi32>
    %add3A_249 = arith.constant 32767 : i32
    %add3A_250 = vector.broadcast %add3A_249 : i32 to vector<256x384xi32>
    %add3A_251 = arith.addi %bitcast_convert_type3A_236, %add3A_250 : vector<256x384xi32>
    %shift_right_arithmetic3A_252 = arith.constant 16 : i32
    %shift_right_arithmetic3A_253 = vector.broadcast %shift_right_arithmetic3A_252 : i32 to vector<256x384xi32>
    %shift_right_arithmetic3A_254 = arith.shrsi %bitcast_convert_type3A_236, %shift_right_arithmetic3A_253 : vector<256x384xi32>
    %and3A_255 = arith.constant 1 : i32
    %and3A_256 = vector.broadcast %and3A_255 : i32 to vector<256x384xi32>
    %and3A_257 = arith.andi %shift_right_arithmetic3A_254, %and3A_256 : vector<256x384xi32>
    %add3A_258 = arith.addi %add3A_251, %and3A_257 : vector<256x384xi32>
    %shift_right_arithmetic3A_259 = arith.constant 16 : i32
    %shift_right_arithmetic3A_260 = vector.broadcast %shift_right_arithmetic3A_259 : i32 to vector<256x384xi32>
    %shift_right_arithmetic3A_261 = arith.shrsi %add3A_258, %shift_right_arithmetic3A_260 : vector<256x384xi32>
    %and3A_262 = arith.constant 65535 : i32
    %and3A_263 = vector.broadcast %and3A_262 : i32 to vector<256x384xi32>
    %and3A_264 = arith.andi %shift_right_arithmetic3A_248, %and3A_263 : vector<256x384xi32>
    %shift_left3A_265 = arith.constant 16 : i32
    %shift_left3A_266 = vector.broadcast %shift_left3A_265 : i32 to vector<256x384xi32>
    %shift_left3A_267 = arith.shli %shift_right_arithmetic3A_261, %shift_left3A_266 : vector<256x384xi32>
    %or3A = arith.ori %and3A_264, %shift_left3A_267 : vector<256x384xi32>
    %swap3A_268 = arith.constant 0 : index
    %swap3A_269 = arith.constant 0 : index
    %swap3A_270 = vector.load %arg5[%swap3A_268, %swap3A_269] : memref<256x384xi32, #tpu.memory_space<vmem>>, vector<256x384xi32>
    tpu.vector_store %arg5[%swap3A_268, %swap3A_269], %or3A {strides = array<i32>} : memref<256x384xi32, #tpu.memory_space<vmem>>, vector<256x384xi32>,
    return
  }
  func.func @transform_0(%arg0: i32) -> (i32, i32) {
    %c0_i32 = arith.constant 0 : i32
    %c0_i32_0 = arith.constant 0 : i32
    return %arg0, %c0_i32 : i32, i32
  }
  func.func @transform_1(%arg0: i32) -> (i32, i32) {
    %c0_i32 = arith.constant 0 : i32
    %c0_i32_0 = arith.constant 0 : i32
    return %arg0, %c0_i32 : i32, i32
  }
  func.func @transform_2(%arg0: i32) -> (i32, i32) {
    %c1_i32 = arith.constant 1 : i32
    %c0_i32 = arith.constant 0 : i32
    return %arg0, %c1_i32 : i32, i32
  }
  func.func @transform_3(%arg0: i32) -> (i32, i32, i32) {
    %c0_i32 = arith.constant 0 : i32
    %c0_i32_0 = arith.constant 0 : i32
    %c0_i32_1 = arith.constant 0 : i32
    %c0_i32_2 = arith.constant 0 : i32
    return %c0_i32, %c0_i32_0, %c0_i32_1 : i32, i32, i32
  }
  func.func @transform_4(%arg0: i32) -> (i32, i32) {
    %c0_i32 = arith.constant 0 : i32
    %c0_i32_0 = arith.constant 0 : i32
    return %arg0, %c0_i32 : i32, i32
  }
}

module attributes {stable_mosaic.version = 14 : i64} {
  func.func @body(%arg0: i32, %arg1: memref<512x384xi32, #tpu.memory_space<vmem>>, %arg2: memref<1x768x256xf32, #tpu.memory_space<vmem>>, %arg3: memref<1x768xi32, #tpu.memory_space<vmem>>, %arg4: memref<512x384xi32, #tpu.memory_space<vmem>>) attributes {dimension_semantics = [#tpu.dimension_semantics<arbitrary>], iteration_bounds = array<i64: 8>, scalar_prefetch = 0 : i64, scratch_operands = 0 : i64, tpu.core_type = #tpu.core_type<tc>, window_params = [{transform_indices = @transform_0, window_bounds = array<i64: 512, 384>}, {transform_indices = @transform_1, window_bounds = array<i64: 1, 768, 256>}, {pipeline_mode = #tpu.pipeline_mode<synchronous>, transform_indices = @transform_2, window_bounds = array<i64: 1, 768>}, {transform_indices = @transform_3, window_bounds = array<i64: 512, 384>}]} {
    %get3A = arith.constant 0 : index
    %get3A_0 = arith.constant 0 : index
    %get3A_1 = vector.load %arg1[%get3A, %get3A_0] : memref<512x384xi32, #tpu.memory_space<vmem>>, vector<512x384xi32>
    %shift_left3A = arith.constant 16 : i32
    %shift_left3A_2 = vector.broadcast %shift_left3A : i32 to vector<512x384xi32>
    %shift_left3A_3 = arith.shli %get3A_1, %shift_left3A_2 : vector<512x384xi32>
    %bitcast_convert_type3A = tpu.bitcast %shift_left3A_3 : vector<512x384xi32> -> vector<512x384xf32>
    %and3A = arith.constant -65536 : i32
    %and3A_4 = vector.broadcast %and3A : i32 to vector<512x384xi32>
    %and3A_5 = arith.andi %get3A_1, %and3A_4 : vector<512x384xi32>
    %bitcast_convert_type3A_6 = tpu.bitcast %and3A_5 : vector<512x384xi32> -> vector<512x384xf32>
    %concatenate3A = tpu.concatenate %bitcast_convert_type3A, %bitcast_convert_type3A_6 in 1 : vector<512x384xf32>, vector<512x384xf32> -> vector<512x768xf32>
    %get3A_7 = arith.constant 0 : index
    %get3A_8 = arith.constant 0 : index
    %get3A_9 = vector.load %arg3[%get3A_7, %get3A_8] : memref<1x768xi32, #tpu.memory_space<vmem>>, vector<1x768xi32>
    %eq3A = arith.constant 0 : i32
    %eq3A_10 = vector.broadcast %eq3A : i32 to vector<1x768xi32>
    %eq3A_11 = arith.cmpi eq, %get3A_9, %eq3A_10 : vector<1x768xi32>
    %convert_element_type3A = arith.extui %eq3A_11 : vector<1x768xi1> to vector<1x768xi32>
    %convert_element_type3A_12 = arith.sitofp %convert_element_type3A : vector<1x768xi32> to vector<1x768xf32>
    %mul3A = vector.broadcast %convert_element_type3A_12 : vector<1x768xf32> to vector<512x768xf32>
    %mul3A_13 = arith.mulf %concatenate3A, %mul3A : vector<512x768xf32>
    %get3A_14 = arith.constant 0 : index
    %get3A_15 = arith.constant 0 : index
    %get3A_16 = arith.constant 0 : index
    %get3A_17 = vector.load %arg2[%get3A_14, %get3A_15, %get3A_16] : memref<1x768x256xf32, #tpu.memory_space<vmem>>, vector<1x768x192xf32>
    %get3A_18 = vector.shape_cast %get3A_17 : vector<1x768x192xf32> to vector<768x192xf32>
    %dot_general3A = arith.constant dense<0.000000e+00> : vector<512x192xf32>
    %dot_general3A_19 = tpu.matmul %mul3A_13, %get3A_18, %dot_general3A {dimension_numbers = #tpu.dot_dimension_numbers<[1], [0], [0], [1], [0, 0, 1, 1], [], []>, transpose_lhs_hint = false} : vector<512x768xf32>, vector<768x192xf32>, vector<512x192xf32> -> vector<512x192xf32>
    %eq3A_20 = arith.constant 1 : i32
    %eq3A_21 = vector.broadcast %eq3A_20 : i32 to vector<1x768xi32>
    %eq3A_22 = arith.cmpi eq, %get3A_9, %eq3A_21 : vector<1x768xi32>
    %convert_element_type3A_23 = arith.extui %eq3A_22 : vector<1x768xi1> to vector<1x768xi32>
    %convert_element_type3A_24 = arith.sitofp %convert_element_type3A_23 : vector<1x768xi32> to vector<1x768xf32>
    %mul3A_25 = vector.broadcast %convert_element_type3A_24 : vector<1x768xf32> to vector<512x768xf32>
    %mul3A_26 = arith.mulf %concatenate3A, %mul3A_25 : vector<512x768xf32>
    %get3A_27 = arith.constant 0 : index
    %get3A_28 = arith.constant 0 : index
    %get3A_29 = arith.constant 0 : index
    %get3A_30 = vector.load %arg2[%get3A_27, %get3A_28, %get3A_29] : memref<1x768x256xf32, #tpu.memory_space<vmem>>, vector<1x768x192xf32>
    %get3A_31 = vector.shape_cast %get3A_30 : vector<1x768x192xf32> to vector<768x192xf32>
    %dot_general3A_32 = arith.constant dense<0.000000e+00> : vector<512x192xf32>
    %dot_general3A_33 = tpu.matmul %mul3A_26, %get3A_31, %dot_general3A_32 {dimension_numbers = #tpu.dot_dimension_numbers<[1], [0], [0], [1], [0, 0, 1, 1], [], []>, transpose_lhs_hint = false} : vector<512x768xf32>, vector<768x192xf32>, vector<512x192xf32> -> vector<512x192xf32>
    %eq3A_34 = arith.constant 2 : i32
    %eq3A_35 = vector.broadcast %eq3A_34 : i32 to vector<1x768xi32>
    %eq3A_36 = arith.cmpi eq, %get3A_9, %eq3A_35 : vector<1x768xi32>
    %convert_element_type3A_37 = arith.extui %eq3A_36 : vector<1x768xi1> to vector<1x768xi32>
    %convert_element_type3A_38 = arith.sitofp %convert_element_type3A_37 : vector<1x768xi32> to vector<1x768xf32>
    %mul3A_39 = vector.broadcast %convert_element_type3A_38 : vector<1x768xf32> to vector<512x768xf32>
    %mul3A_40 = arith.mulf %concatenate3A, %mul3A_39 : vector<512x768xf32>
    %get3A_41 = arith.constant 0 : index
    %get3A_42 = arith.constant 0 : index
    %get3A_43 = arith.constant 0 : index
    %get3A_44 = vector.load %arg2[%get3A_41, %get3A_42, %get3A_43] : memref<1x768x256xf32, #tpu.memory_space<vmem>>, vector<1x768x192xf32>
    %get3A_45 = vector.shape_cast %get3A_44 : vector<1x768x192xf32> to vector<768x192xf32>
    %dot_general3A_46 = arith.constant dense<0.000000e+00> : vector<512x192xf32>
    %dot_general3A_47 = tpu.matmul %mul3A_40, %get3A_45, %dot_general3A_46 {dimension_numbers = #tpu.dot_dimension_numbers<[1], [0], [0], [1], [0, 0, 1, 1], [], []>, transpose_lhs_hint = false} : vector<512x768xf32>, vector<768x192xf32>, vector<512x192xf32> -> vector<512x192xf32>
    %eq3A_48 = arith.constant 3 : i32
    %eq3A_49 = vector.broadcast %eq3A_48 : i32 to vector<1x768xi32>
    %eq3A_50 = arith.cmpi eq, %get3A_9, %eq3A_49 : vector<1x768xi32>
    %convert_element_type3A_51 = arith.extui %eq3A_50 : vector<1x768xi1> to vector<1x768xi32>
    %convert_element_type3A_52 = arith.sitofp %convert_element_type3A_51 : vector<1x768xi32> to vector<1x768xf32>
    %mul3A_53 = vector.broadcast %convert_element_type3A_52 : vector<1x768xf32> to vector<512x768xf32>
    %mul3A_54 = arith.mulf %concatenate3A, %mul3A_53 : vector<512x768xf32>
    %get3A_55 = arith.constant 0 : index
    %get3A_56 = arith.constant 0 : index
    %get3A_57 = arith.constant 0 : index
    %get3A_58 = vector.load %arg2[%get3A_55, %get3A_56, %get3A_57] : memref<1x768x256xf32, #tpu.memory_space<vmem>>, vector<1x768x192xf32>
    %get3A_59 = vector.shape_cast %get3A_58 : vector<1x768x192xf32> to vector<768x192xf32>
    %dot_general3A_60 = arith.constant dense<0.000000e+00> : vector<512x192xf32>
    %dot_general3A_61 = tpu.matmul %mul3A_54, %get3A_59, %dot_general3A_60 {dimension_numbers = #tpu.dot_dimension_numbers<[1], [0], [0], [1], [0, 0, 1, 1], [], []>, transpose_lhs_hint = false} : vector<512x768xf32>, vector<768x192xf32>, vector<512x192xf32> -> vector<512x192xf32>
    %concatenate3A_62 = tpu.concatenate %dot_general3A_19, %dot_general3A_33, %dot_general3A_47, %dot_general3A_61 in 1 : vector<512x192xf32>, vector<512x192xf32>, vector<512x192xf32>, vector<512x192xf32> -> vector<512x768xf32>
    %slice3A = vector.extract_strided_slice %concatenate3A_62 {offsets = [0, 0], sizes = [512, 384], strides = [1, 1]} : vector<512x768xf32> to vector<512x384xf32>
    %slice3A_63 = vector.extract_strided_slice %concatenate3A_62 {offsets = [0, 384], sizes = [512, 384], strides = [1, 1]} : vector<512x768xf32> to vector<512x384xf32>
    %bitcast_convert_type3A_64 = tpu.bitcast %slice3A : vector<512x384xf32> -> vector<512x384xi32>
    %bitcast_convert_type3A_65 = tpu.bitcast %slice3A_63 : vector<512x384xf32> -> vector<512x384xi32>
    %add3A = arith.constant 32767 : i32
    %add3A_66 = vector.broadcast %add3A : i32 to vector<512x384xi32>
    %add3A_67 = arith.addi %bitcast_convert_type3A_64, %add3A_66 : vector<512x384xi32>
    %shift_right_arithmetic3A = arith.constant 16 : i32
    %shift_right_arithmetic3A_68 = vector.broadcast %shift_right_arithmetic3A : i32 to vector<512x384xi32>
    %shift_right_arithmetic3A_69 = arith.shrsi %bitcast_convert_type3A_64, %shift_right_arithmetic3A_68 : vector<512x384xi32>
    %and3A_70 = arith.constant 1 : i32
    %and3A_71 = vector.broadcast %and3A_70 : i32 to vector<512x384xi32>
    %and3A_72 = arith.andi %shift_right_arithmetic3A_69, %and3A_71 : vector<512x384xi32>
    %add3A_73 = arith.addi %add3A_67, %and3A_72 : vector<512x384xi32>
    %shift_right_arithmetic3A_74 = arith.constant 16 : i32
    %shift_right_arithmetic3A_75 = vector.broadcast %shift_right_arithmetic3A_74 : i32 to vector<512x384xi32>
    %shift_right_arithmetic3A_76 = arith.shrsi %add3A_73, %shift_right_arithmetic3A_75 : vector<512x384xi32>
    %add3A_77 = arith.constant 32767 : i32
    %add3A_78 = vector.broadcast %add3A_77 : i32 to vector<512x384xi32>
    %add3A_79 = arith.addi %bitcast_convert_type3A_65, %add3A_78 : vector<512x384xi32>
    %shift_right_arithmetic3A_80 = arith.constant 16 : i32
    %shift_right_arithmetic3A_81 = vector.broadcast %shift_right_arithmetic3A_80 : i32 to vector<512x384xi32>
    %shift_right_arithmetic3A_82 = arith.shrsi %bitcast_convert_type3A_65, %shift_right_arithmetic3A_81 : vector<512x384xi32>
    %and3A_83 = arith.constant 1 : i32
    %and3A_84 = vector.broadcast %and3A_83 : i32 to vector<512x384xi32>
    %and3A_85 = arith.andi %shift_right_arithmetic3A_82, %and3A_84 : vector<512x384xi32>
    %add3A_86 = arith.addi %add3A_79, %and3A_85 : vector<512x384xi32>
    %shift_right_arithmetic3A_87 = arith.constant 16 : i32
    %shift_right_arithmetic3A_88 = vector.broadcast %shift_right_arithmetic3A_87 : i32 to vector<512x384xi32>
    %shift_right_arithmetic3A_89 = arith.shrsi %add3A_86, %shift_right_arithmetic3A_88 : vector<512x384xi32>
    %and3A_90 = arith.constant 65535 : i32
    %and3A_91 = vector.broadcast %and3A_90 : i32 to vector<512x384xi32>
    %and3A_92 = arith.andi %shift_right_arithmetic3A_76, %and3A_91 : vector<512x384xi32>
    %shift_left3A_93 = arith.constant 16 : i32
    %shift_left3A_94 = vector.broadcast %shift_left3A_93 : i32 to vector<512x384xi32>
    %shift_left3A_95 = arith.shli %shift_right_arithmetic3A_89, %shift_left3A_94 : vector<512x384xi32>
    %or3A = arith.ori %and3A_92, %shift_left3A_95 : vector<512x384xi32>
    %swap3A = arith.constant 0 : index
    %swap3A_96 = arith.constant 0 : index
    %swap3A_97 = vector.load %arg4[%swap3A, %swap3A_96] : memref<512x384xi32, #tpu.memory_space<vmem>>, vector<512x384xi32>
    tpu.vector_store %arg4[%swap3A, %swap3A_96], %or3A {strides = array<i32>} : memref<512x384xi32, #tpu.memory_space<vmem>>, vector<512x384xi32>,
    return
  }
  func.func @transform_0(%arg0: i32) -> (i32, i32) {
    %c0_i32 = arith.constant 0 : i32
    %c0_i32_0 = arith.constant 0 : i32
    return %arg0, %c0_i32 : i32, i32
  }
  func.func @transform_1(%arg0: i32) -> (i32, i32, i32) {
    %c0_i32 = arith.constant 0 : i32
    %c0_i32_0 = arith.constant 0 : i32
    %c0_i32_1 = arith.constant 0 : i32
    return %arg0, %c0_i32, %c0_i32_0 : i32, i32, i32
  }
  func.func @transform_2(%arg0: i32) -> (i32, i32) {
    %c0_i32 = arith.constant 0 : i32
    %c0_i32_0 = arith.constant 0 : i32
    %c0_i32_1 = arith.constant 0 : i32
    return %c0_i32, %c0_i32_0 : i32, i32
  }
  func.func @transform_3(%arg0: i32) -> (i32, i32) {
    %c0_i32 = arith.constant 0 : i32
    %c0_i32_0 = arith.constant 0 : i32
    return %arg0, %c0_i32 : i32, i32
  }
}

module attributes {stable_mosaic.version = 14 : i64} {
  func.func @body(%arg0: i32, %arg1: i32, %arg2: memref<256x384xi32, #tpu.memory_space<vmem>>, %arg3: memref<1x768x256xf32, #tpu.memory_space<vmem>>) attributes {dimension_semantics = [#tpu.dimension_semantics<arbitrary>, #tpu.dimension_semantics<arbitrary>], iteration_bounds = array<i64: 2, 8>, scalar_prefetch = 0 : i64, scratch_operands = 0 : i64, tpu.core_type = #tpu.core_type<tc>, window_params = [{transform_indices = @transform_0, window_bounds = array<i64: 256, 384>}, {transform_indices = @transform_1, window_bounds = array<i64: 1, 768, 256>}]} {
    %get3A = arith.constant 0 : index
    %get3A_0 = arith.constant 0 : index
    %get3A_1 = vector.load %arg2[%get3A, %get3A_0] : memref<256x384xi32, #tpu.memory_space<vmem>>, vector<256x384xi32>
    %shift_left3A = arith.constant 16 : i32
    %shift_left3A_2 = vector.broadcast %shift_left3A : i32 to vector<256x384xi32>
    %shift_left3A_3 = arith.shli %get3A_1, %shift_left3A_2 : vector<256x384xi32>
    %bitcast_convert_type3A = tpu.bitcast %shift_left3A_3 : vector<256x384xi32> -> vector<256x384xf32>
    %and3A = arith.constant -65536 : i32
    %and3A_4 = vector.broadcast %and3A : i32 to vector<256x384xi32>
    %and3A_5 = arith.andi %get3A_1, %and3A_4 : vector<256x384xi32>
    %bitcast_convert_type3A_6 = tpu.bitcast %and3A_5 : vector<256x384xi32> -> vector<256x384xf32>
    %concatenate3A = tpu.concatenate %bitcast_convert_type3A, %bitcast_convert_type3A_6 in 1 : vector<256x384xf32>, vector<256x384xf32> -> vector<256x768xf32>
    %transpose3A = tpu.transpose %concatenate3A, [1, 0] : vector<256x768xf32> -> vector<768x256xf32>
    %broadcast_in_dim3A = vector.shape_cast %transpose3A : vector<768x256xf32> to vector<1x768x256xf32>
    %swap3A = arith.constant 0 : index
    %swap3A_7 = arith.constant 0 : index
    %swap3A_8 = arith.constant 0 : index
    %swap3A_9 = vector.load %arg3[%swap3A, %swap3A_7, %swap3A_8] : memref<1x768x256xf32, #tpu.memory_space<vmem>>, vector<1x768x256xf32>
    tpu.vector_store %arg3[%swap3A, %swap3A_7, %swap3A_8], %broadcast_in_dim3A {strides = array<i32>} : memref<1x768x256xf32, #tpu.memory_space<vmem>>, vector<1x768x256xf32>,
    return
  }
  func.func @transform_0(%arg0: i32, %arg1: i32) -> (i32, i32) {
    %mul3A = arith.constant 8 : i32
    %mul3A_0 = arith.muli %arg0, %mul3A : i32
    %add3A = arith.addi %mul3A_0, %arg1 : i32
    %c0_i32 = arith.constant 0 : i32
    %c0_i32_1 = arith.constant 0 : i32
    return %add3A, %c0_i32 : i32, i32
  }
  func.func @transform_1(%arg0: i32, %arg1: i32) -> (i32, i32, i32) {
    %c0_i32 = arith.constant 0 : i32
    %c0_i32_0 = arith.constant 0 : i32
    return %arg0, %c0_i32, %arg1 : i32, i32, i32
  }
}

</mosaic_0001>

<sc_bundles>
// kernel: gather_offload_async_start.1
scs
__scs_entry_jumppad:
0x0: {  	(pc) =	sbr.rel $0x88, $3  }
0x1: {  	(tag) =	ssettag $0x0;
	lr =	simm.s32 $0x1  }
0x2: {  	[smem:$0x3F9B] =	sst lr;
	_ =	strace $0xD0000000  }
0x3: {  	_ = 	snop  }
0x4: {  	_ = 	snop  }
0x5: {  	_ = 	snop  }
0x6: {  	_ = 	snop  }
0x7: {  	_ = 	snop  }
__scs_overlays_trampoline_lowered:
0x8: {  	[smem:$0x3FAA] =	sst s0  }
0x9: {  	[smem:$0x3FAB] =	sst s1  }
0xa: {  	[smem:$0x3FAC] =	sst s2  }
0xb: {  	[smem:$0x3FAD] =	sst s3  }
0xc: {  	[smem:$0x3FAE] =	sst s4  }
0xd: {  	[smem:$0x3FAF] =	sst s5  }
0xe: {  	[smem:$0x3FB0] =	sst s6  }
0xf: {  	[smem:$0x3FB1] =	sst s7  }
0x10: {  	[smem:$0x3FB2] =	sst s8  }
0x11: {  	[smem:$0x3FB3] =	sst s9;
	s0 =	simm.s32 @!p0 $0x0  }
0x12: {  	s1 =	sld [smem:$0x3F99];
	s0 =	simm.s32 @p0 $0x1  }
0x13: {  	[smem:$0x3FB4] =	sst s0;
	s0 =	simm.s32 @!p1 $0x0  }
0x14: {  	s2 =	sld [smem:$0x3F98];
	s0 =	simm.s32 @p1 $0x1  }
0x15: {  	[smem:$0x3FB5] =	sst s0;
	s0 =	simm.s32 @!p2 $0x0  }
0x16: {  	s3 =	sld [smem:$0x3FDB];
	s0 =	simm.s32 @p2 $0x1  }
0x17: {  	s4 =	simm.s32 $0x1BF5;
	[smem:$0x3FB7] =	sst s0  }
0x18: {  	s0 =	sld [smem:$0x3F9A];
	_ =	swait.ge [sflag:s4], $0x0  }
0x19: {  	s7 =	sld [smem:$0x3F9B]  }
0x1a: {  	s8 =	sadd.s32 $0xFFFFE003, lr  }
0x1b: {  	s9 =	sadd.s32 $0xFFFFFEF7, lr;
	s5 =	simm.s32 $0xFFFFFFFF;
	p2 =	slt.u32 s8, $0xFFFFF086  }
0x1c: {  	p1 =	slt.u32 s9, $0xF7A;
	s5 =	simm.s32 @!p2 $0x0  }
0x1d: {  	s5 =	simm.s32 @p1 $0x1;
	p0 =	seq.s32 s7, s2  }
0x1e: {  	s7 =	smul.u32 @!p0 $0xF7A, s2;
	p2 =	seq.s32 @!p0 s5, $0x0  }
0x1f: {  	s9 =	smul.u32 $0xF7A, s1;
	s8 =	simm.s32 @!p0 $0x1BF5;
	p2 =	por !p2, p0  }
0x20: {  	[sflag:s8] =	ssyncset.s32 @!p0 $0xFFFFF086;
	s6 =	sadd.s32 @!p0 s3, s7;
	s7 =	simm.s32 @!p0 $0x108  }
0x21: {  	s3 =	sadd.s32 s3, s9;
	s6 =	sadd.s32 @!p0 $0x88, s6;
	s7 =	simm.s32 @p2 $0x1082  }
0x22: {  	[simem:s7], [sflag:s8] =	dma.local @!p0 [hbm:s6], $0xF7A  }
0x23: {  	s9 =	sor.u32 $0xD0000000, s2;
	s6 =	simm.s32 $0x108;
	_ =	swait.ge @!p0 [sflag:s8], $0x0  }
0x24: {  	s3 =	sadd.s32 $0x88, s3;
	s6 =	simm.s32 @!p1 $0x1082;
	[sflag:s4] =	ssyncset.s32 $0xFFFFF086  }
0x25: {  	[simem:s6], [sflag:s4] =	dma.local [hbm:s3], $0xF7A  }
0x26: {  	[smem:$0x3F9B] =	sst s1;
	(tag) =	ssettag s2;
	_ =	strace s9  }
0x27: {  	s1 =	sld [smem:$0x3FAB]  }
0x28: {  	s2 =	sld [smem:$0x3FAC]  }
0x29: {  	s4 =	sld [smem:$0x3FAE]  }
0x2a: {  	p0 =	seq.s32 s5, $0x0;
	s5 =	sld [smem:$0x3FAF]  }
0x2b: {  	s6 =	sld [smem:$0x3FB0]  }
0x2c: {  	s7 =	sld [smem:$0x3FB1]  }
0x2d: {  	s3 =	simm.s32 $0x108;
	s8 =	sld [smem:$0x3FB2]  }
0x2e: {  	s3 =	simm.s32 @!p0 $0x1082;
	s9 =	sld [smem:$0x3FB3]  }
0x2f: {  	lr =	sadd.s32 s0, s3;
	s0 =	sld [smem:$0x3FAA]  }
0x30: {  	s3 =	sld [smem:$0x3FAD]  }
0x31: {  	[smem:$0x3FB6] =	sst s10  }
0x32: {  	s10 =	sld [smem:$0x3FB4];
	_ =	sdelay $0x3  }
0x33: {  	p0 =	seq.s32 s10, $0x1;
	s10 =	sld [smem:$0x3FB6];
	_ =	sdelay $0x3  }
0x34: {  	[smem:$0x3FB6] =	sst s10  }
0x35: {  	s10 =	sld [smem:$0x3FB5];
	_ =	sdelay $0x3  }
0x36: {  	p1 =	seq.s32 s10, $0x1;
	s10 =	sld [smem:$0x3FB6];
	_ =	sdelay $0x3  }
0x37: {  	[smem:$0x3FB6] =	sst s10  }
0x38: {  	s10 =	sld [smem:$0x3FB7]  }
0x39: {  	_ = 	snop;
	(pc) =	sbr.ind lr, $3  }
0x3a: {  	_ = 	snop  }
0x3b: {  	_ = 	snop  }
0x3c: {  	p2 =	seq.s32 s10, $0x1;
	s10 =	sld [smem:$0x3FB6]  }
0x3d: {  	_ =	shalt  }
0x3e: {  	_ =	shalt  }
0x3f: {  	_ =	shalt  }
0x40: {  	_ =	shalt  }
0x41: {  	_ =	shalt  }
0x42: {  	_ =	shalt  }
0x43: {  	_ =	shalt  }
0x44: {  	_ =	shalt  }
0x45: {  	_ =	shalt  }
0x46: {  	_ =	shalt  }
0x47: {  	_ =	shalt  }
0x48: {  	_ =	shalt  }
0x49: {  	_ =	shalt  }
0x4a: {  	_ =	shalt  }
0x4b: {  	_ =	shalt  }
0x4c: {  	_ =	shalt  }
0x4d: {  	_ =	shalt  }
0x4e: {  	_ =	shalt  }
0x4f: {  	_ =	shalt  }
0x50: {  	_ =	shalt  }
0x51: {  	_ =	shalt  }
0x52: {  	_ =	shalt  }
0x53: {  	_ =	shalt  }
0x54: {  	_ =	shalt  }
0x55: {  	_ =	shalt  }
0x56: {  	_ =	shalt  }
0x57: {  	_ =	shalt  }
0x58: {  	_ =	shalt  }
0x59: {  	_ =	shalt  }
0x5a: {  	_ =	shalt  }
0x5b: {  	_ =	shalt  }
0x5c: {  	_ =	shalt  }
0x5d: {  	_ =	shalt  }
0x5e: {  	_ =	shalt  }
0x5f: {  	_ =	shalt  }
0x60: {  	_ =	shalt  }
0x61: {  	_ =	shalt  }
0x62: {  	_ =	shalt  }
0x63: {  	_ =	shalt  }
0x64: {  	_ =	shalt  }
0x65: {  	_ =	shalt  }
0x66: {  	_ =	shalt  }
0x67: {  	_ =	shalt  }
0x68: {  	_ =	shalt  }
0x69: {  	_ =	shalt  }
0x6a: {  	_ =	shalt  }
0x6b: {  	_ =	shalt  }
0x6c: {  	_ =	shalt  }
0x6d: {  	_ =	shalt  }
0x6e: {  	_ =	shalt  }
0x6f: {  	_ =	shalt  }
0x70: {  	_ =	shalt  }
0x71: {  	_ =	shalt  }
0x72: {  	_ =	shalt  }
0x73: {  	_ =	shalt  }
0x74: {  	_ =	shalt  }
0x75: {  	_ =	shalt  }
0x76: {  	_ =	shalt  }
0x77: {  	_ =	shalt  }
0x78: {  	_ =	shalt  }
0x79: {  	_ =	shalt  }
0x7a: {  	_ =	shalt  }
0x7b: {  	_ =	shalt  }
0x7c: {  	_ =	shalt  }
0x7d: {  	_ =	shalt  }
0x7e: {  	_ =	shalt  }
0x7f: {  	_ =	shalt  }
0x80: {  	_ =	shalt  }
0x81: {  	_ =	shalt  }
0x82: {  	_ =	shalt  }
0x83: {  	_ =	shalt  }
0x84: {  	_ =	shalt  }
0x85: {  	_ =	shalt  }
0x86: {  	_ =	shalt  }
0x87: {  	_ =	shalt  }
.Lfunc_end0:
.L_simem_size_0:
called_computation.1_lowered:
.L_overlay_start_0:
0x88: {  	s2 =	sld [smem:$0x3FD9]  }
0x89: {  	s3 =	sld [smem:$0x3FFE];
	_ =	sdelay $0x1  }
0x8a: {  	s1 =	srdreg.scid  }
0x8b: {  	s0 =	sand.u32 $0x1, s1  }
0x8c: {  	s17 =	sshll.u32 s0, $0xA;
	s2 =	sadd.s32 s3, s2  }
0x8d: {  	s2 =	sadd.s32 s2, s17  }
0x8e: {  	[smem:$0x3FC2] =	sst s2  }
0x8f: {  	_ = 	snop  }
0x90: {  	(tm) =	ssettm $0x1  }
0x91: {  	s18 =	sld [smem:$0x3FFB];
	_ =	sdelay $0x3  }
0x92: {  	_ =	strace s18  }
0x93: {  	s2 =	sld [smem:$0x3FFC];
	_ =	sdelay $0x3  }
0x94: {  	_ =	strace s2  }
0x95: {  	s2 =	sld [smem:$0x3FFD];
	_ =	sdelay $0x3  }
0x96: {  	_ =	strace s2  }
0x97: {  	_ =	strace $0x8FFFFFFF  }
0x98: {  	s19 =	sld [smem:$0x3FDB];
	_ =	sdelay $0x1  }
0x99: {  	s20 =	simm.s32 $_scs_section_size  }
0x9a: {  	s4 =	simm.s32 $_size__tile_overlayer_lowered;
	s5 =	simm.s32 $_tile_overlayer_lowered  }
0x9b: {  	s6 =	simm.s32 $0x1BFF;
	s21 =	sshll.u32 s5, $0x1;
	s3 =	sadd.s32 s20, s19  }
0x9c: {  	s22 =	simm.s32 $0x0;
	s4 =	sshll.u32 s4, $0x1;
	s5 =	sadd.s32 s21, s3  }
0x9d: {  	[timem:s22], [sflag:s6] =	dma.local [hbm:s5], s4  }
0x9e: {  	_ =	swait.ge [sflag:s6], s4  }
0x9f: {  	s4 =	ssub.s32 $0x0, s4;
	[sflag:s6] =	ssyncset.done $0x0  }
0xa0: {  	[sflag:s6] =	ssyncadd.s32 s4;
	_ =	sdelay $0x1  }
0xa1: {  	s23 =	simm.s32 $0x1B8B  }
0xa2: {  	_ =	swait.ge [sflag:s23], $0x1  }
0xa3: {  	[sflag:s23] =	ssyncset.done $0x0  }
0xa4: {  	[sflag:s23] =	ssyncadd.s32 $0xFFFFFFFF  }
0xa5: {  	s4 =	sld [smem:$0x0]  }
0xa6: {  	s5 =	sand.u32 $0xFFFFFFFE, s1  }
0xa7: {  	p0 =	sne.s32 s1, s5  }
0xa8: {  	s5 =	sshll.u32 @p0 s5, $0xE  }
0xa9: {  	s5 =	sadd.s32 @p0 $0x11B8D, s5;
	s6 =	sshll.u32 @p0 s4, $0x11  }
0xaa: {  	s5 =	sor.u32 @p0 s6, s5  }
0xab: {  	[sflag:s5] =	ssyncadd.remote.s32 @p0 $0x1;
	_ =	sdelay $0x1  }
0xac: {  	s5 =	simm.s32 @p0 $0x1B8D  }
0xad: {  	_ =	swait.eq @p0 [sflag:s5], $0x1  }
0xae: {  	[sflag:s5] =	ssyncadd.s32 @p0 $0xFFFFFFFF  }
0xaf: {  	s6 =	sshll.u32 @!p0 s1, $0xE  }
0xb0: {  	s6 =	sor.u32 @!p0 $0x4000, s6;
	s5 =	simm.s32 @!p0 $0x1B8D  }
0xb1: {  	s4 =	sshll.u32 @!p0 s4, $0x11;
	s6 =	sadd.s32 @!p0 $0x11B8D, s6;
	_ =	swait.eq @!p0 [sflag:s5], $0x1  }
0xb2: {  	s4 =	sor.u32 @!p0 s4, s6;
	[sflag:s5] =	ssyncadd.s32 @!p0 $0xFFFFFFFF  }
0xb3: {  	s25 =	simm.s32 $0x1B8E;
	s24 =	sld [smem:$0x3FFE];
	[sflag:s4] =	ssyncadd.remote.s32 @!p0 $0x1  }
0xb4: {  	s26 =	simm.s32 $execute0_lowered;
	[smem:$0x3FD2] =	sst s25  }
0xb5: {  	s5 =	sshll.u32 s26, $0x1;
	_ =	strace $0x80000052;
	[dreg:$0x1] =	wrdreg $0xFFFFFFFF  }
0xb6: {  	s28 =	simm.s32 $_size_execute0_lowered;
	s3 =	sadd.s32 s3, s5;
	[dreg:$0x0] =	wrdreg $0x0  }
0xb7: {  	s5 =	sshll.u32 s28, $0x1;
	[dreg:$0x2] =	wrdreg s3  }
0xb8: {  	[dreg:$0x3] =	wrdreg s5  }
0xb9: {  	[dreg:$0x4] =	wrdreg $0xC0  }
0xba: {  	_ =	task [dreg:s22], $0x5FFFF  }
0xbb: {  	[dreg:$0x1] =	wrdreg $0xFFFFFFFF  }
0xbc: {  	[dreg:$0x0] =	wrdreg $0x60  }
0xbd: {  	[dreg:$0x2] =	wrdreg s24  }
0xbe: {  	[dreg:$0x3] =	wrdreg $0x9  }
0xbf: {  	_ =	task.clear_ibuf [dreg:s22], $0x4FFFF;
	_ =	strace $0x90000052  }
0xc0: {  	s29 =	simm.s32 $0x9;
	_ =	strace $0x80000054  }
0xc1: {  	_ =	swait.ge [sflag:s29], $0x1  }
0xc2: {  	[sflag:s29] =	ssyncadd.s32 $0xFFFFFFFF  }
0xc3: {  	_ =	strace $0x90000054  }
0xc4: {  	_ =	sfence  }
0xc5: {  	s30 =	sld [smem:$0x0];
	_ =	sdelay $0x2  }
0xc6: {  	s31 =	sshll.u32 s1, $0xD;
	s1 =	sshrl.u32 s1, $0x2  }
0xc7: {  	s4 =	sand.u32 $0x4000, s31;
	s1 =	sadd.s32 s1, s30  }
0xc8: {  	s0 =	sor.u32 s4, s0;
	s1 =	sshll.u32 s1, $0x11  }
0xc9: {  	s0 =	sor.u32 s1, s0  }
0xca: {  	s0 =	sadd.s32 $0x8F2B, s0  }
0xcb: {  	[sflag:s0] =	ssyncadd.remote.s32 $0x1  }
0xcc: {  	_ =	sfence.sel $0xFFFF  }
0xcd: {  	[dreg:$0x0] =	wrdreg $0xFFFFFFFF;
	(pc) =	sbr.abs _section_cstart, $3  }
0xce: {  	[dreg:$0x1] =	wrdreg $0xFFFFFFFF  }
0xcf: {  	_ =	task.clear_ibuf [dreg:s22], $0x2FFFF;
	_ =	strace $0x9FFFFFFF  }
0xd0: {  	(tm) =	ssettm $0x7FFFFFFF  }
0xd1: {  	_ =	shalt  }
tec
execute0_lowered:
.L_overlay_start_1:
0x0: {  	(tag) =	ssettag $0x1  }
0x1: {  	s0 =	srdreg.scid;
	s5 =	rddreg [dreg:$0x0]  }
0x2: {  	s1 =	stileid.u32;
	s6 =	simm.s32 $0x1;
	s9 =	simm.s32 $0x1  }
0x3: {  	s10 =	simm.s32 $0x3;
	s13 =	simm.s32 $0x0;
	s2 =	sshll.u32 s0, $0x6  }
0x4: {  	s12 =	simm.s32 $0x0;
	s3 =	sshll.u32 s1, $0x7;
	s2 =	sand.u32 $0x40, s2  }
0x5: {  	s0 =	rddreg [dreg:$0x1];
	_ =	strace $0x80000053;
	s2 =	sor.u32 s3, s2  }
0x6: {  	s4 =	sadd.s32 $0x200, s5;
	[sflag:s6] =	ssyncpa.u1 $0x0;
	s8 =	ssub.s32 $0x1000, s2  }
.Ltmp0:
0x7: {  	s3 =	sadd.s32 $0x60A00, s5;
	s7 =	sand.u32 $0x7C0, s8;
	(pc) =	sbr.rel .LBB2_1-.Ltmp0, $4  }
0x8: {  	s5 =	sadd.s32 $0x400, s5;
	s11 =	smov.u32 s2;
	p0 =	sne.s32 s7, $0x0  }
0x9: {  	s8 =	sshrl.u32 s8, $0xB;
	s7 =	simm.s32 $0x2;
	s9 =	simm.s32 @!p0 $0x0  }
0xa: {  	[sflag:s7] =	ssyncpa.u1 $0x0;
	p0 =	por $0x0, $0x0;
	s8 =	sadd.s32 s9, s8  }
0xb: {  	vm0 =	vmmov $0xffff;
	[sflag:s10] =	ssyncpa.u1 $0x0;
	s10 =	simm.s32 $0x0;
	s9 =	sadd.s32 $0x1, s8  }
.LBB2_4:
0xc: {  	v2 =	vnsel vm1, $0x0, v2  }
0xd: {  	vm1 =	vgt.s32 v0, $0x0;
	v2 =	vmin.u32 v2, $0xFFF  }
0xe: {  	v0 =	vnsel vm1, $0x0, v0  }
0xf: {  	v0 =	vmin.u32 v0, $0xFFF  }
0x10: {  	[tilespmem:s15], [sflag:$0x1] =	stream.indirect_vreg.gather [hbm4b:s3+s10], $0x1, v1, vm0, $0x4038;
	[tilespmem:$0x100] =	vst v63  }
0x11: {  	(ifvalue) =	ssetifvalue $0x7FFFFFFF  }
0x12: {  	[tilespmem:s16], [sflag:$0x1] =	stream.indirect_vreg.gather [hbm4b:s3+s10], $0x1, v2, vm0, $0x4038;
	[tilespmem:$0x100] =	vst v63  }
0x13: {  	s29 =	sadd.s32 $0x10, s16;
	(ifvalue) =	ssetifvalue $0x7FFFFFFF  }
0x14: {  	[tilespmem:s29], [sflag:$0x1] =	stream.indirect_vreg.gather [hbm4b:s3+s10], $0x1, v0, vm0, $0x4038;
	[tilespmem:$0x100] =	vst v63  }
0x15: {  	_ =	swait.ge [sflag:s6], $0x40  }
0x16: {  	s30 =	sshrl.u32 s13, $0x3;
	[sflag:s6] =	ssyncset.done $0x0  }
0x17: {  	s31 =	sand.u32 $0x7, s13;
	s15 =	sadd.s32 s5, s30;
	[sflag:s6] =	ssyncadd.s32 $0xFFFFFFC0  }
0x18: {  	[hbm4b:s15+s31] =	stream.linear.scatter [tilespmem:s14], [sflag:$0x3], $0x40, $0x38;
	[tilespmem:$0x100] =	vst v63  }
.LBB2_5:
0x19: {  	s15 =	sadd.s32 $0x800, s11  }
0x1a: {  	p2 =	sgt.s32 s15, $0xFFF  }
0x1b: {  	s15 =	smov.u32 @p2 s2;
	p2 =	sne.s32 s12, s9  }
.Ltmp1:
0x1c: {  	p1 =	slt.u32 s12, $0x2;
	(pc) =	sbr.rel @!p2 .LBB2_6-.Ltmp1, $4  }
0x1d: {  	s14 =	simm.s32 @!p1 $0x3  }
0x1e: {  	s16 =	sadd.s32 $0x1, s12;
	_ =	swait.ge @!p1 [sflag:s14], $0x40  }
0x1f: {  	s13 =	smov.u32 s11;
	p0 =	por !p0, !p0;
	[sflag:s14] =	ssyncset.done @!p1 $0x0  }
0x20: {  	s12 =	smov.u32 s16;
	s11 =	smov.u32 s15;
	[sflag:s14] =	ssyncadd.s32 @!p1 $0xFFFFFFC0  }
.LBB2_1:
0x21: {  	p1 =	sge.u32 s12, s8  }
0x22: {  	s14 =	sxor.u32 @!p1 $0xFFFFFFFF, s12  }
0x23: {  	s31 =	sadd.s32 $0xFFFFFFFF, s12;
	s15 =	sshrl.u32 @!p1 s11, $0x3;
	s14 =	sshll.u32 @!p1 s14, $0x6  }
0x24: {  	s16 =	sand.u32 @!p1 $0x7, s11;
	s15 =	sadd.s32 @!p1 s4, s15;
	s14 =	sand.u32 @!p1 $0x40, s14  }
0x25: {  	[tilespmem:s14], [sflag:$0x2] =	stream.linear.gather @!p1 [hbm4b:s15+s16], $0x40, $0x38;
	[tilespmem:$0x100] =	vst v63  }
0x26: {  	p1 =	sge.u32 s31, s8  }
.Ltmp2:
0x27: {  	_ = 	snop;
	(pc) =	sbr.rel @p1 .LBB2_5-.Ltmp2, $1  }
0x28: {  	_ =	sdelay $0x3  }
0x29: {  	s14 =	simm.s32 $0x1  }
0x2a: {  	_ =	swait.ge [sflag:s7], $0x40;
	s14 =	simm.s32 @!p0 $0x0  }
0x2b: {  	[sflag:s7] =	ssyncset.done $0x0;
	s14 =	sshll.u32 s14, $0x6  }
0x2c: {  	[sflag:s7] =	ssyncadd.s32 $0xFFFFFFC0;
	(ifvalue) =	ssetifvalue $0x7FFFFFFF;
	v0 =	vld.msk [tilespmem:s14+$0x0 ss:$0x1], $0xffff;
	_ =	sdelay $0x4  }
0x2d: {  	s15 =	sadd.s32 $0x10, s14;
	vm1 =	vgt.s32 v0, $0x0  }
0x2e: {  	v2 =	vld.msk [tilespmem:s15+$0x0 ss:$0x1], $0xffff;
	v1 =	vnsel vm1, $0x0, v0  }
0x2f: {  	v1 =	vmin.u32 v1, $0xFFF;
	_ =	sdelay $0x1  }
0x30: {  	s16 =	sshll.u32 s12, $0x6;
	s18 =	simm.s32 $0x20  }
0x31: {  	s16 =	sand.u32 $0x40, s16;
	s17 =	sadd.s32 $0x10, s15;
	s15 =	sor.u32 $0x80, s14  }
0x32: {  	s14 =	sor.u32 $0x80, s16;
	s16 =	sadd.s32 $0x10, s15;
	v0 =	vld.msk [tilespmem:s17+$0x0 ss:$0x1], $0xffff;
	vm1 =	vgt.s32 v2, $0x0;
	(ifvalue) =	ssetifvalue $0x7FFFFFFF  }
.LBB2_3:
0x33: {  	[tilespmem:s15], [sflag:$0x1] =	stream.indirect_vreg.gather [hbm4b:s3+s10], $0x1, v1, vm0, $0x4038;
	[tilespmem:$0x100] =	vst v63  }
0x34: {  	s18 =	sadd.s32 $0x10, s18  }
0x35: {  	v2 =	vnsel vm1, $0x0, v2;
	p1 =	slt.u32 s18, $0x30  }
.Ltmp3:
0x36: {  	s15 =	smov.u32 s16;
	v1 =	vmin.u32 v2, $0xFFF;
	(pc) =	sbr.rel @p1 .LBB2_3-.Ltmp3, $3  }
0x37: {  	_ =	sdelay $0x1  }
0x38: {  	s17 =	sadd.s32 $0x10, s17  }
0x39: {  	vm1 =	vgt.s32 v0, $0x0;
	s16 =	sadd.s32 $0x10, s16;
	v2 =	vmov v0;
	(ifvalue) =	ssetifvalue $0x7FFFFFFF;
	v0 =	vld.msk [tilespmem:s17+$0x0 ss:$0x1], $0xffff  }
.Ltmp4:
0x3a: {  	_ = 	snop;
	(pc) =	sbr.rel .LBB2_4-.Ltmp4, $1  }
0x3b: {  	_ =	sdelay $0x3  }
.LBB2_6:
0x3c: {  	_ =	sfence.sel $0x180000  }
0x3d: {  	s2 =	simm.s32 $0x2;
	[bflag:$0x0] =	sbarrier.arrive $0xFFFF  }
0x3e: {  	s30 =	simm.s32 $0x3;
	[sflag:s2] =	ssyncpa.u1 $0x1  }
0x3f: {  	s31 =	simm.s32 $0x1;
	[sflag:s30] =	ssyncpa.u1 $0x1  }
0x40: {  	[sflag:s31] =	ssyncpa.u1 $0x1  }
0x41: {  	p0 =	sne.s32 s1, $0x0;
	_ =	strace $0x90000053  }
0x42: {  	s0 =	sadd.s32 @!p0 $0x100000, s0;
	[bflag:$0x2] =	sbarrier.arrive $0xFFFF  }
0x43: {  	[sflag:s0] =	ssyncadd.tile.s32 @!p0 $0x1;
	_ =	shalt  }
.Lfunc_end2:
_tile_overlayer_lowered:
.L_overlay_start_2:
0x44: {  	(tag) =	ssettag $0x2  }
0x45: {  	s0 =	rddreg [dreg:$0x0];
	s2 =	stileid.u32  }
0x46: {  	s1 =	rddreg [dreg:$0x1];
	p0 =	sne.s32 s2, $0x0  }
0x47: {  	s3 =	rddreg [dreg:$0x2];
	[bflag:$0x3] =	sbarrier.arrive $0xFFFF;
	s2 =	simm.s32 @!p0 $0x1C01  }
0x48: {  	[timem:s3], [sflag:s2] =	dma.local @!p0 [hbm:s0], s1  }
0x49: {  	s0 =	simm.s32 @!p0 $0x1  }
0x4a: {  	_ =	swait.ge @!p0 [sflag:s0], s1  }
0x4b: {  	s1 =	ssub.s32 @!p0 $0x0, s1;
	[sflag:s0] =	ssyncset.done @!p0 $0x0  }
0x4c: {  	[sflag:s0] =	ssyncadd.s32 @!p0 s1  }
0x4d: {  	[bflag:$0x3] =	sbarrier.arrive $0xFFFF  }
0x4e: {  	_ =	shalt  }

// kernel: gather_offload_async_start
scs
__scs_entry_jumppad:
0x0: {  	(pc) =	sbr.rel $0x88, $3  }
0x1: {  	(tag) =	ssettag $0x0;
	lr =	simm.s32 $0x1  }
0x2: {  	[smem:$0x3F9B] =	sst lr;
	_ =	strace $0xD0000000  }
0x3: {  	_ = 	snop  }
0x4: {  	_ = 	snop  }
0x5: {  	_ = 	snop  }
0x6: {  	_ = 	snop  }
0x7: {  	_ = 	snop  }
__scs_overlays_trampoline_lowered:
0x8: {  	[smem:$0x3FAA] =	sst s0  }
0x9: {  	[smem:$0x3FAB] =	sst s1  }
0xa: {  	[smem:$0x3FAC] =	sst s2  }
0xb: {  	[smem:$0x3FAD] =	sst s3  }
0xc: {  	[smem:$0x3FAE] =	sst s4  }
0xd: {  	[smem:$0x3FAF] =	sst s5  }
0xe: {  	[smem:$0x3FB0] =	sst s6  }
0xf: {  	[smem:$0x3FB1] =	sst s7  }
0x10: {  	[smem:$0x3FB2] =	sst s8  }
0x11: {  	[smem:$0x3FB3] =	sst s9;
	s0 =	simm.s32 @!p0 $0x0  }
0x12: {  	s1 =	sld [smem:$0x3F99];
	s0 =	simm.s32 @p0 $0x1  }
0x13: {  	[smem:$0x3FB4] =	sst s0;
	s0 =	simm.s32 @!p1 $0x0  }
0x14: {  	s2 =	sld [smem:$0x3F98];
	s0 =	simm.s32 @p1 $0x1  }
0x15: {  	[smem:$0x3FB5] =	sst s0;
	s0 =	simm.s32 @!p2 $0x0  }
0x16: {  	s3 =	sld [smem:$0x3FDB];
	s0 =	simm.s32 @p2 $0x1  }
0x17: {  	s4 =	simm.s32 $0x1BF5;
	[smem:$0x3FB7] =	sst s0  }
0x18: {  	s0 =	sld [smem:$0x3F9A];
	_ =	swait.ge [sflag:s4], $0x0  }
0x19: {  	s7 =	sld [smem:$0x3F9B]  }
0x1a: {  	s8 =	sadd.s32 $0xFFFFE003, lr  }
0x1b: {  	s9 =	sadd.s32 $0xFFFFFEF7, lr;
	s5 =	simm.s32 $0xFFFFFFFF;
	p2 =	slt.u32 s8, $0xFFFFF086  }
0x1c: {  	p1 =	slt.u32 s9, $0xF7A;
	s5 =	simm.s32 @!p2 $0x0  }
0x1d: {  	s5 =	simm.s32 @p1 $0x1;
	p0 =	seq.s32 s7, s2  }
0x1e: {  	s7 =	smul.u32 @!p0 $0xF7A, s2;
	p2 =	seq.s32 @!p0 s5, $0x0  }
0x1f: {  	s9 =	smul.u32 $0xF7A, s1;
	s8 =	simm.s32 @!p0 $0x1BF5;
	p2 =	por !p2, p0  }
0x20: {  	[sflag:s8] =	ssyncset.s32 @!p0 $0xFFFFF086;
	s6 =	sadd.s32 @!p0 s3, s7;
	s7 =	simm.s32 @!p0 $0x108  }
0x21: {  	s3 =	sadd.s32 s3, s9;
	s6 =	sadd.s32 @!p0 $0x88, s6;
	s7 =	simm.s32 @p2 $0x1082  }
0x22: {  	[simem:s7], [sflag:s8] =	dma.local @!p0 [hbm:s6], $0xF7A  }
0x23: {  	s9 =	sor.u32 $0xD0000000, s2;
	s6 =	simm.s32 $0x108;
	_ =	swait.ge @!p0 [sflag:s8], $0x0  }
0x24: {  	s3 =	sadd.s32 $0x88, s3;
	s6 =	simm.s32 @!p1 $0x1082;
	[sflag:s4] =	ssyncset.s32 $0xFFFFF086  }
0x25: {  	[simem:s6], [sflag:s4] =	dma.local [hbm:s3], $0xF7A  }
0x26: {  	[smem:$0x3F9B] =	sst s1;
	(tag) =	ssettag s2;
	_ =	strace s9  }
0x27: {  	s1 =	sld [smem:$0x3FAB]  }
0x28: {  	s2 =	sld [smem:$0x3FAC]  }
0x29: {  	s4 =	sld [smem:$0x3FAE]  }
0x2a: {  	p0 =	seq.s32 s5, $0x0;
	s5 =	sld [smem:$0x3FAF]  }
0x2b: {  	s6 =	sld [smem:$0x3FB0]  }
0x2c: {  	s7 =	sld [smem:$0x3FB1]  }
0x2d: {  	s3 =	simm.s32 $0x108;
	s8 =	sld [smem:$0x3FB2]  }
0x2e: {  	s3 =	simm.s32 @!p0 $0x1082;
	s9 =	sld [smem:$0x3FB3]  }
0x2f: {  	lr =	sadd.s32 s0, s3;
	s0 =	sld [smem:$0x3FAA]  }
0x30: {  	s3 =	sld [smem:$0x3FAD]  }
0x31: {  	[smem:$0x3FB6] =	sst s10  }
0x32: {  	s10 =	sld [smem:$0x3FB4];
	_ =	sdelay $0x3  }
0x33: {  	p0 =	seq.s32 s10, $0x1;
	s10 =	sld [smem:$0x3FB6];
	_ =	sdelay $0x3  }
0x34: {  	[smem:$0x3FB6] =	sst s10  }
0x35: {  	s10 =	sld [smem:$0x3FB5];
	_ =	sdelay $0x3  }
0x36: {  	p1 =	seq.s32 s10, $0x1;
	s10 =	sld [smem:$0x3FB6];
	_ =	sdelay $0x3  }
0x37: {  	[smem:$0x3FB6] =	sst s10  }
0x38: {  	s10 =	sld [smem:$0x3FB7]  }
0x39: {  	_ = 	snop;
	(pc) =	sbr.ind lr, $3  }
0x3a: {  	_ = 	snop  }
0x3b: {  	_ = 	snop  }
0x3c: {  	p2 =	seq.s32 s10, $0x1;
	s10 =	sld [smem:$0x3FB6]  }
0x3d: {  	_ =	shalt  }
0x3e: {  	_ =	shalt  }
0x3f: {  	_ =	shalt  }
0x40: {  	_ =	shalt  }
0x41: {  	_ =	shalt  }
0x42: {  	_ =	shalt  }
0x43: {  	_ =	shalt  }
0x44: {  	_ =	shalt  }
0x45: {  	_ =	shalt  }
0x46: {  	_ =	shalt  }
0x47: {  	_ =	shalt  }
0x48: {  	_ =	shalt  }
0x49: {  	_ =	shalt  }
0x4a: {  	_ =	shalt  }
0x4b: {  	_ =	shalt  }
0x4c: {  	_ =	shalt  }
0x4d: {  	_ =	shalt  }
0x4e: {  	_ =	shalt  }
0x4f: {  	_ =	shalt  }
0x50: {  	_ =	shalt  }
0x51: {  	_ =	shalt  }
0x52: {  	_ =	shalt  }
0x53: {  	_ =	shalt  }
0x54: {  	_ =	shalt  }
0x55: {  	_ =	shalt  }
0x56: {  	_ =	shalt  }
0x57: {  	_ =	shalt  }
0x58: {  	_ =	shalt  }
0x59: {  	_ =	shalt  }
0x5a: {  	_ =	shalt  }
0x5b: {  	_ =	shalt  }
0x5c: {  	_ =	shalt  }
0x5d: {  	_ =	shalt  }
0x5e: {  	_ =	shalt  }
0x5f: {  	_ =	shalt  }
0x60: {  	_ =	shalt  }
0x61: {  	_ =	shalt  }
0x62: {  	_ =	shalt  }
0x63: {  	_ =	shalt  }
0x64: {  	_ =	shalt  }
0x65: {  	_ =	shalt  }
0x66: {  	_ =	shalt  }
0x67: {  	_ =	shalt  }
0x68: {  	_ =	shalt  }
0x69: {  	_ =	shalt  }
0x6a: {  	_ =	shalt  }
0x6b: {  	_ =	shalt  }
0x6c: {  	_ =	shalt  }
0x6d: {  	_ =	shalt  }
0x6e: {  	_ =	shalt  }
0x6f: {  	_ =	shalt  }
0x70: {  	_ =	shalt  }
0x71: {  	_ =	shalt  }
0x72: {  	_ =	shalt  }
0x73: {  	_ =	shalt  }
0x74: {  	_ =	shalt  }
0x75: {  	_ =	shalt  }
0x76: {  	_ =	shalt  }
0x77: {  	_ =	shalt  }
0x78: {  	_ =	shalt  }
0x79: {  	_ =	shalt  }
0x7a: {  	_ =	shalt  }
0x7b: {  	_ =	shalt  }
0x7c: {  	_ =	shalt  }
0x7d: {  	_ =	shalt  }
0x7e: {  	_ =	shalt  }
0x7f: {  	_ =	shalt  }
0x80: {  	_ =	shalt  }
0x81: {  	_ =	shalt  }
0x82: {  	_ =	shalt  }
0x83: {  	_ =	shalt  }
0x84: {  	_ =	shalt  }
0x85: {  	_ =	shalt  }
0x86: {  	_ =	shalt  }
0x87: {  	_ =	shalt  }
.Lfunc_end0:
.L_simem_size_0:
called_computation_lowered:
.L_overlay_start_0:
0x88: {  	s2 =	sld [smem:$0x3FD9]  }
0x89: {  	s3 =	sld [smem:$0x3FFE];
	_ =	sdelay $0x1  }
0x8a: {  	s1 =	srdreg.scid  }
0x8b: {  	s0 =	sand.u32 $0x1, s1  }
0x8c: {  	s17 =	sshll.u32 s0, $0xA;
	s2 =	sadd.s32 s3, s2  }
0x8d: {  	s2 =	sadd.s32 s2, s17  }
0x8e: {  	[smem:$0x3FC2] =	sst s2  }
0x8f: {  	_ = 	snop  }
0x90: {  	(tm) =	ssettm $0x1  }
0x91: {  	s18 =	sld [smem:$0x3FFB];
	_ =	sdelay $0x3  }
0x92: {  	_ =	strace s18  }
0x93: {  	s2 =	sld [smem:$0x3FFC];
	_ =	sdelay $0x3  }
0x94: {  	_ =	strace s2  }
0x95: {  	s2 =	sld [smem:$0x3FFD];
	_ =	sdelay $0x3  }
0x96: {  	_ =	strace s2  }
0x97: {  	_ =	strace $0x8FFFFFFF  }
0x98: {  	s19 =	sld [smem:$0x3FDB];
	_ =	sdelay $0x1  }
0x99: {  	s20 =	simm.s32 $_scs_section_size  }
0x9a: {  	s4 =	simm.s32 $_size__tile_overlayer_lowered;
	s5 =	simm.s32 $_tile_overlayer_lowered  }
0x9b: {  	s6 =	simm.s32 $0x1BFF;
	s21 =	sshll.u32 s5, $0x1;
	s3 =	sadd.s32 s20, s19  }
0x9c: {  	s22 =	simm.s32 $0x0;
	s4 =	sshll.u32 s4, $0x1;
	s5 =	sadd.s32 s21, s3  }
0x9d: {  	[timem:s22], [sflag:s6] =	dma.local [hbm:s5], s4  }
0x9e: {  	_ =	swait.ge [sflag:s6], s4  }
0x9f: {  	s4 =	ssub.s32 $0x0, s4;
	[sflag:s6] =	ssyncset.done $0x0  }
0xa0: {  	[sflag:s6] =	ssyncadd.s32 s4;
	_ =	sdelay $0x1  }
0xa1: {  	s23 =	simm.s32 $0x1B8B  }
0xa2: {  	_ =	swait.ge [sflag:s23], $0x1  }
0xa3: {  	[sflag:s23] =	ssyncset.done $0x0  }
0xa4: {  	[sflag:s23] =	ssyncadd.s32 $0xFFFFFFFF  }
0xa5: {  	s4 =	sld [smem:$0x0]  }
0xa6: {  	s5 =	sand.u32 $0xFFFFFFFE, s1  }
0xa7: {  	p0 =	sne.s32 s1, s5  }
0xa8: {  	s5 =	sshll.u32 @p0 s5, $0xE  }
0xa9: {  	s5 =	sadd.s32 @p0 $0x11B8D, s5;
	s6 =	sshll.u32 @p0 s4, $0x11  }
0xaa: {  	s5 =	sor.u32 @p0 s6, s5  }
0xab: {  	[sflag:s5] =	ssyncadd.remote.s32 @p0 $0x1;
	_ =	sdelay $0x1  }
0xac: {  	s5 =	simm.s32 @p0 $0x1B8D  }
0xad: {  	_ =	swait.eq @p0 [sflag:s5], $0x1  }
0xae: {  	[sflag:s5] =	ssyncadd.s32 @p0 $0xFFFFFFFF  }
0xaf: {  	s6 =	sshll.u32 @!p0 s1, $0xE  }
0xb0: {  	s6 =	sor.u32 @!p0 $0x4000, s6;
	s5 =	simm.s32 @!p0 $0x1B8D  }
0xb1: {  	s4 =	sshll.u32 @!p0 s4, $0x11;
	s6 =	sadd.s32 @!p0 $0x11B8D, s6;
	_ =	swait.eq @!p0 [sflag:s5], $0x1  }
0xb2: {  	s4 =	sor.u32 @!p0 s4, s6;
	[sflag:s5] =	ssyncadd.s32 @!p0 $0xFFFFFFFF  }
0xb3: {  	s25 =	simm.s32 $0x1B8E;
	s24 =	sld [smem:$0x3FFE];
	[sflag:s4] =	ssyncadd.remote.s32 @!p0 $0x1  }
0xb4: {  	s26 =	simm.s32 $execute0_lowered;
	[smem:$0x3FD2] =	sst s25  }
0xb5: {  	s5 =	sshll.u32 s26, $0x1;
	_ =	strace $0x80000049;
	[dreg:$0x1] =	wrdreg $0xFFFFFFFF  }
0xb6: {  	s28 =	simm.s32 $_size_execute0_lowered;
	s3 =	sadd.s32 s3, s5;
	[dreg:$0x0] =	wrdreg $0x0  }
0xb7: {  	s5 =	sshll.u32 s28, $0x1;
	[dreg:$0x2] =	wrdreg s3  }
0xb8: {  	[dreg:$0x3] =	wrdreg s5  }
0xb9: {  	[dreg:$0x4] =	wrdreg $0xC0  }
0xba: {  	_ =	task [dreg:s22], $0x5FFFF  }
0xbb: {  	[dreg:$0x1] =	wrdreg $0xFFFFFFFF  }
0xbc: {  	[dreg:$0x0] =	wrdreg $0x60  }
0xbd: {  	[dreg:$0x2] =	wrdreg s24  }
0xbe: {  	[dreg:$0x3] =	wrdreg $0x9  }
0xbf: {  	_ =	task.clear_ibuf [dreg:s22], $0x4FFFF;
	_ =	strace $0x90000049  }
0xc0: {  	s29 =	simm.s32 $0x9;
	_ =	strace $0x8000004B  }
0xc1: {  	_ =	swait.ge [sflag:s29], $0x1  }
0xc2: {  	[sflag:s29] =	ssyncadd.s32 $0xFFFFFFFF  }
0xc3: {  	_ =	strace $0x9000004B  }
0xc4: {  	_ =	sfence  }
0xc5: {  	s30 =	sld [smem:$0x0];
	_ =	sdelay $0x2  }
0xc6: {  	s31 =	sshll.u32 s1, $0xD;
	s1 =	sshrl.u32 s1, $0x2  }
0xc7: {  	s4 =	sand.u32 $0x4000, s31;
	s1 =	sadd.s32 s1, s30  }
0xc8: {  	s0 =	sor.u32 s4, s0;
	s1 =	sshll.u32 s1, $0x11  }
0xc9: {  	s0 =	sor.u32 s1, s0  }
0xca: {  	s0 =	sadd.s32 $0x8F2B, s0  }
0xcb: {  	[sflag:s0] =	ssyncadd.remote.s32 $0x1  }
0xcc: {  	_ =	sfence.sel $0xFFFF  }
0xcd: {  	[dreg:$0x0] =	wrdreg $0xFFFFFFFF;
	(pc) =	sbr.abs _section_cstart, $3  }
0xce: {  	[dreg:$0x1] =	wrdreg $0xFFFFFFFF  }
0xcf: {  	_ =	task.clear_ibuf [dreg:s22], $0x2FFFF;
	_ =	strace $0x9FFFFFFF  }
0xd0: {  	(tm) =	ssettm $0x7FFFFFFF  }
0xd1: {  	_ =	shalt  }
tec
execute0_lowered:
.L_overlay_start_1:
0x0: {  	(tag) =	ssettag $0x1  }
0x1: {  	s0 =	srdreg.scid;
	s5 =	rddreg [dreg:$0x0]  }
0x2: {  	s1 =	stileid.u32;
	s6 =	simm.s32 $0x1;
	s9 =	simm.s32 $0x1  }
0x3: {  	s10 =	simm.s32 $0x3;
	s13 =	simm.s32 $0x0;
	s2 =	sshll.u32 s0, $0x6  }
0x4: {  	s12 =	simm.s32 $0x0;
	s3 =	sshll.u32 s1, $0x7;
	s2 =	sand.u32 $0x40, s2  }
0x5: {  	s0 =	rddreg [dreg:$0x1];
	_ =	strace $0x8000004A;
	s2 =	sor.u32 s3, s2  }
0x6: {  	s4 =	sadd.s32 $0x200, s5;
	[sflag:s6] =	ssyncpa.u1 $0x0;
	s8 =	ssub.s32 $0x1000, s2  }
.Ltmp0:
0x7: {  	s3 =	sadd.s32 $0x600, s5;
	s7 =	sand.u32 $0x7C0, s8;
	(pc) =	sbr.rel .LBB2_1-.Ltmp0, $4  }
0x8: {  	s5 =	sadd.s32 $0x400, s5;
	s11 =	smov.u32 s2;
	p0 =	sne.s32 s7, $0x0  }
0x9: {  	s8 =	sshrl.u32 s8, $0xB;
	s7 =	simm.s32 $0x2;
	s9 =	simm.s32 @!p0 $0x0  }
0xa: {  	[sflag:s7] =	ssyncpa.u1 $0x0;
	p0 =	por $0x0, $0x0;
	s8 =	sadd.s32 s9, s8  }
0xb: {  	vm0 =	vmmov $0xffff;
	[sflag:s10] =	ssyncpa.u1 $0x0;
	s10 =	simm.s32 $0x0;
	s9 =	sadd.s32 $0x1, s8  }
.LBB2_4:
0xc: {  	v2 =	vnsel vm1, $0x0, v2  }
0xd: {  	vm1 =	vgt.s32 v0, $0x0;
	v2 =	vmin.u32 v2, $0xFFF  }
0xe: {  	v0 =	vnsel vm1, $0x0, v0  }
0xf: {  	v0 =	vmin.u32 v0, $0xFFF  }
0x10: {  	[tilespmem:s15], [sflag:$0x1] =	stream.indirect_vreg.gather [hbm4b:s3+s10], $0x1, v1, vm0, $0x4038;
	[tilespmem:$0x100] =	vst v63  }
0x11: {  	(ifvalue) =	ssetifvalue $0x7FFFFFFF  }
0x12: {  	[tilespmem:s16], [sflag:$0x1] =	stream.indirect_vreg.gather [hbm4b:s3+s10], $0x1, v2, vm0, $0x4038;
	[tilespmem:$0x100] =	vst v63  }
0x13: {  	s29 =	sadd.s32 $0x10, s16;
	(ifvalue) =	ssetifvalue $0x7FFFFFFF  }
0x14: {  	[tilespmem:s29], [sflag:$0x1] =	stream.indirect_vreg.gather [hbm4b:s3+s10], $0x1, v0, vm0, $0x4038;
	[tilespmem:$0x100] =	vst v63  }
0x15: {  	_ =	swait.ge [sflag:s6], $0x40  }
0x16: {  	s30 =	sshrl.u32 s13, $0x3;
	[sflag:s6] =	ssyncset.done $0x0  }
0x17: {  	s31 =	sand.u32 $0x7, s13;
	s15 =	sadd.s32 s5, s30;
	[sflag:s6] =	ssyncadd.s32 $0xFFFFFFC0  }
0x18: {  	[hbm4b:s15+s31] =	stream.linear.scatter [tilespmem:s14], [sflag:$0x3], $0x40, $0x38;
	[tilespmem:$0x100] =	vst v63  }
.LBB2_5:
0x19: {  	s15 =	sadd.s32 $0x800, s11  }
0x1a: {  	p2 =	sgt.s32 s15, $0xFFF  }
0x1b: {  	s15 =	smov.u32 @p2 s2;
	p2 =	sne.s32 s12, s9  }
.Ltmp1:
0x1c: {  	p1 =	slt.u32 s12, $0x2;
	(pc) =	sbr.rel @!p2 .LBB2_6-.Ltmp1, $4  }
0x1d: {  	s14 =	simm.s32 @!p1 $0x3  }
0x1e: {  	s16 =	sadd.s32 $0x1, s12;
	_ =	swait.ge @!p1 [sflag:s14], $0x40  }
0x1f: {  	s13 =	smov.u32 s11;
	p0 =	por !p0, !p0;
	[sflag:s14] =	ssyncset.done @!p1 $0x0  }
0x20: {  	s12 =	smov.u32 s16;
	s11 =	smov.u32 s15;
	[sflag:s14] =	ssyncadd.s32 @!p1 $0xFFFFFFC0  }
.LBB2_1:
0x21: {  	p1 =	sge.u32 s12, s8  }
0x22: {  	s14 =	sxor.u32 @!p1 $0xFFFFFFFF, s12  }
0x23: {  	s31 =	sadd.s32 $0xFFFFFFFF, s12;
	s15 =	sshrl.u32 @!p1 s11, $0x3;
	s14 =	sshll.u32 @!p1 s14, $0x6  }
0x24: {  	s16 =	sand.u32 @!p1 $0x7, s11;
	s15 =	sadd.s32 @!p1 s4, s15;
	s14 =	sand.u32 @!p1 $0x40, s14  }
0x25: {  	[tilespmem:s14], [sflag:$0x2] =	stream.linear.gather @!p1 [hbm4b:s15+s16], $0x40, $0x38;
	[tilespmem:$0x100] =	vst v63  }
0x26: {  	p1 =	sge.u32 s31, s8  }
.Ltmp2:
0x27: {  	_ = 	snop;
	(pc) =	sbr.rel @p1 .LBB2_5-.Ltmp2, $1  }
0x28: {  	_ =	sdelay $0x3  }
0x29: {  	s14 =	simm.s32 $0x1  }
0x2a: {  	_ =	swait.ge [sflag:s7], $0x40;
	s14 =	simm.s32 @!p0 $0x0  }
0x2b: {  	[sflag:s7] =	ssyncset.done $0x0;
	s14 =	sshll.u32 s14, $0x6  }
0x2c: {  	[sflag:s7] =	ssyncadd.s32 $0xFFFFFFC0;
	(ifvalue) =	ssetifvalue $0x7FFFFFFF;
	v0 =	vld.msk [tilespmem:s14+$0x0 ss:$0x1], $0xffff;
	_ =	sdelay $0x4  }
0x2d: {  	s15 =	sadd.s32 $0x10, s14;
	vm1 =	vgt.s32 v0, $0x0  }
0x2e: {  	v2 =	vld.msk [tilespmem:s15+$0x0 ss:$0x1], $0xffff;
	v1 =	vnsel vm1, $0x0, v0  }
0x2f: {  	v1 =	vmin.u32 v1, $0xFFF;
	_ =	sdelay $0x1  }
0x30: {  	s16 =	sshll.u32 s12, $0x6;
	s18 =	simm.s32 $0x20  }
0x31: {  	s16 =	sand.u32 $0x40, s16;
	s17 =	sadd.s32 $0x10, s15;
	s15 =	sor.u32 $0x80, s14  }
0x32: {  	s14 =	sor.u32 $0x80, s16;
	s16 =	sadd.s32 $0x10, s15;
	v0 =	vld.msk [tilespmem:s17+$0x0 ss:$0x1], $0xffff;
	vm1 =	vgt.s32 v2, $0x0;
	(ifvalue) =	ssetifvalue $0x7FFFFFFF  }
.LBB2_3:
0x33: {  	[tilespmem:s15], [sflag:$0x1] =	stream.indirect_vreg.gather [hbm4b:s3+s10], $0x1, v1, vm0, $0x4038;
	[tilespmem:$0x100] =	vst v63  }
0x34: {  	s18 =	sadd.s32 $0x10, s18  }
0x35: {  	v2 =	vnsel vm1, $0x0, v2;
	p1 =	slt.u32 s18, $0x30  }
.Ltmp3:
0x36: {  	s15 =	smov.u32 s16;
	v1 =	vmin.u32 v2, $0xFFF;
	(pc) =	sbr.rel @p1 .LBB2_3-.Ltmp3, $3  }
0x37: {  	_ =	sdelay $0x1  }
0x38: {  	s17 =	sadd.s32 $0x10, s17  }
0x39: {  	vm1 =	vgt.s32 v0, $0x0;
	s16 =	sadd.s32 $0x10, s16;
	v2 =	vmov v0;
	(ifvalue) =	ssetifvalue $0x7FFFFFFF;
	v0 =	vld.msk [tilespmem:s17+$0x0 ss:$0x1], $0xffff  }
.Ltmp4:
0x3a: {  	_ = 	snop;
	(pc) =	sbr.rel .LBB2_4-.Ltmp4, $1  }
0x3b: {  	_ =	sdelay $0x3  }
.LBB2_6:
0x3c: {  	_ =	sfence.sel $0x180000  }
0x3d: {  	s2 =	simm.s32 $0x2;
	[bflag:$0x0] =	sbarrier.arrive $0xFFFF  }
0x3e: {  	s30 =	simm.s32 $0x3;
	[sflag:s2] =	ssyncpa.u1 $0x1  }
0x3f: {  	s31 =	simm.s32 $0x1;
	[sflag:s30] =	ssyncpa.u1 $0x1  }
0x40: {  	[sflag:s31] =	ssyncpa.u1 $0x1  }
0x41: {  	p0 =	sne.s32 s1, $0x0;
	_ =	strace $0x9000004A  }
0x42: {  	s0 =	sadd.s32 @!p0 $0x100000, s0;
	[bflag:$0x2] =	sbarrier.arrive $0xFFFF  }
0x43: {  	[sflag:s0] =	ssyncadd.tile.s32 @!p0 $0x1;
	_ =	shalt  }
.Lfunc_end2:
_tile_overlayer_lowered:
.L_overlay_start_2:
0x44: {  	(tag) =	ssettag $0x2  }
0x45: {  	s0 =	rddreg [dreg:$0x0];
	s2 =	stileid.u32  }
0x46: {  	s1 =	rddreg [dreg:$0x1];
	p0 =	sne.s32 s2, $0x0  }
0x47: {  	s3 =	rddreg [dreg:$0x2];
	[bflag:$0x3] =	sbarrier.arrive $0xFFFF;
	s2 =	simm.s32 @!p0 $0x1C01  }
0x48: {  	[timem:s3], [sflag:s2] =	dma.local @!p0 [hbm:s0], s1  }
0x49: {  	s0 =	simm.s32 @!p0 $0x1  }
0x4a: {  	_ =	swait.ge @!p0 [sflag:s0], s1  }
0x4b: {  	s1 =	ssub.s32 @!p0 $0x0, s1;
	[sflag:s0] =	ssyncset.done @!p0 $0x0  }
0x4c: {  	[sflag:s0] =	ssyncadd.s32 @!p0 s1  }
0x4d: {  	[bflag:$0x3] =	sbarrier.arrive $0xFFFF  }
0x4e: {  	_ =	shalt  }

// kernel: kernel.12.cloned.1.call-start
scs
__scs_entry_jumppad:
0x0: {  	(pc) =	sbr.rel $0x88, $3  }
0x1: {  	(tag) =	ssettag $0x0;
	lr =	simm.s32 $0x1  }
0x2: {  	[smem:$0x3F9B] =	sst lr;
	_ =	strace $0xD0000000  }
0x3: {  	_ = 	snop  }
0x4: {  	_ = 	snop  }
0x5: {  	_ = 	snop  }
0x6: {  	_ = 	snop  }
0x7: {  	_ = 	snop  }
__scs_overlays_trampoline_lowered:
0x8: {  	[smem:$0x3FAA] =	sst s0  }
0x9: {  	[smem:$0x3FAB] =	sst s1  }
0xa: {  	[smem:$0x3FAC] =	sst s2  }
0xb: {  	[smem:$0x3FAD] =	sst s3  }
0xc: {  	[smem:$0x3FAE] =	sst s4  }
0xd: {  	[smem:$0x3FAF] =	sst s5  }
0xe: {  	[smem:$0x3FB0] =	sst s6  }
0xf: {  	[smem:$0x3FB1] =	sst s7  }
0x10: {  	[smem:$0x3FB2] =	sst s8  }
0x11: {  	[smem:$0x3FB3] =	sst s9;
	s0 =	simm.s32 @!p0 $0x0  }
0x12: {  	s1 =	sld [smem:$0x3F99];
	s0 =	simm.s32 @p0 $0x1  }
0x13: {  	[smem:$0x3FB4] =	sst s0;
	s0 =	simm.s32 @!p1 $0x0  }
0x14: {  	s2 =	sld [smem:$0x3F98];
	s0 =	simm.s32 @p1 $0x1  }
0x15: {  	[smem:$0x3FB5] =	sst s0;
	s0 =	simm.s32 @!p2 $0x0  }
0x16: {  	s3 =	sld [smem:$0x3FDB];
	s0 =	simm.s32 @p2 $0x1  }
0x17: {  	s4 =	simm.s32 $0x1BF5;
	[smem:$0x3FB7] =	sst s0  }
0x18: {  	s0 =	sld [smem:$0x3F9A];
	_ =	swait.ge [sflag:s4], $0x0  }
0x19: {  	s7 =	sld [smem:$0x3F9B]  }
0x1a: {  	s8 =	sadd.s32 $0xFFFFE003, lr  }
0x1b: {  	s9 =	sadd.s32 $0xFFFFFEF7, lr;
	s5 =	simm.s32 $0xFFFFFFFF;
	p2 =	slt.u32 s8, $0xFFFFF086  }
0x1c: {  	p1 =	slt.u32 s9, $0xF7A;
	s5 =	simm.s32 @!p2 $0x0  }
0x1d: {  	s5 =	simm.s32 @p1 $0x1;
	p0 =	seq.s32 s7, s2  }
0x1e: {  	s7 =	smul.u32 @!p0 $0xF7A, s2;
	p2 =	seq.s32 @!p0 s5, $0x0  }
0x1f: {  	s9 =	smul.u32 $0xF7A, s1;
	s8 =	simm.s32 @!p0 $0x1BF5;
	p2 =	por !p2, p0  }
0x20: {  	[sflag:s8] =	ssyncset.s32 @!p0 $0xFFFFF086;
	s6 =	sadd.s32 @!p0 s3, s7;
	s7 =	simm.s32 @!p0 $0x108  }
0x21: {  	s3 =	sadd.s32 s3, s9;
	s6 =	sadd.s32 @!p0 $0x88, s6;
	s7 =	simm.s32 @p2 $0x1082  }
0x22: {  	[simem:s7], [sflag:s8] =	dma.local @!p0 [hbm:s6], $0xF7A  }
0x23: {  	s9 =	sor.u32 $0xD0000000, s2;
	s6 =	simm.s32 $0x108;
	_ =	swait.ge @!p0 [sflag:s8], $0x0  }
0x24: {  	s3 =	sadd.s32 $0x88, s3;
	s6 =	simm.s32 @!p1 $0x1082;
	[sflag:s4] =	ssyncset.s32 $0xFFFFF086  }
0x25: {  	[simem:s6], [sflag:s4] =	dma.local [hbm:s3], $0xF7A  }
0x26: {  	[smem:$0x3F9B] =	sst s1;
	(tag) =	ssettag s2;
	_ =	strace s9  }
0x27: {  	s1 =	sld [smem:$0x3FAB]  }
0x28: {  	s2 =	sld [smem:$0x3FAC]  }
0x29: {  	s4 =	sld [smem:$0x3FAE]  }
0x2a: {  	p0 =	seq.s32 s5, $0x0;
	s5 =	sld [smem:$0x3FAF]  }
0x2b: {  	s6 =	sld [smem:$0x3FB0]  }
0x2c: {  	s7 =	sld [smem:$0x3FB1]  }
0x2d: {  	s3 =	simm.s32 $0x108;
	s8 =	sld [smem:$0x3FB2]  }
0x2e: {  	s3 =	simm.s32 @!p0 $0x1082;
	s9 =	sld [smem:$0x3FB3]  }
0x2f: {  	lr =	sadd.s32 s0, s3;
	s0 =	sld [smem:$0x3FAA]  }
0x30: {  	s3 =	sld [smem:$0x3FAD]  }
0x31: {  	[smem:$0x3FB6] =	sst s10  }
0x32: {  	s10 =	sld [smem:$0x3FB4];
	_ =	sdelay $0x3  }
0x33: {  	p0 =	seq.s32 s10, $0x1;
	s10 =	sld [smem:$0x3FB6];
	_ =	sdelay $0x3  }
0x34: {  	[smem:$0x3FB6] =	sst s10  }
0x35: {  	s10 =	sld [smem:$0x3FB5];
	_ =	sdelay $0x3  }
0x36: {  	p1 =	seq.s32 s10, $0x1;
	s10 =	sld [smem:$0x3FB6];
	_ =	sdelay $0x3  }
0x37: {  	[smem:$0x3FB6] =	sst s10  }
0x38: {  	s10 =	sld [smem:$0x3FB7]  }
0x39: {  	_ = 	snop;
	(pc) =	sbr.ind lr, $3  }
0x3a: {  	_ = 	snop  }
0x3b: {  	_ = 	snop  }
0x3c: {  	p2 =	seq.s32 s10, $0x1;
	s10 =	sld [smem:$0x3FB6]  }
0x3d: {  	_ =	shalt  }
0x3e: {  	_ =	shalt  }
0x3f: {  	_ =	shalt  }
0x40: {  	_ =	shalt  }
0x41: {  	_ =	shalt  }
0x42: {  	_ =	shalt  }
0x43: {  	_ =	shalt  }
0x44: {  	_ =	shalt  }
0x45: {  	_ =	shalt  }
0x46: {  	_ =	shalt  }
0x47: {  	_ =	shalt  }
0x48: {  	_ =	shalt  }
0x49: {  	_ =	shalt  }
0x4a: {  	_ =	shalt  }
0x4b: {  	_ =	shalt  }
0x4c: {  	_ =	shalt  }
0x4d: {  	_ =	shalt  }
0x4e: {  	_ =	shalt  }
0x4f: {  	_ =	shalt  }
0x50: {  	_ =	shalt  }
0x51: {  	_ =	shalt  }
0x52: {  	_ =	shalt  }
0x53: {  	_ =	shalt  }
0x54: {  	_ =	shalt  }
0x55: {  	_ =	shalt  }
0x56: {  	_ =	shalt  }
0x57: {  	_ =	shalt  }
0x58: {  	_ =	shalt  }
0x59: {  	_ =	shalt  }
0x5a: {  	_ =	shalt  }
0x5b: {  	_ =	shalt  }
0x5c: {  	_ =	shalt  }
0x5d: {  	_ =	shalt  }
0x5e: {  	_ =	shalt  }
0x5f: {  	_ =	shalt  }
0x60: {  	_ =	shalt  }
0x61: {  	_ =	shalt  }
0x62: {  	_ =	shalt  }
0x63: {  	_ =	shalt  }
0x64: {  	_ =	shalt  }
0x65: {  	_ =	shalt  }
0x66: {  	_ =	shalt  }
0x67: {  	_ =	shalt  }
0x68: {  	_ =	shalt  }
0x69: {  	_ =	shalt  }
0x6a: {  	_ =	shalt  }
0x6b: {  	_ =	shalt  }
0x6c: {  	_ =	shalt  }
0x6d: {  	_ =	shalt  }
0x6e: {  	_ =	shalt  }
0x6f: {  	_ =	shalt  }
0x70: {  	_ =	shalt  }
0x71: {  	_ =	shalt  }
0x72: {  	_ =	shalt  }
0x73: {  	_ =	shalt  }
0x74: {  	_ =	shalt  }
0x75: {  	_ =	shalt  }
0x76: {  	_ =	shalt  }
0x77: {  	_ =	shalt  }
0x78: {  	_ =	shalt  }
0x79: {  	_ =	shalt  }
0x7a: {  	_ =	shalt  }
0x7b: {  	_ =	shalt  }
0x7c: {  	_ =	shalt  }
0x7d: {  	_ =	shalt  }
0x7e: {  	_ =	shalt  }
0x7f: {  	_ =	shalt  }
0x80: {  	_ =	shalt  }
0x81: {  	_ =	shalt  }
0x82: {  	_ =	shalt  }
0x83: {  	_ =	shalt  }
0x84: {  	_ =	shalt  }
0x85: {  	_ =	shalt  }
0x86: {  	_ =	shalt  }
0x87: {  	_ =	shalt  }
.Lfunc_end0:
.L_simem_size_0:
called_computation.2_lowered:
.L_overlay_start_0:
0x88: {  	s2 =	sld [smem:$0x3FD9]  }
0x89: {  	s3 =	sld [smem:$0x3FFE];
	_ =	sdelay $0x1  }
0x8a: {  	s1 =	srdreg.scid  }
0x8b: {  	s0 =	sand.u32 $0x1, s1  }
0x8c: {  	s17 =	sshll.u32 s0, $0xA;
	s2 =	sadd.s32 s3, s2  }
0x8d: {  	s2 =	sadd.s32 s2, s17  }
0x8e: {  	[smem:$0x3FC2] =	sst s2  }
0x8f: {  	_ = 	snop  }
0x90: {  	s2 =	sld [smem:$0x3FC9]  }
0x91: {  	s18 =	sld [smem:$0x3FD0];
	(tm) =	ssettm $0x1  }
0x92: {  	s4 =	sld [smem:$0x3FFB];
	_ =	sdelay $0x3  }
0x93: {  	_ =	strace s4  }
0x94: {  	s4 =	sld [smem:$0x3FFC];
	_ =	sdelay $0x3  }
0x95: {  	_ =	strace s4  }
0x96: {  	s4 =	sld [smem:$0x3FFD];
	_ =	sdelay $0x3  }
0x97: {  	_ =	strace s4  }
0x98: {  	_ =	strace $0x8FFFFFFF  }
0x99: {  	s19 =	sld [smem:$0x3FDB];
	_ =	sdelay $0x1  }
0x9a: {  	s5 =	simm.s32 $_scs_section_size  }
0x9b: {  	s6 =	simm.s32 $_size__tile_overlayer_lowered;
	s7 =	simm.s32 $_tile_overlayer_lowered  }
0x9c: {  	s22 =	simm.s32 $0x1BFF;
	s21 =	sshll.u32 s7, $0x1;
	s4 =	sadd.s32 s5, s19  }
0x9d: {  	s8 =	simm.s32 $0x0;
	s20 =	sshll.u32 s6, $0x1;
	s6 =	sadd.s32 s21, s4  }
0x9e: {  	[timem:s8], [sflag:s22] =	dma.local [hbm:s6], s20  }
0x9f: {  	_ =	swait.ge [sflag:s22], s20  }
0xa0: {  	s5 =	ssub.s32 $0x0, s20;
	[sflag:s22] =	ssyncset.done $0x0  }
0xa1: {  	[sflag:s22] =	ssyncadd.s32 s5;
	_ =	sdelay $0x1  }
0xa2: {  	s23 =	simm.s32 $0x1B8B  }
0xa3: {  	_ =	swait.ge [sflag:s23], $0x1  }
0xa4: {  	[sflag:s23] =	ssyncset.done $0x0  }
0xa5: {  	s25 =	simm.s32 $0x1B8E;
	s24 =	sld [smem:$0x3FFE];
	[sflag:s23] =	ssyncadd.s32 $0xFFFFFFFF  }
0xa6: {  	s26 =	simm.s32 $execute0_lowered;
	[smem:$0x3FD2] =	sst s25  }
0xa7: {  	s6 =	sshll.u32 s26, $0x1;
	_ =	strace $0x80000046;
	[dreg:$0x1] =	wrdreg $0xFFFFFFFF  }
0xa8: {  	s28 =	simm.s32 $_size_execute0_lowered;
	s4 =	sadd.s32 s4, s6;
	[dreg:$0x0] =	wrdreg $0x0  }
0xa9: {  	s6 =	sshll.u32 s28, $0x1;
	[dreg:$0x2] =	wrdreg s4  }
0xaa: {  	[dreg:$0x3] =	wrdreg s6  }
0xab: {  	[dreg:$0x4] =	wrdreg $0xC0  }
0xac: {  	_ =	task [dreg:s8], $0x5FFFF  }
0xad: {  	[dreg:$0x1] =	wrdreg $0xFFFFFFFF  }
0xae: {  	[dreg:$0x0] =	wrdreg $0x60  }
0xaf: {  	[dreg:$0x2] =	wrdreg s2  }
0xb0: {  	[dreg:$0x3] =	wrdreg s24  }
0xb1: {  	[dreg:$0x4] =	wrdreg s18  }
0xb2: {  	[dreg:$0x5] =	wrdreg $0xA  }
0xb3: {  	_ =	task.clear_ibuf [dreg:s8], $0x6FFFF;
	_ =	strace $0x90000046  }
0xb4: {  	s29 =	simm.s32 $0xA;
	_ =	strace $0x80000048  }
0xb5: {  	_ =	swait.ge [sflag:s29], $0x1  }
0xb6: {  	[sflag:s29] =	ssyncadd.s32 $0xFFFFFFFF  }
0xb7: {  	_ =	strace $0x90000048  }
0xb8: {  	_ =	sfence  }
0xb9: {  	s30 =	sld [smem:$0x0];
	_ =	sdelay $0x2  }
0xba: {  	s31 =	sshll.u32 s1, $0xD;
	s1 =	sshrl.u32 s1, $0x2  }
0xbb: {  	s3 =	sand.u32 $0x4000, s31;
	s1 =	sadd.s32 s1, s30  }
0xbc: {  	s0 =	sor.u32 s3, s0;
	s1 =	sshll.u32 s1, $0x11  }
0xbd: {  	s0 =	sor.u32 s1, s0  }
0xbe: {  	s0 =	sadd.s32 $0x8F2B, s0  }
0xbf: {  	[sflag:s0] =	ssyncadd.remote.s32 $0x1  }
0xc0: {  	_ =	sfence.sel $0xFFFF  }
0xc1: {  	[dreg:$0x0] =	wrdreg $0xFFFFFFFF;
	(pc) =	sbr.abs _section_cstart, $3  }
0xc2: {  	[dreg:$0x1] =	wrdreg $0xFFFFFFFF  }
0xc3: {  	_ =	task.clear_ibuf [dreg:s8], $0x2FFFF;
	_ =	strace $0x9FFFFFFF  }
0xc4: {  	(tm) =	ssettm $0x7FFFFFFF  }
0xc5: {  	_ =	shalt  }
tec
execute0_lowered:
.L_overlay_start_1:
0x0: {  	(tag) =	ssettag $0x1  }
0x1: {  	s1 =	rddreg [dreg:$0x0]  }
0x2: {  	s2 =	srdreg.scid;
	s0 =	stileid.u32  }
0x3: {  	s4 =	rddreg [dreg:$0x1];
	s2 =	sand.u32 $0x1, s2;
	s3 =	sshll.u32 s0, $0x1  }
0x4: {  	s5 =	rddreg [dreg:$0x2];
	s6 =	sor.u32 s2, s3;
	s3 =	simm.s32 $0x0  }
0x5: {  	s24 =	simm.s32 $0x880;
	[smem:$0x7FF] =	sst s3  }
0x6: {  	s25 =	simm.s32 $0x1080;
	_ =	strace $0x80000047;
	[dreg:$0x6] =	wrdreg s24  }
0x7: {  	s26 =	simm.s32 $0x1880;
	[dreg:$0x7] =	wrdreg s25  }
0x8: {  	s0 =	simm.s32 $0x2080;
	[dreg:$0x8] =	wrdreg s26  }
0x9: {  	s8 =	simm.s32 $0x4080;
	[dreg:$0x9] =	wrdreg s0  }
0xa: {  	s9 =	simm.s32 $0x4880;
	[dreg:$0xd] =	wrdreg s8  }
0xb: {  	s10 =	simm.s32 $0x5080;
	[dreg:$0xe] =	wrdreg s9  }
0xc: {  	s11 =	simm.s32 $0x5880;
	[dreg:$0xf] =	wrdreg s10  }
0xd: {  	s12 =	simm.s32 $0x6080;
	[dreg:$0x10] =	wrdreg s11  }
0xe: {  	s13 =	simm.s32 $0x6880;
	[dreg:$0x11] =	wrdreg s12  }
0xf: {  	s14 =	simm.s32 $0x7080;
	[dreg:$0x12] =	wrdreg s13  }
0x10: {  	s15 =	simm.s32 $0x7880;
	s16 =	simm.s32 $0x8080;
	[dreg:$0x13] =	wrdreg s14  }
0x11: {  	s17 =	simm.s32 $0x8880;
	s18 =	simm.s32 $0x9080;
	[dreg:$0x14] =	wrdreg s15  }
0x12: {  	s19 =	simm.s32 $0x9880;
	s20 =	simm.s32 $0xA080;
	[dreg:$0x15] =	wrdreg s16  }
0x13: {  	s22 =	simm.s32 $0xA880;
	s28 =	simm.s32 $0x16080;
	[dreg:$0x16] =	wrdreg s17  }
0x14: {  	s29 =	simm.s32 $0x16880;
	s30 =	simm.s32 $0x17080;
	[dreg:$0x17] =	wrdreg s18  }
0x15: {  	s31 =	simm.s32 $0x17880;
	s2 =	ssub.s32 $0x2, s2;
	[dreg:$0x18] =	wrdreg s19  }
0x16: {  	s7 =	smul.u32 $0x6, s6;
	s21 =	sshrl.u32 s2, $0x1;
	[dreg:$0x19] =	wrdreg s20  }
0x17: {  	s6 =	smul.u32 $0x3000, s6;
	s2 =	ssub.s32 s2, s21;
	[dreg:$0x1a] =	wrdreg s22  }
0x18: {  	s24 =	simm.s32 $0xB880;
	s25 =	simm.s32 $0xC080;
	s8 =	simm.s32 $0xC880  }
0x19: {  	s9 =	simm.s32 $0xD080;
	s10 =	simm.s32 $0xD880;
	s11 =	simm.s32 $0xE080  }
0x1a: {  	s12 =	simm.s32 $0xE880;
	s26 =	simm.s32 $0xF080;
	[dreg:$0x1c] =	wrdreg s24  }
0x1b: {  	s13 =	simm.s32 $0x80;
	s15 =	simm.s32 $0x10080;
	[dreg:$0x1d] =	wrdreg s25  }
0x1c: {  	s16 =	simm.s32 $0x10880;
	s17 =	simm.s32 $0x11080;
	[dreg:$0x1e] =	wrdreg s8  }
0x1d: {  	s18 =	simm.s32 $0x11880;
	s19 =	simm.s32 $0x12080;
	[dreg:$0x1f] =	wrdreg s9  }
0x1e: {  	s20 =	simm.s32 $0x12880;
	s21 =	simm.s32 $0x13080;
	[smem:$0x7FA] =	sst s10  }
0x1f: {  	s22 =	simm.s32 $0x13880;
	s4 =	sadd.s32 s4, s7;
	[smem:$0x7FB] =	sst s11  }
0x20: {  	s23 =	sadd.s32 s5, s6;
	s5 =	simm.s32 $0x2880;
	[smem:$0x7FC] =	sst s12  }
0x21: {  	s6 =	simm.s32 $0x3080;
	s7 =	simm.s32 $0x3880;
	[smem:$0x7FD] =	sst s26  }
0x22: {  	s8 =	sadd.s32 $0x500, s1;
	s9 =	sadd.s32 $0x600, s1;
	[dreg:$0x4] =	wrdreg s4  }
0x23: {  	s10 =	sadd.s32 $0x700, s1;
	s11 =	smax.u32 s2, $0x1;
	[dreg:$0x5] =	wrdreg s23  }
0x24: {  	s12 =	simm.s32 $0x2;
	s24 =	simm.s32 $0x14880;
	[dreg:$0xa] =	wrdreg s5  }
0x25: {  	s25 =	simm.s32 $0x15080;
	s26 =	simm.s32 $0x15880;
	[dreg:$0xb] =	wrdreg s6  }
0x26: {  	v2 =	vlaneseq.u32;
	s2 =	simm.s32 $0x1;
	[dreg:$0xc] =	wrdreg s7;
	s23 =	simm.s32 $0xB080  }
0x27: {  	vm0 =	vmmov $0xffff;
	v1 =	vshrl.u32 v2, $0x3;
	s4 =	sadd.s32 $0x100, s1;
	s5 =	sadd.s32 $0x200, s1;
	s6 =	sadd.s32 $0x300, s1  }
0x28: {  	v0 =	vand.u32 $0x7, v2;
	v2 =	vor.u32 $0x8, v2;
	v1 =	vmul.u32 $0x8, v1;
	s7 =	sadd.s32 $0x400, s1;
	[dreg:$0x1b] =	wrdreg s23;
	s23 =	simm.s32 $0x14080  }
.LBB2_1:
0x29: {  	s0 =	rddreg [dreg:$0x4]  }
0x2a: {  	[tilespmem:s3], [sflag:$0x2] =	stream.linear.gather [hbm4b:s0+s3], $0x30, $0x38;
	[tilespmem:$0x18080] =	vst v63  }
0x2b: {  	_ =	swait.ge [sflag:s12], $0x30  }
0x2c: {  	[sflag:s12] =	ssyncset.done $0x0  }
0x2d: {  	[sflag:s12] =	ssyncadd.s32 $0xFFFFFFD0  }
0x2e: {  	v3 =	vld [tilespmem:$0x0];
	_ =	sdelay $0x4  }
0x2f: {  	v4 =	vshll.u32 v3, $0x4  }
0x30: {  	v3 =	vand.u32 $0x7, v3;
	v4 =	vand.u32 $0xFFFFFF80, v4  }
0x31: {  	v3 =	vor.u32 v3, v4  }
0x32: {  	v4 =	vperm.xlane v3, v0;
	_ =	sdelay $0x1  }
0x33: {  	v4 =	vadd.s32 v1, v4;
	_ =	sdelay $0x4  }
0x34: {  	[tilespmem:s13], [sflag:$0x1] =	stream.indirect_vreg.gather [hbm4b:s1+s3], $0x80, v4, vm0, $0xb8;
	[tilespmem:$0x18080] =	vst v63  }
0x35: {  	s0 =	rddreg [dreg:$0x6]  }
0x36: {  	[tilespmem:s0], [sflag:$0x1] =	stream.indirect_vreg.gather [hbm4b:s4+s3], $0x80, v4, vm0, $0xb8;
	[tilespmem:$0x18080] =	vst v63  }
0x37: {  	s14 =	rddreg [dreg:$0x7]  }
0x38: {  	[tilespmem:s14], [sflag:$0x1] =	stream.indirect_vreg.gather [hbm4b:s5+s3], $0x80, v4, vm0, $0xb8;
	[tilespmem:$0x18080] =	vst v63  }
0x39: {  	s0 =	rddreg [dreg:$0x8]  }
0x3a: {  	[tilespmem:s0], [sflag:$0x1] =	stream.indirect_vreg.gather [hbm4b:s6+s3], $0x80, v4, vm0, $0xb8;
	[tilespmem:$0x18080] =	vst v63  }
0x3b: {  	s14 =	rddreg [dreg:$0x9]  }
0x3c: {  	[tilespmem:s14], [sflag:$0x1] =	stream.indirect_vreg.gather [hbm4b:s7+s3], $0x80, v4, vm0, $0xb8;
	[tilespmem:$0x18080] =	vst v63  }
0x3d: {  	v3 =	vperm.xlane v3, v2;
	s0 =	rddreg [dreg:$0xa]  }
0x3e: {  	[tilespmem:s0], [sflag:$0x1] =	stream.indirect_vreg.gather [hbm4b:s8+s3], $0x80, v4, vm0, $0xb8;
	[tilespmem:$0x18080] =	vst v63  }
0x3f: {  	v3 =	vadd.s32 v1, v3;
	s14 =	rddreg [dreg:$0xb]  }
0x40: {  	[tilespmem:s14], [sflag:$0x1] =	stream.indirect_vreg.gather [hbm4b:s9+s3], $0x80, v4, vm0, $0xb8;
	[tilespmem:$0x18080] =	vst v63  }
0x41: {  	s0 =	rddreg [dreg:$0xc]  }
0x42: {  	[tilespmem:s0], [sflag:$0x1] =	stream.indirect_vreg.gather [hbm4b:s10+s3], $0x80, v4, vm0, $0xb8;
	[tilespmem:$0x18080] =	vst v63  }
0x43: {  	s14 =	rddreg [dreg:$0xd]  }
0x44: {  	[tilespmem:s14], [sflag:$0x1] =	stream.indirect_vreg.gather [hbm4b:s1+s3], $0x80, v3, vm0, $0xb8;
	[tilespmem:$0x18080] =	vst v63  }
0x45: {  	s0 =	rddreg [dreg:$0xe]  }
0x46: {  	[tilespmem:s0], [sflag:$0x1] =	stream.indirect_vreg.gather [hbm4b:s4+s3], $0x80, v3, vm0, $0xb8;
	[tilespmem:$0x18080] =	vst v63  }
0x47: {  	s14 =	rddreg [dreg:$0xf]  }
0x48: {  	[tilespmem:s14], [sflag:$0x1] =	stream.indirect_vreg.gather [hbm4b:s5+s3], $0x80, v3, vm0, $0xb8;
	[tilespmem:$0x18080] =	vst v63  }
0x49: {  	s0 =	rddreg [dreg:$0x10]  }
0x4a: {  	[tilespmem:s0], [sflag:$0x1] =	stream.indirect_vreg.gather [hbm4b:s6+s3], $0x80, v3, vm0, $0xb8;
	[tilespmem:$0x18080] =	vst v63  }
0x4b: {  	s14 =	rddreg [dreg:$0x11]  }
0x4c: {  	[tilespmem:s14], [sflag:$0x1] =	stream.indirect_vreg.gather [hbm4b:s7+s3], $0x80, v3, vm0, $0xb8;
	[tilespmem:$0x18080] =	vst v63  }
0x4d: {  	s0 =	rddreg [dreg:$0x12]  }
0x4e: {  	[tilespmem:s0], [sflag:$0x1] =	stream.indirect_vreg.gather [hbm4b:s8+s3], $0x80, v3, vm0, $0xb8;
	[tilespmem:$0x18080] =	vst v63  }
0x4f: {  	s14 =	rddreg [dreg:$0x13]  }
0x50: {  	[tilespmem:s14], [sflag:$0x1] =	stream.indirect_vreg.gather [hbm4b:s9+s3], $0x80, v3, vm0, $0xb8;
	[tilespmem:$0x18080] =	vst v63  }
0x51: {  	s0 =	rddreg [dreg:$0x14]  }
0x52: {  	[tilespmem:s0], [sflag:$0x1] =	stream.indirect_vreg.gather [hbm4b:s10+s3], $0x80, v3, vm0, $0xb8;
	[tilespmem:$0x18080] =	vst v63  }
0x53: {  	v3 =	vld [tilespmem:$0x10];
	_ =	sdelay $0x4  }
0x54: {  	v62 =	vshll.u32 v3, $0x4  }
0x55: {  	v3 =	vand.u32 $0x7, v3;
	v4 =	vand.u32 $0xFFFFFF80, v62  }
0x56: {  	v3 =	vor.u32 v3, v4  }
0x57: {  	v4 =	vperm.xlane v3, v0;
	_ =	sdelay $0x1  }
0x58: {  	v4 =	vadd.s32 v1, v4;
	_ =	sdelay $0x2  }
0x59: {  	s14 =	rddreg [dreg:$0x16]  }
0x5a: {  	s0 =	rddreg [dreg:$0x15]  }
0x5b: {  	[tilespmem:s0], [sflag:$0x1] =	stream.indirect_vreg.gather [hbm4b:s1+s3], $0x80, v4, vm0, $0xb8;
	[tilespmem:$0x18080] =	vst v63  }
0x5c: {  	s0 =	rddreg [dreg:$0x17]  }
0x5d: {  	[tilespmem:s14], [sflag:$0x1] =	stream.indirect_vreg.gather [hbm4b:s4+s3], $0x80, v4, vm0, $0xb8;
	[tilespmem:$0x18080] =	vst v63  }
0x5e: {  	s14 =	rddreg [dreg:$0x18]  }
0x5f: {  	[tilespmem:s0], [sflag:$0x1] =	stream.indirect_vreg.gather [hbm4b:s5+s3], $0x80, v4, vm0, $0xb8;
	[tilespmem:$0x18080] =	vst v63  }
0x60: {  	s0 =	rddreg [dreg:$0x19]  }
0x61: {  	[tilespmem:s14], [sflag:$0x1] =	stream.indirect_vreg.gather [hbm4b:s6+s3], $0x80, v4, vm0, $0xb8;
	[tilespmem:$0x18080] =	vst v63  }
0x62: {  	s14 =	rddreg [dreg:$0x1a]  }
0x63: {  	[tilespmem:s0], [sflag:$0x1] =	stream.indirect_vreg.gather [hbm4b:s7+s3], $0x80, v4, vm0, $0xb8;
	[tilespmem:$0x18080] =	vst v63  }
0x64: {  	v3 =	vperm.xlane v3, v2;
	s0 =	rddreg [dreg:$0x1b]  }
0x65: {  	[tilespmem:s14], [sflag:$0x1] =	stream.indirect_vreg.gather [hbm4b:s8+s3], $0x80, v4, vm0, $0xb8;
	[tilespmem:$0x18080] =	vst v63  }
0x66: {  	v3 =	vadd.s32 v1, v3;
	s14 =	rddreg [dreg:$0x1c]  }
0x67: {  	[tilespmem:s0], [sflag:$0x1] =	stream.indirect_vreg.gather [hbm4b:s9+s3], $0x80, v4, vm0, $0xb8;
	[tilespmem:$0x18080] =	vst v63  }
0x68: {  	s0 =	rddreg [dreg:$0x1d]  }
0x69: {  	[tilespmem:s14], [sflag:$0x1] =	stream.indirect_vreg.gather [hbm4b:s10+s3], $0x80, v4, vm0, $0xb8;
	[tilespmem:$0x18080] =	vst v63  }
0x6a: {  	s14 =	rddreg [dreg:$0x1e]  }
0x6b: {  	[tilespmem:s0], [sflag:$0x1] =	stream.indirect_vreg.gather [hbm4b:s1+s3], $0x80, v3, vm0, $0xb8;
	[tilespmem:$0x18080] =	vst v63  }
0x6c: {  	s0 =	rddreg [dreg:$0x1f]  }
0x6d: {  	[tilespmem:s14], [sflag:$0x1] =	stream.indirect_vreg.gather [hbm4b:s4+s3], $0x80, v3, vm0, $0xb8;
	[tilespmem:$0x18080] =	vst v63  }
0x6e: {  	s14 =	sld [smem:$0x7FA]  }
0x6f: {  	[tilespmem:s0], [sflag:$0x1] =	stream.indirect_vreg.gather [hbm4b:s5+s3], $0x80, v3, vm0, $0xb8;
	[tilespmem:$0x18080] =	vst v63  }
0x70: {  	s0 =	sld [smem:$0x7FB]  }
0x71: {  	[tilespmem:s14], [sflag:$0x1] =	stream.indirect_vreg.gather [hbm4b:s6+s3], $0x80, v3, vm0, $0xb8;
	[tilespmem:$0x18080] =	vst v63  }
0x72: {  	s14 =	sld [smem:$0x7FC]  }
0x73: {  	[tilespmem:s0], [sflag:$0x1] =	stream.indirect_vreg.gather [hbm4b:s7+s3], $0x80, v3, vm0, $0xb8;
	[tilespmem:$0x18080] =	vst v63  }
0x74: {  	s0 =	sld [smem:$0x7FD]  }
0x75: {  	[tilespmem:s14], [sflag:$0x1] =	stream.indirect_vreg.gather [hbm4b:s8+s3], $0x80, v3, vm0, $0xb8;
	[tilespmem:$0x18080] =	vst v63  }
0x76: {  	_ = 	snop  }
0x77: {  	[tilespmem:s0], [sflag:$0x1] =	stream.indirect_vreg.gather [hbm4b:s9+s3], $0x80, v3, vm0, $0xb8;
	[tilespmem:$0x18080] =	vst v63  }
0x78: {  	s14 =	simm.s32 $0xF880  }
0x79: {  	[tilespmem:s14], [sflag:$0x1] =	stream.indirect_vreg.gather [hbm4b:s10+s3], $0x80, v3, vm0, $0xb8;
	[tilespmem:$0x18080] =	vst v63  }
0x7a: {  	v3 =	vld [tilespmem:$0x20];
	_ =	sdelay $0x4  }
0x7b: {  	v63 =	vshll.u32 v3, $0x4  }
0x7c: {  	v3 =	vand.u32 $0x7, v3;
	v4 =	vand.u32 $0xFFFFFF80, v63  }
0x7d: {  	v3 =	vor.u32 v3, v4  }
0x7e: {  	v4 =	vperm.xlane v3, v0;
	_ =	sdelay $0x1  }
0x7f: {  	v4 =	vadd.s32 v1, v4;
	_ =	sdelay $0x4  }
0x80: {  	[tilespmem:s15], [sflag:$0x1] =	stream.indirect_vreg.gather [hbm4b:s1+s3], $0x80, v4, vm0, $0xb8;
	[tilespmem:$0x18080] =	vst v63  }
0x81: {  	_ = 	snop  }
0x82: {  	[tilespmem:s16], [sflag:$0x1] =	stream.indirect_vreg.gather [hbm4b:s4+s3], $0x80, v4, vm0, $0xb8;
	[tilespmem:$0x18080] =	vst v63  }
0x83: {  	_ = 	snop  }
0x84: {  	[tilespmem:s17], [sflag:$0x1] =	stream.indirect_vreg.gather [hbm4b:s5+s3], $0x80, v4, vm0, $0xb8;
	[tilespmem:$0x18080] =	vst v63  }
0x85: {  	_ = 	snop  }
0x86: {  	[tilespmem:s18], [sflag:$0x1] =	stream.indirect_vreg.gather [hbm4b:s6+s3], $0x80, v4, vm0, $0xb8;
	[tilespmem:$0x18080] =	vst v63  }
0x87: {  	_ = 	snop  }
0x88: {  	[tilespmem:s19], [sflag:$0x1] =	stream.indirect_vreg.gather [hbm4b:s7+s3], $0x80, v4, vm0, $0xb8;
	[tilespmem:$0x18080] =	vst v63  }
0x89: {  	v3 =	vperm.xlane v3, v2  }
0x8a: {  	[tilespmem:s20], [sflag:$0x1] =	stream.indirect_vreg.gather [hbm4b:s8+s3], $0x80, v4, vm0, $0xb8;
	[tilespmem:$0x18080] =	vst v63  }
0x8b: {  	v3 =	vadd.s32 v1, v3  }
0x8c: {  	[tilespmem:s21], [sflag:$0x1] =	stream.indirect_vreg.gather [hbm4b:s9+s3], $0x80, v4, vm0, $0xb8;
	[tilespmem:$0x18080] =	vst v63  }
0x8d: {  	_ = 	snop  }
0x8e: {  	[tilespmem:s22], [sflag:$0x1] =	stream.indirect_vreg.gather [hbm4b:s10+s3], $0x80, v4, vm0, $0xb8;
	[tilespmem:$0x18080] =	vst v63  }
0x8f: {  	_ = 	snop  }
0x90: {  	[tilespmem:s23], [sflag:$0x1] =	stream.indirect_vreg.gather [hbm4b:s1+s3], $0x80, v3, vm0, $0xb8;
	[tilespmem:$0x18080] =	vst v63  }
0x91: {  	_ = 	snop  }
0x92: {  	[tilespmem:s24], [sflag:$0x1] =	stream.indirect_vreg.gather [hbm4b:s4+s3], $0x80, v3, vm0, $0xb8;
	[tilespmem:$0x18080] =	vst v63  }
0x93: {  	_ = 	snop  }
0x94: {  	[tilespmem:s25], [sflag:$0x1] =	stream.indirect_vreg.gather [hbm4b:s5+s3], $0x80, v3, vm0, $0xb8;
	[tilespmem:$0x18080] =	vst v63  }
0x95: {  	_ = 	snop  }
0x96: {  	[tilespmem:s26], [sflag:$0x1] =	stream.indirect_vreg.gather [hbm4b:s6+s3], $0x80, v3, vm0, $0xb8;
	[tilespmem:$0x18080] =	vst v63  }
0x97: {  	_ = 	snop  }
0x98: {  	[tilespmem:s28], [sflag:$0x1] =	stream.indirect_vreg.gather [hbm4b:s7+s3], $0x80, v3, vm0, $0xb8;
	[tilespmem:$0x18080] =	vst v63  }
0x99: {  	_ = 	snop  }
0x9a: {  	[tilespmem:s29], [sflag:$0x1] =	stream.indirect_vreg.gather [hbm4b:s8+s3], $0x80, v3, vm0, $0xb8;
	[tilespmem:$0x18080] =	vst v63  }
0x9b: {  	_ = 	snop  }
0x9c: {  	[tilespmem:s30], [sflag:$0x1] =	stream.indirect_vreg.gather [hbm4b:s9+s3], $0x80, v3, vm0, $0xb8;
	[tilespmem:$0x18080] =	vst v63  }
0x9d: {  	_ = 	snop  }
0x9e: {  	[tilespmem:s31], [sflag:$0x1] =	stream.indirect_vreg.gather [hbm4b:s10+s3], $0x80, v3, vm0, $0xb8;
	[tilespmem:$0x18080] =	vst v63  }
0x9f: {  	_ =	swait.ge [sflag:s2], $0x18000  }
0xa0: {  	p0 =	sne.s32 s11, $0x1;
	[sflag:s2] =	ssyncset.done $0x0  }
.Ltmp0:
0xa1: {  	s14 =	rddreg [dreg:$0x5];
	[sflag:s2] =	ssyncadd.s32 $0xFFFE8000;
	(pc) =	sbr.rel @p0 .LBB2_1-.Ltmp0, $4  }
0xa2: {  	[hbm4b:s14+s3] =	stream.linear.scatter [tilespmem:s13], [sflag:$0x2], $0x18000, $0x38;
	[tilespmem:$0x18080] =	vst v63  }
0xa3: {  	_ =	swait.ge [sflag:s12], $0x18000  }
0xa4: {  	[sflag:s12] =	ssyncset.done $0x0  }
0xa5: {  	s11 =	sadd.s32 $0xFFFFFFFF, s11;
	[sflag:s12] =	ssyncadd.s32 $0xFFFE8000  }
0xa6: {  	_ =	sfence.sel $0x180000  }
0xa7: {  	[bflag:$0x0] =	sbarrier.arrive $0xFFFF  }
0xa8: {  	_ =	strace $0x90000047  }
0xa9: {  	s0 =	stileid.u32;
	[bflag:$0x2] =	sbarrier.arrive $0xFFFF  }
0xaa: {  	p0 =	sne.s32 s0, $0x0;
	s0 =	rddreg [dreg:$0x3]  }
0xab: {  	s0 =	sadd.s32 @!p0 $0x100000, s0  }
0xac: {  	[sflag:s0] =	ssyncadd.tile.s32 @!p0 $0x1;
	_ =	shalt  }
.Lfunc_end2:
_tile_overlayer_lowered:
.L_overlay_start_2:
0xad: {  	(tag) =	ssettag $0x2  }
0xae: {  	s0 =	rddreg [dreg:$0x0];
	s2 =	stileid.u32  }
0xaf: {  	s1 =	rddreg [dreg:$0x1];
	p0 =	sne.s32 s2, $0x0  }
0xb0: {  	s3 =	rddreg [dreg:$0x2];
	[bflag:$0x3] =	sbarrier.arrive $0xFFFF;
	s2 =	simm.s32 @!p0 $0x1C02  }
0xb1: {  	[timem:s3], [sflag:s2] =	dma.local @!p0 [hbm:s0], s1  }
0xb2: {  	s0 =	simm.s32 @!p0 $0x2  }
0xb3: {  	_ =	swait.ge @!p0 [sflag:s0], s1  }
0xb4: {  	s1 =	ssub.s32 @!p0 $0x0, s1;
	[sflag:s0] =	ssyncset.done @!p0 $0x0  }
0xb5: {  	[sflag:s0] =	ssyncadd.s32 @!p0 s1  }
0xb6: {  	[bflag:$0x3] =	sbarrier.arrive $0xFFFF  }
0xb7: {  	_ =	shalt  }

// kernel: kernel.15.cloned.1.call-start
scs
__scs_entry_jumppad:
0x0: {  	(pc) =	sbr.rel $0x88, $3  }
0x1: {  	(tag) =	ssettag $0x0;
	lr =	simm.s32 $0x1  }
0x2: {  	[smem:$0x3F9B] =	sst lr;
	_ =	strace $0xD0000000  }
0x3: {  	_ = 	snop  }
0x4: {  	_ = 	snop  }
0x5: {  	_ = 	snop  }
0x6: {  	_ = 	snop  }
0x7: {  	_ = 	snop  }
__scs_overlays_trampoline_lowered:
0x8: {  	[smem:$0x3FAA] =	sst s0  }
0x9: {  	[smem:$0x3FAB] =	sst s1  }
0xa: {  	[smem:$0x3FAC] =	sst s2  }
0xb: {  	[smem:$0x3FAD] =	sst s3  }
0xc: {  	[smem:$0x3FAE] =	sst s4  }
0xd: {  	[smem:$0x3FAF] =	sst s5  }
0xe: {  	[smem:$0x3FB0] =	sst s6  }
0xf: {  	[smem:$0x3FB1] =	sst s7  }
0x10: {  	[smem:$0x3FB2] =	sst s8  }
0x11: {  	[smem:$0x3FB3] =	sst s9;
	s0 =	simm.s32 @!p0 $0x0  }
0x12: {  	s1 =	sld [smem:$0x3F99];
	s0 =	simm.s32 @p0 $0x1  }
0x13: {  	[smem:$0x3FB4] =	sst s0;
	s0 =	simm.s32 @!p1 $0x0  }
0x14: {  	s2 =	sld [smem:$0x3F98];
	s0 =	simm.s32 @p1 $0x1  }
0x15: {  	[smem:$0x3FB5] =	sst s0;
	s0 =	simm.s32 @!p2 $0x0  }
0x16: {  	s3 =	sld [smem:$0x3FDB];
	s0 =	simm.s32 @p2 $0x1  }
0x17: {  	s4 =	simm.s32 $0x1BF5;
	[smem:$0x3FB7] =	sst s0  }
0x18: {  	s0 =	sld [smem:$0x3F9A];
	_ =	swait.ge [sflag:s4], $0x0  }
0x19: {  	s7 =	sld [smem:$0x3F9B]  }
0x1a: {  	s8 =	sadd.s32 $0xFFFFE003, lr  }
0x1b: {  	s9 =	sadd.s32 $0xFFFFFEF7, lr;
	s5 =	simm.s32 $0xFFFFFFFF;
	p2 =	slt.u32 s8, $0xFFFFF086  }
0x1c: {  	p1 =	slt.u32 s9, $0xF7A;
	s5 =	simm.s32 @!p2 $0x0  }
0x1d: {  	s5 =	simm.s32 @p1 $0x1;
	p0 =	seq.s32 s7, s2  }
0x1e: {  	s7 =	smul.u32 @!p0 $0xF7A, s2;
	p2 =	seq.s32 @!p0 s5, $0x0  }
0x1f: {  	s9 =	smul.u32 $0xF7A, s1;
	s8 =	simm.s32 @!p0 $0x1BF5;
	p2 =	por !p2, p0  }
0x20: {  	[sflag:s8] =	ssyncset.s32 @!p0 $0xFFFFF086;
	s6 =	sadd.s32 @!p0 s3, s7;
	s7 =	simm.s32 @!p0 $0x108  }
0x21: {  	s3 =	sadd.s32 s3, s9;
	s6 =	sadd.s32 @!p0 $0x88, s6;
	s7 =	simm.s32 @p2 $0x1082  }
0x22: {  	[simem:s7], [sflag:s8] =	dma.local @!p0 [hbm:s6], $0xF7A  }
0x23: {  	s9 =	sor.u32 $0xD0000000, s2;
	s6 =	simm.s32 $0x108;
	_ =	swait.ge @!p0 [sflag:s8], $0x0  }
0x24: {  	s3 =	sadd.s32 $0x88, s3;
	s6 =	simm.s32 @!p1 $0x1082;
	[sflag:s4] =	ssyncset.s32 $0xFFFFF086  }
0x25: {  	[simem:s6], [sflag:s4] =	dma.local [hbm:s3], $0xF7A  }
0x26: {  	[smem:$0x3F9B] =	sst s1;
	(tag) =	ssettag s2;
	_ =	strace s9  }
0x27: {  	s1 =	sld [smem:$0x3FAB]  }
0x28: {  	s2 =	sld [smem:$0x3FAC]  }
0x29: {  	s4 =	sld [smem:$0x3FAE]  }
0x2a: {  	p0 =	seq.s32 s5, $0x0;
	s5 =	sld [smem:$0x3FAF]  }
0x2b: {  	s6 =	sld [smem:$0x3FB0]  }
0x2c: {  	s7 =	sld [smem:$0x3FB1]  }
0x2d: {  	s3 =	simm.s32 $0x108;
	s8 =	sld [smem:$0x3FB2]  }
0x2e: {  	s3 =	simm.s32 @!p0 $0x1082;
	s9 =	sld [smem:$0x3FB3]  }
0x2f: {  	lr =	sadd.s32 s0, s3;
	s0 =	sld [smem:$0x3FAA]  }
0x30: {  	s3 =	sld [smem:$0x3FAD]  }
0x31: {  	[smem:$0x3FB6] =	sst s10  }
0x32: {  	s10 =	sld [smem:$0x3FB4];
	_ =	sdelay $0x3  }
0x33: {  	p0 =	seq.s32 s10, $0x1;
	s10 =	sld [smem:$0x3FB6];
	_ =	sdelay $0x3  }
0x34: {  	[smem:$0x3FB6] =	sst s10  }
0x35: {  	s10 =	sld [smem:$0x3FB5];
	_ =	sdelay $0x3  }
0x36: {  	p1 =	seq.s32 s10, $0x1;
	s10 =	sld [smem:$0x3FB6];
	_ =	sdelay $0x3  }
0x37: {  	[smem:$0x3FB6] =	sst s10  }
0x38: {  	s10 =	sld [smem:$0x3FB7]  }
0x39: {  	_ = 	snop;
	(pc) =	sbr.ind lr, $3  }
0x3a: {  	_ = 	snop  }
0x3b: {  	_ = 	snop  }
0x3c: {  	p2 =	seq.s32 s10, $0x1;
	s10 =	sld [smem:$0x3FB6]  }
0x3d: {  	_ =	shalt  }
0x3e: {  	_ =	shalt  }
0x3f: {  	_ =	shalt  }
0x40: {  	_ =	shalt  }
0x41: {  	_ =	shalt  }
0x42: {  	_ =	shalt  }
0x43: {  	_ =	shalt  }
0x44: {  	_ =	shalt  }
0x45: {  	_ =	shalt  }
0x46: {  	_ =	shalt  }
0x47: {  	_ =	shalt  }
0x48: {  	_ =	shalt  }
0x49: {  	_ =	shalt  }
0x4a: {  	_ =	shalt  }
0x4b: {  	_ =	shalt  }
0x4c: {  	_ =	shalt  }
0x4d: {  	_ =	shalt  }
0x4e: {  	_ =	shalt  }
0x4f: {  	_ =	shalt  }
0x50: {  	_ =	shalt  }
0x51: {  	_ =	shalt  }
0x52: {  	_ =	shalt  }
0x53: {  	_ =	shalt  }
0x54: {  	_ =	shalt  }
0x55: {  	_ =	shalt  }
0x56: {  	_ =	shalt  }
0x57: {  	_ =	shalt  }
0x58: {  	_ =	shalt  }
0x59: {  	_ =	shalt  }
0x5a: {  	_ =	shalt  }
0x5b: {  	_ =	shalt  }
0x5c: {  	_ =	shalt  }
0x5d: {  	_ =	shalt  }
0x5e: {  	_ =	shalt  }
0x5f: {  	_ =	shalt  }
0x60: {  	_ =	shalt  }
0x61: {  	_ =	shalt  }
0x62: {  	_ =	shalt  }
0x63: {  	_ =	shalt  }
0x64: {  	_ =	shalt  }
0x65: {  	_ =	shalt  }
0x66: {  	_ =	shalt  }
0x67: {  	_ =	shalt  }
0x68: {  	_ =	shalt  }
0x69: {  	_ =	shalt  }
0x6a: {  	_ =	shalt  }
0x6b: {  	_ =	shalt  }
0x6c: {  	_ =	shalt  }
0x6d: {  	_ =	shalt  }
0x6e: {  	_ =	shalt  }
0x6f: {  	_ =	shalt  }
0x70: {  	_ =	shalt  }
0x71: {  	_ =	shalt  }
0x72: {  	_ =	shalt  }
0x73: {  	_ =	shalt  }
0x74: {  	_ =	shalt  }
0x75: {  	_ =	shalt  }
0x76: {  	_ =	shalt  }
0x77: {  	_ =	shalt  }
0x78: {  	_ =	shalt  }
0x79: {  	_ =	shalt  }
0x7a: {  	_ =	shalt  }
0x7b: {  	_ =	shalt  }
0x7c: {  	_ =	shalt  }
0x7d: {  	_ =	shalt  }
0x7e: {  	_ =	shalt  }
0x7f: {  	_ =	shalt  }
0x80: {  	_ =	shalt  }
0x81: {  	_ =	shalt  }
0x82: {  	_ =	shalt  }
0x83: {  	_ =	shalt  }
0x84: {  	_ =	shalt  }
0x85: {  	_ =	shalt  }
0x86: {  	_ =	shalt  }
0x87: {  	_ =	shalt  }
.Lfunc_end0:
.L_simem_size_0:
called_computation.3_lowered:
.L_overlay_start_0:
0x88: {  	s2 =	sld [smem:$0x3FD9]  }
0x89: {  	s3 =	sld [smem:$0x3FFE];
	_ =	sdelay $0x1  }
0x8a: {  	s1 =	srdreg.scid  }
0x8b: {  	s0 =	sand.u32 $0x1, s1  }
0x8c: {  	s17 =	sshll.u32 s0, $0xA;
	s2 =	sadd.s32 s3, s2  }
0x8d: {  	s2 =	sadd.s32 s2, s17  }
0x8e: {  	[smem:$0x3FC2] =	sst s2  }
0x8f: {  	_ = 	snop  }
0x90: {  	s2 =	sld [smem:$0x3FD0];
	(tm) =	ssettm $0x1  }
0x91: {  	s18 =	sld [smem:$0x3FFB];
	_ =	sdelay $0x3  }
0x92: {  	_ =	strace s18  }
0x93: {  	s3 =	sld [smem:$0x3FFC];
	_ =	sdelay $0x3  }
0x94: {  	_ =	strace s3  }
0x95: {  	s3 =	sld [smem:$0x3FFD];
	_ =	sdelay $0x3  }
0x96: {  	_ =	strace s3  }
0x97: {  	_ =	strace $0x8FFFFFFF  }
0x98: {  	s19 =	sld [smem:$0x3FDB];
	_ =	sdelay $0x1  }
0x99: {  	s4 =	simm.s32 $_scs_section_size  }
0x9a: {  	s5 =	simm.s32 $_size__tile_overlayer_lowered;
	s6 =	simm.s32 $_tile_overlayer_lowered  }
0x9b: {  	s22 =	simm.s32 $0x1BFF;
	s21 =	sshll.u32 s6, $0x1;
	s3 =	sadd.s32 s4, s19  }
0x9c: {  	s7 =	simm.s32 $0x0;
	s20 =	sshll.u32 s5, $0x1;
	s5 =	sadd.s32 s21, s3  }
0x9d: {  	[timem:s7], [sflag:s22] =	dma.local [hbm:s5], s20  }
0x9e: {  	_ =	swait.ge [sflag:s22], s20  }
0x9f: {  	s4 =	ssub.s32 $0x0, s20;
	[sflag:s22] =	ssyncset.done $0x0  }
0xa0: {  	[sflag:s22] =	ssyncadd.s32 s4;
	_ =	sdelay $0x1  }
0xa1: {  	s23 =	simm.s32 $0x1B8B  }
0xa2: {  	_ =	swait.ge [sflag:s23], $0x1  }
0xa3: {  	[sflag:s23] =	ssyncset.done $0x0  }
0xa4: {  	s25 =	simm.s32 $0x1B8E;
	s24 =	sld [smem:$0x3FFE];
	[sflag:s23] =	ssyncadd.s32 $0xFFFFFFFF  }
0xa5: {  	s26 =	simm.s32 $execute0_lowered;
	[smem:$0x3FD2] =	sst s25  }
0xa6: {  	s5 =	sshll.u32 s26, $0x1;
	_ =	strace $0x8000004C;
	[dreg:$0x1] =	wrdreg $0xFFFFFFFF  }
0xa7: {  	s28 =	simm.s32 $_size_execute0_lowered;
	s3 =	sadd.s32 s3, s5;
	[dreg:$0x0] =	wrdreg $0x0  }
0xa8: {  	s5 =	sshll.u32 s28, $0x1;
	[dreg:$0x2] =	wrdreg s3  }
0xa9: {  	[dreg:$0x3] =	wrdreg s5  }
0xaa: {  	[dreg:$0x4] =	wrdreg $0xC0  }
0xab: {  	_ =	task [dreg:s7], $0x5FFFF  }
0xac: {  	[dreg:$0x1] =	wrdreg $0xFFFFFFFF  }
0xad: {  	[dreg:$0x0] =	wrdreg $0x60  }
0xae: {  	[dreg:$0x2] =	wrdreg s2  }
0xaf: {  	[dreg:$0x3] =	wrdreg s24  }
0xb0: {  	[dreg:$0x4] =	wrdreg $0x9  }
0xb1: {  	_ =	task.clear_ibuf [dreg:s7], $0x5FFFF;
	_ =	strace $0x9000004C  }
0xb2: {  	s29 =	simm.s32 $0x9;
	_ =	strace $0x8000004E  }
0xb3: {  	_ =	swait.ge [sflag:s29], $0x1  }
0xb4: {  	[sflag:s29] =	ssyncadd.s32 $0xFFFFFFFF  }
0xb5: {  	_ =	strace $0x9000004E  }
0xb6: {  	_ =	sfence  }
0xb7: {  	s30 =	sld [smem:$0x0];
	_ =	sdelay $0x2  }
0xb8: {  	s31 =	sshll.u32 s1, $0xD;
	s1 =	sshrl.u32 s1, $0x2  }
0xb9: {  	s3 =	sand.u32 $0x4000, s31;
	s1 =	sadd.s32 s1, s30  }
0xba: {  	s0 =	sor.u32 s3, s0;
	s1 =	sshll.u32 s1, $0x11  }
0xbb: {  	s0 =	sor.u32 s1, s0  }
0xbc: {  	s0 =	sadd.s32 $0x8F2B, s0  }
0xbd: {  	[sflag:s0] =	ssyncadd.remote.s32 $0x1  }
0xbe: {  	_ =	sfence.sel $0xFFFF  }
0xbf: {  	[dreg:$0x0] =	wrdreg $0xFFFFFFFF;
	(pc) =	sbr.abs _section_cstart, $3  }
0xc0: {  	[dreg:$0x1] =	wrdreg $0xFFFFFFFF  }
0xc1: {  	_ =	task.clear_ibuf [dreg:s7], $0x2FFFF;
	_ =	strace $0x9FFFFFFF  }
0xc2: {  	(tm) =	ssettm $0x7FFFFFFF  }
0xc3: {  	_ =	shalt  }
tec
execute0_lowered:
.L_overlay_start_1:
0x0: {  	(tag) =	ssettag $0x1  }
0x1: {  	s1 =	srdreg.scid;
	s0 =	stileid.u32  }
0x2: {  	s2 =	rddreg [dreg:$0x0];
	s1 =	sand.u32 $0x1, s1;
	s3 =	sshll.u32 s0, $0x1  }
0x3: {  	s4 =	rddreg [dreg:$0x1];
	s5 =	sor.u32 s1, s3;
	s3 =	simm.s32 $0x0  }
0x4: {  	s11 =	simm.s32 $0x1880;
	[smem:$0x7FF] =	sst s3  }
0x5: {  	s12 =	simm.s32 $0x2080;
	_ =	strace $0x8000004D;
	[dreg:$0xa] =	wrdreg s11  }
0x6: {  	s13 =	simm.s32 $0x2880;
	[dreg:$0xb] =	wrdreg s12  }
0x7: {  	s14 =	simm.s32 $0x3080;
	[dreg:$0xc] =	wrdreg s13  }
0x8: {  	s15 =	simm.s32 $0x3880;
	[dreg:$0xd] =	wrdreg s14  }
0x9: {  	s16 =	simm.s32 $0x4080;
	[dreg:$0xe] =	wrdreg s15  }
0xa: {  	s17 =	simm.s32 $0x4880;
	[dreg:$0xf] =	wrdreg s16  }
0xb: {  	s18 =	simm.s32 $0x5080;
	[dreg:$0x10] =	wrdreg s17  }
0xc: {  	s19 =	simm.s32 $0x5880;
	[dreg:$0x11] =	wrdreg s18  }
0xd: {  	s20 =	simm.s32 $0x6080;
	[dreg:$0x12] =	wrdreg s19  }
0xe: {  	s21 =	simm.s32 $0x6880;
	[dreg:$0x13] =	wrdreg s20  }
0xf: {  	s22 =	simm.s32 $0x7080;
	s23 =	simm.s32 $0x7880;
	[dreg:$0x14] =	wrdreg s21  }
0x10: {  	s24 =	simm.s32 $0x8080;
	s25 =	simm.s32 $0x8880;
	[dreg:$0x15] =	wrdreg s22  }
0x11: {  	s26 =	simm.s32 $0x9080;
	s28 =	simm.s32 $0x1B980;
	[dreg:$0x16] =	wrdreg s23  }
0x12: {  	s29 =	simm.s32 $0x1C180;
	s30 =	simm.s32 $0x1C980;
	[dreg:$0x17] =	wrdreg s24  }
0x13: {  	s31 =	simm.s32 $0x1D180;
	s9 =	sadd.s32 $0x90E00, s4;
	[dreg:$0x18] =	wrdreg s25  }
0x14: {  	s1 =	ssub.s32 $0x2, s1;
	[dreg:$0x19] =	wrdreg s26;
	s11 =	simm.s32 $0xC880  }
0x15: {  	s6 =	smul.u32 $0x18, s5;
	s12 =	simm.s32 $0xD080;
	[smem:$0x7EF] =	sst s11  }
0x16: {  	s7 =	smul.u32 $0x3000, s5;
	s13 =	simm.s32 $0xD880;
	[smem:$0x7F0] =	sst s12  }
0x17: {  	s8 =	sshll.u32 s5, $0x4;
	s14 =	simm.s32 $0xE080;
	[smem:$0x7F1] =	sst s13  }
0x18: {  	s10 =	smul.u32 $0xC000, s5;
	s15 =	simm.s32 $0xE880;
	[smem:$0x7F2] =	sst s14  }
0x19: {  	s5 =	smul.u32 $0x1800, s5;
	s16 =	simm.s32 $0xF080;
	[smem:$0x7F3] =	sst s15  }
0x1a: {  	s8 =	sadd.s32 s8, s4;
	s17 =	simm.s32 $0xF880;
	[smem:$0x7F4] =	sst s16  }
0x1b: {  	s18 =	simm.s32 $0x10080;
	s19 =	simm.s32 $0x10880;
	[smem:$0x7F5] =	sst s17  }
0x1c: {  	s20 =	sshrl.u32 s1, $0x1;
	s21 =	simm.s32 $0x11080;
	[smem:$0x7F6] =	sst s18  }
0x1d: {  	s22 =	simm.s32 $0x11880;
	s23 =	simm.s32 $0x12080;
	[smem:$0x7F7] =	sst s19  }
0x1e: {  	s24 =	simm.s32 $0x12880;
	s25 =	simm.s32 $0x13080;
	[smem:$0x7F8] =	sst s21  }
0x1f: {  	s26 =	simm.s32 $0x13880;
	s6 =	sadd.s32 s6, s4;
	[smem:$0x7F9] =	sst s22  }
0x20: {  	s7 =	sadd.s32 s7, s4;
	s8 =	sadd.s32 $0x400, s8;
	[smem:$0x7FA] =	sst s23  }
0x21: {  	s0 =	sshrl.u32 s10, $0x3;
	s5 =	sadd.s32 s9, s5;
	[smem:$0x7FB] =	sst s24  }
0x22: {  	s10 =	simm.s32 $0x1080;
	s4 =	sadd.s32 $0xE00, s4;
	[smem:$0x7FC] =	sst s25  }
0x23: {  	s1 =	ssub.s32 s1, s20;
	[smem:$0x7FD] =	sst s26;
	s11 =	simm.s32 $0x14880  }
0x24: {  	s12 =	simm.s32 $0x15080;
	s13 =	simm.s32 $0x15880;
	s14 =	simm.s32 $0x16080  }
0x25: {  	s15 =	simm.s32 $0x16880;
	s16 =	simm.s32 $0x17080;
	s17 =	simm.s32 $0x17880  }
0x26: {  	s18 =	simm.s32 $0x1;
	s19 =	simm.s32 $0x18080;
	[dreg:$0x3] =	wrdreg s8  }
0x27: {  	s20 =	simm.s32 $0x18180;
	s21 =	simm.s32 $0x18980;
	[dreg:$0x6] =	wrdreg s5  }
0x28: {  	s22 =	simm.s32 $0x19180;
	s7 =	sadd.s32 $0x30E00, s7;
	[dreg:$0x9] =	wrdreg s10  }
0x29: {  	s23 =	simm.s32 $0x19980;
	s6 =	sadd.s32 $0xA00, s6;
	[dreg:$0x4] =	wrdreg s7  }
0x2a: {  	s24 =	simm.s32 $0x1A180;
	s10 =	simm.s32 $0xC080;
	[dreg:$0x5] =	wrdreg s6  }
0x2b: {  	s7 =	sadd.s32 s9, s0;
	s9 =	simm.s32 $0x880;
	[dreg:$0x1f] =	wrdreg s10  }
0x2c: {  	s25 =	simm.s32 $0x1A980;
	s0 =	simm.s32 $0x9880;
	[dreg:$0x8] =	wrdreg s9  }
0x2d: {  	s26 =	simm.s32 $0x1B180;
	s6 =	simm.s32 $0xA080;
	[dreg:$0x1a] =	wrdreg s0  }
0x2e: {  	s5 =	sadd.s32 $0x100, s2;
	s8 =	sadd.s32 $0xC00, s7;
	[dreg:$0x1b] =	wrdreg s6  }
0x2f: {  	s7 =	simm.s32 $0xA880;
	s9 =	simm.s32 $0xB880;
	[dreg:$0x7] =	wrdreg s8  }
0x30: {  	v2 =	vlaneseq.u32;
	s6 =	sadd.s32 $0x200, s2;
	[dreg:$0x1c] =	wrdreg s7;
	s8 =	simm.s32 $0xB080  }
0x31: {  	vm0 =	vmmov $0xffff;
	v1 =	vshrl.u32 v2, $0x3;
	[dreg:$0x1e] =	wrdreg s9;
	s7 =	smax.u32 s1, $0x1;
	s9 =	simm.s32 $0x80  }
0x32: {  	v0 =	vand.u32 $0x7, v2;
	v2 =	vor.u32 $0x8, v2;
	v1 =	vmul.u32 $0x8, v1;
	s1 =	simm.s32 $0x1D980;
	[dreg:$0x1d] =	wrdreg s8;
	s8 =	simm.s32 $0x2  }
.LBB2_1:
0x33: {  	s0 =	rddreg [dreg:$0x3]  }
0x34: {  	[tilespmem:s3], [sflag:$0x2] =	stream.linear.gather [hbm4b:s0+s3], $0x80, $0x38;
	[tilespmem:$0x1E180] =	vst v63  }
0x35: {  	_ =	swait.ge [sflag:s8], $0x80  }
0x36: {  	[sflag:s8] =	ssyncset.done $0x0  }
0x37: {  	[sflag:s8] =	ssyncadd.s32 $0xFFFFFF80  }
0x38: {  	v3 =	vld [tilespmem:$0x0];
	_ =	sdelay $0x4  }
0x39: {  	v4 =	vshrl.u32 v3, $0x3  }
0x3a: {  	v4 =	vmul.u32 $0x30, v4  }
0x3b: {  	v3 =	vand.u32 $0x7, v3  }
0x3c: {  	v3 =	vor.u32 v3, v4  }
0x3d: {  	v4 =	vperm.xlane v3, v0;
	_ =	sdelay $0x1  }
0x3e: {  	v4 =	vadd.s32 v1, v4;
	_ =	sdelay $0x3  }
0x3f: {  	v3 =	vperm.xlane v3, v2  }
0x40: {  	[tilespmem:s9], [sflag:$0x1] =	stream.indirect_vreg.gather [hbm4b:s2+s3], $0x80, v4, vm0, $0xb8;
	[tilespmem:$0x1E180] =	vst v63  }
0x41: {  	s0 =	rddreg [dreg:$0x8];
	v3 =	vadd.s32 v1, v3  }
0x42: {  	[tilespmem:s0], [sflag:$0x1] =	stream.indirect_vreg.gather [hbm4b:s5+s3], $0x80, v4, vm0, $0xb8;
	[tilespmem:$0x1E180] =	vst v63  }
0x43: {  	s10 =	rddreg [dreg:$0x9]  }
0x44: {  	[tilespmem:s10], [sflag:$0x1] =	stream.indirect_vreg.gather [hbm4b:s6+s3], $0x80, v4, vm0, $0xb8;
	[tilespmem:$0x1E180] =	vst v63  }
0x45: {  	s0 =	rddreg [dreg:$0xa]  }
0x46: {  	[tilespmem:s0], [sflag:$0x1] =	stream.indirect_vreg.gather [hbm4b:s2+s3], $0x80, v3, vm0, $0xb8;
	[tilespmem:$0x1E180] =	vst v63  }
0x47: {  	s10 =	rddreg [dreg:$0xb]  }
0x48: {  	[tilespmem:s10], [sflag:$0x1] =	stream.indirect_vreg.gather [hbm4b:s5+s3], $0x80, v3, vm0, $0xb8;
	[tilespmem:$0x1E180] =	vst v63  }
0x49: {  	s0 =	rddreg [dreg:$0xc]  }
0x4a: {  	[tilespmem:s0], [sflag:$0x1] =	stream.indirect_vreg.gather [hbm4b:s6+s3], $0x80, v3, vm0, $0xb8;
	[tilespmem:$0x1E180] =	vst v63  }
0x4b: {  	v3 =	vld [tilespmem:$0x10];
	_ =	sdelay $0x4  }
0x4c: {  	v45 =	vshrl.u32 v3, $0x3  }
0x4d: {  	v4 =	vmul.u32 $0x30, v45  }
0x4e: {  	v3 =	vand.u32 $0x7, v3  }
0x4f: {  	v3 =	vor.u32 v3, v4  }
0x50: {  	v4 =	vperm.xlane v3, v0;
	_ =	sdelay $0x1  }
0x51: {  	v4 =	vadd.s32 v1, v4;
	_ =	sdelay $0x3  }
0x52: {  	s0 =	rddreg [dreg:$0xd];
	v3 =	vperm.xlane v3, v2  }
0x53: {  	[tilespmem:s0], [sflag:$0x1] =	stream.indirect_vreg.gather [hbm4b:s2+s3], $0x80, v4, vm0, $0xb8;
	[tilespmem:$0x1E180] =	vst v63  }
0x54: {  	s10 =	rddreg [dreg:$0xe];
	v3 =	vadd.s32 v1, v3  }
0x55: {  	[tilespmem:s10], [sflag:$0x1] =	stream.indirect_vreg.gather [hbm4b:s5+s3], $0x80, v4, vm0, $0xb8;
	[tilespmem:$0x1E180] =	vst v63  }
0x56: {  	s0 =	rddreg [dreg:$0xf]  }
0x57: {  	[tilespmem:s0], [sflag:$0x1] =	stream.indirect_vreg.gather [hbm4b:s6+s3], $0x80, v4, vm0, $0xb8;
	[tilespmem:$0x1E180] =	vst v63  }
0x58: {  	s10 =	rddreg [dreg:$0x10]  }
0x59: {  	[tilespmem:s10], [sflag:$0x1] =	stream.indirect_vreg.gather [hbm4b:s2+s3], $0x80, v3, vm0, $0xb8;
	[tilespmem:$0x1E180] =	vst v63  }
0x5a: {  	s0 =	rddreg [dreg:$0x11]  }
0x5b: {  	[tilespmem:s0], [sflag:$0x1] =	stream.indirect_vreg.gather [hbm4b:s5+s3], $0x80, v3, vm0, $0xb8;
	[tilespmem:$0x1E180] =	vst v63  }
0x5c: {  	s10 =	rddreg [dreg:$0x12]  }
0x5d: {  	[tilespmem:s10], [sflag:$0x1] =	stream.indirect_vreg.gather [hbm4b:s6+s3], $0x80, v3, vm0, $0xb8;
	[tilespmem:$0x1E180] =	vst v63  }
0x5e: {  	v3 =	vld [tilespmem:$0x20];
	_ =	sdelay $0x4  }
0x5f: {  	v46 =	vshrl.u32 v3, $0x3  }
0x60: {  	v4 =	vmul.u32 $0x30, v46  }
0x61: {  	v3 =	vand.u32 $0x7, v3  }
0x62: {  	v3 =	vor.u32 v3, v4  }
0x63: {  	v4 =	vperm.xlane v3, v0;
	_ =	sdelay $0x1  }
0x64: {  	v4 =	vadd.s32 v1, v4;
	_ =	sdelay $0x3  }
0x65: {  	s0 =	rddreg [dreg:$0x13];
	v3 =	vperm.xlane v3, v2  }
0x66: {  	[tilespmem:s0], [sflag:$0x1] =	stream.indirect_vreg.gather [hbm4b:s2+s3], $0x80, v4, vm0, $0xb8;
	[tilespmem:$0x1E180] =	vst v63  }
0x67: {  	s10 =	rddreg [dreg:$0x14];
	v3 =	vadd.s32 v1, v3  }
0x68: {  	[tilespmem:s10], [sflag:$0x1] =	stream.indirect_vreg.gather [hbm4b:s5+s3], $0x80, v4, vm0, $0xb8;
	[tilespmem:$0x1E180] =	vst v63  }
0x69: {  	s0 =	rddreg [dreg:$0x15]  }
0x6a: {  	[tilespmem:s0], [sflag:$0x1] =	stream.indirect_vreg.gather [hbm4b:s6+s3], $0x80, v4, vm0, $0xb8;
	[tilespmem:$0x1E180] =	vst v63  }
0x6b: {  	s10 =	rddreg [dreg:$0x16]  }
0x6c: {  	[tilespmem:s10], [sflag:$0x1] =	stream.indirect_vreg.gather [hbm4b:s2+s3], $0x80, v3, vm0, $0xb8;
	[tilespmem:$0x1E180] =	vst v63  }
0x6d: {  	s0 =	rddreg [dreg:$0x17]  }
0x6e: {  	[tilespmem:s0], [sflag:$0x1] =	stream.indirect_vreg.gather [hbm4b:s5+s3], $0x80, v3, vm0, $0xb8;
	[tilespmem:$0x1E180] =	vst v63  }
0x6f: {  	s10 =	rddreg [dreg:$0x18]  }
0x70: {  	[tilespmem:s10], [sflag:$0x1] =	stream.indirect_vreg.gather [hbm4b:s6+s3], $0x80, v3, vm0, $0xb8;
	[tilespmem:$0x1E180] =	vst v63  }
0x71: {  	v3 =	vld [tilespmem:$0x30];
	_ =	sdelay $0x4  }
0x72: {  	v47 =	vshrl.u32 v3, $0x3  }
0x73: {  	v4 =	vmul.u32 $0x30, v47  }
0x74: {  	v3 =	vand.u32 $0x7, v3  }
0x75: {  	v3 =	vor.u32 v3, v4  }
0x76: {  	v4 =	vperm.xlane v3, v0;
	_ =	sdelay $0x1  }
0x77: {  	v4 =	vadd.s32 v1, v4;
	_ =	sdelay $0x3  }
0x78: {  	s0 =	rddreg [dreg:$0x19];
	v3 =	vperm.xlane v3, v2  }
0x79: {  	[tilespmem:s0], [sflag:$0x1] =	stream.indirect_vreg.gather [hbm4b:s2+s3], $0x80, v4, vm0, $0xb8;
	[tilespmem:$0x1E180] =	vst v63  }
0x7a: {  	s10 =	rddreg [dreg:$0x1a];
	v3 =	vadd.s32 v1, v3  }
0x7b: {  	[tilespmem:s10], [sflag:$0x1] =	stream.indirect_vreg.gather [hbm4b:s5+s3], $0x80, v4, vm0, $0xb8;
	[tilespmem:$0x1E180] =	vst v63  }
0x7c: {  	s0 =	rddreg [dreg:$0x1b]  }
0x7d: {  	[tilespmem:s0], [sflag:$0x1] =	stream.indirect_vreg.gather [hbm4b:s6+s3], $0x80, v4, vm0, $0xb8;
	[tilespmem:$0x1E180] =	vst v63  }
0x7e: {  	s10 =	rddreg [dreg:$0x1c]  }
0x7f: {  	[tilespmem:s10], [sflag:$0x1] =	stream.indirect_vreg.gather [hbm4b:s2+s3], $0x80, v3, vm0, $0xb8;
	[tilespmem:$0x1E180] =	vst v63  }
0x80: {  	s0 =	rddreg [dreg:$0x1d]  }
0x81: {  	[tilespmem:s0], [sflag:$0x1] =	stream.indirect_vreg.gather [hbm4b:s5+s3], $0x80, v3, vm0, $0xb8;
	[tilespmem:$0x1E180] =	vst v63  }
0x82: {  	s10 =	rddreg [dreg:$0x1e]  }
0x83: {  	[tilespmem:s10], [sflag:$0x1] =	stream.indirect_vreg.gather [hbm4b:s6+s3], $0x80, v3, vm0, $0xb8;
	[tilespmem:$0x1E180] =	vst v63  }
0x84: {  	v3 =	vld [tilespmem:$0x40];
	_ =	sdelay $0x4  }
0x85: {  	v48 =	vshrl.u32 v3, $0x3  }
0x86: {  	v4 =	vmul.u32 $0x30, v48  }
0x87: {  	v3 =	vand.u32 $0x7, v3  }
0x88: {  	v3 =	vor.u32 v3, v4  }
0x89: {  	v4 =	vperm.xlane v3, v0;
	_ =	sdelay $0x1  }
0x8a: {  	v4 =	vadd.s32 v1, v4;
	_ =	sdelay $0x2  }
0x8b: {  	s0 =	rddreg [dreg:$0x1f]  }
0x8c: {  	s10 =	sld [smem:$0x7EF];
	v3 =	vperm.xlane v3, v2  }
0x8d: {  	[tilespmem:s0], [sflag:$0x1] =	stream.indirect_vreg.gather [hbm4b:s2+s3], $0x80, v4, vm0, $0xb8;
	[tilespmem:$0x1E180] =	vst v63  }
0x8e: {  	v3 =	vadd.s32 v1, v3;
	s0 =	sld [smem:$0x7F0]  }
0x8f: {  	[tilespmem:s10], [sflag:$0x1] =	stream.indirect_vreg.gather [hbm4b:s5+s3], $0x80, v4, vm0, $0xb8;
	[tilespmem:$0x1E180] =	vst v63  }
0x90: {  	s10 =	sld [smem:$0x7F1]  }
0x91: {  	[tilespmem:s0], [sflag:$0x1] =	stream.indirect_vreg.gather [hbm4b:s6+s3], $0x80, v4, vm0, $0xb8;
	[tilespmem:$0x1E180] =	vst v63  }
0x92: {  	s0 =	sld [smem:$0x7F2]  }
0x93: {  	[tilespmem:s10], [sflag:$0x1] =	stream.indirect_vreg.gather [hbm4b:s2+s3], $0x80, v3, vm0, $0xb8;
	[tilespmem:$0x1E180] =	vst v63  }
0x94: {  	s10 =	sld [smem:$0x7F3]  }
0x95: {  	[tilespmem:s0], [sflag:$0x1] =	stream.indirect_vreg.gather [hbm4b:s5+s3], $0x80, v3, vm0, $0xb8;
	[tilespmem:$0x1E180] =	vst v63  }
0x96: {  	_ = 	snop  }
0x97: {  	[tilespmem:s10], [sflag:$0x1] =	stream.indirect_vreg.gather [hbm4b:s6+s3], $0x80, v3, vm0, $0xb8;
	[tilespmem:$0x1E180] =	vst v63  }
0x98: {  	v3 =	vld [tilespmem:$0x50];
	_ =	sdelay $0x4  }
0x99: {  	v49 =	vshrl.u32 v3, $0x3  }
0x9a: {  	v4 =	vmul.u32 $0x30, v49  }
0x9b: {  	v3 =	vand.u32 $0x7, v3  }
0x9c: {  	v3 =	vor.u32 v3, v4  }
0x9d: {  	v4 =	vperm.xlane v3, v0;
	_ =	sdelay $0x1  }
0x9e: {  	v4 =	vadd.s32 v1, v4;
	_ =	sdelay $0x1  }
0x9f: {  	s0 =	sld [smem:$0x7F4];
	_ =	sdelay $0x1  }
0xa0: {  	s10 =	sld [smem:$0x7F5];
	v3 =	vperm.xlane v3, v2  }
0xa1: {  	[tilespmem:s0], [sflag:$0x1] =	stream.indirect_vreg.gather [hbm4b:s2+s3], $0x80, v4, vm0, $0xb8;
	[tilespmem:$0x1E180] =	vst v63  }
0xa2: {  	v3 =	vadd.s32 v1, v3;
	s0 =	sld [smem:$0x7F6]  }
0xa3: {  	[tilespmem:s10], [sflag:$0x1] =	stream.indirect_vreg.gather [hbm4b:s5+s3], $0x80, v4, vm0, $0xb8;
	[tilespmem:$0x1E180] =	vst v63  }
0xa4: {  	s10 =	sld [smem:$0x7F7]  }
0xa5: {  	[tilespmem:s0], [sflag:$0x1] =	stream.indirect_vreg.gather [hbm4b:s6+s3], $0x80, v4, vm0, $0xb8;
	[tilespmem:$0x1E180] =	vst v63  }
0xa6: {  	s0 =	sld [smem:$0x7F8]  }
0xa7: {  	[tilespmem:s10], [sflag:$0x1] =	stream.indirect_vreg.gather [hbm4b:s2+s3], $0x80, v3, vm0, $0xb8;
	[tilespmem:$0x1E180] =	vst v63  }
0xa8: {  	s10 =	sld [smem:$0x7F9]  }
0xa9: {  	[tilespmem:s0], [sflag:$0x1] =	stream.indirect_vreg.gather [hbm4b:s5+s3], $0x80, v3, vm0, $0xb8;
	[tilespmem:$0x1E180] =	vst v63  }
0xaa: {  	_ = 	snop  }
0xab: {  	[tilespmem:s10], [sflag:$0x1] =	stream.indirect_vreg.gather [hbm4b:s6+s3], $0x80, v3, vm0, $0xb8;
	[tilespmem:$0x1E180] =	vst v63  }
0xac: {  	v3 =	vld [tilespmem:$0x60];
	_ =	sdelay $0x4  }
0xad: {  	v50 =	vshrl.u32 v3, $0x3  }
0xae: {  	v4 =	vmul.u32 $0x30, v50  }
0xaf: {  	v3 =	vand.u32 $0x7, v3  }
0xb0: {  	v3 =	vor.u32 v3, v4  }
0xb1: {  	v4 =	vperm.xlane v3, v0;
	_ =	sdelay $0x1  }
0xb2: {  	v4 =	vadd.s32 v1, v4;
	_ =	sdelay $0x1  }
0xb3: {  	s0 =	sld [smem:$0x7FA];
	_ =	sdelay $0x1  }
0xb4: {  	s10 =	sld [smem:$0x7FB];
	v3 =	vperm.xlane v3, v2  }
0xb5: {  	[tilespmem:s0], [sflag:$0x1] =	stream.indirect_vreg.gather [hbm4b:s2+s3], $0x80, v4, vm0, $0xb8;
	[tilespmem:$0x1E180] =	vst v63  }
0xb6: {  	v3 =	vadd.s32 v1, v3;
	s0 =	sld [smem:$0x7FC]  }
0xb7: {  	[tilespmem:s10], [sflag:$0x1] =	stream.indirect_vreg.gather [hbm4b:s5+s3], $0x80, v4, vm0, $0xb8;
	[tilespmem:$0x1E180] =	vst v63  }
0xb8: {  	s10 =	sld [smem:$0x7FD]  }
0xb9: {  	[tilespmem:s0], [sflag:$0x1] =	stream.indirect_vreg.gather [hbm4b:s6+s3], $0x80, v4, vm0, $0xb8;
	[tilespmem:$0x1E180] =	vst v63  }
0xba: {  	_ = 	snop  }
0xbb: {  	[tilespmem:s10], [sflag:$0x1] =	stream.indirect_vreg.gather [hbm4b:s2+s3], $0x80, v3, vm0, $0xb8;
	[tilespmem:$0x1E180] =	vst v63  }
0xbc: {  	s10 =	simm.s32 $0x14080  }
0xbd: {  	[tilespmem:s10], [sflag:$0x1] =	stream.indirect_vreg.gather [hbm4b:s5+s3], $0x80, v3, vm0, $0xb8;
	[tilespmem:$0x1E180] =	vst v63  }
0xbe: {  	_ = 	snop  }
0xbf: {  	[tilespmem:s11], [sflag:$0x1] =	stream.indirect_vreg.gather [hbm4b:s6+s3], $0x80, v3, vm0, $0xb8;
	[tilespmem:$0x1E180] =	vst v63  }
0xc0: {  	v3 =	vld [tilespmem:$0x70];
	_ =	sdelay $0x4  }
0xc1: {  	v51 =	vshrl.u32 v3, $0x3  }
0xc2: {  	v4 =	vmul.u32 $0x30, v51  }
0xc3: {  	v3 =	vand.u32 $0x7, v3  }
0xc4: {  	v3 =	vor.u32 v3, v4  }
0xc5: {  	v4 =	vperm.xlane v3, v0;
	_ =	sdelay $0x1  }
0xc6: {  	v4 =	vadd.s32 v1, v4;
	_ =	sdelay $0x3  }
0xc7: {  	v3 =	vperm.xlane v3, v2  }
0xc8: {  	[tilespmem:s12], [sflag:$0x1] =	stream.indirect_vreg.gather [hbm4b:s2+s3], $0x80, v4, vm0, $0xb8;
	[tilespmem:$0x1E180] =	vst v63  }
0xc9: {  	v3 =	vadd.s32 v1, v3  }
0xca: {  	[tilespmem:s13], [sflag:$0x1] =	stream.indirect_vreg.gather [hbm4b:s5+s3], $0x80, v4, vm0, $0xb8;
	[tilespmem:$0x1E180] =	vst v63  }
0xcb: {  	_ = 	snop  }
0xcc: {  	[tilespmem:s14], [sflag:$0x1] =	stream.indirect_vreg.gather [hbm4b:s6+s3], $0x80, v4, vm0, $0xb8;
	[tilespmem:$0x1E180] =	vst v63  }
0xcd: {  	_ = 	snop  }
0xce: {  	[tilespmem:s15], [sflag:$0x1] =	stream.indirect_vreg.gather [hbm4b:s2+s3], $0x80, v3, vm0, $0xb8;
	[tilespmem:$0x1E180] =	vst v63  }
0xcf: {  	_ = 	snop  }
0xd0: {  	[tilespmem:s16], [sflag:$0x1] =	stream.indirect_vreg.gather [hbm4b:s5+s3], $0x80, v3, vm0, $0xb8;
	[tilespmem:$0x1E180] =	vst v63  }
0xd1: {  	_ = 	snop  }
0xd2: {  	[tilespmem:s17], [sflag:$0x1] =	stream.indirect_vreg.gather [hbm4b:s6+s3], $0x80, v3, vm0, $0xb8;
	[tilespmem:$0x1E180] =	vst v63  }
0xd3: {  	_ =	swait.ge [sflag:s18], $0x18000  }
0xd4: {  	[sflag:s18] =	ssyncset.done $0x0  }
0xd5: {  	s10 =	rddreg [dreg:$0x4];
	[sflag:s18] =	ssyncadd.s32 $0xFFFE8000  }
0xd6: {  	[hbm4b:s10+s3] =	stream.linear.scatter [tilespmem:s9], [sflag:$0x2], $0x18000, $0x38;
	[tilespmem:$0x1E180] =	vst v63  }
0xd7: {  	_ =	swait.ge [sflag:s8], $0x18000  }
0xd8: {  	[sflag:s8] =	ssyncset.done $0x0  }
0xd9: {  	s10 =	rddreg [dreg:$0x5];
	[sflag:s8] =	ssyncadd.s32 $0xFFFE8000  }
0xda: {  	[tilespmem:s19], [sflag:$0x2] =	stream.linear.gather [hbm4b:s10+s3], $0xC0, $0x38;
	[tilespmem:$0x1E180] =	vst v63  }
0xdb: {  	_ =	swait.ge [sflag:s8], $0xC0  }
0xdc: {  	[sflag:s8] =	ssyncset.done $0x0  }
0xdd: {  	[sflag:s8] =	ssyncadd.s32 $0xFFFFFF40  }
0xde: {  	v3 =	vld [tilespmem:$0x18080];
	_ =	sdelay $0x4  }
0xdf: {  	v52 =	vshll.u32 v3, $0x1  }
0xe0: {  	v3 =	vand.u32 $0x7, v3;
	v4 =	vand.u32 $0xFFFFFFF0, v52  }
0xe1: {  	v3 =	vor.u32 v3, v4  }
0xe2: {  	v4 =	vperm.xlane v3, v0;
	_ =	sdelay $0x1  }
0xe3: {  	v3 =	vperm.xlane v3, v2;
	v4 =	vadd.s32 v1, v4;
	_ =	sdelay $0x1  }
0xe4: {  	v3 =	vadd.s32 v1, v3;
	_ =	sdelay $0x2  }
0xe5: {  	[tilespmem:s20], [sflag:$0x1] =	stream.indirect_vreg.gather [hbm4b:s4+s3], $0x80, v4, vm0, $0xb8;
	[tilespmem:$0x1E180] =	vst v63  }
0xe6: {  	_ = 	snop  }
0xe7: {  	[tilespmem:s21], [sflag:$0x1] =	stream.indirect_vreg.gather [hbm4b:s4+s3], $0x80, v3, vm0, $0xb8;
	[tilespmem:$0x1E180] =	vst v63  }
0xe8: {  	v3 =	vld [tilespmem:$0x18090];
	_ =	sdelay $0x4  }
0xe9: {  	v53 =	vshll.u32 v3, $0x1  }
0xea: {  	v3 =	vand.u32 $0x7, v3;
	v4 =	vand.u32 $0xFFFFFFF0, v53  }
0xeb: {  	v3 =	vor.u32 v3, v4  }
0xec: {  	v4 =	vperm.xlane v3, v0;
	_ =	sdelay $0x1  }
0xed: {  	v3 =	vperm.xlane v3, v2;
	v4 =	vadd.s32 v1, v4;
	_ =	sdelay $0x1  }
0xee: {  	v3 =	vadd.s32 v1, v3;
	_ =	sdelay $0x2  }
0xef: {  	[tilespmem:s22], [sflag:$0x1] =	stream.indirect_vreg.gather [hbm4b:s4+s3], $0x80, v4, vm0, $0xb8;
	[tilespmem:$0x1E180] =	vst v63  }
0xf0: {  	_ = 	snop  }
0xf1: {  	[tilespmem:s23], [sflag:$0x1] =	stream.indirect_vreg.gather [hbm4b:s4+s3], $0x80, v3, vm0, $0xb8;
	[tilespmem:$0x1E180] =	vst v63  }
0xf2: {  	v3 =	vld [tilespmem:$0x180A0];
	_ =	sdelay $0x4  }
0xf3: {  	v54 =	vshll.u32 v3, $0x1  }
0xf4: {  	v3 =	vand.u32 $0x7, v3;
	v4 =	vand.u32 $0xFFFFFFF0, v54  }
0xf5: {  	v3 =	vor.u32 v3, v4  }
0xf6: {  	v4 =	vperm.xlane v3, v0;
	_ =	sdelay $0x1  }
0xf7: {  	v3 =	vperm.xlane v3, v2;
	v4 =	vadd.s32 v1, v4;
	_ =	sdelay $0x1  }
0xf8: {  	v3 =	vadd.s32 v1, v3;
	_ =	sdelay $0x2  }
0xf9: {  	[tilespmem:s24], [sflag:$0x1] =	stream.indirect_vreg.gather [hbm4b:s4+s3], $0x80, v4, vm0, $0xb8;
	[tilespmem:$0x1E180] =	vst v63  }
0xfa: {  	_ = 	snop  }
0xfb: {  	[tilespmem:s25], [sflag:$0x1] =	stream.indirect_vreg.gather [hbm4b:s4+s3], $0x80, v3, vm0, $0xb8;
	[tilespmem:$0x1E180] =	vst v63  }
0xfc: {  	v3 =	vld [tilespmem:$0x180B0];
	_ =	sdelay $0x4  }
0xfd: {  	v55 =	vshll.u32 v3, $0x1  }
0xfe: {  	v3 =	vand.u32 $0x7, v3;
	v4 =	vand.u32 $0xFFFFFFF0, v55  }
0xff: {  	v3 =	vor.u32 v3, v4  }
0x100: {  	v4 =	vperm.xlane v3, v0;
	_ =	sdelay $0x1  }
0x101: {  	v3 =	vperm.xlane v3, v2;
	v4 =	vadd.s32 v1, v4;
	_ =	sdelay $0x1  }
0x102: {  	v3 =	vadd.s32 v1, v3;
	_ =	sdelay $0x2  }
0x103: {  	[tilespmem:s26], [sflag:$0x1] =	stream.indirect_vreg.gather [hbm4b:s4+s3], $0x80, v4, vm0, $0xb8;
	[tilespmem:$0x1E180] =	vst v63  }
0x104: {  	_ = 	snop  }
0x105: {  	[tilespmem:s28], [sflag:$0x1] =	stream.indirect_vreg.gather [hbm4b:s4+s3], $0x80, v3, vm0, $0xb8;
	[tilespmem:$0x1E180] =	vst v63  }
0x106: {  	v3 =	vld [tilespmem:$0x180C0];
	_ =	sdelay $0x4  }
0x107: {  	v56 =	vshll.u32 v3, $0x1  }
0x108: {  	v3 =	vand.u32 $0x7, v3;
	v4 =	vand.u32 $0xFFFFFFF0, v56  }
0x109: {  	v3 =	vor.u32 v3, v4  }
0x10a: {  	v4 =	vperm.xlane v3, v0;
	_ =	sdelay $0x1  }
0x10b: {  	v3 =	vperm.xlane v3, v2;
	v4 =	vadd.s32 v1, v4;
	_ =	sdelay $0x1  }
0x10c: {  	v3 =	vadd.s32 v1, v3;
	_ =	sdelay $0x2  }
0x10d: {  	[tilespmem:s29], [sflag:$0x1] =	stream.indirect_vreg.gather [hbm4b:s4+s3], $0x80, v4, vm0, $0xb8;
	[tilespmem:$0x1E180] =	vst v63  }
0x10e: {  	_ = 	snop  }
0x10f: {  	[tilespmem:s30], [sflag:$0x1] =	stream.indirect_vreg.gather [hbm4b:s4+s3], $0x80, v3, vm0, $0xb8;
	[tilespmem:$0x1E180] =	vst v63  }
0x110: {  	v3 =	vld [tilespmem:$0x180D0];
	_ =	sdelay $0x4  }
0x111: {  	v57 =	vshll.u32 v3, $0x1  }
0x112: {  	v3 =	vand.u32 $0x7, v3;
	v4 =	vand.u32 $0xFFFFFFF0, v57  }
0x113: {  	v3 =	vor.u32 v3, v4  }
0x114: {  	v4 =	vperm.xlane v3, v0;
	_ =	sdelay $0x1  }
0x115: {  	v3 =	vperm.xlane v3, v2;
	v4 =	vadd.s32 v1, v4;
	_ =	sdelay $0x1  }
0x116: {  	v3 =	vadd.s32 v1, v3;
	_ =	sdelay $0x2  }
0x117: {  	[tilespmem:s31], [sflag:$0x1] =	stream.indirect_vreg.gather [hbm4b:s4+s3], $0x80, v4, vm0, $0xb8;
	[tilespmem:$0x1E180] =	vst v63  }
0x118: {  	_ = 	snop  }
0x119: {  	[tilespmem:s1], [sflag:$0x1] =	stream.indirect_vreg.gather [hbm4b:s4+s3], $0x80, v3, vm0, $0xb8;
	[tilespmem:$0x1E180] =	vst v63  }
0x11a: {  	_ =	swait.ge [sflag:s18], $0x6000  }
0x11b: {  	[sflag:s18] =	ssyncset.done $0x0  }
0x11c: {  	s10 =	rddreg [dreg:$0x6];
	[sflag:s18] =	ssyncadd.s32 $0xFFFFA000  }
0x11d: {  	[hbm4b:s10+s3] =	stream.linear.scatter [tilespmem:s20], [sflag:$0x2], $0x6000, $0x38;
	[tilespmem:$0x1E180] =	vst v63  }
0x11e: {  	_ =	swait.ge [sflag:s8], $0x6000  }
0x11f: {  	[sflag:s8] =	ssyncset.done $0x0  }
0x120: {  	[sflag:s8] =	ssyncadd.s32 $0xFFFFA000  }
0x121: {  	v3 =	vld [tilespmem:$0x180E0];
	_ =	sdelay $0x4  }
0x122: {  	v58 =	vshll.u32 v3, $0x1  }
0x123: {  	v3 =	vand.u32 $0x7, v3;
	v4 =	vand.u32 $0xFFFFFFF0, v58  }
0x124: {  	v3 =	vor.u32 v3, v4  }
0x125: {  	v4 =	vperm.xlane v3, v0;
	_ =	sdelay $0x1  }
0x126: {  	v3 =	vperm.xlane v3, v2;
	v4 =	vadd.s32 v1, v4;
	_ =	sdelay $0x1  }
0x127: {  	v3 =	vadd.s32 v1, v3;
	_ =	sdelay $0x2  }
0x128: {  	[tilespmem:s20], [sflag:$0x1] =	stream.indirect_vreg.gather [hbm4b:s4+s3], $0x80, v4, vm0, $0xb8;
	[tilespmem:$0x1E180] =	vst v63  }
0x129: {  	_ = 	snop  }
0x12a: {  	[tilespmem:s21], [sflag:$0x1] =	stream.indirect_vreg.gather [hbm4b:s4+s3], $0x80, v3, vm0, $0xb8;
	[tilespmem:$0x1E180] =	vst v63  }
0x12b: {  	v3 =	vld [tilespmem:$0x180F0];
	_ =	sdelay $0x4  }
0x12c: {  	v59 =	vshll.u32 v3, $0x1  }
0x12d: {  	v3 =	vand.u32 $0x7, v3;
	v4 =	vand.u32 $0xFFFFFFF0, v59  }
0x12e: {  	v3 =	vor.u32 v3, v4  }
0x12f: {  	v4 =	vperm.xlane v3, v0;
	_ =	sdelay $0x1  }
0x130: {  	v3 =	vperm.xlane v3, v2;
	v4 =	vadd.s32 v1, v4;
	_ =	sdelay $0x1  }
0x131: {  	v3 =	vadd.s32 v1, v3;
	_ =	sdelay $0x2  }
0x132: {  	[tilespmem:s22], [sflag:$0x1] =	stream.indirect_vreg.gather [hbm4b:s4+s3], $0x80, v4, vm0, $0xb8;
	[tilespmem:$0x1E180] =	vst v63  }
0x133: {  	_ = 	snop  }
0x134: {  	[tilespmem:s23], [sflag:$0x1] =	stream.indirect_vreg.gather [hbm4b:s4+s3], $0x80, v3, vm0, $0xb8;
	[tilespmem:$0x1E180] =	vst v63  }
0x135: {  	v3 =	vld [tilespmem:$0x18100];
	_ =	sdelay $0x4  }
0x136: {  	v60 =	vshll.u32 v3, $0x1  }
0x137: {  	v3 =	vand.u32 $0x7, v3;
	v4 =	vand.u32 $0xFFFFFFF0, v60  }
0x138: {  	v3 =	vor.u32 v3, v4  }
0x139: {  	v4 =	vperm.xlane v3, v0;
	_ =	sdelay $0x1  }
0x13a: {  	v3 =	vperm.xlane v3, v2;
	v4 =	vadd.s32 v1, v4;
	_ =	sdelay $0x1  }
0x13b: {  	v3 =	vadd.s32 v1, v3;
	_ =	sdelay $0x2  }
0x13c: {  	[tilespmem:s24], [sflag:$0x1] =	stream.indirect_vreg.gather [hbm4b:s4+s3], $0x80, v4, vm0, $0xb8;
	[tilespmem:$0x1E180] =	vst v63  }
0x13d: {  	_ = 	snop  }
0x13e: {  	[tilespmem:s25], [sflag:$0x1] =	stream.indirect_vreg.gather [hbm4b:s4+s3], $0x80, v3, vm0, $0xb8;
	[tilespmem:$0x1E180] =	vst v63  }
0x13f: {  	v3 =	vld [tilespmem:$0x18110];
	_ =	sdelay $0x4  }
0x140: {  	v61 =	vshll.u32 v3, $0x1  }
0x141: {  	v3 =	vand.u32 $0x7, v3;
	v4 =	vand.u32 $0xFFFFFFF0, v61  }
0x142: {  	v3 =	vor.u32 v3, v4  }
0x143: {  	v4 =	vperm.xlane v3, v0;
	_ =	sdelay $0x1  }
0x144: {  	v3 =	vperm.xlane v3, v2;
	v4 =	vadd.s32 v1, v4;
	_ =	sdelay $0x1  }
0x145: {  	v3 =	vadd.s32 v1, v3;
	_ =	sdelay $0x2  }
0x146: {  	[tilespmem:s26], [sflag:$0x1] =	stream.indirect_vreg.gather [hbm4b:s4+s3], $0x80, v4, vm0, $0xb8;
	[tilespmem:$0x1E180] =	vst v63  }
0x147: {  	_ = 	snop  }
0x148: {  	[tilespmem:s28], [sflag:$0x1] =	stream.indirect_vreg.gather [hbm4b:s4+s3], $0x80, v3, vm0, $0xb8;
	[tilespmem:$0x1E180] =	vst v63  }
0x149: {  	v3 =	vld [tilespmem:$0x18120];
	_ =	sdelay $0x4  }
0x14a: {  	v62 =	vshll.u32 v3, $0x1  }
0x14b: {  	v3 =	vand.u32 $0x7, v3;
	v4 =	vand.u32 $0xFFFFFFF0, v62  }
0x14c: {  	v3 =	vor.u32 v3, v4  }
0x14d: {  	v4 =	vperm.xlane v3, v0;
	_ =	sdelay $0x1  }
0x14e: {  	v3 =	vperm.xlane v3, v2;
	v4 =	vadd.s32 v1, v4;
	_ =	sdelay $0x1  }
0x14f: {  	v3 =	vadd.s32 v1, v3;
	_ =	sdelay $0x2  }
0x150: {  	[tilespmem:s29], [sflag:$0x1] =	stream.indirect_vreg.gather [hbm4b:s4+s3], $0x80, v4, vm0, $0xb8;
	[tilespmem:$0x1E180] =	vst v63  }
0x151: {  	_ = 	snop  }
0x152: {  	[tilespmem:s30], [sflag:$0x1] =	stream.indirect_vreg.gather [hbm4b:s4+s3], $0x80, v3, vm0, $0xb8;
	[tilespmem:$0x1E180] =	vst v63  }
0x153: {  	v3 =	vld [tilespmem:$0x18130];
	_ =	sdelay $0x4  }
0x154: {  	v63 =	vshll.u32 v3, $0x1  }
0x155: {  	v3 =	vand.u32 $0x7, v3;
	v4 =	vand.u32 $0xFFFFFFF0, v63  }
0x156: {  	v3 =	vor.u32 v3, v4  }
0x157: {  	v4 =	vperm.xlane v3, v0;
	_ =	sdelay $0x1  }
0x158: {  	v3 =	vperm.xlane v3, v2;
	v4 =	vadd.s32 v1, v4;
	_ =	sdelay $0x1  }
0x159: {  	v3 =	vadd.s32 v1, v3;
	_ =	sdelay $0x2  }
0x15a: {  	[tilespmem:s31], [sflag:$0x1] =	stream.indirect_vreg.gather [hbm4b:s4+s3], $0x80, v4, vm0, $0xb8;
	[tilespmem:$0x1E180] =	vst v63  }
0x15b: {  	_ = 	snop  }
0x15c: {  	[tilespmem:s1], [sflag:$0x1] =	stream.indirect_vreg.gather [hbm4b:s4+s3], $0x80, v3, vm0, $0xb8;
	[tilespmem:$0x1E180] =	vst v63  }
0x15d: {  	_ =	swait.ge [sflag:s18], $0x6000  }
0x15e: {  	p0 =	sne.s32 s7, $0x1;
	[sflag:s18] =	ssyncset.done $0x0  }
.Ltmp0:
0x15f: {  	s10 =	rddreg [dreg:$0x7];
	[sflag:s18] =	ssyncadd.s32 $0xFFFFA000;
	(pc) =	sbr.rel @p0 .LBB2_1-.Ltmp0, $4  }
0x160: {  	[hbm4b:s10+s3] =	stream.linear.scatter [tilespmem:s20], [sflag:$0x2], $0x6000, $0x38;
	[tilespmem:$0x1E180] =	vst v63  }
0x161: {  	_ =	swait.ge [sflag:s8], $0x6000  }
0x162: {  	[sflag:s8] =	ssyncset.done $0x0  }
0x163: {  	s7 =	sadd.s32 $0xFFFFFFFF, s7;
	[sflag:s8] =	ssyncadd.s32 $0xFFFFA000  }
0x164: {  	_ =	sfence.sel $0x180000  }
0x165: {  	[bflag:$0x0] =	sbarrier.arrive $0xFFFF  }
0x166: {  	_ =	strace $0x9000004D  }
0x167: {  	s0 =	stileid.u32;
	[bflag:$0x2] =	sbarrier.arrive $0xFFFF  }
0x168: {  	p0 =	sne.s32 s0, $0x0;
	s0 =	rddreg [dreg:$0x2]  }
0x169: {  	s0 =	sadd.s32 @!p0 $0x100000, s0  }
0x16a: {  	[sflag:s0] =	ssyncadd.tile.s32 @!p0 $0x1;
	_ =	shalt  }
.Lfunc_end2:
_tile_overlayer_lowered:
.L_overlay_start_2:
0x16b: {  	(tag) =	ssettag $0x2  }
0x16c: {  	s0 =	rddreg [dreg:$0x0];
	s2 =	stileid.u32  }
0x16d: {  	s1 =	rddreg [dreg:$0x1];
	p0 =	sne.s32 s2, $0x0  }
0x16e: {  	s3 =	rddreg [dreg:$0x2];
	[bflag:$0x3] =	sbarrier.arrive $0xFFFF;
	s2 =	simm.s32 @!p0 $0x1C02  }
0x16f: {  	[timem:s3], [sflag:s2] =	dma.local @!p0 [hbm:s0], s1  }
0x170: {  	s0 =	simm.s32 @!p0 $0x2  }
0x171: {  	_ =	swait.ge @!p0 [sflag:s0], s1  }
0x172: {  	s1 =	ssub.s32 @!p0 $0x0, s1;
	[sflag:s0] =	ssyncset.done @!p0 $0x0  }
0x173: {  	[sflag:s0] =	ssyncadd.s32 @!p0 s1  }
0x174: {  	[bflag:$0x3] =	sbarrier.arrive $0xFFFF  }
0x175: {  	_ =	shalt  }

// kernel: kernel.18.cloned.1.call-start
scs
__scs_entry_jumppad:
0x0: {  	(pc) =	sbr.rel $0x88, $3  }
0x1: {  	(tag) =	ssettag $0x0;
	lr =	simm.s32 $0x1  }
0x2: {  	[smem:$0x3F9B] =	sst lr;
	_ =	strace $0xD0000000  }
0x3: {  	_ = 	snop  }
0x4: {  	_ = 	snop  }
0x5: {  	_ = 	snop  }
0x6: {  	_ = 	snop  }
0x7: {  	_ = 	snop  }
__scs_overlays_trampoline_lowered:
0x8: {  	[smem:$0x3FAA] =	sst s0  }
0x9: {  	[smem:$0x3FAB] =	sst s1  }
0xa: {  	[smem:$0x3FAC] =	sst s2  }
0xb: {  	[smem:$0x3FAD] =	sst s3  }
0xc: {  	[smem:$0x3FAE] =	sst s4  }
0xd: {  	[smem:$0x3FAF] =	sst s5  }
0xe: {  	[smem:$0x3FB0] =	sst s6  }
0xf: {  	[smem:$0x3FB1] =	sst s7  }
0x10: {  	[smem:$0x3FB2] =	sst s8  }
0x11: {  	[smem:$0x3FB3] =	sst s9;
	s0 =	simm.s32 @!p0 $0x0  }
0x12: {  	s1 =	sld [smem:$0x3F99];
	s0 =	simm.s32 @p0 $0x1  }
0x13: {  	[smem:$0x3FB4] =	sst s0;
	s0 =	simm.s32 @!p1 $0x0  }
0x14: {  	s2 =	sld [smem:$0x3F98];
	s0 =	simm.s32 @p1 $0x1  }
0x15: {  	[smem:$0x3FB5] =	sst s0;
	s0 =	simm.s32 @!p2 $0x0  }
0x16: {  	s3 =	sld [smem:$0x3FDB];
	s0 =	simm.s32 @p2 $0x1  }
0x17: {  	s4 =	simm.s32 $0x1BF5;
	[smem:$0x3FB7] =	sst s0  }
0x18: {  	s0 =	sld [smem:$0x3F9A];
	_ =	swait.ge [sflag:s4], $0x0  }
0x19: {  	s7 =	sld [smem:$0x3F9B]  }
0x1a: {  	s8 =	sadd.s32 $0xFFFFE003, lr  }
0x1b: {  	s9 =	sadd.s32 $0xFFFFFEF7, lr;
	s5 =	simm.s32 $0xFFFFFFFF;
	p2 =	slt.u32 s8, $0xFFFFF086  }
0x1c: {  	p1 =	slt.u32 s9, $0xF7A;
	s5 =	simm.s32 @!p2 $0x0  }
0x1d: {  	s5 =	simm.s32 @p1 $0x1;
	p0 =	seq.s32 s7, s2  }
0x1e: {  	s7 =	smul.u32 @!p0 $0xF7A, s2;
	p2 =	seq.s32 @!p0 s5, $0x0  }
0x1f: {  	s9 =	smul.u32 $0xF7A, s1;
	s8 =	simm.s32 @!p0 $0x1BF5;
	p2 =	por !p2, p0  }
0x20: {  	[sflag:s8] =	ssyncset.s32 @!p0 $0xFFFFF086;
	s6 =	sadd.s32 @!p0 s3, s7;
	s7 =	simm.s32 @!p0 $0x108  }
0x21: {  	s3 =	sadd.s32 s3, s9;
	s6 =	sadd.s32 @!p0 $0x88, s6;
	s7 =	simm.s32 @p2 $0x1082  }
0x22: {  	[simem:s7], [sflag:s8] =	dma.local @!p0 [hbm:s6], $0xF7A  }
0x23: {  	s9 =	sor.u32 $0xD0000000, s2;
	s6 =	simm.s32 $0x108;
	_ =	swait.ge @!p0 [sflag:s8], $0x0  }
0x24: {  	s3 =	sadd.s32 $0x88, s3;
	s6 =	simm.s32 @!p1 $0x1082;
	[sflag:s4] =	ssyncset.s32 $0xFFFFF086  }
0x25: {  	[simem:s6], [sflag:s4] =	dma.local [hbm:s3], $0xF7A  }
0x26: {  	[smem:$0x3F9B] =	sst s1;
	(tag) =	ssettag s2;
	_ =	strace s9  }
0x27: {  	s1 =	sld [smem:$0x3FAB]  }
0x28: {  	s2 =	sld [smem:$0x3FAC]  }
0x29: {  	s4 =	sld [smem:$0x3FAE]  }
0x2a: {  	p0 =	seq.s32 s5, $0x0;
	s5 =	sld [smem:$0x3FAF]  }
0x2b: {  	s6 =	sld [smem:$0x3FB0]  }
0x2c: {  	s7 =	sld [smem:$0x3FB1]  }
0x2d: {  	s3 =	simm.s32 $0x108;
	s8 =	sld [smem:$0x3FB2]  }
0x2e: {  	s3 =	simm.s32 @!p0 $0x1082;
	s9 =	sld [smem:$0x3FB3]  }
0x2f: {  	lr =	sadd.s32 s0, s3;
	s0 =	sld [smem:$0x3FAA]  }
0x30: {  	s3 =	sld [smem:$0x3FAD]  }
0x31: {  	[smem:$0x3FB6] =	sst s10  }
0x32: {  	s10 =	sld [smem:$0x3FB4];
	_ =	sdelay $0x3  }
0x33: {  	p0 =	seq.s32 s10, $0x1;
	s10 =	sld [smem:$0x3FB6];
	_ =	sdelay $0x3  }
0x34: {  	[smem:$0x3FB6] =	sst s10  }
0x35: {  	s10 =	sld [smem:$0x3FB5];
	_ =	sdelay $0x3  }
0x36: {  	p1 =	seq.s32 s10, $0x1;
	s10 =	sld [smem:$0x3FB6];
	_ =	sdelay $0x3  }
0x37: {  	[smem:$0x3FB6] =	sst s10  }
0x38: {  	s10 =	sld [smem:$0x3FB7]  }
0x39: {  	_ = 	snop;
	(pc) =	sbr.ind lr, $3  }
0x3a: {  	_ = 	snop  }
0x3b: {  	_ = 	snop  }
0x3c: {  	p2 =	seq.s32 s10, $0x1;
	s10 =	sld [smem:$0x3FB6]  }
0x3d: {  	_ =	shalt  }
0x3e: {  	_ =	shalt  }
0x3f: {  	_ =	shalt  }
0x40: {  	_ =	shalt  }
0x41: {  	_ =	shalt  }
0x42: {  	_ =	shalt  }
0x43: {  	_ =	shalt  }
0x44: {  	_ =	shalt  }
0x45: {  	_ =	shalt  }
0x46: {  	_ =	shalt  }
0x47: {  	_ =	shalt  }
0x48: {  	_ =	shalt  }
0x49: {  	_ =	shalt  }
0x4a: {  	_ =	shalt  }
0x4b: {  	_ =	shalt  }
0x4c: {  	_ =	shalt  }
0x4d: {  	_ =	shalt  }
0x4e: {  	_ =	shalt  }
0x4f: {  	_ =	shalt  }
0x50: {  	_ =	shalt  }
0x51: {  	_ =	shalt  }
0x52: {  	_ =	shalt  }
0x53: {  	_ =	shalt  }
0x54: {  	_ =	shalt  }
0x55: {  	_ =	shalt  }
0x56: {  	_ =	shalt  }
0x57: {  	_ =	shalt  }
0x58: {  	_ =	shalt  }
0x59: {  	_ =	shalt  }
0x5a: {  	_ =	shalt  }
0x5b: {  	_ =	shalt  }
0x5c: {  	_ =	shalt  }
0x5d: {  	_ =	shalt  }
0x5e: {  	_ =	shalt  }
0x5f: {  	_ =	shalt  }
0x60: {  	_ =	shalt  }
0x61: {  	_ =	shalt  }
0x62: {  	_ =	shalt  }
0x63: {  	_ =	shalt  }
0x64: {  	_ =	shalt  }
0x65: {  	_ =	shalt  }
0x66: {  	_ =	shalt  }
0x67: {  	_ =	shalt  }
0x68: {  	_ =	shalt  }
0x69: {  	_ =	shalt  }
0x6a: {  	_ =	shalt  }
0x6b: {  	_ =	shalt  }
0x6c: {  	_ =	shalt  }
0x6d: {  	_ =	shalt  }
0x6e: {  	_ =	shalt  }
0x6f: {  	_ =	shalt  }
0x70: {  	_ =	shalt  }
0x71: {  	_ =	shalt  }
0x72: {  	_ =	shalt  }
0x73: {  	_ =	shalt  }
0x74: {  	_ =	shalt  }
0x75: {  	_ =	shalt  }
0x76: {  	_ =	shalt  }
0x77: {  	_ =	shalt  }
0x78: {  	_ =	shalt  }
0x79: {  	_ =	shalt  }
0x7a: {  	_ =	shalt  }
0x7b: {  	_ =	shalt  }
0x7c: {  	_ =	shalt  }
0x7d: {  	_ =	shalt  }
0x7e: {  	_ =	shalt  }
0x7f: {  	_ =	shalt  }
0x80: {  	_ =	shalt  }
0x81: {  	_ =	shalt  }
0x82: {  	_ =	shalt  }
0x83: {  	_ =	shalt  }
0x84: {  	_ =	shalt  }
0x85: {  	_ =	shalt  }
0x86: {  	_ =	shalt  }
0x87: {  	_ =	shalt  }
.Lfunc_end0:
.L_simem_size_0:
called_computation.4_lowered:
.L_overlay_start_0:
0x88: {  	s2 =	sld [smem:$0x3FD9]  }
0x89: {  	s3 =	sld [smem:$0x3FFE];
	_ =	sdelay $0x1  }
0x8a: {  	s1 =	srdreg.scid  }
0x8b: {  	s0 =	sand.u32 $0x1, s1  }
0x8c: {  	s17 =	sshll.u32 s0, $0xA;
	s2 =	sadd.s32 s3, s2  }
0x8d: {  	s2 =	sadd.s32 s2, s17  }
0x8e: {  	[smem:$0x3FC2] =	sst s2  }
0x8f: {  	_ = 	snop  }
0x90: {  	s2 =	sld [smem:$0x3FD0];
	(tm) =	ssettm $0x1  }
0x91: {  	s18 =	sld [smem:$0x3FFB];
	_ =	sdelay $0x3  }
0x92: {  	_ =	strace s18  }
0x93: {  	s3 =	sld [smem:$0x3FFC];
	_ =	sdelay $0x3  }
0x94: {  	_ =	strace s3  }
0x95: {  	s3 =	sld [smem:$0x3FFD];
	_ =	sdelay $0x3  }
0x96: {  	_ =	strace s3  }
0x97: {  	_ =	strace $0x8FFFFFFF  }
0x98: {  	s19 =	sld [smem:$0x3FDB];
	_ =	sdelay $0x1  }
0x99: {  	s4 =	simm.s32 $_scs_section_size  }
0x9a: {  	s5 =	simm.s32 $_size__tile_overlayer_lowered;
	s6 =	simm.s32 $_tile_overlayer_lowered  }
0x9b: {  	s22 =	simm.s32 $0x1BFF;
	s21 =	sshll.u32 s6, $0x1;
	s3 =	sadd.s32 s4, s19  }
0x9c: {  	s7 =	simm.s32 $0x0;
	s20 =	sshll.u32 s5, $0x1;
	s5 =	sadd.s32 s21, s3  }
0x9d: {  	[timem:s7], [sflag:s22] =	dma.local [hbm:s5], s20  }
0x9e: {  	_ =	swait.ge [sflag:s22], s20  }
0x9f: {  	s4 =	ssub.s32 $0x0, s20;
	[sflag:s22] =	ssyncset.done $0x0  }
0xa0: {  	[sflag:s22] =	ssyncadd.s32 s4;
	_ =	sdelay $0x1  }
0xa1: {  	s23 =	simm.s32 $0x1B8B  }
0xa2: {  	_ =	swait.ge [sflag:s23], $0x1  }
0xa3: {  	[sflag:s23] =	ssyncset.done $0x0  }
0xa4: {  	s25 =	simm.s32 $0x1B8E;
	s24 =	sld [smem:$0x3FFE];
	[sflag:s23] =	ssyncadd.s32 $0xFFFFFFFF  }
0xa5: {  	s26 =	simm.s32 $execute0_lowered;
	[smem:$0x3FD2] =	sst s25  }
0xa6: {  	s5 =	sshll.u32 s26, $0x1;
	_ =	strace $0x8000004F;
	[dreg:$0x1] =	wrdreg $0xFFFFFFFF  }
0xa7: {  	s28 =	simm.s32 $_size_execute0_lowered;
	s3 =	sadd.s32 s3, s5;
	[dreg:$0x0] =	wrdreg $0x0  }
0xa8: {  	s5 =	sshll.u32 s28, $0x1;
	[dreg:$0x2] =	wrdreg s3  }
0xa9: {  	[dreg:$0x3] =	wrdreg s5  }
0xaa: {  	[dreg:$0x4] =	wrdreg $0xC0  }
0xab: {  	_ =	task [dreg:s7], $0x5FFFF  }
0xac: {  	[dreg:$0x1] =	wrdreg $0xFFFFFFFF  }
0xad: {  	[dreg:$0x0] =	wrdreg $0x60  }
0xae: {  	[dreg:$0x2] =	wrdreg s24  }
0xaf: {  	[dreg:$0x3] =	wrdreg s2  }
0xb0: {  	[dreg:$0x4] =	wrdreg $0xA  }
0xb1: {  	_ =	task.clear_ibuf [dreg:s7], $0x5FFFF;
	_ =	strace $0x9000004F  }
0xb2: {  	s29 =	simm.s32 $0xA;
	_ =	strace $0x80000051  }
0xb3: {  	_ =	swait.ge [sflag:s29], $0x1  }
0xb4: {  	[sflag:s29] =	ssyncadd.s32 $0xFFFFFFFF  }
0xb5: {  	_ =	strace $0x90000051  }
0xb6: {  	_ =	sfence  }
0xb7: {  	s30 =	sld [smem:$0x0];
	_ =	sdelay $0x2  }
0xb8: {  	s31 =	sshll.u32 s1, $0xD;
	s1 =	sshrl.u32 s1, $0x2  }
0xb9: {  	s3 =	sand.u32 $0x4000, s31;
	s1 =	sadd.s32 s1, s30  }
0xba: {  	s0 =	sor.u32 s3, s0;
	s1 =	sshll.u32 s1, $0x11  }
0xbb: {  	s0 =	sor.u32 s1, s0  }
0xbc: {  	s0 =	sadd.s32 $0x8F2B, s0  }
0xbd: {  	[sflag:s0] =	ssyncadd.remote.s32 $0x1  }
0xbe: {  	_ =	sfence.sel $0xFFFF  }
0xbf: {  	[dreg:$0x0] =	wrdreg $0xFFFFFFFF;
	(pc) =	sbr.abs _section_cstart, $3  }
0xc0: {  	[dreg:$0x1] =	wrdreg $0xFFFFFFFF  }
0xc1: {  	_ =	task.clear_ibuf [dreg:s7], $0x2FFFF;
	_ =	strace $0x9FFFFFFF  }
0xc2: {  	(tm) =	ssettm $0x7FFFFFFF  }
0xc3: {  	_ =	shalt  }
tec
execute0_lowered:
.L_overlay_start_1:
0x0: {  	(tag) =	ssettag $0x1  }
0x1: {  	s0 =	rddreg [dreg:$0x0]  }
0x2: {  	s2 =	rddreg [dreg:$0x1]  }
0x3: {  	s1 =	srdreg.scid;
	s4 =	stileid.u32;
	s3 =	simm.s32 $0x0  }
0x4: {  	s31 =	simm.s32 $0xC080;
	s16 =	simm.s32 $0x1;
	s1 =	sand.u32 $0x1, s1  }
0x5: {  	s4 =	sshll.u32 s4, $0x5;
	[smem:$0x7FF] =	sst s3;
	s8 =	sadd.s32 $0xC0E00, s0  }
0x6: {  	s10 =	sadd.s32 $0x120E00, s0;
	s5 =	sshll.u32 s1, $0x4;
	_ =	strace $0x80000050  }
0x7: {  	s1 =	ssub.s32 $0x2, s1;
	[dreg:$0x7] =	wrdreg s31;
	s5 =	sor.u32 s5, s4  }
0x8: {  	s4 =	sadd.s32 $0x800, s0;
	s9 =	sshrl.u32 s1, $0x1;
	s7 =	smul.u32 $0x1800, s5  }
0x9: {  	s6 =	sadd.s32 s5, s0;
	s11 =	smul.u32 $0x300, s5;
	s1 =	ssub.s32 s1, s9  }
0xa: {  	s9 =	sadd.s32 $0x200, s2;
	s25 =	sadd.s32 $0x600, s6;
	s6 =	sadd.s32 $0x900, s0  }
0xb: {  	[dreg:$0x8] =	wrdreg s25;
	s7 =	sshrl.u32 s7, $0x3;
	s26 =	sadd.s32 s8, s11  }
0xc: {  	s29 =	sadd.s32 s10, s11;
	s12 =	sadd.s32 $0x1800, s7;
	[dreg:$0x3] =	wrdreg s26  }
0xd: {  	v2 =	vlaneseq.u32;
	s11 =	simm.s32 $0x2;
	[dreg:$0x5] =	wrdreg s29;
	s28 =	sadd.s32 s8, s12  }
0xe: {  	vm0 =	vmmov $0xffff;
	v1 =	vshrl.u32 v2, $0x3;
	s7 =	sadd.s32 $0xA00, s0;
	s30 =	sadd.s32 s10, s12;
	[dreg:$0x4] =	wrdreg s28  }
0xf: {  	v0 =	vand.u32 $0x7, v2;
	v2 =	vor.u32 $0x8, v2;
	v1 =	vmul.u32 $0x8, v1;
	s8 =	sadd.s32 $0x100, s2;
	s10 =	smax.u32 s1, $0x1;
	[dreg:$0x6] =	wrdreg s30  }
.LBB2_1:
0x10: {  	s12 =	rddreg [dreg:$0x8]  }
0x11: {  	[tilespmem:s3], [sflag:$0x2] =	stream.linear.gather [hbm4b:s12+s3], $0x80, $0x38;
	[tilespmem:$0x18100] =	vst v63  }
0x12: {  	_ =	swait.ge [sflag:s11], $0x80  }
0x13: {  	[sflag:s11] =	ssyncset.done $0x0  }
0x14: {  	[sflag:s11] =	ssyncadd.s32 $0xFFFFFF80  }
0x15: {  	v3 =	vld [tilespmem:$0x0];
	_ =	sdelay $0x4  }
0x16: {  	v4 =	vshrl.u32 v3, $0x3  }
0x17: {  	v4 =	vmul.u32 $0x30, v4  }
0x18: {  	v3 =	vand.u32 $0x7, v3  }
0x19: {  	v3 =	vor.u32 v3, v4  }
0x1a: {  	v4 =	vperm.xlane v3, v0;
	_ =	sdelay $0x1  }
0x1b: {  	v4 =	vadd.s32 v1, v4;
	_ =	sdelay $0x3  }
0x1c: {  	s17 =	simm.s32 $0x80;
	v3 =	vperm.xlane v3, v2  }
0x1d: {  	[tilespmem:s17], [sflag:$0x1] =	stream.indirect_vreg.gather [hbm4b:s4+s3], $0x80, v4, vm0, $0xb8;
	[tilespmem:$0x18100] =	vst v63  }
0x1e: {  	s24 =	simm.s32 $0x880;
	v3 =	vadd.s32 v1, v3  }
0x1f: {  	[tilespmem:s24], [sflag:$0x1] =	stream.indirect_vreg.gather [hbm4b:s6+s3], $0x80, v4, vm0, $0xb8;
	[tilespmem:$0x18100] =	vst v63  }
0x20: {  	s25 =	simm.s32 $0x1080  }
0x21: {  	[tilespmem:s25], [sflag:$0x1] =	stream.indirect_vreg.gather [hbm4b:s7+s3], $0x80, v4, vm0, $0xb8;
	[tilespmem:$0x18100] =	vst v63  }
0x22: {  	s26 =	simm.s32 $0x1880  }
0x23: {  	[tilespmem:s26], [sflag:$0x1] =	stream.indirect_vreg.gather [hbm4b:s4+s3], $0x80, v3, vm0, $0xb8;
	[tilespmem:$0x18100] =	vst v63  }
0x24: {  	s28 =	simm.s32 $0x2080  }
0x25: {  	[tilespmem:s28], [sflag:$0x1] =	stream.indirect_vreg.gather [hbm4b:s6+s3], $0x80, v3, vm0, $0xb8;
	[tilespmem:$0x18100] =	vst v63  }
0x26: {  	s29 =	simm.s32 $0x2880  }
0x27: {  	[tilespmem:s29], [sflag:$0x1] =	stream.indirect_vreg.gather [hbm4b:s7+s3], $0x80, v3, vm0, $0xb8;
	[tilespmem:$0x18100] =	vst v63  }
0x28: {  	v3 =	vld [tilespmem:$0x10];
	_ =	sdelay $0x4  }
0x29: {  	v49 =	vshrl.u32 v3, $0x3  }
0x2a: {  	v4 =	vmul.u32 $0x30, v49  }
0x2b: {  	v3 =	vand.u32 $0x7, v3  }
0x2c: {  	v3 =	vor.u32 v3, v4  }
0x2d: {  	v4 =	vperm.xlane v3, v0;
	_ =	sdelay $0x1  }
0x2e: {  	v4 =	vadd.s32 v1, v4;
	_ =	sdelay $0x3  }
0x2f: {  	s30 =	simm.s32 $0x3080;
	v3 =	vperm.xlane v3, v2  }
0x30: {  	[tilespmem:s30], [sflag:$0x1] =	stream.indirect_vreg.gather [hbm4b:s4+s3], $0x80, v4, vm0, $0xb8;
	[tilespmem:$0x18100] =	vst v63  }
0x31: {  	s31 =	simm.s32 $0x3880;
	v3 =	vadd.s32 v1, v3  }
0x32: {  	[tilespmem:s31], [sflag:$0x1] =	stream.indirect_vreg.gather [hbm4b:s6+s3], $0x80, v4, vm0, $0xb8;
	[tilespmem:$0x18100] =	vst v63  }
0x33: {  	s0 =	simm.s32 $0x4080  }
0x34: {  	[tilespmem:s0], [sflag:$0x1] =	stream.indirect_vreg.gather [hbm4b:s7+s3], $0x80, v4, vm0, $0xb8;
	[tilespmem:$0x18100] =	vst v63  }
0x35: {  	s1 =	simm.s32 $0x4880  }
0x36: {  	[tilespmem:s1], [sflag:$0x1] =	stream.indirect_vreg.gather [hbm4b:s4+s3], $0x80, v3, vm0, $0xb8;
	[tilespmem:$0x18100] =	vst v63  }
0x37: {  	s13 =	simm.s32 $0x5080  }
0x38: {  	[tilespmem:s13], [sflag:$0x1] =	stream.indirect_vreg.gather [hbm4b:s6+s3], $0x80, v3, vm0, $0xb8;
	[tilespmem:$0x18100] =	vst v63  }
0x39: {  	s14 =	simm.s32 $0x5880  }
0x3a: {  	[tilespmem:s14], [sflag:$0x1] =	stream.indirect_vreg.gather [hbm4b:s7+s3], $0x80, v3, vm0, $0xb8;
	[tilespmem:$0x18100] =	vst v63  }
0x3b: {  	v3 =	vld [tilespmem:$0x20];
	_ =	sdelay $0x4  }
0x3c: {  	v50 =	vshrl.u32 v3, $0x3  }
0x3d: {  	v4 =	vmul.u32 $0x30, v50  }
0x3e: {  	v3 =	vand.u32 $0x7, v3  }
0x3f: {  	v3 =	vor.u32 v3, v4  }
0x40: {  	v4 =	vperm.xlane v3, v0;
	_ =	sdelay $0x1  }
0x41: {  	v4 =	vadd.s32 v1, v4;
	_ =	sdelay $0x3  }
0x42: {  	s15 =	simm.s32 $0x6080;
	v3 =	vperm.xlane v3, v2  }
0x43: {  	[tilespmem:s15], [sflag:$0x1] =	stream.indirect_vreg.gather [hbm4b:s4+s3], $0x80, v4, vm0, $0xb8;
	[tilespmem:$0x18100] =	vst v63  }
0x44: {  	s18 =	simm.s32 $0x6880;
	v3 =	vadd.s32 v1, v3  }
0x45: {  	[tilespmem:s18], [sflag:$0x1] =	stream.indirect_vreg.gather [hbm4b:s6+s3], $0x80, v4, vm0, $0xb8;
	[tilespmem:$0x18100] =	vst v63  }
0x46: {  	s19 =	simm.s32 $0x7080  }
0x47: {  	[tilespmem:s19], [sflag:$0x1] =	stream.indirect_vreg.gather [hbm4b:s7+s3], $0x80, v4, vm0, $0xb8;
	[tilespmem:$0x18100] =	vst v63  }
0x48: {  	s20 =	simm.s32 $0x7880  }
0x49: {  	[tilespmem:s20], [sflag:$0x1] =	stream.indirect_vreg.gather [hbm4b:s4+s3], $0x80, v3, vm0, $0xb8;
	[tilespmem:$0x18100] =	vst v63  }
0x4a: {  	s21 =	simm.s32 $0x8080  }
0x4b: {  	[tilespmem:s21], [sflag:$0x1] =	stream.indirect_vreg.gather [hbm4b:s6+s3], $0x80, v3, vm0, $0xb8;
	[tilespmem:$0x18100] =	vst v63  }
0x4c: {  	s22 =	simm.s32 $0x8880  }
0x4d: {  	[tilespmem:s22], [sflag:$0x1] =	stream.indirect_vreg.gather [hbm4b:s7+s3], $0x80, v3, vm0, $0xb8;
	[tilespmem:$0x18100] =	vst v63  }
0x4e: {  	v3 =	vld [tilespmem:$0x30];
	_ =	sdelay $0x4  }
0x4f: {  	v51 =	vshrl.u32 v3, $0x3  }
0x50: {  	v4 =	vmul.u32 $0x30, v51  }
0x51: {  	v3 =	vand.u32 $0x7, v3  }
0x52: {  	v3 =	vor.u32 v3, v4  }
0x53: {  	v4 =	vperm.xlane v3, v0;
	_ =	sdelay $0x1  }
0x54: {  	v4 =	vadd.s32 v1, v4;
	_ =	sdelay $0x3  }
0x55: {  	s5 =	simm.s32 $0x9080;
	v3 =	vperm.xlane v3, v2  }
0x56: {  	[tilespmem:s5], [sflag:$0x1] =	stream.indirect_vreg.gather [hbm4b:s4+s3], $0x80, v4, vm0, $0xb8;
	[tilespmem:$0x18100] =	vst v63  }
0x57: {  	s23 =	simm.s32 $0x9880;
	v3 =	vadd.s32 v1, v3  }
0x58: {  	[tilespmem:s23], [sflag:$0x1] =	stream.indirect_vreg.gather [hbm4b:s6+s3], $0x80, v4, vm0, $0xb8;
	[tilespmem:$0x18100] =	vst v63  }
0x59: {  	s23 =	simm.s32 $0xA080  }
0x5a: {  	[tilespmem:s23], [sflag:$0x1] =	stream.indirect_vreg.gather [hbm4b:s7+s3], $0x80, v4, vm0, $0xb8;
	[tilespmem:$0x18100] =	vst v63  }
0x5b: {  	s23 =	simm.s32 $0xA880  }
0x5c: {  	[tilespmem:s23], [sflag:$0x1] =	stream.indirect_vreg.gather [hbm4b:s4+s3], $0x80, v3, vm0, $0xb8;
	[tilespmem:$0x18100] =	vst v63  }
0x5d: {  	s23 =	simm.s32 $0xB080  }
0x5e: {  	[tilespmem:s23], [sflag:$0x1] =	stream.indirect_vreg.gather [hbm4b:s6+s3], $0x80, v3, vm0, $0xb8;
	[tilespmem:$0x18100] =	vst v63  }
0x5f: {  	s23 =	simm.s32 $0xB880  }
0x60: {  	[tilespmem:s23], [sflag:$0x1] =	stream.indirect_vreg.gather [hbm4b:s7+s3], $0x80, v3, vm0, $0xb8;
	[tilespmem:$0x18100] =	vst v63  }
0x61: {  	_ =	swait.ge [sflag:s16], $0xC000  }
0x62: {  	[sflag:s16] =	ssyncset.done $0x0  }
0x63: {  	s23 =	rddreg [dreg:$0x3];
	[sflag:s16] =	ssyncadd.s32 $0xFFFF4000  }
0x64: {  	[hbm4b:s23+s3] =	stream.linear.scatter [tilespmem:s17], [sflag:$0x2], $0xC000, $0x38;
	[tilespmem:$0x18100] =	vst v63  }
0x65: {  	_ =	swait.ge [sflag:s11], $0xC000  }
0x66: {  	[sflag:s11] =	ssyncset.done $0x0  }
0x67: {  	[sflag:s11] =	ssyncadd.s32 $0xFFFF4000  }
0x68: {  	v3 =	vld [tilespmem:$0x40];
	_ =	sdelay $0x4  }
0x69: {  	v52 =	vshrl.u32 v3, $0x3  }
0x6a: {  	v4 =	vmul.u32 $0x30, v52  }
0x6b: {  	v3 =	vand.u32 $0x7, v3  }
0x6c: {  	v3 =	vor.u32 v3, v4  }
0x6d: {  	v4 =	vperm.xlane v3, v0;
	_ =	sdelay $0x1  }
0x6e: {  	v4 =	vadd.s32 v1, v4;
	_ =	sdelay $0x3  }
0x6f: {  	v3 =	vperm.xlane v3, v2  }
0x70: {  	[tilespmem:s17], [sflag:$0x1] =	stream.indirect_vreg.gather [hbm4b:s4+s3], $0x80, v4, vm0, $0xb8;
	[tilespmem:$0x18100] =	vst v63  }
0x71: {  	v3 =	vadd.s32 v1, v3  }
0x72: {  	[tilespmem:s24], [sflag:$0x1] =	stream.indirect_vreg.gather [hbm4b:s6+s3], $0x80, v4, vm0, $0xb8;
	[tilespmem:$0x18100] =	vst v63  }
0x73: {  	_ = 	snop  }
0x74: {  	[tilespmem:s25], [sflag:$0x1] =	stream.indirect_vreg.gather [hbm4b:s7+s3], $0x80, v4, vm0, $0xb8;
	[tilespmem:$0x18100] =	vst v63  }
0x75: {  	_ = 	snop  }
0x76: {  	[tilespmem:s26], [sflag:$0x1] =	stream.indirect_vreg.gather [hbm4b:s4+s3], $0x80, v3, vm0, $0xb8;
	[tilespmem:$0x18100] =	vst v63  }
0x77: {  	_ = 	snop  }
0x78: {  	[tilespmem:s28], [sflag:$0x1] =	stream.indirect_vreg.gather [hbm4b:s6+s3], $0x80, v3, vm0, $0xb8;
	[tilespmem:$0x18100] =	vst v63  }
0x79: {  	_ = 	snop  }
0x7a: {  	[tilespmem:s29], [sflag:$0x1] =	stream.indirect_vreg.gather [hbm4b:s7+s3], $0x80, v3, vm0, $0xb8;
	[tilespmem:$0x18100] =	vst v63  }
0x7b: {  	v3 =	vld [tilespmem:$0x50];
	_ =	sdelay $0x4  }
0x7c: {  	v53 =	vshrl.u32 v3, $0x3  }
0x7d: {  	v4 =	vmul.u32 $0x30, v53  }
0x7e: {  	v3 =	vand.u32 $0x7, v3  }
0x7f: {  	v3 =	vor.u32 v3, v4  }
0x80: {  	v4 =	vperm.xlane v3, v0;
	_ =	sdelay $0x1  }
0x81: {  	v4 =	vadd.s32 v1, v4;
	_ =	sdelay $0x3  }
0x82: {  	v3 =	vperm.xlane v3, v2  }
0x83: {  	[tilespmem:s30], [sflag:$0x1] =	stream.indirect_vreg.gather [hbm4b:s4+s3], $0x80, v4, vm0, $0xb8;
	[tilespmem:$0x18100] =	vst v63  }
0x84: {  	v3 =	vadd.s32 v1, v3  }
0x85: {  	[tilespmem:s31], [sflag:$0x1] =	stream.indirect_vreg.gather [hbm4b:s6+s3], $0x80, v4, vm0, $0xb8;
	[tilespmem:$0x18100] =	vst v63  }
0x86: {  	_ = 	snop  }
0x87: {  	[tilespmem:s0], [sflag:$0x1] =	stream.indirect_vreg.gather [hbm4b:s7+s3], $0x80, v4, vm0, $0xb8;
	[tilespmem:$0x18100] =	vst v63  }
0x88: {  	_ = 	snop  }
0x89: {  	[tilespmem:s1], [sflag:$0x1] =	stream.indirect_vreg.gather [hbm4b:s4+s3], $0x80, v3, vm0, $0xb8;
	[tilespmem:$0x18100] =	vst v63  }
0x8a: {  	_ = 	snop  }
0x8b: {  	[tilespmem:s13], [sflag:$0x1] =	stream.indirect_vreg.gather [hbm4b:s6+s3], $0x80, v3, vm0, $0xb8;
	[tilespmem:$0x18100] =	vst v63  }
0x8c: {  	_ = 	snop  }
0x8d: {  	[tilespmem:s14], [sflag:$0x1] =	stream.indirect_vreg.gather [hbm4b:s7+s3], $0x80, v3, vm0, $0xb8;
	[tilespmem:$0x18100] =	vst v63  }
0x8e: {  	v3 =	vld [tilespmem:$0x60];
	_ =	sdelay $0x4  }
0x8f: {  	v54 =	vshrl.u32 v3, $0x3  }
0x90: {  	v4 =	vmul.u32 $0x30, v54  }
0x91: {  	v3 =	vand.u32 $0x7, v3  }
0x92: {  	v3 =	vor.u32 v3, v4  }
0x93: {  	v4 =	vperm.xlane v3, v0;
	_ =	sdelay $0x1  }
0x94: {  	v4 =	vadd.s32 v1, v4;
	_ =	sdelay $0x3  }
0x95: {  	v3 =	vperm.xlane v3, v2  }
0x96: {  	[tilespmem:s15], [sflag:$0x1] =	stream.indirect_vreg.gather [hbm4b:s4+s3], $0x80, v4, vm0, $0xb8;
	[tilespmem:$0x18100] =	vst v63  }
0x97: {  	v3 =	vadd.s32 v1, v3  }
0x98: {  	[tilespmem:s18], [sflag:$0x1] =	stream.indirect_vreg.gather [hbm4b:s6+s3], $0x80, v4, vm0, $0xb8;
	[tilespmem:$0x18100] =	vst v63  }
0x99: {  	_ = 	snop  }
0x9a: {  	[tilespmem:s19], [sflag:$0x1] =	stream.indirect_vreg.gather [hbm4b:s7+s3], $0x80, v4, vm0, $0xb8;
	[tilespmem:$0x18100] =	vst v63  }
0x9b: {  	_ = 	snop  }
0x9c: {  	[tilespmem:s20], [sflag:$0x1] =	stream.indirect_vreg.gather [hbm4b:s4+s3], $0x80, v3, vm0, $0xb8;
	[tilespmem:$0x18100] =	vst v63  }
0x9d: {  	_ = 	snop  }
0x9e: {  	[tilespmem:s21], [sflag:$0x1] =	stream.indirect_vreg.gather [hbm4b:s6+s3], $0x80, v3, vm0, $0xb8;
	[tilespmem:$0x18100] =	vst v63  }
0x9f: {  	_ = 	snop  }
0xa0: {  	[tilespmem:s22], [sflag:$0x1] =	stream.indirect_vreg.gather [hbm4b:s7+s3], $0x80, v3, vm0, $0xb8;
	[tilespmem:$0x18100] =	vst v63  }
0xa1: {  	v3 =	vld [tilespmem:$0x70];
	_ =	sdelay $0x4  }
0xa2: {  	v55 =	vshrl.u32 v3, $0x3  }
0xa3: {  	v4 =	vmul.u32 $0x30, v55  }
0xa4: {  	v3 =	vand.u32 $0x7, v3  }
0xa5: {  	v3 =	vor.u32 v3, v4  }
0xa6: {  	v4 =	vperm.xlane v3, v0;
	_ =	sdelay $0x1  }
0xa7: {  	v4 =	vadd.s32 v1, v4;
	_ =	sdelay $0x3  }
0xa8: {  	v3 =	vperm.xlane v3, v2  }
0xa9: {  	[tilespmem:s5], [sflag:$0x1] =	stream.indirect_vreg.gather [hbm4b:s4+s3], $0x80, v4, vm0, $0xb8;
	[tilespmem:$0x18100] =	vst v63  }
0xaa: {  	s19 =	simm.s32 $0x9880;
	v3 =	vadd.s32 v1, v3  }
0xab: {  	[tilespmem:s19], [sflag:$0x1] =	stream.indirect_vreg.gather [hbm4b:s6+s3], $0x80, v4, vm0, $0xb8;
	[tilespmem:$0x18100] =	vst v63  }
0xac: {  	s20 =	simm.s32 $0xA080  }
0xad: {  	[tilespmem:s20], [sflag:$0x1] =	stream.indirect_vreg.gather [hbm4b:s7+s3], $0x80, v4, vm0, $0xb8;
	[tilespmem:$0x18100] =	vst v63  }
0xae: {  	s21 =	simm.s32 $0xA880  }
0xaf: {  	[tilespmem:s21], [sflag:$0x1] =	stream.indirect_vreg.gather [hbm4b:s4+s3], $0x80, v3, vm0, $0xb8;
	[tilespmem:$0x18100] =	vst v63  }
0xb0: {  	s22 =	simm.s32 $0xB080  }
0xb1: {  	[tilespmem:s22], [sflag:$0x1] =	stream.indirect_vreg.gather [hbm4b:s6+s3], $0x80, v3, vm0, $0xb8;
	[tilespmem:$0x18100] =	vst v63  }
0xb2: {  	s23 =	simm.s32 $0xB880  }
0xb3: {  	[tilespmem:s23], [sflag:$0x1] =	stream.indirect_vreg.gather [hbm4b:s7+s3], $0x80, v3, vm0, $0xb8;
	[tilespmem:$0x18100] =	vst v63  }
0xb4: {  	_ =	swait.ge [sflag:s16], $0xC000  }
0xb5: {  	[sflag:s16] =	ssyncset.done $0x0  }
0xb6: {  	s24 =	rddreg [dreg:$0x4];
	[sflag:s16] =	ssyncadd.s32 $0xFFFF4000  }
0xb7: {  	[hbm4b:s24+s3] =	stream.linear.scatter [tilespmem:s17], [sflag:$0x2], $0xC000, $0x38;
	[tilespmem:$0x18100] =	vst v63  }
0xb8: {  	_ =	swait.ge [sflag:s11], $0xC000  }
0xb9: {  	[sflag:s11] =	ssyncset.done $0x0  }
0xba: {  	s25 =	rddreg [dreg:$0x7];
	[sflag:s11] =	ssyncadd.s32 $0xFFFF4000  }
0xbb: {  	[tilespmem:s25], [sflag:$0x2] =	stream.linear.gather [hbm4b:s12+s3], $0x80, $0x38;
	[tilespmem:$0x18100] =	vst v63  }
0xbc: {  	_ =	swait.ge [sflag:s11], $0x80  }
0xbd: {  	[sflag:s11] =	ssyncset.done $0x0  }
0xbe: {  	[sflag:s11] =	ssyncadd.s32 $0xFFFFFF80  }
0xbf: {  	v3 =	vld [tilespmem:$0xC080];
	_ =	sdelay $0x4  }
0xc0: {  	v56 =	vshrl.u32 v3, $0x3  }
0xc1: {  	v4 =	vmul.u32 $0x30, v56  }
0xc2: {  	v3 =	vand.u32 $0x7, v3  }
0xc3: {  	v3 =	vor.u32 v3, v4  }
0xc4: {  	v4 =	vperm.xlane v3, v0;
	_ =	sdelay $0x1  }
0xc5: {  	v4 =	vadd.s32 v1, v4;
	_ =	sdelay $0x3  }
0xc6: {  	s0 =	simm.s32 $0xC100;
	v3 =	vperm.xlane v3, v2  }
0xc7: {  	[tilespmem:s0], [sflag:$0x1] =	stream.indirect_vreg.gather [hbm4b:s2+s3], $0x80, v4, vm0, $0xb8;
	[tilespmem:$0x18100] =	vst v63  }
0xc8: {  	s1 =	simm.s32 $0xC900;
	v3 =	vadd.s32 v1, v3  }
0xc9: {  	[tilespmem:s1], [sflag:$0x1] =	stream.indirect_vreg.gather [hbm4b:s8+s3], $0x80, v4, vm0, $0xb8;
	[tilespmem:$0x18100] =	vst v63  }
0xca: {  	s5 =	simm.s32 $0xD100  }
0xcb: {  	[tilespmem:s5], [sflag:$0x1] =	stream.indirect_vreg.gather [hbm4b:s9+s3], $0x80, v4, vm0, $0xb8;
	[tilespmem:$0x18100] =	vst v63  }
0xcc: {  	s12 =	simm.s32 $0xD900  }
0xcd: {  	[tilespmem:s12], [sflag:$0x1] =	stream.indirect_vreg.gather [hbm4b:s2+s3], $0x80, v3, vm0, $0xb8;
	[tilespmem:$0x18100] =	vst v63  }
0xce: {  	s13 =	simm.s32 $0xE100  }
0xcf: {  	[tilespmem:s13], [sflag:$0x1] =	stream.indirect_vreg.gather [hbm4b:s8+s3], $0x80, v3, vm0, $0xb8;
	[tilespmem:$0x18100] =	vst v63  }
0xd0: {  	s14 =	simm.s32 $0xE900  }
0xd1: {  	[tilespmem:s14], [sflag:$0x1] =	stream.indirect_vreg.gather [hbm4b:s9+s3], $0x80, v3, vm0, $0xb8;
	[tilespmem:$0x18100] =	vst v63  }
0xd2: {  	v3 =	vld [tilespmem:$0xC090];
	_ =	sdelay $0x4  }
0xd3: {  	v57 =	vshrl.u32 v3, $0x3  }
0xd4: {  	v4 =	vmul.u32 $0x30, v57  }
0xd5: {  	v3 =	vand.u32 $0x7, v3  }
0xd6: {  	v3 =	vor.u32 v3, v4  }
0xd7: {  	v4 =	vperm.xlane v3, v0;
	_ =	sdelay $0x1  }
0xd8: {  	v4 =	vadd.s32 v1, v4;
	_ =	sdelay $0x3  }
0xd9: {  	s15 =	simm.s32 $0xF100;
	v3 =	vperm.xlane v3, v2  }
0xda: {  	[tilespmem:s15], [sflag:$0x1] =	stream.indirect_vreg.gather [hbm4b:s2+s3], $0x80, v4, vm0, $0xb8;
	[tilespmem:$0x18100] =	vst v63  }
0xdb: {  	s17 =	simm.s32 $0xF900;
	v3 =	vadd.s32 v1, v3  }
0xdc: {  	[tilespmem:s17], [sflag:$0x1] =	stream.indirect_vreg.gather [hbm4b:s8+s3], $0x80, v4, vm0, $0xb8;
	[tilespmem:$0x18100] =	vst v63  }
0xdd: {  	s18 =	simm.s32 $0x10100  }
0xde: {  	[tilespmem:s18], [sflag:$0x1] =	stream.indirect_vreg.gather [hbm4b:s9+s3], $0x80, v4, vm0, $0xb8;
	[tilespmem:$0x18100] =	vst v63  }
0xdf: {  	s19 =	simm.s32 $0x10900  }
0xe0: {  	[tilespmem:s19], [sflag:$0x1] =	stream.indirect_vreg.gather [hbm4b:s2+s3], $0x80, v3, vm0, $0xb8;
	[tilespmem:$0x18100] =	vst v63  }
0xe1: {  	s20 =	simm.s32 $0x11100  }
0xe2: {  	[tilespmem:s20], [sflag:$0x1] =	stream.indirect_vreg.gather [hbm4b:s8+s3], $0x80, v3, vm0, $0xb8;
	[tilespmem:$0x18100] =	vst v63  }
0xe3: {  	s21 =	simm.s32 $0x11900  }
0xe4: {  	[tilespmem:s21], [sflag:$0x1] =	stream.indirect_vreg.gather [hbm4b:s9+s3], $0x80, v3, vm0, $0xb8;
	[tilespmem:$0x18100] =	vst v63  }
0xe5: {  	v3 =	vld [tilespmem:$0xC0A0];
	_ =	sdelay $0x4  }
0xe6: {  	v58 =	vshrl.u32 v3, $0x3  }
0xe7: {  	v4 =	vmul.u32 $0x30, v58  }
0xe8: {  	v3 =	vand.u32 $0x7, v3  }
0xe9: {  	v3 =	vor.u32 v3, v4  }
0xea: {  	v4 =	vperm.xlane v3, v0;
	_ =	sdelay $0x1  }
0xeb: {  	v4 =	vadd.s32 v1, v4;
	_ =	sdelay $0x3  }
0xec: {  	s22 =	simm.s32 $0x12100;
	v3 =	vperm.xlane v3, v2  }
0xed: {  	[tilespmem:s22], [sflag:$0x1] =	stream.indirect_vreg.gather [hbm4b:s2+s3], $0x80, v4, vm0, $0xb8;
	[tilespmem:$0x18100] =	vst v63  }
0xee: {  	s24 =	simm.s32 $0x12900;
	v3 =	vadd.s32 v1, v3  }
0xef: {  	[tilespmem:s24], [sflag:$0x1] =	stream.indirect_vreg.gather [hbm4b:s8+s3], $0x80, v4, vm0, $0xb8;
	[tilespmem:$0x18100] =	vst v63  }
0xf0: {  	s25 =	simm.s32 $0x13100  }
0xf1: {  	[tilespmem:s25], [sflag:$0x1] =	stream.indirect_vreg.gather [hbm4b:s9+s3], $0x80, v4, vm0, $0xb8;
	[tilespmem:$0x18100] =	vst v63  }
0xf2: {  	s26 =	simm.s32 $0x13900  }
0xf3: {  	[tilespmem:s26], [sflag:$0x1] =	stream.indirect_vreg.gather [hbm4b:s2+s3], $0x80, v3, vm0, $0xb8;
	[tilespmem:$0x18100] =	vst v63  }
0xf4: {  	s28 =	simm.s32 $0x14100  }
0xf5: {  	[tilespmem:s28], [sflag:$0x1] =	stream.indirect_vreg.gather [hbm4b:s8+s3], $0x80, v3, vm0, $0xb8;
	[tilespmem:$0x18100] =	vst v63  }
0xf6: {  	s29 =	simm.s32 $0x14900  }
0xf7: {  	[tilespmem:s29], [sflag:$0x1] =	stream.indirect_vreg.gather [hbm4b:s9+s3], $0x80, v3, vm0, $0xb8;
	[tilespmem:$0x18100] =	vst v63  }
0xf8: {  	v3 =	vld [tilespmem:$0xC0B0];
	_ =	sdelay $0x4  }
0xf9: {  	v59 =	vshrl.u32 v3, $0x3  }
0xfa: {  	v4 =	vmul.u32 $0x30, v59  }
0xfb: {  	v3 =	vand.u32 $0x7, v3  }
0xfc: {  	v3 =	vor.u32 v3, v4  }
0xfd: {  	v4 =	vperm.xlane v3, v0;
	_ =	sdelay $0x1  }
0xfe: {  	v4 =	vadd.s32 v1, v4;
	_ =	sdelay $0x3  }
0xff: {  	s30 =	simm.s32 $0x15100;
	v3 =	vperm.xlane v3, v2  }
0x100: {  	[tilespmem:s30], [sflag:$0x1] =	stream.indirect_vreg.gather [hbm4b:s2+s3], $0x80, v4, vm0, $0xb8;
	[tilespmem:$0x18100] =	vst v63  }
0x101: {  	s31 =	simm.s32 $0x15900;
	v3 =	vadd.s32 v1, v3  }
0x102: {  	[tilespmem:s31], [sflag:$0x1] =	stream.indirect_vreg.gather [hbm4b:s8+s3], $0x80, v4, vm0, $0xb8;
	[tilespmem:$0x18100] =	vst v63  }
0x103: {  	s23 =	simm.s32 $0x16100  }
0x104: {  	[tilespmem:s23], [sflag:$0x1] =	stream.indirect_vreg.gather [hbm4b:s9+s3], $0x80, v4, vm0, $0xb8;
	[tilespmem:$0x18100] =	vst v63  }
0x105: {  	s23 =	simm.s32 $0x16900  }
0x106: {  	[tilespmem:s23], [sflag:$0x1] =	stream.indirect_vreg.gather [hbm4b:s2+s3], $0x80, v3, vm0, $0xb8;
	[tilespmem:$0x18100] =	vst v63  }
0x107: {  	s23 =	simm.s32 $0x17100  }
0x108: {  	[tilespmem:s23], [sflag:$0x1] =	stream.indirect_vreg.gather [hbm4b:s8+s3], $0x80, v3, vm0, $0xb8;
	[tilespmem:$0x18100] =	vst v63  }
0x109: {  	s23 =	simm.s32 $0x17900  }
0x10a: {  	[tilespmem:s23], [sflag:$0x1] =	stream.indirect_vreg.gather [hbm4b:s9+s3], $0x80, v3, vm0, $0xb8;
	[tilespmem:$0x18100] =	vst v63  }
0x10b: {  	_ =	swait.ge [sflag:s16], $0xC000  }
0x10c: {  	[sflag:s16] =	ssyncset.done $0x0  }
0x10d: {  	s23 =	rddreg [dreg:$0x5];
	[sflag:s16] =	ssyncadd.s32 $0xFFFF4000  }
0x10e: {  	[hbm4b:s23+s3] =	stream.linear.scatter [tilespmem:s0], [sflag:$0x2], $0xC000, $0x38;
	[tilespmem:$0x18100] =	vst v63  }
0x10f: {  	_ =	swait.ge [sflag:s11], $0xC000  }
0x110: {  	[sflag:s11] =	ssyncset.done $0x0  }
0x111: {  	[sflag:s11] =	ssyncadd.s32 $0xFFFF4000  }
0x112: {  	v3 =	vld [tilespmem:$0xC0C0];
	_ =	sdelay $0x4  }
0x113: {  	v60 =	vshrl.u32 v3, $0x3  }
0x114: {  	v4 =	vmul.u32 $0x30, v60  }
0x115: {  	v3 =	vand.u32 $0x7, v3  }
0x116: {  	v3 =	vor.u32 v3, v4  }
0x117: {  	v4 =	vperm.xlane v3, v0;
	_ =	sdelay $0x1  }
0x118: {  	v4 =	vadd.s32 v1, v4;
	_ =	sdelay $0x3  }
0x119: {  	v3 =	vperm.xlane v3, v2  }
0x11a: {  	[tilespmem:s0], [sflag:$0x1] =	stream.indirect_vreg.gather [hbm4b:s2+s3], $0x80, v4, vm0, $0xb8;
	[tilespmem:$0x18100] =	vst v63  }
0x11b: {  	v3 =	vadd.s32 v1, v3  }
0x11c: {  	[tilespmem:s1], [sflag:$0x1] =	stream.indirect_vreg.gather [hbm4b:s8+s3], $0x80, v4, vm0, $0xb8;
	[tilespmem:$0x18100] =	vst v63  }
0x11d: {  	_ = 	snop  }
0x11e: {  	[tilespmem:s5], [sflag:$0x1] =	stream.indirect_vreg.gather [hbm4b:s9+s3], $0x80, v4, vm0, $0xb8;
	[tilespmem:$0x18100] =	vst v63  }
0x11f: {  	_ = 	snop  }
0x120: {  	[tilespmem:s12], [sflag:$0x1] =	stream.indirect_vreg.gather [hbm4b:s2+s3], $0x80, v3, vm0, $0xb8;
	[tilespmem:$0x18100] =	vst v63  }
0x121: {  	_ = 	snop  }
0x122: {  	[tilespmem:s13], [sflag:$0x1] =	stream.indirect_vreg.gather [hbm4b:s8+s3], $0x80, v3, vm0, $0xb8;
	[tilespmem:$0x18100] =	vst v63  }
0x123: {  	_ = 	snop  }
0x124: {  	[tilespmem:s14], [sflag:$0x1] =	stream.indirect_vreg.gather [hbm4b:s9+s3], $0x80, v3, vm0, $0xb8;
	[tilespmem:$0x18100] =	vst v63  }
0x125: {  	v3 =	vld [tilespmem:$0xC0D0];
	_ =	sdelay $0x4  }
0x126: {  	v61 =	vshrl.u32 v3, $0x3  }
0x127: {  	v4 =	vmul.u32 $0x30, v61  }
0x128: {  	v3 =	vand.u32 $0x7, v3  }
0x129: {  	v3 =	vor.u32 v3, v4  }
0x12a: {  	v4 =	vperm.xlane v3, v0;
	_ =	sdelay $0x1  }
0x12b: {  	v4 =	vadd.s32 v1, v4;
	_ =	sdelay $0x3  }
0x12c: {  	v3 =	vperm.xlane v3, v2  }
0x12d: {  	[tilespmem:s15], [sflag:$0x1] =	stream.indirect_vreg.gather [hbm4b:s2+s3], $0x80, v4, vm0, $0xb8;
	[tilespmem:$0x18100] =	vst v63  }
0x12e: {  	v3 =	vadd.s32 v1, v3  }
0x12f: {  	[tilespmem:s17], [sflag:$0x1] =	stream.indirect_vreg.gather [hbm4b:s8+s3], $0x80, v4, vm0, $0xb8;
	[tilespmem:$0x18100] =	vst v63  }
0x130: {  	_ = 	snop  }
0x131: {  	[tilespmem:s18], [sflag:$0x1] =	stream.indirect_vreg.gather [hbm4b:s9+s3], $0x80, v4, vm0, $0xb8;
	[tilespmem:$0x18100] =	vst v63  }
0x132: {  	_ = 	snop  }
0x133: {  	[tilespmem:s19], [sflag:$0x1] =	stream.indirect_vreg.gather [hbm4b:s2+s3], $0x80, v3, vm0, $0xb8;
	[tilespmem:$0x18100] =	vst v63  }
0x134: {  	_ = 	snop  }
0x135: {  	[tilespmem:s20], [sflag:$0x1] =	stream.indirect_vreg.gather [hbm4b:s8+s3], $0x80, v3, vm0, $0xb8;
	[tilespmem:$0x18100] =	vst v63  }
0x136: {  	_ = 	snop  }
0x137: {  	[tilespmem:s21], [sflag:$0x1] =	stream.indirect_vreg.gather [hbm4b:s9+s3], $0x80, v3, vm0, $0xb8;
	[tilespmem:$0x18100] =	vst v63  }
0x138: {  	v3 =	vld [tilespmem:$0xC0E0];
	_ =	sdelay $0x4  }
0x139: {  	v62 =	vshrl.u32 v3, $0x3  }
0x13a: {  	v4 =	vmul.u32 $0x30, v62  }
0x13b: {  	v3 =	vand.u32 $0x7, v3  }
0x13c: {  	v3 =	vor.u32 v3, v4  }
0x13d: {  	v4 =	vperm.xlane v3, v0;
	_ =	sdelay $0x1  }
0x13e: {  	v4 =	vadd.s32 v1, v4;
	_ =	sdelay $0x3  }
0x13f: {  	v3 =	vperm.xlane v3, v2  }
0x140: {  	[tilespmem:s22], [sflag:$0x1] =	stream.indirect_vreg.gather [hbm4b:s2+s3], $0x80, v4, vm0, $0xb8;
	[tilespmem:$0x18100] =	vst v63  }
0x141: {  	v3 =	vadd.s32 v1, v3  }
0x142: {  	[tilespmem:s24], [sflag:$0x1] =	stream.indirect_vreg.gather [hbm4b:s8+s3], $0x80, v4, vm0, $0xb8;
	[tilespmem:$0x18100] =	vst v63  }
0x143: {  	_ = 	snop  }
0x144: {  	[tilespmem:s25], [sflag:$0x1] =	stream.indirect_vreg.gather [hbm4b:s9+s3], $0x80, v4, vm0, $0xb8;
	[tilespmem:$0x18100] =	vst v63  }
0x145: {  	_ = 	snop  }
0x146: {  	[tilespmem:s26], [sflag:$0x1] =	stream.indirect_vreg.gather [hbm4b:s2+s3], $0x80, v3, vm0, $0xb8;
	[tilespmem:$0x18100] =	vst v63  }
0x147: {  	_ = 	snop  }
0x148: {  	[tilespmem:s28], [sflag:$0x1] =	stream.indirect_vreg.gather [hbm4b:s8+s3], $0x80, v3, vm0, $0xb8;
	[tilespmem:$0x18100] =	vst v63  }
0x149: {  	_ = 	snop  }
0x14a: {  	[tilespmem:s29], [sflag:$0x1] =	stream.indirect_vreg.gather [hbm4b:s9+s3], $0x80, v3, vm0, $0xb8;
	[tilespmem:$0x18100] =	vst v63  }
0x14b: {  	v3 =	vld [tilespmem:$0xC0F0];
	_ =	sdelay $0x4  }
0x14c: {  	v63 =	vshrl.u32 v3, $0x3  }
0x14d: {  	v4 =	vmul.u32 $0x30, v63  }
0x14e: {  	v3 =	vand.u32 $0x7, v3  }
0x14f: {  	v3 =	vor.u32 v3, v4  }
0x150: {  	v4 =	vperm.xlane v3, v0;
	_ =	sdelay $0x1  }
0x151: {  	v4 =	vadd.s32 v1, v4;
	_ =	sdelay $0x3  }
0x152: {  	v3 =	vperm.xlane v3, v2  }
0x153: {  	[tilespmem:s30], [sflag:$0x1] =	stream.indirect_vreg.gather [hbm4b:s2+s3], $0x80, v4, vm0, $0xb8;
	[tilespmem:$0x18100] =	vst v63  }
0x154: {  	v3 =	vadd.s32 v1, v3  }
0x155: {  	[tilespmem:s31], [sflag:$0x1] =	stream.indirect_vreg.gather [hbm4b:s8+s3], $0x80, v4, vm0, $0xb8;
	[tilespmem:$0x18100] =	vst v63  }
0x156: {  	s26 =	simm.s32 $0x16100  }
0x157: {  	[tilespmem:s26], [sflag:$0x1] =	stream.indirect_vreg.gather [hbm4b:s9+s3], $0x80, v4, vm0, $0xb8;
	[tilespmem:$0x18100] =	vst v63  }
0x158: {  	s28 =	simm.s32 $0x16900  }
0x159: {  	[tilespmem:s28], [sflag:$0x1] =	stream.indirect_vreg.gather [hbm4b:s2+s3], $0x80, v3, vm0, $0xb8;
	[tilespmem:$0x18100] =	vst v63  }
0x15a: {  	s29 =	simm.s32 $0x17100  }
0x15b: {  	[tilespmem:s29], [sflag:$0x1] =	stream.indirect_vreg.gather [hbm4b:s8+s3], $0x80, v3, vm0, $0xb8;
	[tilespmem:$0x18100] =	vst v63  }
0x15c: {  	s30 =	simm.s32 $0x17900  }
0x15d: {  	[tilespmem:s30], [sflag:$0x1] =	stream.indirect_vreg.gather [hbm4b:s9+s3], $0x80, v3, vm0, $0xb8;
	[tilespmem:$0x18100] =	vst v63  }
0x15e: {  	_ =	swait.ge [sflag:s16], $0xC000  }
0x15f: {  	p0 =	sne.s32 s10, $0x1;
	[sflag:s16] =	ssyncset.done $0x0  }
.Ltmp0:
0x160: {  	s31 =	rddreg [dreg:$0x6];
	[sflag:s16] =	ssyncadd.s32 $0xFFFF4000;
	(pc) =	sbr.rel @p0 .LBB2_1-.Ltmp0, $4  }
0x161: {  	[hbm4b:s31+s3] =	stream.linear.scatter [tilespmem:s0], [sflag:$0x2], $0xC000, $0x38;
	[tilespmem:$0x18100] =	vst v63  }
0x162: {  	_ =	swait.ge [sflag:s11], $0xC000  }
0x163: {  	[sflag:s11] =	ssyncset.done $0x0  }
0x164: {  	s10 =	sadd.s32 $0xFFFFFFFF, s10;
	[sflag:s11] =	ssyncadd.s32 $0xFFFF4000  }
0x165: {  	_ =	sfence.sel $0x180000  }
0x166: {  	[bflag:$0x0] =	sbarrier.arrive $0xFFFF  }
0x167: {  	_ =	strace $0x90000050  }
0x168: {  	s0 =	stileid.u32;
	[bflag:$0x2] =	sbarrier.arrive $0xFFFF  }
0x169: {  	p0 =	sne.s32 s0, $0x0;
	s0 =	rddreg [dreg:$0x2]  }
0x16a: {  	s0 =	sadd.s32 @!p0 $0x100000, s0  }
0x16b: {  	[sflag:s0] =	ssyncadd.tile.s32 @!p0 $0x1;
	_ =	shalt  }
.Lfunc_end2:
_tile_overlayer_lowered:
.L_overlay_start_2:
0x16c: {  	(tag) =	ssettag $0x2  }
0x16d: {  	s0 =	rddreg [dreg:$0x0];
	s2 =	stileid.u32  }
0x16e: {  	s1 =	rddreg [dreg:$0x1];
	p0 =	sne.s32 s2, $0x0  }
0x16f: {  	s3 =	rddreg [dreg:$0x2];
	[bflag:$0x3] =	sbarrier.arrive $0xFFFF;
	s2 =	simm.s32 @!p0 $0x1C02  }
0x170: {  	[timem:s3], [sflag:s2] =	dma.local @!p0 [hbm:s0], s1  }
0x171: {  	s0 =	simm.s32 @!p0 $0x2  }
0x172: {  	_ =	swait.ge @!p0 [sflag:s0], s1  }
0x173: {  	s1 =	ssub.s32 @!p0 $0x0, s1;
	[sflag:s0] =	ssyncset.done @!p0 $0x0  }
0x174: {  	[sflag:s0] =	ssyncadd.s32 @!p0 s1  }
0x175: {  	[bflag:$0x3] =	sbarrier.arrive $0xFFFF  }
0x176: {  	_ =	shalt  }

// kernel: kernel.21.cloned.1.call-start
scs
__scs_entry_jumppad:
0x0: {  	(pc) =	sbr.rel $0x88, $3  }
0x1: {  	(tag) =	ssettag $0x0;
	lr =	simm.s32 $0x1  }
0x2: {  	[smem:$0x3F9B] =	sst lr;
	_ =	strace $0xD0000000  }
0x3: {  	_ = 	snop  }
0x4: {  	_ = 	snop  }
0x5: {  	_ = 	snop  }
0x6: {  	_ = 	snop  }
0x7: {  	_ = 	snop  }
__scs_overlays_trampoline_lowered:
0x8: {  	[smem:$0x3FAA] =	sst s0  }
0x9: {  	[smem:$0x3FAB] =	sst s1  }
0xa: {  	[smem:$0x3FAC] =	sst s2  }
0xb: {  	[smem:$0x3FAD] =	sst s3  }
0xc: {  	[smem:$0x3FAE] =	sst s4  }
0xd: {  	[smem:$0x3FAF] =	sst s5  }
0xe: {  	[smem:$0x3FB0] =	sst s6  }
0xf: {  	[smem:$0x3FB1] =	sst s7  }
0x10: {  	[smem:$0x3FB2] =	sst s8  }
0x11: {  	[smem:$0x3FB3] =	sst s9;
	s0 =	simm.s32 @!p0 $0x0  }
0x12: {  	s1 =	sld [smem:$0x3F99];
	s0 =	simm.s32 @p0 $0x1  }
0x13: {  	[smem:$0x3FB4] =	sst s0;
	s0 =	simm.s32 @!p1 $0x0  }
0x14: {  	s2 =	sld [smem:$0x3F98];
	s0 =	simm.s32 @p1 $0x1  }
0x15: {  	[smem:$0x3FB5] =	sst s0;
	s0 =	simm.s32 @!p2 $0x0  }
0x16: {  	s3 =	sld [smem:$0x3FDB];
	s0 =	simm.s32 @p2 $0x1  }
0x17: {  	s4 =	simm.s32 $0x1BF5;
	[smem:$0x3FB7] =	sst s0  }
0x18: {  	s0 =	sld [smem:$0x3F9A];
	_ =	swait.ge [sflag:s4], $0x0  }
0x19: {  	s7 =	sld [smem:$0x3F9B]  }
0x1a: {  	s8 =	sadd.s32 $0xFFFFE003, lr  }
0x1b: {  	s9 =	sadd.s32 $0xFFFFFEF7, lr;
	s5 =	simm.s32 $0xFFFFFFFF;
	p2 =	slt.u32 s8, $0xFFFFF086  }
0x1c: {  	p1 =	slt.u32 s9, $0xF7A;
	s5 =	simm.s32 @!p2 $0x0  }
0x1d: {  	s5 =	simm.s32 @p1 $0x1;
	p0 =	seq.s32 s7, s2  }
0x1e: {  	s7 =	smul.u32 @!p0 $0xF7A, s2;
	p2 =	seq.s32 @!p0 s5, $0x0  }
0x1f: {  	s9 =	smul.u32 $0xF7A, s1;
	s8 =	simm.s32 @!p0 $0x1BF5;
	p2 =	por !p2, p0  }
0x20: {  	[sflag:s8] =	ssyncset.s32 @!p0 $0xFFFFF086;
	s6 =	sadd.s32 @!p0 s3, s7;
	s7 =	simm.s32 @!p0 $0x108  }
0x21: {  	s3 =	sadd.s32 s3, s9;
	s6 =	sadd.s32 @!p0 $0x88, s6;
	s7 =	simm.s32 @p2 $0x1082  }
0x22: {  	[simem:s7], [sflag:s8] =	dma.local @!p0 [hbm:s6], $0xF7A  }
0x23: {  	s9 =	sor.u32 $0xD0000000, s2;
	s6 =	simm.s32 $0x108;
	_ =	swait.ge @!p0 [sflag:s8], $0x0  }
0x24: {  	s3 =	sadd.s32 $0x88, s3;
	s6 =	simm.s32 @!p1 $0x1082;
	[sflag:s4] =	ssyncset.s32 $0xFFFFF086  }
0x25: {  	[simem:s6], [sflag:s4] =	dma.local [hbm:s3], $0xF7A  }
0x26: {  	[smem:$0x3F9B] =	sst s1;
	(tag) =	ssettag s2;
	_ =	strace s9  }
0x27: {  	s1 =	sld [smem:$0x3FAB]  }
0x28: {  	s2 =	sld [smem:$0x3FAC]  }
0x29: {  	s4 =	sld [smem:$0x3FAE]  }
0x2a: {  	p0 =	seq.s32 s5, $0x0;
	s5 =	sld [smem:$0x3FAF]  }
0x2b: {  	s6 =	sld [smem:$0x3FB0]  }
0x2c: {  	s7 =	sld [smem:$0x3FB1]  }
0x2d: {  	s3 =	simm.s32 $0x108;
	s8 =	sld [smem:$0x3FB2]  }
0x2e: {  	s3 =	simm.s32 @!p0 $0x1082;
	s9 =	sld [smem:$0x3FB3]  }
0x2f: {  	lr =	sadd.s32 s0, s3;
	s0 =	sld [smem:$0x3FAA]  }
0x30: {  	s3 =	sld [smem:$0x3FAD]  }
0x31: {  	[smem:$0x3FB6] =	sst s10  }
0x32: {  	s10 =	sld [smem:$0x3FB4];
	_ =	sdelay $0x3  }
0x33: {  	p0 =	seq.s32 s10, $0x1;
	s10 =	sld [smem:$0x3FB6];
	_ =	sdelay $0x3  }
0x34: {  	[smem:$0x3FB6] =	sst s10  }
0x35: {  	s10 =	sld [smem:$0x3FB5];
	_ =	sdelay $0x3  }
0x36: {  	p1 =	seq.s32 s10, $0x1;
	s10 =	sld [smem:$0x3FB6];
	_ =	sdelay $0x3  }
0x37: {  	[smem:$0x3FB6] =	sst s10  }
0x38: {  	s10 =	sld [smem:$0x3FB7]  }
0x39: {  	_ = 	snop;
	(pc) =	sbr.ind lr, $3  }
0x3a: {  	_ = 	snop  }
0x3b: {  	_ = 	snop  }
0x3c: {  	p2 =	seq.s32 s10, $0x1;
	s10 =	sld [smem:$0x3FB6]  }
0x3d: {  	_ =	shalt  }
0x3e: {  	_ =	shalt  }
0x3f: {  	_ =	shalt  }
0x40: {  	_ =	shalt  }
0x41: {  	_ =	shalt  }
0x42: {  	_ =	shalt  }
0x43: {  	_ =	shalt  }
0x44: {  	_ =	shalt  }
0x45: {  	_ =	shalt  }
0x46: {  	_ =	shalt  }
0x47: {  	_ =	shalt  }
0x48: {  	_ =	shalt  }
0x49: {  	_ =	shalt  }
0x4a: {  	_ =	shalt  }
0x4b: {  	_ =	shalt  }
0x4c: {  	_ =	shalt  }
0x4d: {  	_ =	shalt  }
0x4e: {  	_ =	shalt  }
0x4f: {  	_ =	shalt  }
0x50: {  	_ =	shalt  }
0x51: {  	_ =	shalt  }
0x52: {  	_ =	shalt  }
0x53: {  	_ =	shalt  }
0x54: {  	_ =	shalt  }
0x55: {  	_ =	shalt  }
0x56: {  	_ =	shalt  }
0x57: {  	_ =	shalt  }
0x58: {  	_ =	shalt  }
0x59: {  	_ =	shalt  }
0x5a: {  	_ =	shalt  }
0x5b: {  	_ =	shalt  }
0x5c: {  	_ =	shalt  }
0x5d: {  	_ =	shalt  }
0x5e: {  	_ =	shalt  }
0x5f: {  	_ =	shalt  }
0x60: {  	_ =	shalt  }
0x61: {  	_ =	shalt  }
0x62: {  	_ =	shalt  }
0x63: {  	_ =	shalt  }
0x64: {  	_ =	shalt  }
0x65: {  	_ =	shalt  }
0x66: {  	_ =	shalt  }
0x67: {  	_ =	shalt  }
0x68: {  	_ =	shalt  }
0x69: {  	_ =	shalt  }
0x6a: {  	_ =	shalt  }
0x6b: {  	_ =	shalt  }
0x6c: {  	_ =	shalt  }
0x6d: {  	_ =	shalt  }
0x6e: {  	_ =	shalt  }
0x6f: {  	_ =	shalt  }
0x70: {  	_ =	shalt  }
0x71: {  	_ =	shalt  }
0x72: {  	_ =	shalt  }
0x73: {  	_ =	shalt  }
0x74: {  	_ =	shalt  }
0x75: {  	_ =	shalt  }
0x76: {  	_ =	shalt  }
0x77: {  	_ =	shalt  }
0x78: {  	_ =	shalt  }
0x79: {  	_ =	shalt  }
0x7a: {  	_ =	shalt  }
0x7b: {  	_ =	shalt  }
0x7c: {  	_ =	shalt  }
0x7d: {  	_ =	shalt  }
0x7e: {  	_ =	shalt  }
0x7f: {  	_ =	shalt  }
0x80: {  	_ =	shalt  }
0x81: {  	_ =	shalt  }
0x82: {  	_ =	shalt  }
0x83: {  	_ =	shalt  }
0x84: {  	_ =	shalt  }
0x85: {  	_ =	shalt  }
0x86: {  	_ =	shalt  }
0x87: {  	_ =	shalt  }
.Lfunc_end0:
.L_simem_size_0:
called_computation.5_lowered:
.L_overlay_start_0:
0x88: {  	s2 =	sld [smem:$0x3FD9]  }
0x89: {  	s3 =	sld [smem:$0x3FFE];
	_ =	sdelay $0x1  }
0x8a: {  	s1 =	srdreg.scid  }
0x8b: {  	s0 =	sand.u32 $0x1, s1  }
0x8c: {  	s17 =	sshll.u32 s0, $0xA;
	s2 =	sadd.s32 s3, s2  }
0x8d: {  	s2 =	sadd.s32 s2, s17  }
0x8e: {  	[smem:$0x3FC2] =	sst s2  }
0x8f: {  	_ = 	snop  }
0x90: {  	s2 =	sld [smem:$0x3FD0];
	(tm) =	ssettm $0x1  }
0x91: {  	s18 =	sld [smem:$0x3FFB];
	_ =	sdelay $0x3  }
0x92: {  	_ =	strace s18  }
0x93: {  	s3 =	sld [smem:$0x3FFC];
	_ =	sdelay $0x3  }
0x94: {  	_ =	strace s3  }
0x95: {  	s3 =	sld [smem:$0x3FFD];
	_ =	sdelay $0x3  }
0x96: {  	_ =	strace s3  }
0x97: {  	_ =	strace $0x8FFFFFFF  }
0x98: {  	s19 =	sld [smem:$0x3FDB];
	_ =	sdelay $0x1  }
0x99: {  	s4 =	simm.s32 $_scs_section_size  }
0x9a: {  	s5 =	simm.s32 $_size__tile_overlayer_lowered;
	s6 =	simm.s32 $_tile_overlayer_lowered  }
0x9b: {  	s22 =	simm.s32 $0x1BFF;
	s21 =	sshll.u32 s6, $0x1;
	s3 =	sadd.s32 s4, s19  }
0x9c: {  	s7 =	simm.s32 $0x0;
	s20 =	sshll.u32 s5, $0x1;
	s5 =	sadd.s32 s21, s3  }
0x9d: {  	[timem:s7], [sflag:s22] =	dma.local [hbm:s5], s20  }
0x9e: {  	_ =	swait.ge [sflag:s22], s20  }
0x9f: {  	s4 =	ssub.s32 $0x0, s20;
	[sflag:s22] =	ssyncset.done $0x0  }
0xa0: {  	[sflag:s22] =	ssyncadd.s32 s4;
	_ =	sdelay $0x1  }
0xa1: {  	s23 =	simm.s32 $0x1B8B  }
0xa2: {  	_ =	swait.ge [sflag:s23], $0x1  }
0xa3: {  	[sflag:s23] =	ssyncset.done $0x0  }
0xa4: {  	s25 =	simm.s32 $0x1B8E;
	s24 =	sld [smem:$0x3FFE];
	[sflag:s23] =	ssyncadd.s32 $0xFFFFFFFF  }
0xa5: {  	s26 =	simm.s32 $execute0_lowered;
	[smem:$0x3FD2] =	sst s25  }
0xa6: {  	s5 =	sshll.u32 s26, $0x1;
	_ =	strace $0x80000055;
	[dreg:$0x1] =	wrdreg $0xFFFFFFFF  }
0xa7: {  	s28 =	simm.s32 $_size_execute0_lowered;
	s3 =	sadd.s32 s3, s5;
	[dreg:$0x0] =	wrdreg $0x0  }
0xa8: {  	s5 =	sshll.u32 s28, $0x1;
	[dreg:$0x2] =	wrdreg s3  }
0xa9: {  	[dreg:$0x3] =	wrdreg s5  }
0xaa: {  	[dreg:$0x4] =	wrdreg $0xC0  }
0xab: {  	_ =	task [dreg:s7], $0x5FFFF  }
0xac: {  	[dreg:$0x1] =	wrdreg $0xFFFFFFFF  }
0xad: {  	[dreg:$0x0] =	wrdreg $0x60  }
0xae: {  	[dreg:$0x2] =	wrdreg s2  }
0xaf: {  	[dreg:$0x3] =	wrdreg s24  }
0xb0: {  	[dreg:$0x4] =	wrdreg $0x9  }
0xb1: {  	_ =	task.clear_ibuf [dreg:s7], $0x5FFFF;
	_ =	strace $0x90000055  }
0xb2: {  	s29 =	simm.s32 $0x9;
	_ =	strace $0x80000057  }
0xb3: {  	_ =	swait.ge [sflag:s29], $0x1  }
0xb4: {  	[sflag:s29] =	ssyncadd.s32 $0xFFFFFFFF  }
0xb5: {  	_ =	strace $0x90000057  }
0xb6: {  	_ =	sfence  }
0xb7: {  	s30 =	sld [smem:$0x0];
	_ =	sdelay $0x2  }
0xb8: {  	s31 =	sshll.u32 s1, $0xD;
	s1 =	sshrl.u32 s1, $0x2  }
0xb9: {  	s3 =	sand.u32 $0x4000, s31;
	s1 =	sadd.s32 s1, s30  }
0xba: {  	s0 =	sor.u32 s3, s0;
	s1 =	sshll.u32 s1, $0x11  }
0xbb: {  	s0 =	sor.u32 s1, s0  }
0xbc: {  	s0 =	sadd.s32 $0x8F2B, s0  }
0xbd: {  	[sflag:s0] =	ssyncadd.remote.s32 $0x1  }
0xbe: {  	_ =	sfence.sel $0xFFFF  }
0xbf: {  	[dreg:$0x0] =	wrdreg $0xFFFFFFFF;
	(pc) =	sbr.abs _section_cstart, $3  }
0xc0: {  	[dreg:$0x1] =	wrdreg $0xFFFFFFFF  }
0xc1: {  	_ =	task.clear_ibuf [dreg:s7], $0x2FFFF;
	_ =	strace $0x9FFFFFFF  }
0xc2: {  	(tm) =	ssettm $0x7FFFFFFF  }
0xc3: {  	_ =	shalt  }
tec
execute0_lowered:
.L_overlay_start_1:
0x0: {  	(tag) =	ssettag $0x1  }
0x1: {  	s1 =	srdreg.scid;
	s2 =	rddreg [dreg:$0x0]  }
0x2: {  	s0 =	stileid.u32;
	s5 =	rddreg [dreg:$0x1]  }
0x3: {  	s18 =	simm.s32 $0x880;
	s19 =	simm.s32 $0xC80;
	s20 =	simm.s32 $0x1480  }
0x4: {  	s21 =	simm.s32 $0x1880;
	s23 =	simm.s32 $0x2080;
	s24 =	simm.s32 $0x2480  }
0x5: {  	s25 =	simm.s32 $0x2C80;
	s26 =	simm.s32 $0x3080;
	s7 =	simm.s32 $0x80  }
0x6: {  	s9 =	simm.s32 $0x3C80;
	s10 =	simm.s32 $0x4480;
	s1 =	sand.u32 $0x1, s1  }
0x7: {  	s11 =	simm.s32 $0x4880;
	s3 =	sshll.u32 s0, $0x5;
	s4 =	sshll.u32 s1, $0x4  }
0x8: {  	s12 =	simm.s32 $0x5080;
	s4 =	sor.u32 s4, s3;
	s3 =	simm.s32 $0x0  }
0x9: {  	s13 =	simm.s32 $0x5480;
	s14 =	simm.s32 $0x5C80;
	[smem:$0x7FF] =	sst s3  }
0xa: {  	s15 =	simm.s32 $0x6080;
	_ =	strace $0x80000056;
	[dreg:$0x5] =	wrdreg s18  }
0xb: {  	s16 =	simm.s32 $0x6880;
	s28 =	simm.s32 $0xA880;
	[dreg:$0x6] =	wrdreg s19  }
0xc: {  	s29 =	simm.s32 $0xB080;
	s30 =	simm.s32 $0xB480;
	[dreg:$0x7] =	wrdreg s20  }
0xd: {  	s31 =	simm.s32 $0xBC80;
	s1 =	ssub.s32 $0x2, s1;
	[dreg:$0x8] =	wrdreg s21  }
0xe: {  	s22 =	sshrl.u32 s1, $0x1;
	s6 =	smul.u32 $0x180, s4;
	[dreg:$0x9] =	wrdreg s23  }
0xf: {  	s4 =	sadd.s32 s4, s5;
	s1 =	ssub.s32 s1, s22;
	[dreg:$0xa] =	wrdreg s24  }
0x10: {  	s22 =	simm.s32 $0x8C80;
	s4 =	sadd.s32 $0x400, s4;
	[dreg:$0xb] =	wrdreg s25  }
0x11: {  	[dreg:$0xc] =	wrdreg s26;
	s18 =	simm.s32 $0x7480;
	s19 =	simm.s32 $0x7880  }
0x12: {  	s20 =	simm.s32 $0x8080;
	s21 =	simm.s32 $0x8480;
	s23 =	simm.s32 $0x9080  }
0x13: {  	s24 =	simm.s32 $0x9880;
	s25 =	simm.s32 $0x9C80;
	s26 =	simm.s32 $0xA480  }
0x14: {  	v2 =	vlaneseq.u32;
	s5 =	sadd.s32 s6, s5;
	[dreg:$0x3] =	wrdreg s4;
	s4 =	sadd.s32 $0x100, s2  }
0x15: {  	vm0 =	vmmov $0xffff;
	vm1 =	vmmov $0xff;
	v1 =	vshrl.u32 v2, $0x3;
	s6 =	simm.s32 $0x2;
	s17 =	sadd.s32 $0x60C00, s5;
	s5 =	smax.u32 s1, $0x1  }
0x16: {  	v0 =	vand.u32 $0x7, v2;
	v2 =	vor.u32 $0x8, v2;
	v1 =	vmul.u32 $0x8, v1;
	s1 =	simm.s32 $0x1;
	[dreg:$0x4] =	wrdreg s17;
	s17 =	simm.s32 $0x6C80  }
.LBB2_1:
0x17: {  	s0 =	rddreg [dreg:$0x3]  }
0x18: {  	[tilespmem:s3], [sflag:$0x2] =	stream.linear.gather [hbm4b:s0+s3], $0x80, $0x38;
	[tilespmem:$0xC080] =	vst v63  }
0x19: {  	_ =	swait.ge [sflag:s6], $0x80  }
0x1a: {  	[sflag:s6] =	ssyncset.done $0x0  }
0x1b: {  	[sflag:s6] =	ssyncadd.s32 $0xFFFFFF80  }
0x1c: {  	v3 =	vld [tilespmem:$0x0];
	_ =	sdelay $0x4  }
0x1d: {  	v4 =	vshrl.u32 v3, $0x3  }
0x1e: {  	v4 =	vmul.u32 $0x18, v4  }
0x1f: {  	v3 =	vand.u32 $0x7, v3  }
0x20: {  	v3 =	vor.u32 v3, v4  }
0x21: {  	v4 =	vperm.xlane v3, v0;
	_ =	sdelay $0x1  }
0x22: {  	v4 =	vadd.s32 v1, v4;
	_ =	sdelay $0x1  }
0x23: {  	v3 =	vperm.xlane v3, v2;
	_ =	sdelay $0x1  }
0x24: {  	v3 =	vadd.s32 v1, v3  }
0x25: {  	[tilespmem:s7], [sflag:$0x1] =	stream.indirect_vreg.gather [hbm4b:s2+s3], $0x80, v4, vm0, $0xb8;
	[tilespmem:$0xC080] =	vst v63  }
0x26: {  	s0 =	rddreg [dreg:$0x5]  }
0x27: {  	[tilespmem:s0], [sflag:$0x1] =	stream.indirect_vreg.gather [hbm4b:s4+s3], $0x80, v4, vm1, $0xb8;
	[tilespmem:$0xC080] =	vst v63  }
0x28: {  	s8 =	rddreg [dreg:$0x6]  }
0x29: {  	[tilespmem:s8], [sflag:$0x1] =	stream.indirect_vreg.gather [hbm4b:s2+s3], $0x80, v3, vm0, $0xb8;
	[tilespmem:$0xC080] =	vst v63  }
0x2a: {  	s0 =	rddreg [dreg:$0x7]  }
0x2b: {  	[tilespmem:s0], [sflag:$0x1] =	stream.indirect_vreg.gather [hbm4b:s4+s3], $0x80, v3, vm1, $0xb8;
	[tilespmem:$0xC080] =	vst v63  }
0x2c: {  	v3 =	vld [tilespmem:$0x10];
	_ =	sdelay $0x4  }
0x2d: {  	v57 =	vshrl.u32 v3, $0x3  }
0x2e: {  	v4 =	vmul.u32 $0x18, v57  }
0x2f: {  	v3 =	vand.u32 $0x7, v3  }
0x30: {  	v3 =	vor.u32 v3, v4  }
0x31: {  	v4 =	vperm.xlane v3, v0;
	_ =	sdelay $0x1  }
0x32: {  	v4 =	vadd.s32 v1, v4;
	_ =	sdelay $0x1  }
0x33: {  	v3 =	vperm.xlane v3, v2;
	_ =	sdelay $0x1  }
0x34: {  	s0 =	rddreg [dreg:$0x8];
	v3 =	vadd.s32 v1, v3  }
0x35: {  	[tilespmem:s0], [sflag:$0x1] =	stream.indirect_vreg.gather [hbm4b:s2+s3], $0x80, v4, vm0, $0xb8;
	[tilespmem:$0xC080] =	vst v63  }
0x36: {  	s8 =	rddreg [dreg:$0x9]  }
0x37: {  	[tilespmem:s8], [sflag:$0x1] =	stream.indirect_vreg.gather [hbm4b:s4+s3], $0x80, v4, vm1, $0xb8;
	[tilespmem:$0xC080] =	vst v63  }
0x38: {  	s0 =	rddreg [dreg:$0xa]  }
0x39: {  	[tilespmem:s0], [sflag:$0x1] =	stream.indirect_vreg.gather [hbm4b:s2+s3], $0x80, v3, vm0, $0xb8;
	[tilespmem:$0xC080] =	vst v63  }
0x3a: {  	s8 =	rddreg [dreg:$0xb]  }
0x3b: {  	[tilespmem:s8], [sflag:$0x1] =	stream.indirect_vreg.gather [hbm4b:s4+s3], $0x80, v3, vm1, $0xb8;
	[tilespmem:$0xC080] =	vst v63  }
0x3c: {  	v3 =	vld [tilespmem:$0x20];
	_ =	sdelay $0x4  }
0x3d: {  	v58 =	vshrl.u32 v3, $0x3  }
0x3e: {  	v4 =	vmul.u32 $0x18, v58  }
0x3f: {  	v3 =	vand.u32 $0x7, v3  }
0x40: {  	v3 =	vor.u32 v3, v4  }
0x41: {  	v4 =	vperm.xlane v3, v0;
	_ =	sdelay $0x1  }
0x42: {  	v4 =	vadd.s32 v1, v4;
	_ =	sdelay $0x1  }
0x43: {  	v3 =	vperm.xlane v3, v2;
	_ =	sdelay $0x1  }
0x44: {  	s8 =	rddreg [dreg:$0xc];
	v3 =	vadd.s32 v1, v3  }
0x45: {  	[tilespmem:s8], [sflag:$0x1] =	stream.indirect_vreg.gather [hbm4b:s2+s3], $0x80, v4, vm0, $0xb8;
	[tilespmem:$0xC080] =	vst v63  }
0x46: {  	s8 =	simm.s32 $0x3880  }
0x47: {  	[tilespmem:s8], [sflag:$0x1] =	stream.indirect_vreg.gather [hbm4b:s4+s3], $0x80, v4, vm1, $0xb8;
	[tilespmem:$0xC080] =	vst v63  }
0x48: {  	_ = 	snop  }
0x49: {  	[tilespmem:s9], [sflag:$0x1] =	stream.indirect_vreg.gather [hbm4b:s2+s3], $0x80, v3, vm0, $0xb8;
	[tilespmem:$0xC080] =	vst v63  }
0x4a: {  	_ = 	snop  }
0x4b: {  	[tilespmem:s10], [sflag:$0x1] =	stream.indirect_vreg.gather [hbm4b:s4+s3], $0x80, v3, vm1, $0xb8;
	[tilespmem:$0xC080] =	vst v63  }
0x4c: {  	v3 =	vld [tilespmem:$0x30];
	_ =	sdelay $0x4  }
0x4d: {  	v59 =	vshrl.u32 v3, $0x3  }
0x4e: {  	v4 =	vmul.u32 $0x18, v59  }
0x4f: {  	v3 =	vand.u32 $0x7, v3  }
0x50: {  	v3 =	vor.u32 v3, v4  }
0x51: {  	v4 =	vperm.xlane v3, v0;
	_ =	sdelay $0x1  }
0x52: {  	v4 =	vadd.s32 v1, v4;
	_ =	sdelay $0x1  }
0x53: {  	v3 =	vperm.xlane v3, v2;
	_ =	sdelay $0x1  }
0x54: {  	v3 =	vadd.s32 v1, v3  }
0x55: {  	[tilespmem:s11], [sflag:$0x1] =	stream.indirect_vreg.gather [hbm4b:s2+s3], $0x80, v4, vm0, $0xb8;
	[tilespmem:$0xC080] =	vst v63  }
0x56: {  	_ = 	snop  }
0x57: {  	[tilespmem:s12], [sflag:$0x1] =	stream.indirect_vreg.gather [hbm4b:s4+s3], $0x80, v4, vm1, $0xb8;
	[tilespmem:$0xC080] =	vst v63  }
0x58: {  	_ = 	snop  }
0x59: {  	[tilespmem:s13], [sflag:$0x1] =	stream.indirect_vreg.gather [hbm4b:s2+s3], $0x80, v3, vm0, $0xb8;
	[tilespmem:$0xC080] =	vst v63  }
0x5a: {  	_ = 	snop  }
0x5b: {  	[tilespmem:s14], [sflag:$0x1] =	stream.indirect_vreg.gather [hbm4b:s4+s3], $0x80, v3, vm1, $0xb8;
	[tilespmem:$0xC080] =	vst v63  }
0x5c: {  	v3 =	vld [tilespmem:$0x40];
	_ =	sdelay $0x4  }
0x5d: {  	v60 =	vshrl.u32 v3, $0x3  }
0x5e: {  	v4 =	vmul.u32 $0x18, v60  }
0x5f: {  	v3 =	vand.u32 $0x7, v3  }
0x60: {  	v3 =	vor.u32 v3, v4  }
0x61: {  	v4 =	vperm.xlane v3, v0;
	_ =	sdelay $0x1  }
0x62: {  	v4 =	vadd.s32 v1, v4;
	_ =	sdelay $0x1  }
0x63: {  	v3 =	vperm.xlane v3, v2;
	_ =	sdelay $0x1  }
0x64: {  	v3 =	vadd.s32 v1, v3  }
0x65: {  	[tilespmem:s15], [sflag:$0x1] =	stream.indirect_vreg.gather [hbm4b:s2+s3], $0x80, v4, vm0, $0xb8;
	[tilespmem:$0xC080] =	vst v63  }
0x66: {  	_ = 	snop  }
0x67: {  	[tilespmem:s16], [sflag:$0x1] =	stream.indirect_vreg.gather [hbm4b:s4+s3], $0x80, v4, vm1, $0xb8;
	[tilespmem:$0xC080] =	vst v63  }
0x68: {  	_ = 	snop  }
0x69: {  	[tilespmem:s17], [sflag:$0x1] =	stream.indirect_vreg.gather [hbm4b:s2+s3], $0x80, v3, vm0, $0xb8;
	[tilespmem:$0xC080] =	vst v63  }
0x6a: {  	_ = 	snop  }
0x6b: {  	[tilespmem:s18], [sflag:$0x1] =	stream.indirect_vreg.gather [hbm4b:s4+s3], $0x80, v3, vm1, $0xb8;
	[tilespmem:$0xC080] =	vst v63  }
0x6c: {  	v3 =	vld [tilespmem:$0x50];
	_ =	sdelay $0x4  }
0x6d: {  	v61 =	vshrl.u32 v3, $0x3  }
0x6e: {  	v4 =	vmul.u32 $0x18, v61  }
0x6f: {  	v3 =	vand.u32 $0x7, v3  }
0x70: {  	v3 =	vor.u32 v3, v4  }
0x71: {  	v4 =	vperm.xlane v3, v0;
	_ =	sdelay $0x1  }
0x72: {  	v4 =	vadd.s32 v1, v4;
	_ =	sdelay $0x1  }
0x73: {  	v3 =	vperm.xlane v3, v2;
	_ =	sdelay $0x1  }
0x74: {  	v3 =	vadd.s32 v1, v3  }
0x75: {  	[tilespmem:s19], [sflag:$0x1] =	stream.indirect_vreg.gather [hbm4b:s2+s3], $0x80, v4, vm0, $0xb8;
	[tilespmem:$0xC080] =	vst v63  }
0x76: {  	_ = 	snop  }
0x77: {  	[tilespmem:s20], [sflag:$0x1] =	stream.indirect_vreg.gather [hbm4b:s4+s3], $0x80, v4, vm1, $0xb8;
	[tilespmem:$0xC080] =	vst v63  }
0x78: {  	_ = 	snop  }
0x79: {  	[tilespmem:s21], [sflag:$0x1] =	stream.indirect_vreg.gather [hbm4b:s2+s3], $0x80, v3, vm0, $0xb8;
	[tilespmem:$0xC080] =	vst v63  }
0x7a: {  	_ = 	snop  }
0x7b: {  	[tilespmem:s22], [sflag:$0x1] =	stream.indirect_vreg.gather [hbm4b:s4+s3], $0x80, v3, vm1, $0xb8;
	[tilespmem:$0xC080] =	vst v63  }
0x7c: {  	v3 =	vld [tilespmem:$0x60];
	_ =	sdelay $0x4  }
0x7d: {  	v62 =	vshrl.u32 v3, $0x3  }
0x7e: {  	v4 =	vmul.u32 $0x18, v62  }
0x7f: {  	v3 =	vand.u32 $0x7, v3  }
0x80: {  	v3 =	vor.u32 v3, v4  }
0x81: {  	v4 =	vperm.xlane v3, v0;
	_ =	sdelay $0x1  }
0x82: {  	v4 =	vadd.s32 v1, v4;
	_ =	sdelay $0x1  }
0x83: {  	v3 =	vperm.xlane v3, v2;
	_ =	sdelay $0x1  }
0x84: {  	v3 =	vadd.s32 v1, v3  }
0x85: {  	[tilespmem:s23], [sflag:$0x1] =	stream.indirect_vreg.gather [hbm4b:s2+s3], $0x80, v4, vm0, $0xb8;
	[tilespmem:$0xC080] =	vst v63  }
0x86: {  	_ = 	snop  }
0x87: {  	[tilespmem:s24], [sflag:$0x1] =	stream.indirect_vreg.gather [hbm4b:s4+s3], $0x80, v4, vm1, $0xb8;
	[tilespmem:$0xC080] =	vst v63  }
0x88: {  	_ = 	snop  }
0x89: {  	[tilespmem:s25], [sflag:$0x1] =	stream.indirect_vreg.gather [hbm4b:s2+s3], $0x80, v3, vm0, $0xb8;
	[tilespmem:$0xC080] =	vst v63  }
0x8a: {  	_ = 	snop  }
0x8b: {  	[tilespmem:s26], [sflag:$0x1] =	stream.indirect_vreg.gather [hbm4b:s4+s3], $0x80, v3, vm1, $0xb8;
	[tilespmem:$0xC080] =	vst v63  }
0x8c: {  	v3 =	vld [tilespmem:$0x70];
	_ =	sdelay $0x4  }
0x8d: {  	v63 =	vshrl.u32 v3, $0x3  }
0x8e: {  	v4 =	vmul.u32 $0x18, v63  }
0x8f: {  	v3 =	vand.u32 $0x7, v3  }
0x90: {  	v3 =	vor.u32 v3, v4  }
0x91: {  	v4 =	vperm.xlane v3, v0;
	_ =	sdelay $0x1  }
0x92: {  	v4 =	vadd.s32 v1, v4;
	_ =	sdelay $0x1  }
0x93: {  	v3 =	vperm.xlane v3, v2;
	_ =	sdelay $0x1  }
0x94: {  	v3 =	vadd.s32 v1, v3  }
0x95: {  	[tilespmem:s28], [sflag:$0x1] =	stream.indirect_vreg.gather [hbm4b:s2+s3], $0x80, v4, vm0, $0xb8;
	[tilespmem:$0xC080] =	vst v63  }
0x96: {  	_ = 	snop  }
0x97: {  	[tilespmem:s29], [sflag:$0x1] =	stream.indirect_vreg.gather [hbm4b:s4+s3], $0x80, v4, vm1, $0xb8;
	[tilespmem:$0xC080] =	vst v63  }
0x98: {  	_ = 	snop  }
0x99: {  	[tilespmem:s30], [sflag:$0x1] =	stream.indirect_vreg.gather [hbm4b:s2+s3], $0x80, v3, vm0, $0xb8;
	[tilespmem:$0xC080] =	vst v63  }
0x9a: {  	_ = 	snop  }
0x9b: {  	[tilespmem:s31], [sflag:$0x1] =	stream.indirect_vreg.gather [hbm4b:s4+s3], $0x80, v3, vm1, $0xb8;
	[tilespmem:$0xC080] =	vst v63  }
0x9c: {  	_ =	swait.ge [sflag:s1], $0xC000  }
0x9d: {  	p0 =	sne.s32 s5, $0x1;
	[sflag:s1] =	ssyncset.done $0x0  }
.Ltmp0:
0x9e: {  	s8 =	rddreg [dreg:$0x4];
	[sflag:s1] =	ssyncadd.s32 $0xFFFF4000;
	(pc) =	sbr.rel @p0 .LBB2_1-.Ltmp0, $4  }
0x9f: {  	[hbm4b:s8+s3] =	stream.linear.scatter [tilespmem:s7], [sflag:$0x2], $0xC000, $0x38;
	[tilespmem:$0xC080] =	vst v63  }
0xa0: {  	_ =	swait.ge [sflag:s6], $0xC000  }
0xa1: {  	[sflag:s6] =	ssyncset.done $0x0  }
0xa2: {  	s5 =	sadd.s32 $0xFFFFFFFF, s5;
	[sflag:s6] =	ssyncadd.s32 $0xFFFF4000  }
0xa3: {  	_ =	sfence.sel $0x180000  }
0xa4: {  	[bflag:$0x0] =	sbarrier.arrive $0xFFFF  }
0xa5: {  	_ =	strace $0x90000056  }
0xa6: {  	s0 =	stileid.u32;
	[bflag:$0x2] =	sbarrier.arrive $0xFFFF  }
0xa7: {  	p0 =	sne.s32 s0, $0x0;
	s0 =	rddreg [dreg:$0x2]  }
0xa8: {  	s0 =	sadd.s32 @!p0 $0x100000, s0  }
0xa9: {  	[sflag:s0] =	ssyncadd.tile.s32 @!p0 $0x1;
	_ =	shalt  }
.Lfunc_end2:
_tile_overlayer_lowered:
.L_overlay_start_2:
0xaa: {  	(tag) =	ssettag $0x2  }
0xab: {  	s0 =	rddreg [dreg:$0x0];
	s2 =	stileid.u32  }
0xac: {  	s1 =	rddreg [dreg:$0x1];
	p0 =	sne.s32 s2, $0x0  }
0xad: {  	s3 =	rddreg [dreg:$0x2];
	[bflag:$0x3] =	sbarrier.arrive $0xFFFF;
	s2 =	simm.s32 @!p0 $0x1C02  }
0xae: {  	[timem:s3], [sflag:s2] =	dma.local @!p0 [hbm:s0], s1  }
0xaf: {  	s0 =	simm.s32 @!p0 $0x2  }
0xb0: {  	_ =	swait.ge @!p0 [sflag:s0], s1  }
0xb1: {  	s1 =	ssub.s32 @!p0 $0x0, s1;
	[sflag:s0] =	ssyncset.done @!p0 $0x0  }
0xb2: {  	[sflag:s0] =	ssyncadd.s32 @!p0 s1  }
0xb3: {  	[bflag:$0x3] =	sbarrier.arrive $0xFFFF  }
0xb4: {  	_ =	shalt  }

// kernel: kernel.24.cloned.1.call-start
scs
__scs_entry_jumppad:
0x0: {  	(pc) =	sbr.rel $0x88, $3  }
0x1: {  	(tag) =	ssettag $0x0;
	lr =	simm.s32 $0x1  }
0x2: {  	[smem:$0x3F9B] =	sst lr;
	_ =	strace $0xD0000000  }
0x3: {  	_ = 	snop  }
0x4: {  	_ = 	snop  }
0x5: {  	_ = 	snop  }
0x6: {  	_ = 	snop  }
0x7: {  	_ = 	snop  }
__scs_overlays_trampoline_lowered:
0x8: {  	[smem:$0x3FAA] =	sst s0  }
0x9: {  	[smem:$0x3FAB] =	sst s1  }
0xa: {  	[smem:$0x3FAC] =	sst s2  }
0xb: {  	[smem:$0x3FAD] =	sst s3  }
0xc: {  	[smem:$0x3FAE] =	sst s4  }
0xd: {  	[smem:$0x3FAF] =	sst s5  }
0xe: {  	[smem:$0x3FB0] =	sst s6  }
0xf: {  	[smem:$0x3FB1] =	sst s7  }
0x10: {  	[smem:$0x3FB2] =	sst s8  }
0x11: {  	[smem:$0x3FB3] =	sst s9;
	s0 =	simm.s32 @!p0 $0x0  }
0x12: {  	s1 =	sld [smem:$0x3F99];
	s0 =	simm.s32 @p0 $0x1  }
0x13: {  	[smem:$0x3FB4] =	sst s0;
	s0 =	simm.s32 @!p1 $0x0  }
0x14: {  	s2 =	sld [smem:$0x3F98];
	s0 =	simm.s32 @p1 $0x1  }
0x15: {  	[smem:$0x3FB5] =	sst s0;
	s0 =	simm.s32 @!p2 $0x0  }
0x16: {  	s3 =	sld [smem:$0x3FDB];
	s0 =	simm.s32 @p2 $0x1  }
0x17: {  	s4 =	simm.s32 $0x1BF5;
	[smem:$0x3FB7] =	sst s0  }
0x18: {  	s0 =	sld [smem:$0x3F9A];
	_ =	swait.ge [sflag:s4], $0x0  }
0x19: {  	s7 =	sld [smem:$0x3F9B]  }
0x1a: {  	s8 =	sadd.s32 $0xFFFFE003, lr  }
0x1b: {  	s9 =	sadd.s32 $0xFFFFFEF7, lr;
	s5 =	simm.s32 $0xFFFFFFFF;
	p2 =	slt.u32 s8, $0xFFFFF086  }
0x1c: {  	p1 =	slt.u32 s9, $0xF7A;
	s5 =	simm.s32 @!p2 $0x0  }
0x1d: {  	s5 =	simm.s32 @p1 $0x1;
	p0 =	seq.s32 s7, s2  }
0x1e: {  	s7 =	smul.u32 @!p0 $0xF7A, s2;
	p2 =	seq.s32 @!p0 s5, $0x0  }
0x1f: {  	s9 =	smul.u32 $0xF7A, s1;
	s8 =	simm.s32 @!p0 $0x1BF5;
	p2 =	por !p2, p0  }
0x20: {  	[sflag:s8] =	ssyncset.s32 @!p0 $0xFFFFF086;
	s6 =	sadd.s32 @!p0 s3, s7;
	s7 =	simm.s32 @!p0 $0x108  }
0x21: {  	s3 =	sadd.s32 s3, s9;
	s6 =	sadd.s32 @!p0 $0x88, s6;
	s7 =	simm.s32 @p2 $0x1082  }
0x22: {  	[simem:s7], [sflag:s8] =	dma.local @!p0 [hbm:s6], $0xF7A  }
0x23: {  	s9 =	sor.u32 $0xD0000000, s2;
	s6 =	simm.s32 $0x108;
	_ =	swait.ge @!p0 [sflag:s8], $0x0  }
0x24: {  	s3 =	sadd.s32 $0x88, s3;
	s6 =	simm.s32 @!p1 $0x1082;
	[sflag:s4] =	ssyncset.s32 $0xFFFFF086  }
0x25: {  	[simem:s6], [sflag:s4] =	dma.local [hbm:s3], $0xF7A  }
0x26: {  	[smem:$0x3F9B] =	sst s1;
	(tag) =	ssettag s2;
	_ =	strace s9  }
0x27: {  	s1 =	sld [smem:$0x3FAB]  }
0x28: {  	s2 =	sld [smem:$0x3FAC]  }
0x29: {  	s4 =	sld [smem:$0x3FAE]  }
0x2a: {  	p0 =	seq.s32 s5, $0x0;
	s5 =	sld [smem:$0x3FAF]  }
0x2b: {  	s6 =	sld [smem:$0x3FB0]  }
0x2c: {  	s7 =	sld [smem:$0x3FB1]  }
0x2d: {  	s3 =	simm.s32 $0x108;
	s8 =	sld [smem:$0x3FB2]  }
0x2e: {  	s3 =	simm.s32 @!p0 $0x1082;
	s9 =	sld [smem:$0x3FB3]  }
0x2f: {  	lr =	sadd.s32 s0, s3;
	s0 =	sld [smem:$0x3FAA]  }
0x30: {  	s3 =	sld [smem:$0x3FAD]  }
0x31: {  	[smem:$0x3FB6] =	sst s10  }
0x32: {  	s10 =	sld [smem:$0x3FB4];
	_ =	sdelay $0x3  }
0x33: {  	p0 =	seq.s32 s10, $0x1;
	s10 =	sld [smem:$0x3FB6];
	_ =	sdelay $0x3  }
0x34: {  	[smem:$0x3FB6] =	sst s10  }
0x35: {  	s10 =	sld [smem:$0x3FB5];
	_ =	sdelay $0x3  }
0x36: {  	p1 =	seq.s32 s10, $0x1;
	s10 =	sld [smem:$0x3FB6];
	_ =	sdelay $0x3  }
0x37: {  	[smem:$0x3FB6] =	sst s10  }
0x38: {  	s10 =	sld [smem:$0x3FB7]  }
0x39: {  	_ = 	snop;
	(pc) =	sbr.ind lr, $3  }
0x3a: {  	_ = 	snop  }
0x3b: {  	_ = 	snop  }
0x3c: {  	p2 =	seq.s32 s10, $0x1;
	s10 =	sld [smem:$0x3FB6]  }
0x3d: {  	_ =	shalt  }
0x3e: {  	_ =	shalt  }
0x3f: {  	_ =	shalt  }
0x40: {  	_ =	shalt  }
0x41: {  	_ =	shalt  }
0x42: {  	_ =	shalt  }
0x43: {  	_ =	shalt  }
0x44: {  	_ =	shalt  }
0x45: {  	_ =	shalt  }
0x46: {  	_ =	shalt  }
0x47: {  	_ =	shalt  }
0x48: {  	_ =	shalt  }
0x49: {  	_ =	shalt  }
0x4a: {  	_ =	shalt  }
0x4b: {  	_ =	shalt  }
0x4c: {  	_ =	shalt  }
0x4d: {  	_ =	shalt  }
0x4e: {  	_ =	shalt  }
0x4f: {  	_ =	shalt  }
0x50: {  	_ =	shalt  }
0x51: {  	_ =	shalt  }
0x52: {  	_ =	shalt  }
0x53: {  	_ =	shalt  }
0x54: {  	_ =	shalt  }
0x55: {  	_ =	shalt  }
0x56: {  	_ =	shalt  }
0x57: {  	_ =	shalt  }
0x58: {  	_ =	shalt  }
0x59: {  	_ =	shalt  }
0x5a: {  	_ =	shalt  }
0x5b: {  	_ =	shalt  }
0x5c: {  	_ =	shalt  }
0x5d: {  	_ =	shalt  }
0x5e: {  	_ =	shalt  }
0x5f: {  	_ =	shalt  }
0x60: {  	_ =	shalt  }
0x61: {  	_ =	shalt  }
0x62: {  	_ =	shalt  }
0x63: {  	_ =	shalt  }
0x64: {  	_ =	shalt  }
0x65: {  	_ =	shalt  }
0x66: {  	_ =	shalt  }
0x67: {  	_ =	shalt  }
0x68: {  	_ =	shalt  }
0x69: {  	_ =	shalt  }
0x6a: {  	_ =	shalt  }
0x6b: {  	_ =	shalt  }
0x6c: {  	_ =	shalt  }
0x6d: {  	_ =	shalt  }
0x6e: {  	_ =	shalt  }
0x6f: {  	_ =	shalt  }
0x70: {  	_ =	shalt  }
0x71: {  	_ =	shalt  }
0x72: {  	_ =	shalt  }
0x73: {  	_ =	shalt  }
0x74: {  	_ =	shalt  }
0x75: {  	_ =	shalt  }
0x76: {  	_ =	shalt  }
0x77: {  	_ =	shalt  }
0x78: {  	_ =	shalt  }
0x79: {  	_ =	shalt  }
0x7a: {  	_ =	shalt  }
0x7b: {  	_ =	shalt  }
0x7c: {  	_ =	shalt  }
0x7d: {  	_ =	shalt  }
0x7e: {  	_ =	shalt  }
0x7f: {  	_ =	shalt  }
0x80: {  	_ =	shalt  }
0x81: {  	_ =	shalt  }
0x82: {  	_ =	shalt  }
0x83: {  	_ =	shalt  }
0x84: {  	_ =	shalt  }
0x85: {  	_ =	shalt  }
0x86: {  	_ =	shalt  }
0x87: {  	_ =	shalt  }
.Lfunc_end0:
.L_simem_size_0:
called_computation.6_lowered:
.L_overlay_start_0:
0x88: {  	s2 =	sld [smem:$0x3FD9]  }
0x89: {  	s3 =	sld [smem:$0x3FFE];
	_ =	sdelay $0x1  }
0x8a: {  	s1 =	srdreg.scid  }
0x8b: {  	s0 =	sand.u32 $0x1, s1  }
0x8c: {  	s17 =	sshll.u32 s0, $0xA;
	s2 =	sadd.s32 s3, s2  }
0x8d: {  	s2 =	sadd.s32 s2, s17  }
0x8e: {  	[smem:$0x3FC2] =	sst s2  }
0x8f: {  	_ = 	snop  }
0x90: {  	s2 =	sld [smem:$0x3FD0];
	(tm) =	ssettm $0x1  }
0x91: {  	s18 =	sld [smem:$0x3FFB];
	_ =	sdelay $0x3  }
0x92: {  	_ =	strace s18  }
0x93: {  	s3 =	sld [smem:$0x3FFC];
	_ =	sdelay $0x3  }
0x94: {  	_ =	strace s3  }
0x95: {  	s3 =	sld [smem:$0x3FFD];
	_ =	sdelay $0x3  }
0x96: {  	_ =	strace s3  }
0x97: {  	_ =	strace $0x8FFFFFFF  }
0x98: {  	s19 =	sld [smem:$0x3FDB];
	_ =	sdelay $0x1  }
0x99: {  	s4 =	simm.s32 $_scs_section_size  }
0x9a: {  	s5 =	simm.s32 $_size__tile_overlayer_lowered;
	s6 =	simm.s32 $_tile_overlayer_lowered  }
0x9b: {  	s22 =	simm.s32 $0x1BFF;
	s21 =	sshll.u32 s6, $0x1;
	s3 =	sadd.s32 s4, s19  }
0x9c: {  	s7 =	simm.s32 $0x0;
	s20 =	sshll.u32 s5, $0x1;
	s5 =	sadd.s32 s21, s3  }
0x9d: {  	[timem:s7], [sflag:s22] =	dma.local [hbm:s5], s20  }
0x9e: {  	_ =	swait.ge [sflag:s22], s20  }
0x9f: {  	s4 =	ssub.s32 $0x0, s20;
	[sflag:s22] =	ssyncset.done $0x0  }
0xa0: {  	[sflag:s22] =	ssyncadd.s32 s4;
	_ =	sdelay $0x1  }
0xa1: {  	s23 =	simm.s32 $0x1B8B  }
0xa2: {  	_ =	swait.ge [sflag:s23], $0x1  }
0xa3: {  	[sflag:s23] =	ssyncset.done $0x0  }
0xa4: {  	s25 =	simm.s32 $0x1B8E;
	s24 =	sld [smem:$0x3FFE];
	[sflag:s23] =	ssyncadd.s32 $0xFFFFFFFF  }
0xa5: {  	s26 =	simm.s32 $execute0_lowered;
	[smem:$0x3FD2] =	sst s25  }
0xa6: {  	s5 =	sshll.u32 s26, $0x1;
	_ =	strace $0x80000058;
	[dreg:$0x1] =	wrdreg $0xFFFFFFFF  }
0xa7: {  	s28 =	simm.s32 $_size_execute0_lowered;
	s3 =	sadd.s32 s3, s5;
	[dreg:$0x0] =	wrdreg $0x0  }
0xa8: {  	s5 =	sshll.u32 s28, $0x1;
	[dreg:$0x2] =	wrdreg s3  }
0xa9: {  	[dreg:$0x3] =	wrdreg s5  }
0xaa: {  	[dreg:$0x4] =	wrdreg $0xC0  }
0xab: {  	_ =	task [dreg:s7], $0x5FFFF  }
0xac: {  	[dreg:$0x1] =	wrdreg $0xFFFFFFFF  }
0xad: {  	[dreg:$0x0] =	wrdreg $0x60  }
0xae: {  	[dreg:$0x2] =	wrdreg s2  }
0xaf: {  	[dreg:$0x3] =	wrdreg s24  }
0xb0: {  	[dreg:$0x4] =	wrdreg $0x9  }
0xb1: {  	_ =	task.clear_ibuf [dreg:s7], $0x5FFFF;
	_ =	strace $0x90000058  }
0xb2: {  	s29 =	simm.s32 $0x9;
	_ =	strace $0x8000005A  }
0xb3: {  	_ =	swait.ge [sflag:s29], $0x1  }
0xb4: {  	[sflag:s29] =	ssyncadd.s32 $0xFFFFFFFF  }
0xb5: {  	_ =	strace $0x9000005A  }
0xb6: {  	_ =	sfence  }
0xb7: {  	s30 =	sld [smem:$0x0];
	_ =	sdelay $0x2  }
0xb8: {  	s31 =	sshll.u32 s1, $0xD;
	s1 =	sshrl.u32 s1, $0x2  }
0xb9: {  	s3 =	sand.u32 $0x4000, s31;
	s1 =	sadd.s32 s1, s30  }
0xba: {  	s0 =	sor.u32 s3, s0;
	s1 =	sshll.u32 s1, $0x11  }
0xbb: {  	s0 =	sor.u32 s1, s0  }
0xbc: {  	s0 =	sadd.s32 $0x8F2B, s0  }
0xbd: {  	[sflag:s0] =	ssyncadd.remote.s32 $0x1  }
0xbe: {  	_ =	sfence.sel $0xFFFF  }
0xbf: {  	[dreg:$0x0] =	wrdreg $0xFFFFFFFF;
	(pc) =	sbr.abs _section_cstart, $3  }
0xc0: {  	[dreg:$0x1] =	wrdreg $0xFFFFFFFF  }
0xc1: {  	_ =	task.clear_ibuf [dreg:s7], $0x2FFFF;
	_ =	strace $0x9FFFFFFF  }
0xc2: {  	(tm) =	ssettm $0x7FFFFFFF  }
0xc3: {  	_ =	shalt  }
tec
execute0_lowered:
.L_overlay_start_1:
0x0: {  	(tag) =	ssettag $0x1  }
0x1: {  	s1 =	srdreg.scid  }
0x2: {  	s2 =	rddreg [dreg:$0x0];
	s0 =	stileid.u32  }
0x3: {  	s4 =	rddreg [dreg:$0x1];
	s3 =	simm.s32 $0x0;
	s18 =	simm.s32 $0x880  }
0x4: {  	s19 =	simm.s32 $0xC80;
	s20 =	simm.s32 $0x1480;
	s21 =	simm.s32 $0x1880  }
0x5: {  	s23 =	simm.s32 $0x2080;
	s24 =	simm.s32 $0x2480;
	s25 =	simm.s32 $0x2C80  }
0x6: {  	s26 =	simm.s32 $0x3080;
	s7 =	simm.s32 $0x80;
	s9 =	simm.s32 $0x3C80  }
0x7: {  	s10 =	simm.s32 $0x4480;
	s11 =	simm.s32 $0x4880;
	[smem:$0x7FF] =	sst s3  }
0x8: {  	s12 =	simm.s32 $0x5080;
	_ =	strace $0x80000059;
	[dreg:$0x5] =	wrdreg s18  }
0x9: {  	s13 =	simm.s32 $0x5480;
	s14 =	simm.s32 $0x5C80;
	[dreg:$0x6] =	wrdreg s19  }
0xa: {  	s15 =	simm.s32 $0x6080;
	s16 =	simm.s32 $0x6880;
	[dreg:$0x7] =	wrdreg s20  }
0xb: {  	s17 =	simm.s32 $0x6C80;
	s28 =	simm.s32 $0xA880;
	[dreg:$0x8] =	wrdreg s21  }
0xc: {  	s29 =	simm.s32 $0xB080;
	s30 =	simm.s32 $0xB480;
	[dreg:$0x9] =	wrdreg s23  }
0xd: {  	s31 =	simm.s32 $0xBC80;
	s1 =	sand.u32 $0x1, s1;
	[dreg:$0xa] =	wrdreg s24  }
0xe: {  	s5 =	sshll.u32 s0, $0x5;
	s6 =	sshll.u32 s1, $0x4;
	[dreg:$0xb] =	wrdreg s25  }
0xf: {  	s1 =	ssub.s32 $0x2, s1;
	[dreg:$0xc] =	wrdreg s26;
	s18 =	simm.s32 $0x7480  }
0x10: {  	s19 =	simm.s32 $0x7880;
	s20 =	simm.s32 $0x8080;
	s21 =	simm.s32 $0x8480  }
0x11: {  	s23 =	simm.s32 $0x9080;
	s24 =	simm.s32 $0x9880;
	s5 =	sor.u32 s6, s5  }
0x12: {  	s25 =	simm.s32 $0x9C80;
	s26 =	simm.s32 $0xA480;
	s6 =	sadd.s32 s5, s4  }
0x13: {  	s22 =	sshrl.u32 s1, $0x1;
	s5 =	smul.u32 $0x180, s5;
	s6 =	sadd.s32 $0x90C00, s6  }
0x14: {  	v2 =	vlaneseq.u32;
	s1 =	ssub.s32 s1, s22;
	s22 =	simm.s32 $0x8C80;
	[dreg:$0x3] =	wrdreg s6  }
0x15: {  	vm0 =	vmmov $0xffff;
	vm1 =	vmmov $0xff;
	v1 =	vshrl.u32 v2, $0x3;
	s4 =	sadd.s32 s4, s5;
	s5 =	smax.u32 s1, $0x1;
	s6 =	simm.s32 $0x2  }
0x16: {  	v0 =	vand.u32 $0x7, v2;
	v2 =	vor.u32 $0x8, v2;
	v1 =	vmul.u32 $0x8, v1;
	s1 =	simm.s32 $0x1;
	[dreg:$0x4] =	wrdreg s4;
	s4 =	sadd.s32 $0x100, s2  }
.LBB2_1:
0x17: {  	s0 =	rddreg [dreg:$0x3]  }
0x18: {  	[tilespmem:s3], [sflag:$0x2] =	stream.linear.gather [hbm4b:s0+s3], $0x80, $0x38;
	[tilespmem:$0xC080] =	vst v63  }
0x19: {  	_ =	swait.ge [sflag:s6], $0x80  }
0x1a: {  	[sflag:s6] =	ssyncset.done $0x0  }
0x1b: {  	[sflag:s6] =	ssyncadd.s32 $0xFFFFFF80  }
0x1c: {  	v3 =	vld [tilespmem:$0x0];
	_ =	sdelay $0x4  }
0x1d: {  	v4 =	vshrl.u32 v3, $0x3  }
0x1e: {  	v4 =	vmul.u32 $0x18, v4  }
0x1f: {  	v3 =	vand.u32 $0x7, v3  }
0x20: {  	v3 =	vor.u32 v3, v4  }
0x21: {  	v4 =	vperm.xlane v3, v0;
	_ =	sdelay $0x1  }
0x22: {  	v4 =	vadd.s32 v1, v4;
	_ =	sdelay $0x1  }
0x23: {  	v3 =	vperm.xlane v3, v2;
	_ =	sdelay $0x1  }
0x24: {  	v3 =	vadd.s32 v1, v3  }
0x25: {  	[tilespmem:s7], [sflag:$0x1] =	stream.indirect_vreg.gather [hbm4b:s2+s3], $0x80, v4, vm0, $0xb8;
	[tilespmem:$0xC080] =	vst v63  }
0x26: {  	s0 =	rddreg [dreg:$0x5]  }
0x27: {  	[tilespmem:s0], [sflag:$0x1] =	stream.indirect_vreg.gather [hbm4b:s4+s3], $0x80, v4, vm1, $0xb8;
	[tilespmem:$0xC080] =	vst v63  }
0x28: {  	s8 =	rddreg [dreg:$0x6]  }
0x29: {  	[tilespmem:s8], [sflag:$0x1] =	stream.indirect_vreg.gather [hbm4b:s2+s3], $0x80, v3, vm0, $0xb8;
	[tilespmem:$0xC080] =	vst v63  }
0x2a: {  	s0 =	rddreg [dreg:$0x7]  }
0x2b: {  	[tilespmem:s0], [sflag:$0x1] =	stream.indirect_vreg.gather [hbm4b:s4+s3], $0x80, v3, vm1, $0xb8;
	[tilespmem:$0xC080] =	vst v63  }
0x2c: {  	v3 =	vld [tilespmem:$0x10];
	_ =	sdelay $0x4  }
0x2d: {  	v57 =	vshrl.u32 v3, $0x3  }
0x2e: {  	v4 =	vmul.u32 $0x18, v57  }
0x2f: {  	v3 =	vand.u32 $0x7, v3  }
0x30: {  	v3 =	vor.u32 v3, v4  }
0x31: {  	v4 =	vperm.xlane v3, v0;
	_ =	sdelay $0x1  }
0x32: {  	v4 =	vadd.s32 v1, v4;
	_ =	sdelay $0x1  }
0x33: {  	v3 =	vperm.xlane v3, v2;
	_ =	sdelay $0x1  }
0x34: {  	s0 =	rddreg [dreg:$0x8];
	v3 =	vadd.s32 v1, v3  }
0x35: {  	[tilespmem:s0], [sflag:$0x1] =	stream.indirect_vreg.gather [hbm4b:s2+s3], $0x80, v4, vm0, $0xb8;
	[tilespmem:$0xC080] =	vst v63  }
0x36: {  	s8 =	rddreg [dreg:$0x9]  }
0x37: {  	[tilespmem:s8], [sflag:$0x1] =	stream.indirect_vreg.gather [hbm4b:s4+s3], $0x80, v4, vm1, $0xb8;
	[tilespmem:$0xC080] =	vst v63  }
0x38: {  	s0 =	rddreg [dreg:$0xa]  }
0x39: {  	[tilespmem:s0], [sflag:$0x1] =	stream.indirect_vreg.gather [hbm4b:s2+s3], $0x80, v3, vm0, $0xb8;
	[tilespmem:$0xC080] =	vst v63  }
0x3a: {  	s8 =	rddreg [dreg:$0xb]  }
0x3b: {  	[tilespmem:s8], [sflag:$0x1] =	stream.indirect_vreg.gather [hbm4b:s4+s3], $0x80, v3, vm1, $0xb8;
	[tilespmem:$0xC080] =	vst v63  }
0x3c: {  	v3 =	vld [tilespmem:$0x20];
	_ =	sdelay $0x4  }
0x3d: {  	v58 =	vshrl.u32 v3, $0x3  }
0x3e: {  	v4 =	vmul.u32 $0x18, v58  }
0x3f: {  	v3 =	vand.u32 $0x7, v3  }
0x40: {  	v3 =	vor.u32 v3, v4  }
0x41: {  	v4 =	vperm.xlane v3, v0;
	_ =	sdelay $0x1  }
0x42: {  	v4 =	vadd.s32 v1, v4;
	_ =	sdelay $0x1  }
0x43: {  	v3 =	vperm.xlane v3, v2;
	_ =	sdelay $0x1  }
0x44: {  	s8 =	rddreg [dreg:$0xc];
	v3 =	vadd.s32 v1, v3  }
0x45: {  	[tilespmem:s8], [sflag:$0x1] =	stream.indirect_vreg.gather [hbm4b:s2+s3], $0x80, v4, vm0, $0xb8;
	[tilespmem:$0xC080] =	vst v63  }
0x46: {  	s8 =	simm.s32 $0x3880  }
0x47: {  	[tilespmem:s8], [sflag:$0x1] =	stream.indirect_vreg.gather [hbm4b:s4+s3], $0x80, v4, vm1, $0xb8;
	[tilespmem:$0xC080] =	vst v63  }
0x48: {  	_ = 	snop  }
0x49: {  	[tilespmem:s9], [sflag:$0x1] =	stream.indirect_vreg.gather [hbm4b:s2+s3], $0x80, v3, vm0, $0xb8;
	[tilespmem:$0xC080] =	vst v63  }
0x4a: {  	_ = 	snop  }
0x4b: {  	[tilespmem:s10], [sflag:$0x1] =	stream.indirect_vreg.gather [hbm4b:s4+s3], $0x80, v3, vm1, $0xb8;
	[tilespmem:$0xC080] =	vst v63  }
0x4c: {  	v3 =	vld [tilespmem:$0x30];
	_ =	sdelay $0x4  }
0x4d: {  	v59 =	vshrl.u32 v3, $0x3  }
0x4e: {  	v4 =	vmul.u32 $0x18, v59  }
0x4f: {  	v3 =	vand.u32 $0x7, v3  }
0x50: {  	v3 =	vor.u32 v3, v4  }
0x51: {  	v4 =	vperm.xlane v3, v0;
	_ =	sdelay $0x1  }
0x52: {  	v4 =	vadd.s32 v1, v4;
	_ =	sdelay $0x1  }
0x53: {  	v3 =	vperm.xlane v3, v2;
	_ =	sdelay $0x1  }
0x54: {  	v3 =	vadd.s32 v1, v3  }
0x55: {  	[tilespmem:s11], [sflag:$0x1] =	stream.indirect_vreg.gather [hbm4b:s2+s3], $0x80, v4, vm0, $0xb8;
	[tilespmem:$0xC080] =	vst v63  }
0x56: {  	_ = 	snop  }
0x57: {  	[tilespmem:s12], [sflag:$0x1] =	stream.indirect_vreg.gather [hbm4b:s4+s3], $0x80, v4, vm1, $0xb8;
	[tilespmem:$0xC080] =	vst v63  }
0x58: {  	_ = 	snop  }
0x59: {  	[tilespmem:s13], [sflag:$0x1] =	stream.indirect_vreg.gather [hbm4b:s2+s3], $0x80, v3, vm0, $0xb8;
	[tilespmem:$0xC080] =	vst v63  }
0x5a: {  	_ = 	snop  }
0x5b: {  	[tilespmem:s14], [sflag:$0x1] =	stream.indirect_vreg.gather [hbm4b:s4+s3], $0x80, v3, vm1, $0xb8;
	[tilespmem:$0xC080] =	vst v63  }
0x5c: {  	v3 =	vld [tilespmem:$0x40];
	_ =	sdelay $0x4  }
0x5d: {  	v60 =	vshrl.u32 v3, $0x3  }
0x5e: {  	v4 =	vmul.u32 $0x18, v60  }
0x5f: {  	v3 =	vand.u32 $0x7, v3  }
0x60: {  	v3 =	vor.u32 v3, v4  }
0x61: {  	v4 =	vperm.xlane v3, v0;
	_ =	sdelay $0x1  }
0x62: {  	v4 =	vadd.s32 v1, v4;
	_ =	sdelay $0x1  }
0x63: {  	v3 =	vperm.xlane v3, v2;
	_ =	sdelay $0x1  }
0x64: {  	v3 =	vadd.s32 v1, v3  }
0x65: {  	[tilespmem:s15], [sflag:$0x1] =	stream.indirect_vreg.gather [hbm4b:s2+s3], $0x80, v4, vm0, $0xb8;
	[tilespmem:$0xC080] =	vst v63  }
0x66: {  	_ = 	snop  }
0x67: {  	[tilespmem:s16], [sflag:$0x1] =	stream.indirect_vreg.gather [hbm4b:s4+s3], $0x80, v4, vm1, $0xb8;
	[tilespmem:$0xC080] =	vst v63  }
0x68: {  	_ = 	snop  }
0x69: {  	[tilespmem:s17], [sflag:$0x1] =	stream.indirect_vreg.gather [hbm4b:s2+s3], $0x80, v3, vm0, $0xb8;
	[tilespmem:$0xC080] =	vst v63  }
0x6a: {  	_ = 	snop  }
0x6b: {  	[tilespmem:s18], [sflag:$0x1] =	stream.indirect_vreg.gather [hbm4b:s4+s3], $0x80, v3, vm1, $0xb8;
	[tilespmem:$0xC080] =	vst v63  }
0x6c: {  	v3 =	vld [tilespmem:$0x50];
	_ =	sdelay $0x4  }
0x6d: {  	v61 =	vshrl.u32 v3, $0x3  }
0x6e: {  	v4 =	vmul.u32 $0x18, v61  }
0x6f: {  	v3 =	vand.u32 $0x7, v3  }
0x70: {  	v3 =	vor.u32 v3, v4  }
0x71: {  	v4 =	vperm.xlane v3, v0;
	_ =	sdelay $0x1  }
0x72: {  	v4 =	vadd.s32 v1, v4;
	_ =	sdelay $0x1  }
0x73: {  	v3 =	vperm.xlane v3, v2;
	_ =	sdelay $0x1  }
0x74: {  	v3 =	vadd.s32 v1, v3  }
0x75: {  	[tilespmem:s19], [sflag:$0x1] =	stream.indirect_vreg.gather [hbm4b:s2+s3], $0x80, v4, vm0, $0xb8;
	[tilespmem:$0xC080] =	vst v63  }
0x76: {  	_ = 	snop  }
0x77: {  	[tilespmem:s20], [sflag:$0x1] =	stream.indirect_vreg.gather [hbm4b:s4+s3], $0x80, v4, vm1, $0xb8;
	[tilespmem:$0xC080] =	vst v63  }
0x78: {  	_ = 	snop  }
0x79: {  	[tilespmem:s21], [sflag:$0x1] =	stream.indirect_vreg.gather [hbm4b:s2+s3], $0x80, v3, vm0, $0xb8;
	[tilespmem:$0xC080] =	vst v63  }
0x7a: {  	_ = 	snop  }
0x7b: {  	[tilespmem:s22], [sflag:$0x1] =	stream.indirect_vreg.gather [hbm4b:s4+s3], $0x80, v3, vm1, $0xb8;
	[tilespmem:$0xC080] =	vst v63  }
0x7c: {  	v3 =	vld [tilespmem:$0x60];
	_ =	sdelay $0x4  }
0x7d: {  	v62 =	vshrl.u32 v3, $0x3  }
0x7e: {  	v4 =	vmul.u32 $0x18, v62  }
0x7f: {  	v3 =	vand.u32 $0x7, v3  }
0x80: {  	v3 =	vor.u32 v3, v4  }
0x81: {  	v4 =	vperm.xlane v3, v0;
	_ =	sdelay $0x1  }
0x82: {  	v4 =	vadd.s32 v1, v4;
	_ =	sdelay $0x1  }
0x83: {  	v3 =	vperm.xlane v3, v2;
	_ =	sdelay $0x1  }
0x84: {  	v3 =	vadd.s32 v1, v3  }
0x85: {  	[tilespmem:s23], [sflag:$0x1] =	stream.indirect_vreg.gather [hbm4b:s2+s3], $0x80, v4, vm0, $0xb8;
	[tilespmem:$0xC080] =	vst v63  }
0x86: {  	_ = 	snop  }
0x87: {  	[tilespmem:s24], [sflag:$0x1] =	stream.indirect_vreg.gather [hbm4b:s4+s3], $0x80, v4, vm1, $0xb8;
	[tilespmem:$0xC080] =	vst v63  }
0x88: {  	_ = 	snop  }
0x89: {  	[tilespmem:s25], [sflag:$0x1] =	stream.indirect_vreg.gather [hbm4b:s2+s3], $0x80, v3, vm0, $0xb8;
	[tilespmem:$0xC080] =	vst v63  }
0x8a: {  	_ = 	snop  }
0x8b: {  	[tilespmem:s26], [sflag:$0x1] =	stream.indirect_vreg.gather [hbm4b:s4+s3], $0x80, v3, vm1, $0xb8;
	[tilespmem:$0xC080] =	vst v63  }
0x8c: {  	v3 =	vld [tilespmem:$0x70];
	_ =	sdelay $0x4  }
0x8d: {  	v63 =	vshrl.u32 v3, $0x3  }
0x8e: {  	v4 =	vmul.u32 $0x18, v63  }
0x8f: {  	v3 =	vand.u32 $0x7, v3  }
0x90: {  	v3 =	vor.u32 v3, v4  }
0x91: {  	v4 =	vperm.xlane v3, v0;
	_ =	sdelay $0x1  }
0x92: {  	v4 =	vadd.s32 v1, v4;
	_ =	sdelay $0x1  }
0x93: {  	v3 =	vperm.xlane v3, v2;
	_ =	sdelay $0x1  }
0x94: {  	v3 =	vadd.s32 v1, v3  }
0x95: {  	[tilespmem:s28], [sflag:$0x1] =	stream.indirect_vreg.gather [hbm4b:s2+s3], $0x80, v4, vm0, $0xb8;
	[tilespmem:$0xC080] =	vst v63  }
0x96: {  	_ = 	snop  }
0x97: {  	[tilespmem:s29], [sflag:$0x1] =	stream.indirect_vreg.gather [hbm4b:s4+s3], $0x80, v4, vm1, $0xb8;
	[tilespmem:$0xC080] =	vst v63  }
0x98: {  	_ = 	snop  }
0x99: {  	[tilespmem:s30], [sflag:$0x1] =	stream.indirect_vreg.gather [hbm4b:s2+s3], $0x80, v3, vm0, $0xb8;
	[tilespmem:$0xC080] =	vst v63  }
0x9a: {  	_ = 	snop  }
0x9b: {  	[tilespmem:s31], [sflag:$0x1] =	stream.indirect_vreg.gather [hbm4b:s4+s3], $0x80, v3, vm1, $0xb8;
	[tilespmem:$0xC080] =	vst v63  }
0x9c: {  	_ =	swait.ge [sflag:s1], $0xC000  }
0x9d: {  	p0 =	sne.s32 s5, $0x1;
	[sflag:s1] =	ssyncset.done $0x0  }
.Ltmp0:
0x9e: {  	s8 =	rddreg [dreg:$0x4];
	[sflag:s1] =	ssyncadd.s32 $0xFFFF4000;
	(pc) =	sbr.rel @p0 .LBB2_1-.Ltmp0, $4  }
0x9f: {  	[hbm4b:s8+s3] =	stream.linear.scatter [tilespmem:s7], [sflag:$0x2], $0xC000, $0x38;
	[tilespmem:$0xC080] =	vst v63  }
0xa0: {  	_ =	swait.ge [sflag:s6], $0xC000  }
0xa1: {  	[sflag:s6] =	ssyncset.done $0x0  }
0xa2: {  	s5 =	sadd.s32 $0xFFFFFFFF, s5;
	[sflag:s6] =	ssyncadd.s32 $0xFFFF4000  }
0xa3: {  	_ =	sfence.sel $0x180000  }
0xa4: {  	[bflag:$0x0] =	sbarrier.arrive $0xFFFF  }
0xa5: {  	_ =	strace $0x90000059  }
0xa6: {  	s0 =	stileid.u32;
	[bflag:$0x2] =	sbarrier.arrive $0xFFFF  }
0xa7: {  	p0 =	sne.s32 s0, $0x0;
	s0 =	rddreg [dreg:$0x2]  }
0xa8: {  	s0 =	sadd.s32 @!p0 $0x100000, s0  }
0xa9: {  	[sflag:s0] =	ssyncadd.tile.s32 @!p0 $0x1;
	_ =	shalt  }
.Lfunc_end2:
_tile_overlayer_lowered:
.L_overlay_start_2:
0xaa: {  	(tag) =	ssettag $0x2  }
0xab: {  	s0 =	rddreg [dreg:$0x0];
	s2 =	stileid.u32  }
0xac: {  	s1 =	rddreg [dreg:$0x1];
	p0 =	sne.s32 s2, $0x0  }
0xad: {  	s3 =	rddreg [dreg:$0x2];
	[bflag:$0x3] =	sbarrier.arrive $0xFFFF;
	s2 =	simm.s32 @!p0 $0x1C02  }
0xae: {  	[timem:s3], [sflag:s2] =	dma.local @!p0 [hbm:s0], s1  }
0xaf: {  	s0 =	simm.s32 @!p0 $0x2  }
0xb0: {  	_ =	swait.ge @!p0 [sflag:s0], s1  }
0xb1: {  	s1 =	ssub.s32 @!p0 $0x0, s1;
	[sflag:s0] =	ssyncset.done @!p0 $0x0  }
0xb2: {  	[sflag:s0] =	ssyncadd.s32 @!p0 s1  }
0xb3: {  	[bflag:$0x3] =	sbarrier.arrive $0xFFFF  }
0xb4: {  	_ =	shalt  }

</sc_bundles>
